<compile_context>
chip_gen: v7x
topology: tpu7x:2x2x1
jax: 0.10.2.dev20260603
libtpu: 0.0.44.dev20260713+nightly
codegen_flags: <defaults>
</compile_context>

<pallas_src>
import jax
import jax.numpy as jnp
from jax import lax
from jax.experimental import pallas as pl
from jax.experimental.pallas import tpu as pltpu
from jax.experimental.pallas import tpu_sc as plsc

_NC = 2
_NS = 16
_NW = _NC * _NS
_CHUNK = 88
_ZROWS = 16


def _sc_msg_agg(ht_hbm, eae_hbm, src_hbm, dst_hbm, out_hbm,
                src_c0, dst_c0, src_c1, dst_c1,
                rows_g0, rows_e0, rows_g1, rows_e1,
                zbuf, agg_sh, sg0, se0, sg1, se1):
    c = lax.axis_index("c")
    s = lax.axis_index("s")
    wid = c * _NS + s
    cpt = src_hbm.shape[0] // (_NW * _CHUNK)
    rows_per_tile = agg_sh.shape[0] // _NS
    base = wid * cpt

    def _load_idx(i, src_c, dst_c):
        pltpu.sync_copy(src_hbm.at[pl.ds((base + i) * _CHUNK, _CHUNK)], src_c)
        pltpu.sync_copy(dst_hbm.at[pl.ds((base + i) * _CHUNK, _CHUNK)], dst_c)

    _load_idx(0, src_c0, dst_c0)
    pltpu.async_copy(ht_hbm.at[src_c0], rows_g0, sg0)
    pltpu.async_copy(eae_hbm.at[base + 0], rows_e0, se0)
    _load_idx(1, src_c1, dst_c1)
    pltpu.async_copy(ht_hbm.at[src_c1], rows_g1, sg1)
    pltpu.async_copy(eae_hbm.at[base + 1], rows_e1, se1)

    def _zb(i, carry):
        zbuf[i // 8, pl.ds((i % 8) * 16, 16)] = jnp.zeros((16,), jnp.float32)
        return carry
    lax.fori_loop(0, _ZROWS * 8, _zb, 0)
    for i in range(rows_per_tile // _ZROWS):
        pltpu.sync_copy(zbuf,
                        agg_sh.at[pl.ds(s * rows_per_tile + i * _ZROWS, _ZROWS)])
    plsc.subcore_barrier()

    def _consume_prefetch(i, src_c, dst_c, rows_g, rows_e, sg, se):
        pltpu.make_async_copy(eae_hbm.at[0], rows_g, sg).wait()
        pltpu.make_async_copy(eae_hbm.at[0], rows_e, se).wait()
        pltpu.sync_copy(rows_g, agg_sh.at[dst_c], add=True)
        pltpu.sync_copy(rows_e, agg_sh.at[dst_c], add=True)

        @pl.when(i + 2 < cpt)
        def _():
            _load_idx(i + 2, src_c, dst_c)
            pltpu.async_copy(ht_hbm.at[src_c], rows_g, sg)
            pltpu.async_copy(eae_hbm.at[base + i + 2], rows_e, se)

    def _pair(p, carry):
        _consume_prefetch(2 * p, src_c0, dst_c0, rows_g0, rows_e0, sg0, se0)
        _consume_prefetch(2 * p + 1, src_c1, dst_c1, rows_g1, rows_e1, sg1, se1)
        return carry
    lax.fori_loop(0, cpt // 2, _pair, 0)

    plsc.subcore_barrier()
    pltpu.sync_copy(agg_sh.at[pl.ds(s * rows_per_tile, rows_per_tile)],
                    out_hbm.at[c, pl.ds(s * rows_per_tile, rows_per_tile)])


def _mm(a_ref, w_ref, o_ref):
    o_ref[...] = jnp.dot(a_ref[...], w_ref[...],
                         preferred_element_type=jnp.float32)


def _tc_gates(mp_ref, h_ref, wz, uz, wr, ur, wn, un, out_ref):
    def dot(a, b):
        return jnp.dot(a, b, preferred_element_type=jnp.float32)
    m = mp_ref[0] + mp_ref[1]
    hb = h_ref[...]
    z = jax.nn.sigmoid(dot(m, wz[...]) + dot(hb, uz[...]))
    r = jax.nn.sigmoid(dot(m, wr[...]) + dot(hb, ur[...]))
    nt = jnp.tanh(dot(m, wn[...]) + dot(r * hb, un[...]))
    out_ref[...] = (1.0 - z) * hb + z * nt


def _rowmm_call(n_rows, k, d, blk):
    return pl.pallas_call(
        _mm,
        grid=(n_rows // blk,),
        in_specs=[pl.BlockSpec((blk, k), lambda i: (i, 0)),
                  pl.BlockSpec((k, d), lambda i: (0, 0))],
        out_specs=pl.BlockSpec((blk, d), lambda i: (i, 0)),
        out_shape=jax.ShapeDtypeStruct((n_rows, d), jnp.float32),
    )


def kernel(h, edge_index, edge_attr, Wmsg, We, Wz, Uz, Wr, Ur, Wn, Un):
    n, d = h.shape
    n_edges = edge_index.shape[1]
    de = edge_attr.shape[1]

    n_pad = ((n + _NS * _ZROWS - 1) // (_NS * _ZROWS)) * (_NS * _ZROWS)
    cpt = 2 * (-(-n_edges // (_NW * _CHUNK * 2)))
    e_pad = _NW * cpt * _CHUNK
    pad = e_pad - n_edges
    n_chunks = _NW * cpt
    src_f = jnp.concatenate([edge_index[0], jnp.zeros((pad,), jnp.int32)])
    dst_f = jnp.concatenate([edge_index[1], jnp.full((pad,), n, jnp.int32)])
    ea_p = jnp.concatenate([edge_attr, jnp.zeros((pad, de), jnp.float32)])

    mesh = plsc.VectorSubcoreMesh(core_axis_name="c", subcore_axis_name="s",
                                  num_cores=_NC, num_subcores=_NS)
    msg_call = pl.kernel(
        _sc_msg_agg,
        out_type=jax.ShapeDtypeStruct((_NC, n_pad, d), jnp.float32),
        mesh=mesh,
        scratch_types=[
            pltpu.VMEM((_CHUNK,), jnp.int32),
            pltpu.VMEM((_CHUNK,), jnp.int32),
            pltpu.VMEM((_CHUNK,), jnp.int32),
            pltpu.VMEM((_CHUNK,), jnp.int32),
            pltpu.VMEM((_CHUNK, d), jnp.float32),
            pltpu.VMEM((_CHUNK, d), jnp.float32),
            pltpu.VMEM((_CHUNK, d), jnp.float32),
            pltpu.VMEM((_CHUNK, d), jnp.float32),
            pltpu.VMEM((_ZROWS, d), jnp.float32),
            pltpu.VMEM_SHARED((n_pad, d), jnp.float32),
            pltpu.SemaphoreType.DMA,
            pltpu.SemaphoreType.DMA,
            pltpu.SemaphoreType.DMA,
            pltpu.SemaphoreType.DMA,
        ],
    )

    ht_call = _rowmm_call(n, d, d, 2000)
    eae_call = _rowmm_call(e_pad, de, d, _CHUNK * _NW)

    blk = 2000
    gate_call = pl.pallas_call(
        _tc_gates,
        grid=(n // blk,),
        in_specs=[
            pl.BlockSpec((_NC, blk, d), lambda i: (0, i, 0)),
            pl.BlockSpec((blk, d), lambda i: (i, 0)),
            pl.BlockSpec((d, d), lambda i: (0, 0)),
            pl.BlockSpec((d, d), lambda i: (0, 0)),
            pl.BlockSpec((d, d), lambda i: (0, 0)),
            pl.BlockSpec((d, d), lambda i: (0, 0)),
            pl.BlockSpec((d, d), lambda i: (0, 0)),
            pl.BlockSpec((d, d), lambda i: (0, 0)),
        ],
        out_specs=pl.BlockSpec((blk, d), lambda i: (i, 0)),
        out_shape=jax.ShapeDtypeStruct((n, d), jnp.float32),
    )

    num_layers = Wmsg.shape[0]
    for l in range(num_layers):
        ht = ht_call(h, Wmsg[l])
        eae = eae_call(ea_p, We[l]).reshape(n_chunks, _CHUNK, d)
        mp = msg_call(ht, eae, src_f, dst_f)
        h = gate_call(mp, h, Wz[l], Uz[l], Wr[l], Ur[l], Wn[l], Un[l])
    return h

# --- scband reference (transcript-rebuilt; emitter-appended) ---
"""Pipeline reference for scband-graph-update-5884105196037 (READ-ONLY COPY).

The authoritative reference and input builder live on the scoring server;
editing this copy changes nothing except your own understanding.
"""

import jax, jax.numpy as jnp
import numpy as np

N_NODES = 10000
N_EDGES = 320000
D_NODE = 128
D_EDGE = 16
N_LAYERS = 3


def setup_inputs(seed: int = 0) -> dict:
    key = jax.random.key(seed)
    ks = jax.random.split(key, 12)
    h = jax.random.normal(ks[0], (N_NODES, D_NODE), dtype=jnp.float32)
    edge_index = jax.random.randint(ks[1], (2, N_EDGES), 0, N_NODES, dtype=jnp.int64 if jax.config.jax_enable_x64 else jnp.int32).astype(jnp.int32)
    edge_attr = jax.random.normal(ks[2], (N_EDGES, D_EDGE), dtype=jnp.float32)
    s = 1.0 / np.sqrt(D_NODE)
    se = 1.0 / np.sqrt(D_EDGE)
    Wmsg = jax.random.normal(ks[3], (N_LAYERS, D_NODE, D_NODE), dtype=jnp.float32) * s
    We = jax.random.normal(ks[4], (N_LAYERS, D_EDGE, D_NODE), dtype=jnp.float32) * se
    Wz = jax.random.normal(ks[5], (N_LAYERS, D_NODE, D_NODE), dtype=jnp.float32) * s
    Uz = jax.random.normal(ks[6], (N_LAYERS, D_NODE, D_NODE), dtype=jnp.float32) * s
    Wr = jax.random.normal(ks[7], (N_LAYERS, D_NODE, D_NODE), dtype=jnp.float32) * s
    Ur = jax.random.normal(ks[8], (N_LAYERS, D_NODE, D_NODE), dtype=jnp.float32) * s
    Wn = jax.random.normal(ks[9], (N_LAYERS, D_NODE, D_NODE), dtype=jnp.float32) * s
    Un = jax.random.normal(ks[10], (N_LAYERS, D_NODE, D_NODE), dtype=jnp.float32) * s
    return {"h": h, "edge_index": edge_index, "edge_attr": edge_attr,
            "Wmsg": Wmsg, "We": We, "Wz": Wz, "Uz": Uz,
            "Wr": Wr, "Ur": Ur, "Wn": Wn, "Un": Un}


def reference(h, edge_index, edge_attr, Wmsg, We, Wz, Uz, Wr, Ur, Wn, Un):
    # GraphUpdate.forward: stack_graph yields (h, edge, adj); each GGNN layer
    # does gated message passing with edge features, h updated in place.
    src = edge_index[0]
    dst = edge_index[1]
    n = h.shape[0]
    num_layers = Wmsg.shape[0]
    for l in range(num_layers):
        # message per edge: transformed source node feature + transformed edge feature
        m_e = jnp.take(h, src, axis=0) @ Wmsg[l] + edge_attr @ We[l]
        # aggregate messages at destination nodes (scatter-add / segment_sum)
        m = jax.ops.segment_sum(m_e, dst, num_segments=n)
        # GRU-style gated update (GGNN)
        z = jax.nn.sigmoid(m @ Wz[l] + h @ Uz[l])
        r = jax.nn.sigmoid(m @ Wr[l] + h @ Ur[l])
        ntil = jnp.tanh(m @ Wn[l] + (r * h) @ Un[l])
        h = (1.0 - z) * h + z * ntil
    return h

if __name__ == "__main__":
    import jax
    _d = setup_inputs()
    print(jax.jit(kernel)(*tuple(_d.values())))

</pallas_src>

<mosaic_0001>
#map = affine_map<(d0, d1) -> (0, 0)>
#map1 = affine_map<(d0, d1) -> (0, 0, 0)>
#map2 = affine_map<(d0, d1) -> (0)>
module attributes {stable_mosaic.version = 14 : i64} {
  func.func @_sc_msg_agg(%arg0: i32, %arg1: i32, %arg2: memref<10000x128xf32, #tpu.memory_space<hbm>>, %arg3: memref<3648x88x128xf32, #tpu.memory_space<hbm>>, %arg4: memref<321024xi32, #tpu.memory_space<hbm>>, %arg5: memref<321024xi32, #tpu.memory_space<hbm>>, %arg6: memref<2x10240x128xf32, #tpu.memory_space<hbm>>, %arg7: memref<88xi32, #tpu.memory_space<vmem>>, %arg8: memref<88xi32, #tpu.memory_space<vmem>>, %arg9: memref<88xi32, #tpu.memory_space<vmem>>, %arg10: memref<88xi32, #tpu.memory_space<vmem>>, %arg11: memref<88x128xf32, #tpu.memory_space<vmem>>, %arg12: memref<88x128xf32, #tpu.memory_space<vmem>>, %arg13: memref<88x128xf32, #tpu.memory_space<vmem>>, %arg14: memref<88x128xf32, #tpu.memory_space<vmem>>, %arg15: memref<16x128xf32, #tpu.memory_space<vmem>>, %arg16: memref<10240x128xf32, #tpu.memory_space<vmem_shared>>, %arg17: memref<!tpu.dma_semaphore, #tpu.memory_space<semaphore_mem>>, %arg18: memref<!tpu.dma_semaphore, #tpu.memory_space<semaphore_mem>>, %arg19: memref<!tpu.dma_semaphore, #tpu.memory_space<semaphore_mem>>, %arg20: memref<!tpu.dma_semaphore, #tpu.memory_space<semaphore_mem>>) attributes {dimension_semantics = [#tpu.dimension_semantics<core_parallel>, #tpu.dimension_semantics<subcore_parallel>], iteration_bounds = array<i64: 2, 16>, scalar_prefetch = 0 : i64, scratch_operands = 14 : i64, tpu.core_type = #tpu.core_type<sc_vector_subcore>, window_params = [{transform_indices = #map}, {transform_indices = #map1}, {transform_indices = #map2}, {transform_indices = #map2}, {transform_indices = #map1}]} {
    %mul3A = arith.constant 16 : i32
    %mul3A_0 = arith.muli %arg0, %mul3A : i32
    %add3A = arith.addi %mul3A_0, %arg1 : i32
    %mul3A_1 = arith.constant 114 : i32
    %mul3A_2 = arith.muli %add3A, %mul3A_1 : i32
    %add3A_3 = arith.constant 0 : i32
    %add3A_4 = arith.addi %mul3A_2, %add3A_3 : i32
    %mul3A_5 = arith.constant 88 : i32
    %mul3A_6 = arith.muli %add3A_4, %mul3A_5 : i32
    "tpu.region"() ({
      %run_scoped3A = tpu.sem_alloc : memref<!tpu.dma_semaphore, #tpu.memory_space<semaphore_mem>>
      %dma_start3A_220 = tpu.memref_slice %arg4[%mul3A_6] : memref<321024xi32, #tpu.memory_space<hbm>> -> memref<88xi32, #tpu.memory_space<hbm>>
      %dma_start3A_221 = tpu.memref_slice %arg4[%mul3A_6] : memref<321024xi32, #tpu.memory_space<hbm>> -> memref<88xi32, #tpu.memory_space<hbm>>
      tpu.enqueue_dma source(%dma_start3A_221 : memref<88xi32, #tpu.memory_space<hbm>>) target(%arg7 : memref<88xi32, #tpu.memory_space<vmem>>) target_semaphore(%run_scoped3A : memref<!tpu.dma_semaphore, #tpu.memory_space<semaphore_mem>>)
      %dma_wait3A = tpu.memref_slice %arg4[%mul3A_6] : memref<321024xi32, #tpu.memory_space<hbm>> -> memref<88xi32, #tpu.memory_space<hbm>>
      %dma_wait3A_222 = tpu.memref_slice %arg4[%mul3A_6] : memref<321024xi32, #tpu.memory_space<hbm>> -> memref<88xi32, #tpu.memory_space<hbm>>
      tpu.wait_dma2 semaphore(%run_scoped3A : memref<!tpu.dma_semaphore, #tpu.memory_space<semaphore_mem>>) src(%dma_wait3A_222 : memref<88xi32, #tpu.memory_space<hbm>>) dst(%arg7 : memref<88xi32, #tpu.memory_space<vmem>>)
      tpu.yield
    }) : () -> ()
    %add3A_7 = arith.constant 0 : i32
    %add3A_8 = arith.addi %mul3A_2, %add3A_7 : i32
    %mul3A_9 = arith.constant 88 : i32
    %mul3A_10 = arith.muli %add3A_8, %mul3A_9 : i32
    "tpu.region"() ({
      %run_scoped3A = tpu.sem_alloc : memref<!tpu.dma_semaphore, #tpu.memory_space<semaphore_mem>>
      %dma_start3A_220 = tpu.memref_slice %arg5[%mul3A_10] : memref<321024xi32, #tpu.memory_space<hbm>> -> memref<88xi32, #tpu.memory_space<hbm>>
      %dma_start3A_221 = tpu.memref_slice %arg5[%mul3A_10] : memref<321024xi32, #tpu.memory_space<hbm>> -> memref<88xi32, #tpu.memory_space<hbm>>
      tpu.enqueue_dma source(%dma_start3A_221 : memref<88xi32, #tpu.memory_space<hbm>>) target(%arg8 : memref<88xi32, #tpu.memory_space<vmem>>) target_semaphore(%run_scoped3A : memref<!tpu.dma_semaphore, #tpu.memory_space<semaphore_mem>>)
      %dma_wait3A = tpu.memref_slice %arg5[%mul3A_10] : memref<321024xi32, #tpu.memory_space<hbm>> -> memref<88xi32, #tpu.memory_space<hbm>>
      %dma_wait3A_222 = tpu.memref_slice %arg5[%mul3A_10] : memref<321024xi32, #tpu.memory_space<hbm>> -> memref<88xi32, #tpu.memory_space<hbm>>
      tpu.wait_dma2 semaphore(%run_scoped3A : memref<!tpu.dma_semaphore, #tpu.memory_space<semaphore_mem>>) src(%dma_wait3A_222 : memref<88xi32, #tpu.memory_space<hbm>>) dst(%arg8 : memref<88xi32, #tpu.memory_space<vmem>>)
      tpu.yield
    }) : () -> ()
    %dma_start3A = arith.constant 0 : i32
    %dma_start3A_11 = arith.constant 0 : i32
    %dma_start3A_12 = tpu.memref_slice %arg2[%dma_start3A, %dma_start3A_11] : memref<10000x128xf32, #tpu.memory_space<hbm>> -> memref<10000x128xf32, #tpu.memory_space<hbm>>
    tpu.enqueue_indirect_dma source(%dma_start3A_12 : memref<10000x128xf32, #tpu.memory_space<hbm>>) target(%arg11 : memref<88x128xf32, #tpu.memory_space<vmem>>) offsets(%arg7 : memref<88xi32, #tpu.memory_space<vmem>>) semaphore(%arg17 : memref<!tpu.dma_semaphore, #tpu.memory_space<semaphore_mem>>)
    %add3A_13 = arith.constant 0 : i32
    %add3A_14 = arith.addi %mul3A_2, %add3A_13 : i32
    %dma_start3A_15 = arith.constant 0 : i32
    %dma_start3A_16 = arith.constant 0 : i32
    %dma_start3A_17 = tpu.memref_slice %arg3[%add3A_14, %dma_start3A_15, %dma_start3A_16] : memref<3648x88x128xf32, #tpu.memory_space<hbm>> -> memref<1x88x128xf32, #tpu.memory_space<hbm>>
    %dma_start3A_18 = tpu.memref_squeeze %dma_start3A_17 : memref<1x88x128xf32, #tpu.memory_space<hbm>> -> memref<88x128xf32, #tpu.memory_space<hbm>>
    %dma_start3A_19 = arith.constant 0 : i32
    %dma_start3A_20 = arith.constant 0 : i32
    %dma_start3A_21 = tpu.memref_slice %arg3[%add3A_14, %dma_start3A_19, %dma_start3A_20] : memref<3648x88x128xf32, #tpu.memory_space<hbm>> -> memref<1x88x128xf32, #tpu.memory_space<hbm>>
    %dma_start3A_22 = tpu.memref_squeeze %dma_start3A_21 : memref<1x88x128xf32, #tpu.memory_space<hbm>> -> memref<88x128xf32, #tpu.memory_space<hbm>>
    tpu.enqueue_dma source(%dma_start3A_22 : memref<88x128xf32, #tpu.memory_space<hbm>>) target(%arg12 : memref<88x128xf32, #tpu.memory_space<vmem>>) target_semaphore(%arg18 : memref<!tpu.dma_semaphore, #tpu.memory_space<semaphore_mem>>)
    %add3A_23 = arith.constant 1 : i32
    %add3A_24 = arith.addi %mul3A_2, %add3A_23 : i32
    %mul3A_25 = arith.constant 88 : i32
    %mul3A_26 = arith.muli %add3A_24, %mul3A_25 : i32
    "tpu.region"() ({
      %run_scoped3A = tpu.sem_alloc : memref<!tpu.dma_semaphore, #tpu.memory_space<semaphore_mem>>
      %dma_start3A_220 = tpu.memref_slice %arg4[%mul3A_26] : memref<321024xi32, #tpu.memory_space<hbm>> -> memref<88xi32, #tpu.memory_space<hbm>>
      %dma_start3A_221 = tpu.memref_slice %arg4[%mul3A_26] : memref<321024xi32, #tpu.memory_space<hbm>> -> memref<88xi32, #tpu.memory_space<hbm>>
      tpu.enqueue_dma source(%dma_start3A_221 : memref<88xi32, #tpu.memory_space<hbm>>) target(%arg9 : memref<88xi32, #tpu.memory_space<vmem>>) target_semaphore(%run_scoped3A : memref<!tpu.dma_semaphore, #tpu.memory_space<semaphore_mem>>)
      %dma_wait3A = tpu.memref_slice %arg4[%mul3A_26] : memref<321024xi32, #tpu.memory_space<hbm>> -> memref<88xi32, #tpu.memory_space<hbm>>
      %dma_wait3A_222 = tpu.memref_slice %arg4[%mul3A_26] : memref<321024xi32, #tpu.memory_space<hbm>> -> memref<88xi32, #tpu.memory_space<hbm>>
      tpu.wait_dma2 semaphore(%run_scoped3A : memref<!tpu.dma_semaphore, #tpu.memory_space<semaphore_mem>>) src(%dma_wait3A_222 : memref<88xi32, #tpu.memory_space<hbm>>) dst(%arg9 : memref<88xi32, #tpu.memory_space<vmem>>)
      tpu.yield
    }) : () -> ()
    %add3A_27 = arith.constant 1 : i32
    %add3A_28 = arith.addi %mul3A_2, %add3A_27 : i32
    %mul3A_29 = arith.constant 88 : i32
    %mul3A_30 = arith.muli %add3A_28, %mul3A_29 : i32
    "tpu.region"() ({
      %run_scoped3A = tpu.sem_alloc : memref<!tpu.dma_semaphore, #tpu.memory_space<semaphore_mem>>
      %dma_start3A_220 = tpu.memref_slice %arg5[%mul3A_30] : memref<321024xi32, #tpu.memory_space<hbm>> -> memref<88xi32, #tpu.memory_space<hbm>>
      %dma_start3A_221 = tpu.memref_slice %arg5[%mul3A_30] : memref<321024xi32, #tpu.memory_space<hbm>> -> memref<88xi32, #tpu.memory_space<hbm>>
      tpu.enqueue_dma source(%dma_start3A_221 : memref<88xi32, #tpu.memory_space<hbm>>) target(%arg10 : memref<88xi32, #tpu.memory_space<vmem>>) target_semaphore(%run_scoped3A : memref<!tpu.dma_semaphore, #tpu.memory_space<semaphore_mem>>)
      %dma_wait3A = tpu.memref_slice %arg5[%mul3A_30] : memref<321024xi32, #tpu.memory_space<hbm>> -> memref<88xi32, #tpu.memory_space<hbm>>
      %dma_wait3A_222 = tpu.memref_slice %arg5[%mul3A_30] : memref<321024xi32, #tpu.memory_space<hbm>> -> memref<88xi32, #tpu.memory_space<hbm>>
      tpu.wait_dma2 semaphore(%run_scoped3A : memref<!tpu.dma_semaphore, #tpu.memory_space<semaphore_mem>>) src(%dma_wait3A_222 : memref<88xi32, #tpu.memory_space<hbm>>) dst(%arg10 : memref<88xi32, #tpu.memory_space<vmem>>)
      tpu.yield
    }) : () -> ()
    %dma_start3A_31 = arith.constant 0 : i32
    %dma_start3A_32 = arith.constant 0 : i32
    %dma_start3A_33 = tpu.memref_slice %arg2[%dma_start3A_31, %dma_start3A_32] : memref<10000x128xf32, #tpu.memory_space<hbm>> -> memref<10000x128xf32, #tpu.memory_space<hbm>>
    tpu.enqueue_indirect_dma source(%dma_start3A_33 : memref<10000x128xf32, #tpu.memory_space<hbm>>) target(%arg13 : memref<88x128xf32, #tpu.memory_space<vmem>>) offsets(%arg9 : memref<88xi32, #tpu.memory_space<vmem>>) semaphore(%arg19 : memref<!tpu.dma_semaphore, #tpu.memory_space<semaphore_mem>>)
    %add3A_34 = arith.constant 1 : i32
    %add3A_35 = arith.addi %mul3A_2, %add3A_34 : i32
    %dma_start3A_36 = arith.constant 0 : i32
    %dma_start3A_37 = arith.constant 0 : i32
    %dma_start3A_38 = tpu.memref_slice %arg3[%add3A_35, %dma_start3A_36, %dma_start3A_37] : memref<3648x88x128xf32, #tpu.memory_space<hbm>> -> memref<1x88x128xf32, #tpu.memory_space<hbm>>
    %dma_start3A_39 = tpu.memref_squeeze %dma_start3A_38 : memref<1x88x128xf32, #tpu.memory_space<hbm>> -> memref<88x128xf32, #tpu.memory_space<hbm>>
    %dma_start3A_40 = arith.constant 0 : i32
    %dma_start3A_41 = arith.constant 0 : i32
    %dma_start3A_42 = tpu.memref_slice %arg3[%add3A_35, %dma_start3A_40, %dma_start3A_41] : memref<3648x88x128xf32, #tpu.memory_space<hbm>> -> memref<1x88x128xf32, #tpu.memory_space<hbm>>
    %dma_start3A_43 = tpu.memref_squeeze %dma_start3A_42 : memref<1x88x128xf32, #tpu.memory_space<hbm>> -> memref<88x128xf32, #tpu.memory_space<hbm>>
    tpu.enqueue_dma source(%dma_start3A_43 : memref<88x128xf32, #tpu.memory_space<hbm>>) target(%arg14 : memref<88x128xf32, #tpu.memory_space<vmem>>) target_semaphore(%arg20 : memref<!tpu.dma_semaphore, #tpu.memory_space<semaphore_mem>>)
    %scan3A = arith.constant 0 : i32
    %scan3A_44 = arith.constant 0 : i32
    %scan3A_45 = arith.constant 128 : i32
    %scan3A_46 = arith.addi %scan3A_44, %scan3A_45 : i32
    %scan3A_47 = arith.constant 1 : i32
    scf.for %scan3A_220 = %scan3A_44 to %scan3A_46 step %scan3A_47  : i32 {
      %broadcast_in_dim3A = arith.constant 0.000000e+00 : f32
      %broadcast_in_dim3A_221 = vector.broadcast %broadcast_in_dim3A : f32 to vector<16xf32>
      %jit3A = arith.constant 8 : i32
      %div3A = arith.divsi %scan3A_220, %jit3A : i32
      %sign3A = arith.constant 0 : i32
      %sign3A_222 = arith.cmpi sgt, %scan3A_220, %sign3A : i32
      %sign3A_223 = arith.extui %sign3A_222 : i1 to i32
      %sign3A_224 = arith.constant 0 : i32
      %sign3A_225 = arith.cmpi slt, %scan3A_220, %sign3A_224 : i32
      %sign3A_226 = arith.extui %sign3A_225 : i1 to i32
      %sign3A_227 = arith.subi %sign3A_223, %sign3A_226 : i32
      %sign3A_228 = arith.constant 0 : i32
      %sign3A_229 = arith.cmpi sgt, %jit3A, %sign3A_228 : i32
      %sign3A_230 = arith.extui %sign3A_229 : i1 to i32
      %sign3A_231 = arith.constant 0 : i32
      %sign3A_232 = arith.cmpi slt, %jit3A, %sign3A_231 : i32
      %sign3A_233 = arith.extui %sign3A_232 : i1 to i32
      %sign3A_234 = arith.subi %sign3A_230, %sign3A_233 : i32
      %ne3A = arith.cmpi ne, %sign3A_227, %sign3A_234 : i32
      %rem3A = arith.remsi %scan3A_220, %jit3A : i32
      %ne3A_235 = arith.constant 0 : i32
      %ne3A_236 = arith.cmpi ne, %rem3A, %ne3A_235 : i32
      %and3A = arith.andi %ne3A, %ne3A_236 : i1
      %sub3A = arith.constant 1 : i32
      %sub3A_237 = arith.subi %div3A, %sub3A : i32
      %select_n3A = arith.select %and3A, %sub3A_237, %div3A : i32
      %jit3A_238 = arith.constant 8 : i32
      %eq3A = arith.constant 0 : i32
      %eq3A_239 = arith.cmpi eq, %jit3A_238, %eq3A : i32
      %jit3A_240 = arith.constant 1 : i32
      %select_n3A_241 = arith.select %eq3A_239, %jit3A_240, %jit3A_238 : i32
      %rem3A_242 = arith.remsi %scan3A_220, %select_n3A_241 : i32
      %ne3A_243 = arith.constant 0 : i32
      %ne3A_244 = arith.cmpi ne, %rem3A_242, %ne3A_243 : i32
      %lt3A = arith.constant 0 : i32
      %lt3A_245 = arith.cmpi slt, %rem3A_242, %lt3A : i32
      %lt3A_246 = arith.constant 0 : i32
      %lt3A_247 = arith.cmpi slt, %select_n3A_241, %lt3A_246 : i32
      %ne3A_248 = arith.xori %lt3A_245, %lt3A_247 : i1
      %and3A_249 = arith.andi %ne3A_248, %ne3A_244 : i1
      %add3A_250 = arith.addi %rem3A_242, %select_n3A_241 : i32
      %select_n3A_251 = arith.select %and3A_249, %add3A_250, %rem3A_242 : i32
      %mul3A_252 = arith.constant 16 : i32
      %mul3A_253 = arith.muli %select_n3A_251, %mul3A_252 : i32
      %swap3A = arith.index_cast %select_n3A : i32 to index
      %swap3A_254 = arith.index_cast %mul3A_253 : i32 to index
      %swap3A_255 = tpu.vector_load %arg15[%swap3A, %swap3A_254] {strides = array<i32>} : memref<16x128xf32, #tpu.memory_space<vmem>>, vector<1x16xf32>,
      %swap3A_256 = vector.shape_cast %swap3A_255 : vector<1x16xf32> to vector<16xf32>
      %swap3A_257 = vector.shape_cast %broadcast_in_dim3A_221 : vector<16xf32> to vector<1x16xf32>
      tpu.vector_store %arg15[%swap3A, %swap3A_254], %swap3A_257 {strides = array<i32>} : memref<16x128xf32, #tpu.memory_space<vmem>>, vector<1x16xf32>,
    }
    %scan3A_48 = arith.constant 128 : i32
    %mul3A_49 = arith.constant 640 : i32
    %mul3A_50 = arith.muli %arg1, %mul3A_49 : i32
    %add3A_51 = arith.constant 0 : i32
    %add3A_52 = arith.addi %mul3A_50, %add3A_51 : i32
    "tpu.region"() ({
      %run_scoped3A = tpu.sem_alloc : memref<!tpu.dma_semaphore, #tpu.memory_space<semaphore_mem>>
      %dma_start3A_220 = arith.constant 0 : i32
      %dma_start3A_221 = tpu.memref_slice %arg16[%add3A_52, %dma_start3A_220] : memref<10240x128xf32, #tpu.memory_space<vmem_shared>> -> memref<16x128xf32, #tpu.memory_space<vmem_shared>>
      %dma_start3A_222 = arith.constant 0 : i32
      %dma_start3A_223 = tpu.memref_slice %arg16[%add3A_52, %dma_start3A_222] : memref<10240x128xf32, #tpu.memory_space<vmem_shared>> -> memref<16x128xf32, #tpu.memory_space<vmem_shared>>
      tpu.enqueue_dma source(%arg15 : memref<16x128xf32, #tpu.memory_space<vmem>>) target(%dma_start3A_223 : memref<16x128xf32, #tpu.memory_space<vmem_shared>>) target_semaphore(%run_scoped3A : memref<!tpu.dma_semaphore, #tpu.memory_space<semaphore_mem>>)
      %dma_wait3A = arith.constant 0 : i32
      %dma_wait3A_224 = tpu.memref_slice %arg16[%add3A_52, %dma_wait3A] : memref<10240x128xf32, #tpu.memory_space<vmem_shared>> -> memref<16x128xf32, #tpu.memory_space<vmem_shared>>
      %dma_wait3A_225 = arith.constant 0 : i32
      %dma_wait3A_226 = tpu.memref_slice %arg16[%add3A_52, %dma_wait3A_225] : memref<10240x128xf32, #tpu.memory_space<vmem_shared>> -> memref<16x128xf32, #tpu.memory_space<vmem_shared>>
      tpu.wait_dma2 semaphore(%run_scoped3A : memref<!tpu.dma_semaphore, #tpu.memory_space<semaphore_mem>>) src(%arg15 : memref<16x128xf32, #tpu.memory_space<vmem>>) dst(%dma_wait3A_226 : memref<16x128xf32, #tpu.memory_space<vmem_shared>>)
      tpu.yield
    }) : () -> ()
    %mul3A_53 = arith.constant 640 : i32
    %mul3A_54 = arith.muli %arg1, %mul3A_53 : i32
    %add3A_55 = arith.constant 16 : i32
    %add3A_56 = arith.addi %mul3A_54, %add3A_55 : i32
    "tpu.region"() ({
      %run_scoped3A = tpu.sem_alloc : memref<!tpu.dma_semaphore, #tpu.memory_space<semaphore_mem>>
      %dma_start3A_220 = arith.constant 0 : i32
      %dma_start3A_221 = tpu.memref_slice %arg16[%add3A_56, %dma_start3A_220] : memref<10240x128xf32, #tpu.memory_space<vmem_shared>> -> memref<16x128xf32, #tpu.memory_space<vmem_shared>>
      %dma_start3A_222 = arith.constant 0 : i32
      %dma_start3A_223 = tpu.memref_slice %arg16[%add3A_56, %dma_start3A_222] : memref<10240x128xf32, #tpu.memory_space<vmem_shared>> -> memref<16x128xf32, #tpu.memory_space<vmem_shared>>
      tpu.enqueue_dma source(%arg15 : memref<16x128xf32, #tpu.memory_space<vmem>>) target(%dma_start3A_223 : memref<16x128xf32, #tpu.memory_space<vmem_shared>>) target_semaphore(%run_scoped3A : memref<!tpu.dma_semaphore, #tpu.memory_space<semaphore_mem>>)
      %dma_wait3A = arith.constant 0 : i32
      %dma_wait3A_224 = tpu.memref_slice %arg16[%add3A_56, %dma_wait3A] : memref<10240x128xf32, #tpu.memory_space<vmem_shared>> -> memref<16x128xf32, #tpu.memory_space<vmem_shared>>
      %dma_wait3A_225 = arith.constant 0 : i32
      %dma_wait3A_226 = tpu.memref_slice %arg16[%add3A_56, %dma_wait3A_225] : memref<10240x128xf32, #tpu.memory_space<vmem_shared>> -> memref<16x128xf32, #tpu.memory_space<vmem_shared>>
      tpu.wait_dma2 semaphore(%run_scoped3A : memref<!tpu.dma_semaphore, #tpu.memory_space<semaphore_mem>>) src(%arg15 : memref<16x128xf32, #tpu.memory_space<vmem>>) dst(%dma_wait3A_226 : memref<16x128xf32, #tpu.memory_space<vmem_shared>>)
      tpu.yield
    }) : () -> ()
    %mul3A_57 = arith.constant 640 : i32
    %mul3A_58 = arith.muli %arg1, %mul3A_57 : i32
    %add3A_59 = arith.constant 32 : i32
    %add3A_60 = arith.addi %mul3A_58, %add3A_59 : i32
    "tpu.region"() ({
      %run_scoped3A = tpu.sem_alloc : memref<!tpu.dma_semaphore, #tpu.memory_space<semaphore_mem>>
      %dma_start3A_220 = arith.constant 0 : i32
      %dma_start3A_221 = tpu.memref_slice %arg16[%add3A_60, %dma_start3A_220] : memref<10240x128xf32, #tpu.memory_space<vmem_shared>> -> memref<16x128xf32, #tpu.memory_space<vmem_shared>>
      %dma_start3A_222 = arith.constant 0 : i32
      %dma_start3A_223 = tpu.memref_slice %arg16[%add3A_60, %dma_start3A_222] : memref<10240x128xf32, #tpu.memory_space<vmem_shared>> -> memref<16x128xf32, #tpu.memory_space<vmem_shared>>
      tpu.enqueue_dma source(%arg15 : memref<16x128xf32, #tpu.memory_space<vmem>>) target(%dma_start3A_223 : memref<16x128xf32, #tpu.memory_space<vmem_shared>>) target_semaphore(%run_scoped3A : memref<!tpu.dma_semaphore, #tpu.memory_space<semaphore_mem>>)
      %dma_wait3A = arith.constant 0 : i32
      %dma_wait3A_224 = tpu.memref_slice %arg16[%add3A_60, %dma_wait3A] : memref<10240x128xf32, #tpu.memory_space<vmem_shared>> -> memref<16x128xf32, #tpu.memory_space<vmem_shared>>
      %dma_wait3A_225 = arith.constant 0 : i32
      %dma_wait3A_226 = tpu.memref_slice %arg16[%add3A_60, %dma_wait3A_225] : memref<10240x128xf32, #tpu.memory_space<vmem_shared>> -> memref<16x128xf32, #tpu.memory_space<vmem_shared>>
      tpu.wait_dma2 semaphore(%run_scoped3A : memref<!tpu.dma_semaphore, #tpu.memory_space<semaphore_mem>>) src(%arg15 : memref<16x128xf32, #tpu.memory_space<vmem>>) dst(%dma_wait3A_226 : memref<16x128xf32, #tpu.memory_space<vmem_shared>>)
      tpu.yield
    }) : () -> ()
    %mul3A_61 = arith.constant 640 : i32
    %mul3A_62 = arith.muli %arg1, %mul3A_61 : i32
    %add3A_63 = arith.constant 48 : i32
    %add3A_64 = arith.addi %mul3A_62, %add3A_63 : i32
    "tpu.region"() ({
      %run_scoped3A = tpu.sem_alloc : memref<!tpu.dma_semaphore, #tpu.memory_space<semaphore_mem>>
      %dma_start3A_220 = arith.constant 0 : i32
      %dma_start3A_221 = tpu.memref_slice %arg16[%add3A_64, %dma_start3A_220] : memref<10240x128xf32, #tpu.memory_space<vmem_shared>> -> memref<16x128xf32, #tpu.memory_space<vmem_shared>>
      %dma_start3A_222 = arith.constant 0 : i32
      %dma_start3A_223 = tpu.memref_slice %arg16[%add3A_64, %dma_start3A_222] : memref<10240x128xf32, #tpu.memory_space<vmem_shared>> -> memref<16x128xf32, #tpu.memory_space<vmem_shared>>
      tpu.enqueue_dma source(%arg15 : memref<16x128xf32, #tpu.memory_space<vmem>>) target(%dma_start3A_223 : memref<16x128xf32, #tpu.memory_space<vmem_shared>>) target_semaphore(%run_scoped3A : memref<!tpu.dma_semaphore, #tpu.memory_space<semaphore_mem>>)
      %dma_wait3A = arith.constant 0 : i32
      %dma_wait3A_224 = tpu.memref_slice %arg16[%add3A_64, %dma_wait3A] : memref<10240x128xf32, #tpu.memory_space<vmem_shared>> -> memref<16x128xf32, #tpu.memory_space<vmem_shared>>
      %dma_wait3A_225 = arith.constant 0 : i32
      %dma_wait3A_226 = tpu.memref_slice %arg16[%add3A_64, %dma_wait3A_225] : memref<10240x128xf32, #tpu.memory_space<vmem_shared>> -> memref<16x128xf32, #tpu.memory_space<vmem_shared>>
      tpu.wait_dma2 semaphore(%run_scoped3A : memref<!tpu.dma_semaphore, #tpu.memory_space<semaphore_mem>>) src(%arg15 : memref<16x128xf32, #tpu.memory_space<vmem>>) dst(%dma_wait3A_226 : memref<16x128xf32, #tpu.memory_space<vmem_shared>>)
      tpu.yield
    }) : () -> ()
    %mul3A_65 = arith.constant 640 : i32
    %mul3A_66 = arith.muli %arg1, %mul3A_65 : i32
    %add3A_67 = arith.constant 64 : i32
    %add3A_68 = arith.addi %mul3A_66, %add3A_67 : i32
    "tpu.region"() ({
      %run_scoped3A = tpu.sem_alloc : memref<!tpu.dma_semaphore, #tpu.memory_space<semaphore_mem>>
      %dma_start3A_220 = arith.constant 0 : i32
      %dma_start3A_221 = tpu.memref_slice %arg16[%add3A_68, %dma_start3A_220] : memref<10240x128xf32, #tpu.memory_space<vmem_shared>> -> memref<16x128xf32, #tpu.memory_space<vmem_shared>>
      %dma_start3A_222 = arith.constant 0 : i32
      %dma_start3A_223 = tpu.memref_slice %arg16[%add3A_68, %dma_start3A_222] : memref<10240x128xf32, #tpu.memory_space<vmem_shared>> -> memref<16x128xf32, #tpu.memory_space<vmem_shared>>
      tpu.enqueue_dma source(%arg15 : memref<16x128xf32, #tpu.memory_space<vmem>>) target(%dma_start3A_223 : memref<16x128xf32, #tpu.memory_space<vmem_shared>>) target_semaphore(%run_scoped3A : memref<!tpu.dma_semaphore, #tpu.memory_space<semaphore_mem>>)
      %dma_wait3A = arith.constant 0 : i32
      %dma_wait3A_224 = tpu.memref_slice %arg16[%add3A_68, %dma_wait3A] : memref<10240x128xf32, #tpu.memory_space<vmem_shared>> -> memref<16x128xf32, #tpu.memory_space<vmem_shared>>
      %dma_wait3A_225 = arith.constant 0 : i32
      %dma_wait3A_226 = tpu.memref_slice %arg16[%add3A_68, %dma_wait3A_225] : memref<10240x128xf32, #tpu.memory_space<vmem_shared>> -> memref<16x128xf32, #tpu.memory_space<vmem_shared>>
      tpu.wait_dma2 semaphore(%run_scoped3A : memref<!tpu.dma_semaphore, #tpu.memory_space<semaphore_mem>>) src(%arg15 : memref<16x128xf32, #tpu.memory_space<vmem>>) dst(%dma_wait3A_226 : memref<16x128xf32, #tpu.memory_space<vmem_shared>>)
      tpu.yield
    }) : () -> ()
    %mul3A_69 = arith.constant 640 : i32
    %mul3A_70 = arith.muli %arg1, %mul3A_69 : i32
    %add3A_71 = arith.constant 80 : i32
    %add3A_72 = arith.addi %mul3A_70, %add3A_71 : i32
    "tpu.region"() ({
      %run_scoped3A = tpu.sem_alloc : memref<!tpu.dma_semaphore, #tpu.memory_space<semaphore_mem>>
      %dma_start3A_220 = arith.constant 0 : i32
      %dma_start3A_221 = tpu.memref_slice %arg16[%add3A_72, %dma_start3A_220] : memref<10240x128xf32, #tpu.memory_space<vmem_shared>> -> memref<16x128xf32, #tpu.memory_space<vmem_shared>>
      %dma_start3A_222 = arith.constant 0 : i32
      %dma_start3A_223 = tpu.memref_slice %arg16[%add3A_72, %dma_start3A_222] : memref<10240x128xf32, #tpu.memory_space<vmem_shared>> -> memref<16x128xf32, #tpu.memory_space<vmem_shared>>
      tpu.enqueue_dma source(%arg15 : memref<16x128xf32, #tpu.memory_space<vmem>>) target(%dma_start3A_223 : memref<16x128xf32, #tpu.memory_space<vmem_shared>>) target_semaphore(%run_scoped3A : memref<!tpu.dma_semaphore, #tpu.memory_space<semaphore_mem>>)
      %dma_wait3A = arith.constant 0 : i32
      %dma_wait3A_224 = tpu.memref_slice %arg16[%add3A_72, %dma_wait3A] : memref<10240x128xf32, #tpu.memory_space<vmem_shared>> -> memref<16x128xf32, #tpu.memory_space<vmem_shared>>
      %dma_wait3A_225 = arith.constant 0 : i32
      %dma_wait3A_226 = tpu.memref_slice %arg16[%add3A_72, %dma_wait3A_225] : memref<10240x128xf32, #tpu.memory_space<vmem_shared>> -> memref<16x128xf32, #tpu.memory_space<vmem_shared>>
      tpu.wait_dma2 semaphore(%run_scoped3A : memref<!tpu.dma_semaphore, #tpu.memory_space<semaphore_mem>>) src(%arg15 : memref<16x128xf32, #tpu.memory_space<vmem>>) dst(%dma_wait3A_226 : memref<16x128xf32, #tpu.memory_space<vmem_shared>>)
      tpu.yield
    }) : () -> ()
    %mul3A_73 = arith.constant 640 : i32
    %mul3A_74 = arith.muli %arg1, %mul3A_73 : i32
    %add3A_75 = arith.constant 96 : i32
    %add3A_76 = arith.addi %mul3A_74, %add3A_75 : i32
    "tpu.region"() ({
      %run_scoped3A = tpu.sem_alloc : memref<!tpu.dma_semaphore, #tpu.memory_space<semaphore_mem>>
      %dma_start3A_220 = arith.constant 0 : i32
      %dma_start3A_221 = tpu.memref_slice %arg16[%add3A_76, %dma_start3A_220] : memref<10240x128xf32, #tpu.memory_space<vmem_shared>> -> memref<16x128xf32, #tpu.memory_space<vmem_shared>>
      %dma_start3A_222 = arith.constant 0 : i32
      %dma_start3A_223 = tpu.memref_slice %arg16[%add3A_76, %dma_start3A_222] : memref<10240x128xf32, #tpu.memory_space<vmem_shared>> -> memref<16x128xf32, #tpu.memory_space<vmem_shared>>
      tpu.enqueue_dma source(%arg15 : memref<16x128xf32, #tpu.memory_space<vmem>>) target(%dma_start3A_223 : memref<16x128xf32, #tpu.memory_space<vmem_shared>>) target_semaphore(%run_scoped3A : memref<!tpu.dma_semaphore, #tpu.memory_space<semaphore_mem>>)
      %dma_wait3A = arith.constant 0 : i32
      %dma_wait3A_224 = tpu.memref_slice %arg16[%add3A_76, %dma_wait3A] : memref<10240x128xf32, #tpu.memory_space<vmem_shared>> -> memref<16x128xf32, #tpu.memory_space<vmem_shared>>
      %dma_wait3A_225 = arith.constant 0 : i32
      %dma_wait3A_226 = tpu.memref_slice %arg16[%add3A_76, %dma_wait3A_225] : memref<10240x128xf32, #tpu.memory_space<vmem_shared>> -> memref<16x128xf32, #tpu.memory_space<vmem_shared>>
      tpu.wait_dma2 semaphore(%run_scoped3A : memref<!tpu.dma_semaphore, #tpu.memory_space<semaphore_mem>>) src(%arg15 : memref<16x128xf32, #tpu.memory_space<vmem>>) dst(%dma_wait3A_226 : memref<16x128xf32, #tpu.memory_space<vmem_shared>>)
      tpu.yield
    }) : () -> ()
    %mul3A_77 = arith.constant 640 : i32
    %mul3A_78 = arith.muli %arg1, %mul3A_77 : i32
    %add3A_79 = arith.constant 112 : i32
    %add3A_80 = arith.addi %mul3A_78, %add3A_79 : i32
    "tpu.region"() ({
      %run_scoped3A = tpu.sem_alloc : memref<!tpu.dma_semaphore, #tpu.memory_space<semaphore_mem>>
      %dma_start3A_220 = arith.constant 0 : i32
      %dma_start3A_221 = tpu.memref_slice %arg16[%add3A_80, %dma_start3A_220] : memref<10240x128xf32, #tpu.memory_space<vmem_shared>> -> memref<16x128xf32, #tpu.memory_space<vmem_shared>>
      %dma_start3A_222 = arith.constant 0 : i32
      %dma_start3A_223 = tpu.memref_slice %arg16[%add3A_80, %dma_start3A_222] : memref<10240x128xf32, #tpu.memory_space<vmem_shared>> -> memref<16x128xf32, #tpu.memory_space<vmem_shared>>
      tpu.enqueue_dma source(%arg15 : memref<16x128xf32, #tpu.memory_space<vmem>>) target(%dma_start3A_223 : memref<16x128xf32, #tpu.memory_space<vmem_shared>>) target_semaphore(%run_scoped3A : memref<!tpu.dma_semaphore, #tpu.memory_space<semaphore_mem>>)
      %dma_wait3A = arith.constant 0 : i32
      %dma_wait3A_224 = tpu.memref_slice %arg16[%add3A_80, %dma_wait3A] : memref<10240x128xf32, #tpu.memory_space<vmem_shared>> -> memref<16x128xf32, #tpu.memory_space<vmem_shared>>
      %dma_wait3A_225 = arith.constant 0 : i32
      %dma_wait3A_226 = tpu.memref_slice %arg16[%add3A_80, %dma_wait3A_225] : memref<10240x128xf32, #tpu.memory_space<vmem_shared>> -> memref<16x128xf32, #tpu.memory_space<vmem_shared>>
      tpu.wait_dma2 semaphore(%run_scoped3A : memref<!tpu.dma_semaphore, #tpu.memory_space<semaphore_mem>>) src(%arg15 : memref<16x128xf32, #tpu.memory_space<vmem>>) dst(%dma_wait3A_226 : memref<16x128xf32, #tpu.memory_space<vmem_shared>>)
      tpu.yield
    }) : () -> ()
    %mul3A_81 = arith.constant 640 : i32
    %mul3A_82 = arith.muli %arg1, %mul3A_81 : i32
    %add3A_83 = arith.constant 128 : i32
    %add3A_84 = arith.addi %mul3A_82, %add3A_83 : i32
    "tpu.region"() ({
      %run_scoped3A = tpu.sem_alloc : memref<!tpu.dma_semaphore, #tpu.memory_space<semaphore_mem>>
      %dma_start3A_220 = arith.constant 0 : i32
      %dma_start3A_221 = tpu.memref_slice %arg16[%add3A_84, %dma_start3A_220] : memref<10240x128xf32, #tpu.memory_space<vmem_shared>> -> memref<16x128xf32, #tpu.memory_space<vmem_shared>>
      %dma_start3A_222 = arith.constant 0 : i32
      %dma_start3A_223 = tpu.memref_slice %arg16[%add3A_84, %dma_start3A_222] : memref<10240x128xf32, #tpu.memory_space<vmem_shared>> -> memref<16x128xf32, #tpu.memory_space<vmem_shared>>
      tpu.enqueue_dma source(%arg15 : memref<16x128xf32, #tpu.memory_space<vmem>>) target(%dma_start3A_223 : memref<16x128xf32, #tpu.memory_space<vmem_shared>>) target_semaphore(%run_scoped3A : memref<!tpu.dma_semaphore, #tpu.memory_space<semaphore_mem>>)
      %dma_wait3A = arith.constant 0 : i32
      %dma_wait3A_224 = tpu.memref_slice %arg16[%add3A_84, %dma_wait3A] : memref<10240x128xf32, #tpu.memory_space<vmem_shared>> -> memref<16x128xf32, #tpu.memory_space<vmem_shared>>
      %dma_wait3A_225 = arith.constant 0 : i32
      %dma_wait3A_226 = tpu.memref_slice %arg16[%add3A_84, %dma_wait3A_225] : memref<10240x128xf32, #tpu.memory_space<vmem_shared>> -> memref<16x128xf32, #tpu.memory_space<vmem_shared>>
      tpu.wait_dma2 semaphore(%run_scoped3A : memref<!tpu.dma_semaphore, #tpu.memory_space<semaphore_mem>>) src(%arg15 : memref<16x128xf32, #tpu.memory_space<vmem>>) dst(%dma_wait3A_226 : memref<16x128xf32, #tpu.memory_space<vmem_shared>>)
      tpu.yield
    }) : () -> ()
    %mul3A_85 = arith.constant 640 : i32
    %mul3A_86 = arith.muli %arg1, %mul3A_85 : i32
    %add3A_87 = arith.constant 144 : i32
    %add3A_88 = arith.addi %mul3A_86, %add3A_87 : i32
    "tpu.region"() ({
      %run_scoped3A = tpu.sem_alloc : memref<!tpu.dma_semaphore, #tpu.memory_space<semaphore_mem>>
      %dma_start3A_220 = arith.constant 0 : i32
      %dma_start3A_221 = tpu.memref_slice %arg16[%add3A_88, %dma_start3A_220] : memref<10240x128xf32, #tpu.memory_space<vmem_shared>> -> memref<16x128xf32, #tpu.memory_space<vmem_shared>>
      %dma_start3A_222 = arith.constant 0 : i32
      %dma_start3A_223 = tpu.memref_slice %arg16[%add3A_88, %dma_start3A_222] : memref<10240x128xf32, #tpu.memory_space<vmem_shared>> -> memref<16x128xf32, #tpu.memory_space<vmem_shared>>
      tpu.enqueue_dma source(%arg15 : memref<16x128xf32, #tpu.memory_space<vmem>>) target(%dma_start3A_223 : memref<16x128xf32, #tpu.memory_space<vmem_shared>>) target_semaphore(%run_scoped3A : memref<!tpu.dma_semaphore, #tpu.memory_space<semaphore_mem>>)
      %dma_wait3A = arith.constant 0 : i32
      %dma_wait3A_224 = tpu.memref_slice %arg16[%add3A_88, %dma_wait3A] : memref<10240x128xf32, #tpu.memory_space<vmem_shared>> -> memref<16x128xf32, #tpu.memory_space<vmem_shared>>
      %dma_wait3A_225 = arith.constant 0 : i32
      %dma_wait3A_226 = tpu.memref_slice %arg16[%add3A_88, %dma_wait3A_225] : memref<10240x128xf32, #tpu.memory_space<vmem_shared>> -> memref<16x128xf32, #tpu.memory_space<vmem_shared>>
      tpu.wait_dma2 semaphore(%run_scoped3A : memref<!tpu.dma_semaphore, #tpu.memory_space<semaphore_mem>>) src(%arg15 : memref<16x128xf32, #tpu.memory_space<vmem>>) dst(%dma_wait3A_226 : memref<16x128xf32, #tpu.memory_space<vmem_shared>>)
      tpu.yield
    }) : () -> ()
    %mul3A_89 = arith.constant 640 : i32
    %mul3A_90 = arith.muli %arg1, %mul3A_89 : i32
    %add3A_91 = arith.constant 160 : i32
    %add3A_92 = arith.addi %mul3A_90, %add3A_91 : i32
    "tpu.region"() ({
      %run_scoped3A = tpu.sem_alloc : memref<!tpu.dma_semaphore, #tpu.memory_space<semaphore_mem>>
      %dma_start3A_220 = arith.constant 0 : i32
      %dma_start3A_221 = tpu.memref_slice %arg16[%add3A_92, %dma_start3A_220] : memref<10240x128xf32, #tpu.memory_space<vmem_shared>> -> memref<16x128xf32, #tpu.memory_space<vmem_shared>>
      %dma_start3A_222 = arith.constant 0 : i32
      %dma_start3A_223 = tpu.memref_slice %arg16[%add3A_92, %dma_start3A_222] : memref<10240x128xf32, #tpu.memory_space<vmem_shared>> -> memref<16x128xf32, #tpu.memory_space<vmem_shared>>
      tpu.enqueue_dma source(%arg15 : memref<16x128xf32, #tpu.memory_space<vmem>>) target(%dma_start3A_223 : memref<16x128xf32, #tpu.memory_space<vmem_shared>>) target_semaphore(%run_scoped3A : memref<!tpu.dma_semaphore, #tpu.memory_space<semaphore_mem>>)
      %dma_wait3A = arith.constant 0 : i32
      %dma_wait3A_224 = tpu.memref_slice %arg16[%add3A_92, %dma_wait3A] : memref<10240x128xf32, #tpu.memory_space<vmem_shared>> -> memref<16x128xf32, #tpu.memory_space<vmem_shared>>
      %dma_wait3A_225 = arith.constant 0 : i32
      %dma_wait3A_226 = tpu.memref_slice %arg16[%add3A_92, %dma_wait3A_225] : memref<10240x128xf32, #tpu.memory_space<vmem_shared>> -> memref<16x128xf32, #tpu.memory_space<vmem_shared>>
      tpu.wait_dma2 semaphore(%run_scoped3A : memref<!tpu.dma_semaphore, #tpu.memory_space<semaphore_mem>>) src(%arg15 : memref<16x128xf32, #tpu.memory_space<vmem>>) dst(%dma_wait3A_226 : memref<16x128xf32, #tpu.memory_space<vmem_shared>>)
      tpu.yield
    }) : () -> ()
    %mul3A_93 = arith.constant 640 : i32
    %mul3A_94 = arith.muli %arg1, %mul3A_93 : i32
    %add3A_95 = arith.constant 176 : i32
    %add3A_96 = arith.addi %mul3A_94, %add3A_95 : i32
    "tpu.region"() ({
      %run_scoped3A = tpu.sem_alloc : memref<!tpu.dma_semaphore, #tpu.memory_space<semaphore_mem>>
      %dma_start3A_220 = arith.constant 0 : i32
      %dma_start3A_221 = tpu.memref_slice %arg16[%add3A_96, %dma_start3A_220] : memref<10240x128xf32, #tpu.memory_space<vmem_shared>> -> memref<16x128xf32, #tpu.memory_space<vmem_shared>>
      %dma_start3A_222 = arith.constant 0 : i32
      %dma_start3A_223 = tpu.memref_slice %arg16[%add3A_96, %dma_start3A_222] : memref<10240x128xf32, #tpu.memory_space<vmem_shared>> -> memref<16x128xf32, #tpu.memory_space<vmem_shared>>
      tpu.enqueue_dma source(%arg15 : memref<16x128xf32, #tpu.memory_space<vmem>>) target(%dma_start3A_223 : memref<16x128xf32, #tpu.memory_space<vmem_shared>>) target_semaphore(%run_scoped3A : memref<!tpu.dma_semaphore, #tpu.memory_space<semaphore_mem>>)
      %dma_wait3A = arith.constant 0 : i32
      %dma_wait3A_224 = tpu.memref_slice %arg16[%add3A_96, %dma_wait3A] : memref<10240x128xf32, #tpu.memory_space<vmem_shared>> -> memref<16x128xf32, #tpu.memory_space<vmem_shared>>
      %dma_wait3A_225 = arith.constant 0 : i32
      %dma_wait3A_226 = tpu.memref_slice %arg16[%add3A_96, %dma_wait3A_225] : memref<10240x128xf32, #tpu.memory_space<vmem_shared>> -> memref<16x128xf32, #tpu.memory_space<vmem_shared>>
      tpu.wait_dma2 semaphore(%run_scoped3A : memref<!tpu.dma_semaphore, #tpu.memory_space<semaphore_mem>>) src(%arg15 : memref<16x128xf32, #tpu.memory_space<vmem>>) dst(%dma_wait3A_226 : memref<16x128xf32, #tpu.memory_space<vmem_shared>>)
      tpu.yield
    }) : () -> ()
    %mul3A_97 = arith.constant 640 : i32
    %mul3A_98 = arith.muli %arg1, %mul3A_97 : i32
    %add3A_99 = arith.constant 192 : i32
    %add3A_100 = arith.addi %mul3A_98, %add3A_99 : i32
    "tpu.region"() ({
      %run_scoped3A = tpu.sem_alloc : memref<!tpu.dma_semaphore, #tpu.memory_space<semaphore_mem>>
      %dma_start3A_220 = arith.constant 0 : i32
      %dma_start3A_221 = tpu.memref_slice %arg16[%add3A_100, %dma_start3A_220] : memref<10240x128xf32, #tpu.memory_space<vmem_shared>> -> memref<16x128xf32, #tpu.memory_space<vmem_shared>>
      %dma_start3A_222 = arith.constant 0 : i32
      %dma_start3A_223 = tpu.memref_slice %arg16[%add3A_100, %dma_start3A_222] : memref<10240x128xf32, #tpu.memory_space<vmem_shared>> -> memref<16x128xf32, #tpu.memory_space<vmem_shared>>
      tpu.enqueue_dma source(%arg15 : memref<16x128xf32, #tpu.memory_space<vmem>>) target(%dma_start3A_223 : memref<16x128xf32, #tpu.memory_space<vmem_shared>>) target_semaphore(%run_scoped3A : memref<!tpu.dma_semaphore, #tpu.memory_space<semaphore_mem>>)
      %dma_wait3A = arith.constant 0 : i32
      %dma_wait3A_224 = tpu.memref_slice %arg16[%add3A_100, %dma_wait3A] : memref<10240x128xf32, #tpu.memory_space<vmem_shared>> -> memref<16x128xf32, #tpu.memory_space<vmem_shared>>
      %dma_wait3A_225 = arith.constant 0 : i32
      %dma_wait3A_226 = tpu.memref_slice %arg16[%add3A_100, %dma_wait3A_225] : memref<10240x128xf32, #tpu.memory_space<vmem_shared>> -> memref<16x128xf32, #tpu.memory_space<vmem_shared>>
      tpu.wait_dma2 semaphore(%run_scoped3A : memref<!tpu.dma_semaphore, #tpu.memory_space<semaphore_mem>>) src(%arg15 : memref<16x128xf32, #tpu.memory_space<vmem>>) dst(%dma_wait3A_226 : memref<16x128xf32, #tpu.memory_space<vmem_shared>>)
      tpu.yield
    }) : () -> ()
    %mul3A_101 = arith.constant 640 : i32
    %mul3A_102 = arith.muli %arg1, %mul3A_101 : i32
    %add3A_103 = arith.constant 208 : i32
    %add3A_104 = arith.addi %mul3A_102, %add3A_103 : i32
    "tpu.region"() ({
      %run_scoped3A = tpu.sem_alloc : memref<!tpu.dma_semaphore, #tpu.memory_space<semaphore_mem>>
      %dma_start3A_220 = arith.constant 0 : i32
      %dma_start3A_221 = tpu.memref_slice %arg16[%add3A_104, %dma_start3A_220] : memref<10240x128xf32, #tpu.memory_space<vmem_shared>> -> memref<16x128xf32, #tpu.memory_space<vmem_shared>>
      %dma_start3A_222 = arith.constant 0 : i32
      %dma_start3A_223 = tpu.memref_slice %arg16[%add3A_104, %dma_start3A_222] : memref<10240x128xf32, #tpu.memory_space<vmem_shared>> -> memref<16x128xf32, #tpu.memory_space<vmem_shared>>
      tpu.enqueue_dma source(%arg15 : memref<16x128xf32, #tpu.memory_space<vmem>>) target(%dma_start3A_223 : memref<16x128xf32, #tpu.memory_space<vmem_shared>>) target_semaphore(%run_scoped3A : memref<!tpu.dma_semaphore, #tpu.memory_space<semaphore_mem>>)
      %dma_wait3A = arith.constant 0 : i32
      %dma_wait3A_224 = tpu.memref_slice %arg16[%add3A_104, %dma_wait3A] : memref<10240x128xf32, #tpu.memory_space<vmem_shared>> -> memref<16x128xf32, #tpu.memory_space<vmem_shared>>
      %dma_wait3A_225 = arith.constant 0 : i32
      %dma_wait3A_226 = tpu.memref_slice %arg16[%add3A_104, %dma_wait3A_225] : memref<10240x128xf32, #tpu.memory_space<vmem_shared>> -> memref<16x128xf32, #tpu.memory_space<vmem_shared>>
      tpu.wait_dma2 semaphore(%run_scoped3A : memref<!tpu.dma_semaphore, #tpu.memory_space<semaphore_mem>>) src(%arg15 : memref<16x128xf32, #tpu.memory_space<vmem>>) dst(%dma_wait3A_226 : memref<16x128xf32, #tpu.memory_space<vmem_shared>>)
      tpu.yield
    }) : () -> ()
    %mul3A_105 = arith.constant 640 : i32
    %mul3A_106 = arith.muli %arg1, %mul3A_105 : i32
    %add3A_107 = arith.constant 224 : i32
    %add3A_108 = arith.addi %mul3A_106, %add3A_107 : i32
    "tpu.region"() ({
      %run_scoped3A = tpu.sem_alloc : memref<!tpu.dma_semaphore, #tpu.memory_space<semaphore_mem>>
      %dma_start3A_220 = arith.constant 0 : i32
      %dma_start3A_221 = tpu.memref_slice %arg16[%add3A_108, %dma_start3A_220] : memref<10240x128xf32, #tpu.memory_space<vmem_shared>> -> memref<16x128xf32, #tpu.memory_space<vmem_shared>>
      %dma_start3A_222 = arith.constant 0 : i32
      %dma_start3A_223 = tpu.memref_slice %arg16[%add3A_108, %dma_start3A_222] : memref<10240x128xf32, #tpu.memory_space<vmem_shared>> -> memref<16x128xf32, #tpu.memory_space<vmem_shared>>
      tpu.enqueue_dma source(%arg15 : memref<16x128xf32, #tpu.memory_space<vmem>>) target(%dma_start3A_223 : memref<16x128xf32, #tpu.memory_space<vmem_shared>>) target_semaphore(%run_scoped3A : memref<!tpu.dma_semaphore, #tpu.memory_space<semaphore_mem>>)
      %dma_wait3A = arith.constant 0 : i32
      %dma_wait3A_224 = tpu.memref_slice %arg16[%add3A_108, %dma_wait3A] : memref<10240x128xf32, #tpu.memory_space<vmem_shared>> -> memref<16x128xf32, #tpu.memory_space<vmem_shared>>
      %dma_wait3A_225 = arith.constant 0 : i32
      %dma_wait3A_226 = tpu.memref_slice %arg16[%add3A_108, %dma_wait3A_225] : memref<10240x128xf32, #tpu.memory_space<vmem_shared>> -> memref<16x128xf32, #tpu.memory_space<vmem_shared>>
      tpu.wait_dma2 semaphore(%run_scoped3A : memref<!tpu.dma_semaphore, #tpu.memory_space<semaphore_mem>>) src(%arg15 : memref<16x128xf32, #tpu.memory_space<vmem>>) dst(%dma_wait3A_226 : memref<16x128xf32, #tpu.memory_space<vmem_shared>>)
      tpu.yield
    }) : () -> ()
    %mul3A_109 = arith.constant 640 : i32
    %mul3A_110 = arith.muli %arg1, %mul3A_109 : i32
    %add3A_111 = arith.constant 240 : i32
    %add3A_112 = arith.addi %mul3A_110, %add3A_111 : i32
    "tpu.region"() ({
      %run_scoped3A = tpu.sem_alloc : memref<!tpu.dma_semaphore, #tpu.memory_space<semaphore_mem>>
      %dma_start3A_220 = arith.constant 0 : i32
      %dma_start3A_221 = tpu.memref_slice %arg16[%add3A_112, %dma_start3A_220] : memref<10240x128xf32, #tpu.memory_space<vmem_shared>> -> memref<16x128xf32, #tpu.memory_space<vmem_shared>>
      %dma_start3A_222 = arith.constant 0 : i32
      %dma_start3A_223 = tpu.memref_slice %arg16[%add3A_112, %dma_start3A_222] : memref<10240x128xf32, #tpu.memory_space<vmem_shared>> -> memref<16x128xf32, #tpu.memory_space<vmem_shared>>
      tpu.enqueue_dma source(%arg15 : memref<16x128xf32, #tpu.memory_space<vmem>>) target(%dma_start3A_223 : memref<16x128xf32, #tpu.memory_space<vmem_shared>>) target_semaphore(%run_scoped3A : memref<!tpu.dma_semaphore, #tpu.memory_space<semaphore_mem>>)
      %dma_wait3A = arith.constant 0 : i32
      %dma_wait3A_224 = tpu.memref_slice %arg16[%add3A_112, %dma_wait3A] : memref<10240x128xf32, #tpu.memory_space<vmem_shared>> -> memref<16x128xf32, #tpu.memory_space<vmem_shared>>
      %dma_wait3A_225 = arith.constant 0 : i32
      %dma_wait3A_226 = tpu.memref_slice %arg16[%add3A_112, %dma_wait3A_225] : memref<10240x128xf32, #tpu.memory_space<vmem_shared>> -> memref<16x128xf32, #tpu.memory_space<vmem_shared>>
      tpu.wait_dma2 semaphore(%run_scoped3A : memref<!tpu.dma_semaphore, #tpu.memory_space<semaphore_mem>>) src(%arg15 : memref<16x128xf32, #tpu.memory_space<vmem>>) dst(%dma_wait3A_226 : memref<16x128xf32, #tpu.memory_space<vmem_shared>>)
      tpu.yield
    }) : () -> ()
    %mul3A_113 = arith.constant 640 : i32
    %mul3A_114 = arith.muli %arg1, %mul3A_113 : i32
    %add3A_115 = arith.constant 256 : i32
    %add3A_116 = arith.addi %mul3A_114, %add3A_115 : i32
    "tpu.region"() ({
      %run_scoped3A = tpu.sem_alloc : memref<!tpu.dma_semaphore, #tpu.memory_space<semaphore_mem>>
      %dma_start3A_220 = arith.constant 0 : i32
      %dma_start3A_221 = tpu.memref_slice %arg16[%add3A_116, %dma_start3A_220] : memref<10240x128xf32, #tpu.memory_space<vmem_shared>> -> memref<16x128xf32, #tpu.memory_space<vmem_shared>>
      %dma_start3A_222 = arith.constant 0 : i32
      %dma_start3A_223 = tpu.memref_slice %arg16[%add3A_116, %dma_start3A_222] : memref<10240x128xf32, #tpu.memory_space<vmem_shared>> -> memref<16x128xf32, #tpu.memory_space<vmem_shared>>
      tpu.enqueue_dma source(%arg15 : memref<16x128xf32, #tpu.memory_space<vmem>>) target(%dma_start3A_223 : memref<16x128xf32, #tpu.memory_space<vmem_shared>>) target_semaphore(%run_scoped3A : memref<!tpu.dma_semaphore, #tpu.memory_space<semaphore_mem>>)
      %dma_wait3A = arith.constant 0 : i32
      %dma_wait3A_224 = tpu.memref_slice %arg16[%add3A_116, %dma_wait3A] : memref<10240x128xf32, #tpu.memory_space<vmem_shared>> -> memref<16x128xf32, #tpu.memory_space<vmem_shared>>
      %dma_wait3A_225 = arith.constant 0 : i32
      %dma_wait3A_226 = tpu.memref_slice %arg16[%add3A_116, %dma_wait3A_225] : memref<10240x128xf32, #tpu.memory_space<vmem_shared>> -> memref<16x128xf32, #tpu.memory_space<vmem_shared>>
      tpu.wait_dma2 semaphore(%run_scoped3A : memref<!tpu.dma_semaphore, #tpu.memory_space<semaphore_mem>>) src(%arg15 : memref<16x128xf32, #tpu.memory_space<vmem>>) dst(%dma_wait3A_226 : memref<16x128xf32, #tpu.memory_space<vmem_shared>>)
      tpu.yield
    }) : () -> ()
    %mul3A_117 = arith.constant 640 : i32
    %mul3A_118 = arith.muli %arg1, %mul3A_117 : i32
    %add3A_119 = arith.constant 272 : i32
    %add3A_120 = arith.addi %mul3A_118, %add3A_119 : i32
    "tpu.region"() ({
      %run_scoped3A = tpu.sem_alloc : memref<!tpu.dma_semaphore, #tpu.memory_space<semaphore_mem>>
      %dma_start3A_220 = arith.constant 0 : i32
      %dma_start3A_221 = tpu.memref_slice %arg16[%add3A_120, %dma_start3A_220] : memref<10240x128xf32, #tpu.memory_space<vmem_shared>> -> memref<16x128xf32, #tpu.memory_space<vmem_shared>>
      %dma_start3A_222 = arith.constant 0 : i32
      %dma_start3A_223 = tpu.memref_slice %arg16[%add3A_120, %dma_start3A_222] : memref<10240x128xf32, #tpu.memory_space<vmem_shared>> -> memref<16x128xf32, #tpu.memory_space<vmem_shared>>
      tpu.enqueue_dma source(%arg15 : memref<16x128xf32, #tpu.memory_space<vmem>>) target(%dma_start3A_223 : memref<16x128xf32, #tpu.memory_space<vmem_shared>>) target_semaphore(%run_scoped3A : memref<!tpu.dma_semaphore, #tpu.memory_space<semaphore_mem>>)
      %dma_wait3A = arith.constant 0 : i32
      %dma_wait3A_224 = tpu.memref_slice %arg16[%add3A_120, %dma_wait3A] : memref<10240x128xf32, #tpu.memory_space<vmem_shared>> -> memref<16x128xf32, #tpu.memory_space<vmem_shared>>
      %dma_wait3A_225 = arith.constant 0 : i32
      %dma_wait3A_226 = tpu.memref_slice %arg16[%add3A_120, %dma_wait3A_225] : memref<10240x128xf32, #tpu.memory_space<vmem_shared>> -> memref<16x128xf32, #tpu.memory_space<vmem_shared>>
      tpu.wait_dma2 semaphore(%run_scoped3A : memref<!tpu.dma_semaphore, #tpu.memory_space<semaphore_mem>>) src(%arg15 : memref<16x128xf32, #tpu.memory_space<vmem>>) dst(%dma_wait3A_226 : memref<16x128xf32, #tpu.memory_space<vmem_shared>>)
      tpu.yield
    }) : () -> ()
    %mul3A_121 = arith.constant 640 : i32
    %mul3A_122 = arith.muli %arg1, %mul3A_121 : i32
    %add3A_123 = arith.constant 288 : i32
    %add3A_124 = arith.addi %mul3A_122, %add3A_123 : i32
    "tpu.region"() ({
      %run_scoped3A = tpu.sem_alloc : memref<!tpu.dma_semaphore, #tpu.memory_space<semaphore_mem>>
      %dma_start3A_220 = arith.constant 0 : i32
      %dma_start3A_221 = tpu.memref_slice %arg16[%add3A_124, %dma_start3A_220] : memref<10240x128xf32, #tpu.memory_space<vmem_shared>> -> memref<16x128xf32, #tpu.memory_space<vmem_shared>>
      %dma_start3A_222 = arith.constant 0 : i32
      %dma_start3A_223 = tpu.memref_slice %arg16[%add3A_124, %dma_start3A_222] : memref<10240x128xf32, #tpu.memory_space<vmem_shared>> -> memref<16x128xf32, #tpu.memory_space<vmem_shared>>
      tpu.enqueue_dma source(%arg15 : memref<16x128xf32, #tpu.memory_space<vmem>>) target(%dma_start3A_223 : memref<16x128xf32, #tpu.memory_space<vmem_shared>>) target_semaphore(%run_scoped3A : memref<!tpu.dma_semaphore, #tpu.memory_space<semaphore_mem>>)
      %dma_wait3A = arith.constant 0 : i32
      %dma_wait3A_224 = tpu.memref_slice %arg16[%add3A_124, %dma_wait3A] : memref<10240x128xf32, #tpu.memory_space<vmem_shared>> -> memref<16x128xf32, #tpu.memory_space<vmem_shared>>
      %dma_wait3A_225 = arith.constant 0 : i32
      %dma_wait3A_226 = tpu.memref_slice %arg16[%add3A_124, %dma_wait3A_225] : memref<10240x128xf32, #tpu.memory_space<vmem_shared>> -> memref<16x128xf32, #tpu.memory_space<vmem_shared>>
      tpu.wait_dma2 semaphore(%run_scoped3A : memref<!tpu.dma_semaphore, #tpu.memory_space<semaphore_mem>>) src(%arg15 : memref<16x128xf32, #tpu.memory_space<vmem>>) dst(%dma_wait3A_226 : memref<16x128xf32, #tpu.memory_space<vmem_shared>>)
      tpu.yield
    }) : () -> ()
    %mul3A_125 = arith.constant 640 : i32
    %mul3A_126 = arith.muli %arg1, %mul3A_125 : i32
    %add3A_127 = arith.constant 304 : i32
    %add3A_128 = arith.addi %mul3A_126, %add3A_127 : i32
    "tpu.region"() ({
      %run_scoped3A = tpu.sem_alloc : memref<!tpu.dma_semaphore, #tpu.memory_space<semaphore_mem>>
      %dma_start3A_220 = arith.constant 0 : i32
      %dma_start3A_221 = tpu.memref_slice %arg16[%add3A_128, %dma_start3A_220] : memref<10240x128xf32, #tpu.memory_space<vmem_shared>> -> memref<16x128xf32, #tpu.memory_space<vmem_shared>>
      %dma_start3A_222 = arith.constant 0 : i32
      %dma_start3A_223 = tpu.memref_slice %arg16[%add3A_128, %dma_start3A_222] : memref<10240x128xf32, #tpu.memory_space<vmem_shared>> -> memref<16x128xf32, #tpu.memory_space<vmem_shared>>
      tpu.enqueue_dma source(%arg15 : memref<16x128xf32, #tpu.memory_space<vmem>>) target(%dma_start3A_223 : memref<16x128xf32, #tpu.memory_space<vmem_shared>>) target_semaphore(%run_scoped3A : memref<!tpu.dma_semaphore, #tpu.memory_space<semaphore_mem>>)
      %dma_wait3A = arith.constant 0 : i32
      %dma_wait3A_224 = tpu.memref_slice %arg16[%add3A_128, %dma_wait3A] : memref<10240x128xf32, #tpu.memory_space<vmem_shared>> -> memref<16x128xf32, #tpu.memory_space<vmem_shared>>
      %dma_wait3A_225 = arith.constant 0 : i32
      %dma_wait3A_226 = tpu.memref_slice %arg16[%add3A_128, %dma_wait3A_225] : memref<10240x128xf32, #tpu.memory_space<vmem_shared>> -> memref<16x128xf32, #tpu.memory_space<vmem_shared>>
      tpu.wait_dma2 semaphore(%run_scoped3A : memref<!tpu.dma_semaphore, #tpu.memory_space<semaphore_mem>>) src(%arg15 : memref<16x128xf32, #tpu.memory_space<vmem>>) dst(%dma_wait3A_226 : memref<16x128xf32, #tpu.memory_space<vmem_shared>>)
      tpu.yield
    }) : () -> ()
    %mul3A_129 = arith.constant 640 : i32
    %mul3A_130 = arith.muli %arg1, %mul3A_129 : i32
    %add3A_131 = arith.constant 320 : i32
    %add3A_132 = arith.addi %mul3A_130, %add3A_131 : i32
    "tpu.region"() ({
      %run_scoped3A = tpu.sem_alloc : memref<!tpu.dma_semaphore, #tpu.memory_space<semaphore_mem>>
      %dma_start3A_220 = arith.constant 0 : i32
      %dma_start3A_221 = tpu.memref_slice %arg16[%add3A_132, %dma_start3A_220] : memref<10240x128xf32, #tpu.memory_space<vmem_shared>> -> memref<16x128xf32, #tpu.memory_space<vmem_shared>>
      %dma_start3A_222 = arith.constant 0 : i32
      %dma_start3A_223 = tpu.memref_slice %arg16[%add3A_132, %dma_start3A_222] : memref<10240x128xf32, #tpu.memory_space<vmem_shared>> -> memref<16x128xf32, #tpu.memory_space<vmem_shared>>
      tpu.enqueue_dma source(%arg15 : memref<16x128xf32, #tpu.memory_space<vmem>>) target(%dma_start3A_223 : memref<16x128xf32, #tpu.memory_space<vmem_shared>>) target_semaphore(%run_scoped3A : memref<!tpu.dma_semaphore, #tpu.memory_space<semaphore_mem>>)
      %dma_wait3A = arith.constant 0 : i32
      %dma_wait3A_224 = tpu.memref_slice %arg16[%add3A_132, %dma_wait3A] : memref<10240x128xf32, #tpu.memory_space<vmem_shared>> -> memref<16x128xf32, #tpu.memory_space<vmem_shared>>
      %dma_wait3A_225 = arith.constant 0 : i32
      %dma_wait3A_226 = tpu.memref_slice %arg16[%add3A_132, %dma_wait3A_225] : memref<10240x128xf32, #tpu.memory_space<vmem_shared>> -> memref<16x128xf32, #tpu.memory_space<vmem_shared>>
      tpu.wait_dma2 semaphore(%run_scoped3A : memref<!tpu.dma_semaphore, #tpu.memory_space<semaphore_mem>>) src(%arg15 : memref<16x128xf32, #tpu.memory_space<vmem>>) dst(%dma_wait3A_226 : memref<16x128xf32, #tpu.memory_space<vmem_shared>>)
      tpu.yield
    }) : () -> ()
    %mul3A_133 = arith.constant 640 : i32
    %mul3A_134 = arith.muli %arg1, %mul3A_133 : i32
    %add3A_135 = arith.constant 336 : i32
    %add3A_136 = arith.addi %mul3A_134, %add3A_135 : i32
    "tpu.region"() ({
      %run_scoped3A = tpu.sem_alloc : memref<!tpu.dma_semaphore, #tpu.memory_space<semaphore_mem>>
      %dma_start3A_220 = arith.constant 0 : i32
      %dma_start3A_221 = tpu.memref_slice %arg16[%add3A_136, %dma_start3A_220] : memref<10240x128xf32, #tpu.memory_space<vmem_shared>> -> memref<16x128xf32, #tpu.memory_space<vmem_shared>>
      %dma_start3A_222 = arith.constant 0 : i32
      %dma_start3A_223 = tpu.memref_slice %arg16[%add3A_136, %dma_start3A_222] : memref<10240x128xf32, #tpu.memory_space<vmem_shared>> -> memref<16x128xf32, #tpu.memory_space<vmem_shared>>
      tpu.enqueue_dma source(%arg15 : memref<16x128xf32, #tpu.memory_space<vmem>>) target(%dma_start3A_223 : memref<16x128xf32, #tpu.memory_space<vmem_shared>>) target_semaphore(%run_scoped3A : memref<!tpu.dma_semaphore, #tpu.memory_space<semaphore_mem>>)
      %dma_wait3A = arith.constant 0 : i32
      %dma_wait3A_224 = tpu.memref_slice %arg16[%add3A_136, %dma_wait3A] : memref<10240x128xf32, #tpu.memory_space<vmem_shared>> -> memref<16x128xf32, #tpu.memory_space<vmem_shared>>
      %dma_wait3A_225 = arith.constant 0 : i32
      %dma_wait3A_226 = tpu.memref_slice %arg16[%add3A_136, %dma_wait3A_225] : memref<10240x128xf32, #tpu.memory_space<vmem_shared>> -> memref<16x128xf32, #tpu.memory_space<vmem_shared>>
      tpu.wait_dma2 semaphore(%run_scoped3A : memref<!tpu.dma_semaphore, #tpu.memory_space<semaphore_mem>>) src(%arg15 : memref<16x128xf32, #tpu.memory_space<vmem>>) dst(%dma_wait3A_226 : memref<16x128xf32, #tpu.memory_space<vmem_shared>>)
      tpu.yield
    }) : () -> ()
    %mul3A_137 = arith.constant 640 : i32
    %mul3A_138 = arith.muli %arg1, %mul3A_137 : i32
    %add3A_139 = arith.constant 352 : i32
    %add3A_140 = arith.addi %mul3A_138, %add3A_139 : i32
    "tpu.region"() ({
      %run_scoped3A = tpu.sem_alloc : memref<!tpu.dma_semaphore, #tpu.memory_space<semaphore_mem>>
      %dma_start3A_220 = arith.constant 0 : i32
      %dma_start3A_221 = tpu.memref_slice %arg16[%add3A_140, %dma_start3A_220] : memref<10240x128xf32, #tpu.memory_space<vmem_shared>> -> memref<16x128xf32, #tpu.memory_space<vmem_shared>>
      %dma_start3A_222 = arith.constant 0 : i32
      %dma_start3A_223 = tpu.memref_slice %arg16[%add3A_140, %dma_start3A_222] : memref<10240x128xf32, #tpu.memory_space<vmem_shared>> -> memref<16x128xf32, #tpu.memory_space<vmem_shared>>
      tpu.enqueue_dma source(%arg15 : memref<16x128xf32, #tpu.memory_space<vmem>>) target(%dma_start3A_223 : memref<16x128xf32, #tpu.memory_space<vmem_shared>>) target_semaphore(%run_scoped3A : memref<!tpu.dma_semaphore, #tpu.memory_space<semaphore_mem>>)
      %dma_wait3A = arith.constant 0 : i32
      %dma_wait3A_224 = tpu.memref_slice %arg16[%add3A_140, %dma_wait3A] : memref<10240x128xf32, #tpu.memory_space<vmem_shared>> -> memref<16x128xf32, #tpu.memory_space<vmem_shared>>
      %dma_wait3A_225 = arith.constant 0 : i32
      %dma_wait3A_226 = tpu.memref_slice %arg16[%add3A_140, %dma_wait3A_225] : memref<10240x128xf32, #tpu.memory_space<vmem_shared>> -> memref<16x128xf32, #tpu.memory_space<vmem_shared>>
      tpu.wait_dma2 semaphore(%run_scoped3A : memref<!tpu.dma_semaphore, #tpu.memory_space<semaphore_mem>>) src(%arg15 : memref<16x128xf32, #tpu.memory_space<vmem>>) dst(%dma_wait3A_226 : memref<16x128xf32, #tpu.memory_space<vmem_shared>>)
      tpu.yield
    }) : () -> ()
    %mul3A_141 = arith.constant 640 : i32
    %mul3A_142 = arith.muli %arg1, %mul3A_141 : i32
    %add3A_143 = arith.constant 368 : i32
    %add3A_144 = arith.addi %mul3A_142, %add3A_143 : i32
    "tpu.region"() ({
      %run_scoped3A = tpu.sem_alloc : memref<!tpu.dma_semaphore, #tpu.memory_space<semaphore_mem>>
      %dma_start3A_220 = arith.constant 0 : i32
      %dma_start3A_221 = tpu.memref_slice %arg16[%add3A_144, %dma_start3A_220] : memref<10240x128xf32, #tpu.memory_space<vmem_shared>> -> memref<16x128xf32, #tpu.memory_space<vmem_shared>>
      %dma_start3A_222 = arith.constant 0 : i32
      %dma_start3A_223 = tpu.memref_slice %arg16[%add3A_144, %dma_start3A_222] : memref<10240x128xf32, #tpu.memory_space<vmem_shared>> -> memref<16x128xf32, #tpu.memory_space<vmem_shared>>
      tpu.enqueue_dma source(%arg15 : memref<16x128xf32, #tpu.memory_space<vmem>>) target(%dma_start3A_223 : memref<16x128xf32, #tpu.memory_space<vmem_shared>>) target_semaphore(%run_scoped3A : memref<!tpu.dma_semaphore, #tpu.memory_space<semaphore_mem>>)
      %dma_wait3A = arith.constant 0 : i32
      %dma_wait3A_224 = tpu.memref_slice %arg16[%add3A_144, %dma_wait3A] : memref<10240x128xf32, #tpu.memory_space<vmem_shared>> -> memref<16x128xf32, #tpu.memory_space<vmem_shared>>
      %dma_wait3A_225 = arith.constant 0 : i32
      %dma_wait3A_226 = tpu.memref_slice %arg16[%add3A_144, %dma_wait3A_225] : memref<10240x128xf32, #tpu.memory_space<vmem_shared>> -> memref<16x128xf32, #tpu.memory_space<vmem_shared>>
      tpu.wait_dma2 semaphore(%run_scoped3A : memref<!tpu.dma_semaphore, #tpu.memory_space<semaphore_mem>>) src(%arg15 : memref<16x128xf32, #tpu.memory_space<vmem>>) dst(%dma_wait3A_226 : memref<16x128xf32, #tpu.memory_space<vmem_shared>>)
      tpu.yield
    }) : () -> ()
    %mul3A_145 = arith.constant 640 : i32
    %mul3A_146 = arith.muli %arg1, %mul3A_145 : i32
    %add3A_147 = arith.constant 384 : i32
    %add3A_148 = arith.addi %mul3A_146, %add3A_147 : i32
    "tpu.region"() ({
      %run_scoped3A = tpu.sem_alloc : memref<!tpu.dma_semaphore, #tpu.memory_space<semaphore_mem>>
      %dma_start3A_220 = arith.constant 0 : i32
      %dma_start3A_221 = tpu.memref_slice %arg16[%add3A_148, %dma_start3A_220] : memref<10240x128xf32, #tpu.memory_space<vmem_shared>> -> memref<16x128xf32, #tpu.memory_space<vmem_shared>>
      %dma_start3A_222 = arith.constant 0 : i32
      %dma_start3A_223 = tpu.memref_slice %arg16[%add3A_148, %dma_start3A_222] : memref<10240x128xf32, #tpu.memory_space<vmem_shared>> -> memref<16x128xf32, #tpu.memory_space<vmem_shared>>
      tpu.enqueue_dma source(%arg15 : memref<16x128xf32, #tpu.memory_space<vmem>>) target(%dma_start3A_223 : memref<16x128xf32, #tpu.memory_space<vmem_shared>>) target_semaphore(%run_scoped3A : memref<!tpu.dma_semaphore, #tpu.memory_space<semaphore_mem>>)
      %dma_wait3A = arith.constant 0 : i32
      %dma_wait3A_224 = tpu.memref_slice %arg16[%add3A_148, %dma_wait3A] : memref<10240x128xf32, #tpu.memory_space<vmem_shared>> -> memref<16x128xf32, #tpu.memory_space<vmem_shared>>
      %dma_wait3A_225 = arith.constant 0 : i32
      %dma_wait3A_226 = tpu.memref_slice %arg16[%add3A_148, %dma_wait3A_225] : memref<10240x128xf32, #tpu.memory_space<vmem_shared>> -> memref<16x128xf32, #tpu.memory_space<vmem_shared>>
      tpu.wait_dma2 semaphore(%run_scoped3A : memref<!tpu.dma_semaphore, #tpu.memory_space<semaphore_mem>>) src(%arg15 : memref<16x128xf32, #tpu.memory_space<vmem>>) dst(%dma_wait3A_226 : memref<16x128xf32, #tpu.memory_space<vmem_shared>>)
      tpu.yield
    }) : () -> ()
    %mul3A_149 = arith.constant 640 : i32
    %mul3A_150 = arith.muli %arg1, %mul3A_149 : i32
    %add3A_151 = arith.constant 400 : i32
    %add3A_152 = arith.addi %mul3A_150, %add3A_151 : i32
    "tpu.region"() ({
      %run_scoped3A = tpu.sem_alloc : memref<!tpu.dma_semaphore, #tpu.memory_space<semaphore_mem>>
      %dma_start3A_220 = arith.constant 0 : i32
      %dma_start3A_221 = tpu.memref_slice %arg16[%add3A_152, %dma_start3A_220] : memref<10240x128xf32, #tpu.memory_space<vmem_shared>> -> memref<16x128xf32, #tpu.memory_space<vmem_shared>>
      %dma_start3A_222 = arith.constant 0 : i32
      %dma_start3A_223 = tpu.memref_slice %arg16[%add3A_152, %dma_start3A_222] : memref<10240x128xf32, #tpu.memory_space<vmem_shared>> -> memref<16x128xf32, #tpu.memory_space<vmem_shared>>
      tpu.enqueue_dma source(%arg15 : memref<16x128xf32, #tpu.memory_space<vmem>>) target(%dma_start3A_223 : memref<16x128xf32, #tpu.memory_space<vmem_shared>>) target_semaphore(%run_scoped3A : memref<!tpu.dma_semaphore, #tpu.memory_space<semaphore_mem>>)
      %dma_wait3A = arith.constant 0 : i32
      %dma_wait3A_224 = tpu.memref_slice %arg16[%add3A_152, %dma_wait3A] : memref<10240x128xf32, #tpu.memory_space<vmem_shared>> -> memref<16x128xf32, #tpu.memory_space<vmem_shared>>
      %dma_wait3A_225 = arith.constant 0 : i32
      %dma_wait3A_226 = tpu.memref_slice %arg16[%add3A_152, %dma_wait3A_225] : memref<10240x128xf32, #tpu.memory_space<vmem_shared>> -> memref<16x128xf32, #tpu.memory_space<vmem_shared>>
      tpu.wait_dma2 semaphore(%run_scoped3A : memref<!tpu.dma_semaphore, #tpu.memory_space<semaphore_mem>>) src(%arg15 : memref<16x128xf32, #tpu.memory_space<vmem>>) dst(%dma_wait3A_226 : memref<16x128xf32, #tpu.memory_space<vmem_shared>>)
      tpu.yield
    }) : () -> ()
    %mul3A_153 = arith.constant 640 : i32
    %mul3A_154 = arith.muli %arg1, %mul3A_153 : i32
    %add3A_155 = arith.constant 416 : i32
    %add3A_156 = arith.addi %mul3A_154, %add3A_155 : i32
    "tpu.region"() ({
      %run_scoped3A = tpu.sem_alloc : memref<!tpu.dma_semaphore, #tpu.memory_space<semaphore_mem>>
      %dma_start3A_220 = arith.constant 0 : i32
      %dma_start3A_221 = tpu.memref_slice %arg16[%add3A_156, %dma_start3A_220] : memref<10240x128xf32, #tpu.memory_space<vmem_shared>> -> memref<16x128xf32, #tpu.memory_space<vmem_shared>>
      %dma_start3A_222 = arith.constant 0 : i32
      %dma_start3A_223 = tpu.memref_slice %arg16[%add3A_156, %dma_start3A_222] : memref<10240x128xf32, #tpu.memory_space<vmem_shared>> -> memref<16x128xf32, #tpu.memory_space<vmem_shared>>
      tpu.enqueue_dma source(%arg15 : memref<16x128xf32, #tpu.memory_space<vmem>>) target(%dma_start3A_223 : memref<16x128xf32, #tpu.memory_space<vmem_shared>>) target_semaphore(%run_scoped3A : memref<!tpu.dma_semaphore, #tpu.memory_space<semaphore_mem>>)
      %dma_wait3A = arith.constant 0 : i32
      %dma_wait3A_224 = tpu.memref_slice %arg16[%add3A_156, %dma_wait3A] : memref<10240x128xf32, #tpu.memory_space<vmem_shared>> -> memref<16x128xf32, #tpu.memory_space<vmem_shared>>
      %dma_wait3A_225 = arith.constant 0 : i32
      %dma_wait3A_226 = tpu.memref_slice %arg16[%add3A_156, %dma_wait3A_225] : memref<10240x128xf32, #tpu.memory_space<vmem_shared>> -> memref<16x128xf32, #tpu.memory_space<vmem_shared>>
      tpu.wait_dma2 semaphore(%run_scoped3A : memref<!tpu.dma_semaphore, #tpu.memory_space<semaphore_mem>>) src(%arg15 : memref<16x128xf32, #tpu.memory_space<vmem>>) dst(%dma_wait3A_226 : memref<16x128xf32, #tpu.memory_space<vmem_shared>>)
      tpu.yield
    }) : () -> ()
    %mul3A_157 = arith.constant 640 : i32
    %mul3A_158 = arith.muli %arg1, %mul3A_157 : i32
    %add3A_159 = arith.constant 432 : i32
    %add3A_160 = arith.addi %mul3A_158, %add3A_159 : i32
    "tpu.region"() ({
      %run_scoped3A = tpu.sem_alloc : memref<!tpu.dma_semaphore, #tpu.memory_space<semaphore_mem>>
      %dma_start3A_220 = arith.constant 0 : i32
      %dma_start3A_221 = tpu.memref_slice %arg16[%add3A_160, %dma_start3A_220] : memref<10240x128xf32, #tpu.memory_space<vmem_shared>> -> memref<16x128xf32, #tpu.memory_space<vmem_shared>>
      %dma_start3A_222 = arith.constant 0 : i32
      %dma_start3A_223 = tpu.memref_slice %arg16[%add3A_160, %dma_start3A_222] : memref<10240x128xf32, #tpu.memory_space<vmem_shared>> -> memref<16x128xf32, #tpu.memory_space<vmem_shared>>
      tpu.enqueue_dma source(%arg15 : memref<16x128xf32, #tpu.memory_space<vmem>>) target(%dma_start3A_223 : memref<16x128xf32, #tpu.memory_space<vmem_shared>>) target_semaphore(%run_scoped3A : memref<!tpu.dma_semaphore, #tpu.memory_space<semaphore_mem>>)
      %dma_wait3A = arith.constant 0 : i32
      %dma_wait3A_224 = tpu.memref_slice %arg16[%add3A_160, %dma_wait3A] : memref<10240x128xf32, #tpu.memory_space<vmem_shared>> -> memref<16x128xf32, #tpu.memory_space<vmem_shared>>
      %dma_wait3A_225 = arith.constant 0 : i32
      %dma_wait3A_226 = tpu.memref_slice %arg16[%add3A_160, %dma_wait3A_225] : memref<10240x128xf32, #tpu.memory_space<vmem_shared>> -> memref<16x128xf32, #tpu.memory_space<vmem_shared>>
      tpu.wait_dma2 semaphore(%run_scoped3A : memref<!tpu.dma_semaphore, #tpu.memory_space<semaphore_mem>>) src(%arg15 : memref<16x128xf32, #tpu.memory_space<vmem>>) dst(%dma_wait3A_226 : memref<16x128xf32, #tpu.memory_space<vmem_shared>>)
      tpu.yield
    }) : () -> ()
    %mul3A_161 = arith.constant 640 : i32
    %mul3A_162 = arith.muli %arg1, %mul3A_161 : i32
    %add3A_163 = arith.constant 448 : i32
    %add3A_164 = arith.addi %mul3A_162, %add3A_163 : i32
    "tpu.region"() ({
      %run_scoped3A = tpu.sem_alloc : memref<!tpu.dma_semaphore, #tpu.memory_space<semaphore_mem>>
      %dma_start3A_220 = arith.constant 0 : i32
      %dma_start3A_221 = tpu.memref_slice %arg16[%add3A_164, %dma_start3A_220] : memref<10240x128xf32, #tpu.memory_space<vmem_shared>> -> memref<16x128xf32, #tpu.memory_space<vmem_shared>>
      %dma_start3A_222 = arith.constant 0 : i32
      %dma_start3A_223 = tpu.memref_slice %arg16[%add3A_164, %dma_start3A_222] : memref<10240x128xf32, #tpu.memory_space<vmem_shared>> -> memref<16x128xf32, #tpu.memory_space<vmem_shared>>
      tpu.enqueue_dma source(%arg15 : memref<16x128xf32, #tpu.memory_space<vmem>>) target(%dma_start3A_223 : memref<16x128xf32, #tpu.memory_space<vmem_shared>>) target_semaphore(%run_scoped3A : memref<!tpu.dma_semaphore, #tpu.memory_space<semaphore_mem>>)
      %dma_wait3A = arith.constant 0 : i32
      %dma_wait3A_224 = tpu.memref_slice %arg16[%add3A_164, %dma_wait3A] : memref<10240x128xf32, #tpu.memory_space<vmem_shared>> -> memref<16x128xf32, #tpu.memory_space<vmem_shared>>
      %dma_wait3A_225 = arith.constant 0 : i32
      %dma_wait3A_226 = tpu.memref_slice %arg16[%add3A_164, %dma_wait3A_225] : memref<10240x128xf32, #tpu.memory_space<vmem_shared>> -> memref<16x128xf32, #tpu.memory_space<vmem_shared>>
      tpu.wait_dma2 semaphore(%run_scoped3A : memref<!tpu.dma_semaphore, #tpu.memory_space<semaphore_mem>>) src(%arg15 : memref<16x128xf32, #tpu.memory_space<vmem>>) dst(%dma_wait3A_226 : memref<16x128xf32, #tpu.memory_space<vmem_shared>>)
      tpu.yield
    }) : () -> ()
    %mul3A_165 = arith.constant 640 : i32
    %mul3A_166 = arith.muli %arg1, %mul3A_165 : i32
    %add3A_167 = arith.constant 464 : i32
    %add3A_168 = arith.addi %mul3A_166, %add3A_167 : i32
    "tpu.region"() ({
      %run_scoped3A = tpu.sem_alloc : memref<!tpu.dma_semaphore, #tpu.memory_space<semaphore_mem>>
      %dma_start3A_220 = arith.constant 0 : i32
      %dma_start3A_221 = tpu.memref_slice %arg16[%add3A_168, %dma_start3A_220] : memref<10240x128xf32, #tpu.memory_space<vmem_shared>> -> memref<16x128xf32, #tpu.memory_space<vmem_shared>>
      %dma_start3A_222 = arith.constant 0 : i32
      %dma_start3A_223 = tpu.memref_slice %arg16[%add3A_168, %dma_start3A_222] : memref<10240x128xf32, #tpu.memory_space<vmem_shared>> -> memref<16x128xf32, #tpu.memory_space<vmem_shared>>
      tpu.enqueue_dma source(%arg15 : memref<16x128xf32, #tpu.memory_space<vmem>>) target(%dma_start3A_223 : memref<16x128xf32, #tpu.memory_space<vmem_shared>>) target_semaphore(%run_scoped3A : memref<!tpu.dma_semaphore, #tpu.memory_space<semaphore_mem>>)
      %dma_wait3A = arith.constant 0 : i32
      %dma_wait3A_224 = tpu.memref_slice %arg16[%add3A_168, %dma_wait3A] : memref<10240x128xf32, #tpu.memory_space<vmem_shared>> -> memref<16x128xf32, #tpu.memory_space<vmem_shared>>
      %dma_wait3A_225 = arith.constant 0 : i32
      %dma_wait3A_226 = tpu.memref_slice %arg16[%add3A_168, %dma_wait3A_225] : memref<10240x128xf32, #tpu.memory_space<vmem_shared>> -> memref<16x128xf32, #tpu.memory_space<vmem_shared>>
      tpu.wait_dma2 semaphore(%run_scoped3A : memref<!tpu.dma_semaphore, #tpu.memory_space<semaphore_mem>>) src(%arg15 : memref<16x128xf32, #tpu.memory_space<vmem>>) dst(%dma_wait3A_226 : memref<16x128xf32, #tpu.memory_space<vmem_shared>>)
      tpu.yield
    }) : () -> ()
    %mul3A_169 = arith.constant 640 : i32
    %mul3A_170 = arith.muli %arg1, %mul3A_169 : i32
    %add3A_171 = arith.constant 480 : i32
    %add3A_172 = arith.addi %mul3A_170, %add3A_171 : i32
    "tpu.region"() ({
      %run_scoped3A = tpu.sem_alloc : memref<!tpu.dma_semaphore, #tpu.memory_space<semaphore_mem>>
      %dma_start3A_220 = arith.constant 0 : i32
      %dma_start3A_221 = tpu.memref_slice %arg16[%add3A_172, %dma_start3A_220] : memref<10240x128xf32, #tpu.memory_space<vmem_shared>> -> memref<16x128xf32, #tpu.memory_space<vmem_shared>>
      %dma_start3A_222 = arith.constant 0 : i32
      %dma_start3A_223 = tpu.memref_slice %arg16[%add3A_172, %dma_start3A_222] : memref<10240x128xf32, #tpu.memory_space<vmem_shared>> -> memref<16x128xf32, #tpu.memory_space<vmem_shared>>
      tpu.enqueue_dma source(%arg15 : memref<16x128xf32, #tpu.memory_space<vmem>>) target(%dma_start3A_223 : memref<16x128xf32, #tpu.memory_space<vmem_shared>>) target_semaphore(%run_scoped3A : memref<!tpu.dma_semaphore, #tpu.memory_space<semaphore_mem>>)
      %dma_wait3A = arith.constant 0 : i32
      %dma_wait3A_224 = tpu.memref_slice %arg16[%add3A_172, %dma_wait3A] : memref<10240x128xf32, #tpu.memory_space<vmem_shared>> -> memref<16x128xf32, #tpu.memory_space<vmem_shared>>
      %dma_wait3A_225 = arith.constant 0 : i32
      %dma_wait3A_226 = tpu.memref_slice %arg16[%add3A_172, %dma_wait3A_225] : memref<10240x128xf32, #tpu.memory_space<vmem_shared>> -> memref<16x128xf32, #tpu.memory_space<vmem_shared>>
      tpu.wait_dma2 semaphore(%run_scoped3A : memref<!tpu.dma_semaphore, #tpu.memory_space<semaphore_mem>>) src(%arg15 : memref<16x128xf32, #tpu.memory_space<vmem>>) dst(%dma_wait3A_226 : memref<16x128xf32, #tpu.memory_space<vmem_shared>>)
      tpu.yield
    }) : () -> ()
    %mul3A_173 = arith.constant 640 : i32
    %mul3A_174 = arith.muli %arg1, %mul3A_173 : i32
    %add3A_175 = arith.constant 496 : i32
    %add3A_176 = arith.addi %mul3A_174, %add3A_175 : i32
    "tpu.region"() ({
      %run_scoped3A = tpu.sem_alloc : memref<!tpu.dma_semaphore, #tpu.memory_space<semaphore_mem>>
      %dma_start3A_220 = arith.constant 0 : i32
      %dma_start3A_221 = tpu.memref_slice %arg16[%add3A_176, %dma_start3A_220] : memref<10240x128xf32, #tpu.memory_space<vmem_shared>> -> memref<16x128xf32, #tpu.memory_space<vmem_shared>>
      %dma_start3A_222 = arith.constant 0 : i32
      %dma_start3A_223 = tpu.memref_slice %arg16[%add3A_176, %dma_start3A_222] : memref<10240x128xf32, #tpu.memory_space<vmem_shared>> -> memref<16x128xf32, #tpu.memory_space<vmem_shared>>
      tpu.enqueue_dma source(%arg15 : memref<16x128xf32, #tpu.memory_space<vmem>>) target(%dma_start3A_223 : memref<16x128xf32, #tpu.memory_space<vmem_shared>>) target_semaphore(%run_scoped3A : memref<!tpu.dma_semaphore, #tpu.memory_space<semaphore_mem>>)
      %dma_wait3A = arith.constant 0 : i32
      %dma_wait3A_224 = tpu.memref_slice %arg16[%add3A_176, %dma_wait3A] : memref<10240x128xf32, #tpu.memory_space<vmem_shared>> -> memref<16x128xf32, #tpu.memory_space<vmem_shared>>
      %dma_wait3A_225 = arith.constant 0 : i32
      %dma_wait3A_226 = tpu.memref_slice %arg16[%add3A_176, %dma_wait3A_225] : memref<10240x128xf32, #tpu.memory_space<vmem_shared>> -> memref<16x128xf32, #tpu.memory_space<vmem_shared>>
      tpu.wait_dma2 semaphore(%run_scoped3A : memref<!tpu.dma_semaphore, #tpu.memory_space<semaphore_mem>>) src(%arg15 : memref<16x128xf32, #tpu.memory_space<vmem>>) dst(%dma_wait3A_226 : memref<16x128xf32, #tpu.memory_space<vmem_shared>>)
      tpu.yield
    }) : () -> ()
    %mul3A_177 = arith.constant 640 : i32
    %mul3A_178 = arith.muli %arg1, %mul3A_177 : i32
    %add3A_179 = arith.constant 512 : i32
    %add3A_180 = arith.addi %mul3A_178, %add3A_179 : i32
    "tpu.region"() ({
      %run_scoped3A = tpu.sem_alloc : memref<!tpu.dma_semaphore, #tpu.memory_space<semaphore_mem>>
      %dma_start3A_220 = arith.constant 0 : i32
      %dma_start3A_221 = tpu.memref_slice %arg16[%add3A_180, %dma_start3A_220] : memref<10240x128xf32, #tpu.memory_space<vmem_shared>> -> memref<16x128xf32, #tpu.memory_space<vmem_shared>>
      %dma_start3A_222 = arith.constant 0 : i32
      %dma_start3A_223 = tpu.memref_slice %arg16[%add3A_180, %dma_start3A_222] : memref<10240x128xf32, #tpu.memory_space<vmem_shared>> -> memref<16x128xf32, #tpu.memory_space<vmem_shared>>
      tpu.enqueue_dma source(%arg15 : memref<16x128xf32, #tpu.memory_space<vmem>>) target(%dma_start3A_223 : memref<16x128xf32, #tpu.memory_space<vmem_shared>>) target_semaphore(%run_scoped3A : memref<!tpu.dma_semaphore, #tpu.memory_space<semaphore_mem>>)
      %dma_wait3A = arith.constant 0 : i32
      %dma_wait3A_224 = tpu.memref_slice %arg16[%add3A_180, %dma_wait3A] : memref<10240x128xf32, #tpu.memory_space<vmem_shared>> -> memref<16x128xf32, #tpu.memory_space<vmem_shared>>
      %dma_wait3A_225 = arith.constant 0 : i32
      %dma_wait3A_226 = tpu.memref_slice %arg16[%add3A_180, %dma_wait3A_225] : memref<10240x128xf32, #tpu.memory_space<vmem_shared>> -> memref<16x128xf32, #tpu.memory_space<vmem_shared>>
      tpu.wait_dma2 semaphore(%run_scoped3A : memref<!tpu.dma_semaphore, #tpu.memory_space<semaphore_mem>>) src(%arg15 : memref<16x128xf32, #tpu.memory_space<vmem>>) dst(%dma_wait3A_226 : memref<16x128xf32, #tpu.memory_space<vmem_shared>>)
      tpu.yield
    }) : () -> ()
    %mul3A_181 = arith.constant 640 : i32
    %mul3A_182 = arith.muli %arg1, %mul3A_181 : i32
    %add3A_183 = arith.constant 528 : i32
    %add3A_184 = arith.addi %mul3A_182, %add3A_183 : i32
    "tpu.region"() ({
      %run_scoped3A = tpu.sem_alloc : memref<!tpu.dma_semaphore, #tpu.memory_space<semaphore_mem>>
      %dma_start3A_220 = arith.constant 0 : i32
      %dma_start3A_221 = tpu.memref_slice %arg16[%add3A_184, %dma_start3A_220] : memref<10240x128xf32, #tpu.memory_space<vmem_shared>> -> memref<16x128xf32, #tpu.memory_space<vmem_shared>>
      %dma_start3A_222 = arith.constant 0 : i32
      %dma_start3A_223 = tpu.memref_slice %arg16[%add3A_184, %dma_start3A_222] : memref<10240x128xf32, #tpu.memory_space<vmem_shared>> -> memref<16x128xf32, #tpu.memory_space<vmem_shared>>
      tpu.enqueue_dma source(%arg15 : memref<16x128xf32, #tpu.memory_space<vmem>>) target(%dma_start3A_223 : memref<16x128xf32, #tpu.memory_space<vmem_shared>>) target_semaphore(%run_scoped3A : memref<!tpu.dma_semaphore, #tpu.memory_space<semaphore_mem>>)
      %dma_wait3A = arith.constant 0 : i32
      %dma_wait3A_224 = tpu.memref_slice %arg16[%add3A_184, %dma_wait3A] : memref<10240x128xf32, #tpu.memory_space<vmem_shared>> -> memref<16x128xf32, #tpu.memory_space<vmem_shared>>
      %dma_wait3A_225 = arith.constant 0 : i32
      %dma_wait3A_226 = tpu.memref_slice %arg16[%add3A_184, %dma_wait3A_225] : memref<10240x128xf32, #tpu.memory_space<vmem_shared>> -> memref<16x128xf32, #tpu.memory_space<vmem_shared>>
      tpu.wait_dma2 semaphore(%run_scoped3A : memref<!tpu.dma_semaphore, #tpu.memory_space<semaphore_mem>>) src(%arg15 : memref<16x128xf32, #tpu.memory_space<vmem>>) dst(%dma_wait3A_226 : memref<16x128xf32, #tpu.memory_space<vmem_shared>>)
      tpu.yield
    }) : () -> ()
    %mul3A_185 = arith.constant 640 : i32
    %mul3A_186 = arith.muli %arg1, %mul3A_185 : i32
    %add3A_187 = arith.constant 544 : i32
    %add3A_188 = arith.addi %mul3A_186, %add3A_187 : i32
    "tpu.region"() ({
      %run_scoped3A = tpu.sem_alloc : memref<!tpu.dma_semaphore, #tpu.memory_space<semaphore_mem>>
      %dma_start3A_220 = arith.constant 0 : i32
      %dma_start3A_221 = tpu.memref_slice %arg16[%add3A_188, %dma_start3A_220] : memref<10240x128xf32, #tpu.memory_space<vmem_shared>> -> memref<16x128xf32, #tpu.memory_space<vmem_shared>>
      %dma_start3A_222 = arith.constant 0 : i32
      %dma_start3A_223 = tpu.memref_slice %arg16[%add3A_188, %dma_start3A_222] : memref<10240x128xf32, #tpu.memory_space<vmem_shared>> -> memref<16x128xf32, #tpu.memory_space<vmem_shared>>
      tpu.enqueue_dma source(%arg15 : memref<16x128xf32, #tpu.memory_space<vmem>>) target(%dma_start3A_223 : memref<16x128xf32, #tpu.memory_space<vmem_shared>>) target_semaphore(%run_scoped3A : memref<!tpu.dma_semaphore, #tpu.memory_space<semaphore_mem>>)
      %dma_wait3A = arith.constant 0 : i32
      %dma_wait3A_224 = tpu.memref_slice %arg16[%add3A_188, %dma_wait3A] : memref<10240x128xf32, #tpu.memory_space<vmem_shared>> -> memref<16x128xf32, #tpu.memory_space<vmem_shared>>
      %dma_wait3A_225 = arith.constant 0 : i32
      %dma_wait3A_226 = tpu.memref_slice %arg16[%add3A_188, %dma_wait3A_225] : memref<10240x128xf32, #tpu.memory_space<vmem_shared>> -> memref<16x128xf32, #tpu.memory_space<vmem_shared>>
      tpu.wait_dma2 semaphore(%run_scoped3A : memref<!tpu.dma_semaphore, #tpu.memory_space<semaphore_mem>>) src(%arg15 : memref<16x128xf32, #tpu.memory_space<vmem>>) dst(%dma_wait3A_226 : memref<16x128xf32, #tpu.memory_space<vmem_shared>>)
      tpu.yield
    }) : () -> ()
    %mul3A_189 = arith.constant 640 : i32
    %mul3A_190 = arith.muli %arg1, %mul3A_189 : i32
    %add3A_191 = arith.constant 560 : i32
    %add3A_192 = arith.addi %mul3A_190, %add3A_191 : i32
    "tpu.region"() ({
      %run_scoped3A = tpu.sem_alloc : memref<!tpu.dma_semaphore, #tpu.memory_space<semaphore_mem>>
      %dma_start3A_220 = arith.constant 0 : i32
      %dma_start3A_221 = tpu.memref_slice %arg16[%add3A_192, %dma_start3A_220] : memref<10240x128xf32, #tpu.memory_space<vmem_shared>> -> memref<16x128xf32, #tpu.memory_space<vmem_shared>>
      %dma_start3A_222 = arith.constant 0 : i32
      %dma_start3A_223 = tpu.memref_slice %arg16[%add3A_192, %dma_start3A_222] : memref<10240x128xf32, #tpu.memory_space<vmem_shared>> -> memref<16x128xf32, #tpu.memory_space<vmem_shared>>
      tpu.enqueue_dma source(%arg15 : memref<16x128xf32, #tpu.memory_space<vmem>>) target(%dma_start3A_223 : memref<16x128xf32, #tpu.memory_space<vmem_shared>>) target_semaphore(%run_scoped3A : memref<!tpu.dma_semaphore, #tpu.memory_space<semaphore_mem>>)
      %dma_wait3A = arith.constant 0 : i32
      %dma_wait3A_224 = tpu.memref_slice %arg16[%add3A_192, %dma_wait3A] : memref<10240x128xf32, #tpu.memory_space<vmem_shared>> -> memref<16x128xf32, #tpu.memory_space<vmem_shared>>
      %dma_wait3A_225 = arith.constant 0 : i32
      %dma_wait3A_226 = tpu.memref_slice %arg16[%add3A_192, %dma_wait3A_225] : memref<10240x128xf32, #tpu.memory_space<vmem_shared>> -> memref<16x128xf32, #tpu.memory_space<vmem_shared>>
      tpu.wait_dma2 semaphore(%run_scoped3A : memref<!tpu.dma_semaphore, #tpu.memory_space<semaphore_mem>>) src(%arg15 : memref<16x128xf32, #tpu.memory_space<vmem>>) dst(%dma_wait3A_226 : memref<16x128xf32, #tpu.memory_space<vmem_shared>>)
      tpu.yield
    }) : () -> ()
    %mul3A_193 = arith.constant 640 : i32
    %mul3A_194 = arith.muli %arg1, %mul3A_193 : i32
    %add3A_195 = arith.constant 576 : i32
    %add3A_196 = arith.addi %mul3A_194, %add3A_195 : i32
    "tpu.region"() ({
      %run_scoped3A = tpu.sem_alloc : memref<!tpu.dma_semaphore, #tpu.memory_space<semaphore_mem>>
      %dma_start3A_220 = arith.constant 0 : i32
      %dma_start3A_221 = tpu.memref_slice %arg16[%add3A_196, %dma_start3A_220] : memref<10240x128xf32, #tpu.memory_space<vmem_shared>> -> memref<16x128xf32, #tpu.memory_space<vmem_shared>>
      %dma_start3A_222 = arith.constant 0 : i32
      %dma_start3A_223 = tpu.memref_slice %arg16[%add3A_196, %dma_start3A_222] : memref<10240x128xf32, #tpu.memory_space<vmem_shared>> -> memref<16x128xf32, #tpu.memory_space<vmem_shared>>
      tpu.enqueue_dma source(%arg15 : memref<16x128xf32, #tpu.memory_space<vmem>>) target(%dma_start3A_223 : memref<16x128xf32, #tpu.memory_space<vmem_shared>>) target_semaphore(%run_scoped3A : memref<!tpu.dma_semaphore, #tpu.memory_space<semaphore_mem>>)
      %dma_wait3A = arith.constant 0 : i32
      %dma_wait3A_224 = tpu.memref_slice %arg16[%add3A_196, %dma_wait3A] : memref<10240x128xf32, #tpu.memory_space<vmem_shared>> -> memref<16x128xf32, #tpu.memory_space<vmem_shared>>
      %dma_wait3A_225 = arith.constant 0 : i32
      %dma_wait3A_226 = tpu.memref_slice %arg16[%add3A_196, %dma_wait3A_225] : memref<10240x128xf32, #tpu.memory_space<vmem_shared>> -> memref<16x128xf32, #tpu.memory_space<vmem_shared>>
      tpu.wait_dma2 semaphore(%run_scoped3A : memref<!tpu.dma_semaphore, #tpu.memory_space<semaphore_mem>>) src(%arg15 : memref<16x128xf32, #tpu.memory_space<vmem>>) dst(%dma_wait3A_226 : memref<16x128xf32, #tpu.memory_space<vmem_shared>>)
      tpu.yield
    }) : () -> ()
    %mul3A_197 = arith.constant 640 : i32
    %mul3A_198 = arith.muli %arg1, %mul3A_197 : i32
    %add3A_199 = arith.constant 592 : i32
    %add3A_200 = arith.addi %mul3A_198, %add3A_199 : i32
    "tpu.region"() ({
      %run_scoped3A = tpu.sem_alloc : memref<!tpu.dma_semaphore, #tpu.memory_space<semaphore_mem>>
      %dma_start3A_220 = arith.constant 0 : i32
      %dma_start3A_221 = tpu.memref_slice %arg16[%add3A_200, %dma_start3A_220] : memref<10240x128xf32, #tpu.memory_space<vmem_shared>> -> memref<16x128xf32, #tpu.memory_space<vmem_shared>>
      %dma_start3A_222 = arith.constant 0 : i32
      %dma_start3A_223 = tpu.memref_slice %arg16[%add3A_200, %dma_start3A_222] : memref<10240x128xf32, #tpu.memory_space<vmem_shared>> -> memref<16x128xf32, #tpu.memory_space<vmem_shared>>
      tpu.enqueue_dma source(%arg15 : memref<16x128xf32, #tpu.memory_space<vmem>>) target(%dma_start3A_223 : memref<16x128xf32, #tpu.memory_space<vmem_shared>>) target_semaphore(%run_scoped3A : memref<!tpu.dma_semaphore, #tpu.memory_space<semaphore_mem>>)
      %dma_wait3A = arith.constant 0 : i32
      %dma_wait3A_224 = tpu.memref_slice %arg16[%add3A_200, %dma_wait3A] : memref<10240x128xf32, #tpu.memory_space<vmem_shared>> -> memref<16x128xf32, #tpu.memory_space<vmem_shared>>
      %dma_wait3A_225 = arith.constant 0 : i32
      %dma_wait3A_226 = tpu.memref_slice %arg16[%add3A_200, %dma_wait3A_225] : memref<10240x128xf32, #tpu.memory_space<vmem_shared>> -> memref<16x128xf32, #tpu.memory_space<vmem_shared>>
      tpu.wait_dma2 semaphore(%run_scoped3A : memref<!tpu.dma_semaphore, #tpu.memory_space<semaphore_mem>>) src(%arg15 : memref<16x128xf32, #tpu.memory_space<vmem>>) dst(%dma_wait3A_226 : memref<16x128xf32, #tpu.memory_space<vmem_shared>>)
      tpu.yield
    }) : () -> ()
    %mul3A_201 = arith.constant 640 : i32
    %mul3A_202 = arith.muli %arg1, %mul3A_201 : i32
    %add3A_203 = arith.constant 608 : i32
    %add3A_204 = arith.addi %mul3A_202, %add3A_203 : i32
    "tpu.region"() ({
      %run_scoped3A = tpu.sem_alloc : memref<!tpu.dma_semaphore, #tpu.memory_space<semaphore_mem>>
      %dma_start3A_220 = arith.constant 0 : i32
      %dma_start3A_221 = tpu.memref_slice %arg16[%add3A_204, %dma_start3A_220] : memref<10240x128xf32, #tpu.memory_space<vmem_shared>> -> memref<16x128xf32, #tpu.memory_space<vmem_shared>>
      %dma_start3A_222 = arith.constant 0 : i32
      %dma_start3A_223 = tpu.memref_slice %arg16[%add3A_204, %dma_start3A_222] : memref<10240x128xf32, #tpu.memory_space<vmem_shared>> -> memref<16x128xf32, #tpu.memory_space<vmem_shared>>
      tpu.enqueue_dma source(%arg15 : memref<16x128xf32, #tpu.memory_space<vmem>>) target(%dma_start3A_223 : memref<16x128xf32, #tpu.memory_space<vmem_shared>>) target_semaphore(%run_scoped3A : memref<!tpu.dma_semaphore, #tpu.memory_space<semaphore_mem>>)
      %dma_wait3A = arith.constant 0 : i32
      %dma_wait3A_224 = tpu.memref_slice %arg16[%add3A_204, %dma_wait3A] : memref<10240x128xf32, #tpu.memory_space<vmem_shared>> -> memref<16x128xf32, #tpu.memory_space<vmem_shared>>
      %dma_wait3A_225 = arith.constant 0 : i32
      %dma_wait3A_226 = tpu.memref_slice %arg16[%add3A_204, %dma_wait3A_225] : memref<10240x128xf32, #tpu.memory_space<vmem_shared>> -> memref<16x128xf32, #tpu.memory_space<vmem_shared>>
      tpu.wait_dma2 semaphore(%run_scoped3A : memref<!tpu.dma_semaphore, #tpu.memory_space<semaphore_mem>>) src(%arg15 : memref<16x128xf32, #tpu.memory_space<vmem>>) dst(%dma_wait3A_226 : memref<16x128xf32, #tpu.memory_space<vmem_shared>>)
      tpu.yield
    }) : () -> ()
    %mul3A_205 = arith.constant 640 : i32
    %mul3A_206 = arith.muli %arg1, %mul3A_205 : i32
    %add3A_207 = arith.constant 624 : i32
    %add3A_208 = arith.addi %mul3A_206, %add3A_207 : i32
    "tpu.region"() ({
      %run_scoped3A = tpu.sem_alloc : memref<!tpu.dma_semaphore, #tpu.memory_space<semaphore_mem>>
      %dma_start3A_220 = arith.constant 0 : i32
      %dma_start3A_221 = tpu.memref_slice %arg16[%add3A_208, %dma_start3A_220] : memref<10240x128xf32, #tpu.memory_space<vmem_shared>> -> memref<16x128xf32, #tpu.memory_space<vmem_shared>>
      %dma_start3A_222 = arith.constant 0 : i32
      %dma_start3A_223 = tpu.memref_slice %arg16[%add3A_208, %dma_start3A_222] : memref<10240x128xf32, #tpu.memory_space<vmem_shared>> -> memref<16x128xf32, #tpu.memory_space<vmem_shared>>
      tpu.enqueue_dma source(%arg15 : memref<16x128xf32, #tpu.memory_space<vmem>>) target(%dma_start3A_223 : memref<16x128xf32, #tpu.memory_space<vmem_shared>>) target_semaphore(%run_scoped3A : memref<!tpu.dma_semaphore, #tpu.memory_space<semaphore_mem>>)
      %dma_wait3A = arith.constant 0 : i32
      %dma_wait3A_224 = tpu.memref_slice %arg16[%add3A_208, %dma_wait3A] : memref<10240x128xf32, #tpu.memory_space<vmem_shared>> -> memref<16x128xf32, #tpu.memory_space<vmem_shared>>
      %dma_wait3A_225 = arith.constant 0 : i32
      %dma_wait3A_226 = tpu.memref_slice %arg16[%add3A_208, %dma_wait3A_225] : memref<10240x128xf32, #tpu.memory_space<vmem_shared>> -> memref<16x128xf32, #tpu.memory_space<vmem_shared>>
      tpu.wait_dma2 semaphore(%run_scoped3A : memref<!tpu.dma_semaphore, #tpu.memory_space<semaphore_mem>>) src(%arg15 : memref<16x128xf32, #tpu.memory_space<vmem>>) dst(%dma_wait3A_226 : memref<16x128xf32, #tpu.memory_space<vmem_shared>>)
      tpu.yield
    }) : () -> ()
    %barrier3A = arith.constant 0 : index
    tpu.barrier barrier_id(%barrier3A)
    %scan3A_209 = arith.constant 0 : i32
    %scan3A_210 = arith.constant 0 : i32
    %scan3A_211 = arith.constant 57 : i32
    %scan3A_212 = arith.addi %scan3A_210, %scan3A_211 : i32
    %scan3A_213 = arith.constant 1 : i32
    scf.for %scan3A_220 = %scan3A_210 to %scan3A_212 step %scan3A_213  : i32 {
      %mul3A_221 = arith.constant 2 : i32
      %mul3A_222 = arith.muli %mul3A_221, %scan3A_220 : i32
      %dma_wait3A = arith.constant 0 : i32
      %dma_wait3A_223 = arith.constant 0 : i32
      %dma_wait3A_224 = arith.constant 0 : i32
      %dma_wait3A_225 = tpu.memref_slice %arg3[%dma_wait3A, %dma_wait3A_223, %dma_wait3A_224] : memref<3648x88x128xf32, #tpu.memory_space<hbm>> -> memref<1x88x128xf32, #tpu.memory_space<hbm>>
      %dma_wait3A_226 = tpu.memref_squeeze %dma_wait3A_225 : memref<1x88x128xf32, #tpu.memory_space<hbm>> -> memref<88x128xf32, #tpu.memory_space<hbm>>
      %dma_wait3A_227 = arith.constant 0 : i32
      %dma_wait3A_228 = arith.constant 0 : i32
      %dma_wait3A_229 = tpu.memref_slice %arg3[%dma_wait3A, %dma_wait3A_227, %dma_wait3A_228] : memref<3648x88x128xf32, #tpu.memory_space<hbm>> -> memref<1x88x128xf32, #tpu.memory_space<hbm>>
      %dma_wait3A_230 = tpu.memref_squeeze %dma_wait3A_229 : memref<1x88x128xf32, #tpu.memory_space<hbm>> -> memref<88x128xf32, #tpu.memory_space<hbm>>
      tpu.wait_dma2 semaphore(%arg17 : memref<!tpu.dma_semaphore, #tpu.memory_space<semaphore_mem>>) src(%dma_wait3A_230 : memref<88x128xf32, #tpu.memory_space<hbm>>) dst(%arg11 : memref<88x128xf32, #tpu.memory_space<vmem>>)
      %dma_wait3A_231 = arith.constant 0 : i32
      %dma_wait3A_232 = arith.constant 0 : i32
      %dma_wait3A_233 = arith.constant 0 : i32
      %dma_wait3A_234 = tpu.memref_slice %arg3[%dma_wait3A_231, %dma_wait3A_232, %dma_wait3A_233] : memref<3648x88x128xf32, #tpu.memory_space<hbm>> -> memref<1x88x128xf32, #tpu.memory_space<hbm>>
      %dma_wait3A_235 = tpu.memref_squeeze %dma_wait3A_234 : memref<1x88x128xf32, #tpu.memory_space<hbm>> -> memref<88x128xf32, #tpu.memory_space<hbm>>
      %dma_wait3A_236 = arith.constant 0 : i32
      %dma_wait3A_237 = arith.constant 0 : i32
      %dma_wait3A_238 = tpu.memref_slice %arg3[%dma_wait3A_231, %dma_wait3A_236, %dma_wait3A_237] : memref<3648x88x128xf32, #tpu.memory_space<hbm>> -> memref<1x88x128xf32, #tpu.memory_space<hbm>>
      %dma_wait3A_239 = tpu.memref_squeeze %dma_wait3A_238 : memref<1x88x128xf32, #tpu.memory_space<hbm>> -> memref<88x128xf32, #tpu.memory_space<hbm>>
      tpu.wait_dma2 semaphore(%arg18 : memref<!tpu.dma_semaphore, #tpu.memory_space<semaphore_mem>>) src(%dma_wait3A_239 : memref<88x128xf32, #tpu.memory_space<hbm>>) dst(%arg12 : memref<88x128xf32, #tpu.memory_space<vmem>>)
      "tpu.region"() ({
        %run_scoped3A = tpu.sem_alloc : memref<!tpu.dma_semaphore, #tpu.memory_space<semaphore_mem>>
        %dma_start3A_273 = arith.constant 0 : i32
        %dma_start3A_274 = arith.constant 0 : i32
        %dma_start3A_275 = tpu.memref_slice %arg16[%dma_start3A_273, %dma_start3A_274] : memref<10240x128xf32, #tpu.memory_space<vmem_shared>> -> memref<10240x128xf32, #tpu.memory_space<vmem_shared>>
        tpu.enqueue_indirect_dma source(%arg11 : memref<88x128xf32, #tpu.memory_space<vmem>>) target(%dma_start3A_275 : memref<10240x128xf32, #tpu.memory_space<vmem_shared>>) offsets(%arg8 : memref<88xi32, #tpu.memory_space<vmem>>) semaphore(%run_scoped3A : memref<!tpu.dma_semaphore, #tpu.memory_space<semaphore_mem>>) {add = true}
        %dma_wait3A_276 = arith.constant 0 : i32
        %dma_wait3A_277 = arith.constant 0 : i32
        %dma_wait3A_278 = tpu.memref_slice %arg16[%dma_wait3A_276, %dma_wait3A_277] : memref<10240x128xf32, #tpu.memory_space<vmem_shared>> -> memref<10240x128xf32, #tpu.memory_space<vmem_shared>>
        tpu.wait_indirect_dma semaphore(%run_scoped3A : memref<!tpu.dma_semaphore, #tpu.memory_space<semaphore_mem>>) src(%arg11 : memref<88x128xf32, #tpu.memory_space<vmem>>) dst(%dma_wait3A_278 : memref<10240x128xf32, #tpu.memory_space<vmem_shared>>)
        tpu.yield
      }) : () -> ()
      "tpu.region"() ({
        %run_scoped3A = tpu.sem_alloc : memref<!tpu.dma_semaphore, #tpu.memory_space<semaphore_mem>>
        %dma_start3A_273 = arith.constant 0 : i32
        %dma_start3A_274 = arith.constant 0 : i32
        %dma_start3A_275 = tpu.memref_slice %arg16[%dma_start3A_273, %dma_start3A_274] : memref<10240x128xf32, #tpu.memory_space<vmem_shared>> -> memref<10240x128xf32, #tpu.memory_space<vmem_shared>>
        tpu.enqueue_indirect_dma source(%arg12 : memref<88x128xf32, #tpu.memory_space<vmem>>) target(%dma_start3A_275 : memref<10240x128xf32, #tpu.memory_space<vmem_shared>>) offsets(%arg8 : memref<88xi32, #tpu.memory_space<vmem>>) semaphore(%run_scoped3A : memref<!tpu.dma_semaphore, #tpu.memory_space<semaphore_mem>>) {add = true}
        %dma_wait3A_276 = arith.constant 0 : i32
        %dma_wait3A_277 = arith.constant 0 : i32
        %dma_wait3A_278 = tpu.memref_slice %arg16[%dma_wait3A_276, %dma_wait3A_277] : memref<10240x128xf32, #tpu.memory_space<vmem_shared>> -> memref<10240x128xf32, #tpu.memory_space<vmem_shared>>
        tpu.wait_indirect_dma semaphore(%run_scoped3A : memref<!tpu.dma_semaphore, #tpu.memory_space<semaphore_mem>>) src(%arg12 : memref<88x128xf32, #tpu.memory_space<vmem>>) dst(%dma_wait3A_278 : memref<10240x128xf32, #tpu.memory_space<vmem_shared>>)
        tpu.yield
      }) : () -> ()
      %add3A_240 = arith.constant 2 : i32
      %add3A_241 = arith.addi %mul3A_222, %add3A_240 : i32
      %lt3A = arith.constant 114 : i32
      %lt3A_242 = arith.cmpi slt, %add3A_241, %lt3A : i32
      %convert_element_type3A = arith.extui %lt3A_242 : i1 to i32
      %cond3A = arith.constant 0 : i32
      %cond3A_243 = arith.cmpi ne, %convert_element_type3A, %cond3A : i32
      scf.if %cond3A_243 {
        %add3A_273 = arith.constant 2 : i32
        %add3A_274 = arith.addi %mul3A_222, %add3A_273 : i32
        %add3A_275 = arith.addi %mul3A_2, %add3A_274 : i32
        %mul3A_276 = arith.constant 88 : i32
        %mul3A_277 = arith.muli %add3A_275, %mul3A_276 : i32
        "tpu.region"() ({
          %run_scoped3A = tpu.sem_alloc : memref<!tpu.dma_semaphore, #tpu.memory_space<semaphore_mem>>
          %dma_start3A_295 = tpu.memref_slice %arg4[%mul3A_277] : memref<321024xi32, #tpu.memory_space<hbm>> -> memref<88xi32, #tpu.memory_space<hbm>>
          %dma_start3A_296 = tpu.memref_slice %arg4[%mul3A_277] : memref<321024xi32, #tpu.memory_space<hbm>> -> memref<88xi32, #tpu.memory_space<hbm>>
          tpu.enqueue_dma source(%dma_start3A_296 : memref<88xi32, #tpu.memory_space<hbm>>) target(%arg7 : memref<88xi32, #tpu.memory_space<vmem>>) target_semaphore(%run_scoped3A : memref<!tpu.dma_semaphore, #tpu.memory_space<semaphore_mem>>)
          %dma_wait3A_297 = tpu.memref_slice %arg4[%mul3A_277] : memref<321024xi32, #tpu.memory_space<hbm>> -> memref<88xi32, #tpu.memory_space<hbm>>
          %dma_wait3A_298 = tpu.memref_slice %arg4[%mul3A_277] : memref<321024xi32, #tpu.memory_space<hbm>> -> memref<88xi32, #tpu.memory_space<hbm>>
          tpu.wait_dma2 semaphore(%run_scoped3A : memref<!tpu.dma_semaphore, #tpu.memory_space<semaphore_mem>>) src(%dma_wait3A_298 : memref<88xi32, #tpu.memory_space<hbm>>) dst(%arg7 : memref<88xi32, #tpu.memory_space<vmem>>)
          tpu.yield
        }) : () -> ()
        %add3A_278 = arith.addi %mul3A_2, %add3A_274 : i32
        %mul3A_279 = arith.constant 88 : i32
        %mul3A_280 = arith.muli %add3A_278, %mul3A_279 : i32
        "tpu.region"() ({
          %run_scoped3A = tpu.sem_alloc : memref<!tpu.dma_semaphore, #tpu.memory_space<semaphore_mem>>
          %dma_start3A_295 = tpu.memref_slice %arg5[%mul3A_280] : memref<321024xi32, #tpu.memory_space<hbm>> -> memref<88xi32, #tpu.memory_space<hbm>>
          %dma_start3A_296 = tpu.memref_slice %arg5[%mul3A_280] : memref<321024xi32, #tpu.memory_space<hbm>> -> memref<88xi32, #tpu.memory_space<hbm>>
          tpu.enqueue_dma source(%dma_start3A_296 : memref<88xi32, #tpu.memory_space<hbm>>) target(%arg8 : memref<88xi32, #tpu.memory_space<vmem>>) target_semaphore(%run_scoped3A : memref<!tpu.dma_semaphore, #tpu.memory_space<semaphore_mem>>)
          %dma_wait3A_297 = tpu.memref_slice %arg5[%mul3A_280] : memref<321024xi32, #tpu.memory_space<hbm>> -> memref<88xi32, #tpu.memory_space<hbm>>
          %dma_wait3A_298 = tpu.memref_slice %arg5[%mul3A_280] : memref<321024xi32, #tpu.memory_space<hbm>> -> memref<88xi32, #tpu.memory_space<hbm>>
          tpu.wait_dma2 semaphore(%run_scoped3A : memref<!tpu.dma_semaphore, #tpu.memory_space<semaphore_mem>>) src(%dma_wait3A_298 : memref<88xi32, #tpu.memory_space<hbm>>) dst(%arg8 : memref<88xi32, #tpu.memory_space<vmem>>)
          tpu.yield
        }) : () -> ()
        %dma_start3A_281 = arith.constant 0 : i32
        %dma_start3A_282 = arith.constant 0 : i32
        %dma_start3A_283 = tpu.memref_slice %arg2[%dma_start3A_281, %dma_start3A_282] : memref<10000x128xf32, #tpu.memory_space<hbm>> -> memref<10000x128xf32, #tpu.memory_space<hbm>>
        tpu.enqueue_indirect_dma source(%dma_start3A_283 : memref<10000x128xf32, #tpu.memory_space<hbm>>) target(%arg11 : memref<88x128xf32, #tpu.memory_space<vmem>>) offsets(%arg7 : memref<88xi32, #tpu.memory_space<vmem>>) semaphore(%arg17 : memref<!tpu.dma_semaphore, #tpu.memory_space<semaphore_mem>>)
        %add3A_284 = arith.addi %mul3A_2, %mul3A_222 : i32
        %add3A_285 = arith.constant 2 : i32
        %add3A_286 = arith.addi %add3A_284, %add3A_285 : i32
        %dma_start3A_287 = arith.constant 0 : i32
        %dma_start3A_288 = arith.constant 0 : i32
        %dma_start3A_289 = tpu.memref_slice %arg3[%add3A_286, %dma_start3A_287, %dma_start3A_288] : memref<3648x88x128xf32, #tpu.memory_space<hbm>> -> memref<1x88x128xf32, #tpu.memory_space<hbm>>
        %dma_start3A_290 = tpu.memref_squeeze %dma_start3A_289 : memref<1x88x128xf32, #tpu.memory_space<hbm>> -> memref<88x128xf32, #tpu.memory_space<hbm>>
        %dma_start3A_291 = arith.constant 0 : i32
        %dma_start3A_292 = arith.constant 0 : i32
        %dma_start3A_293 = tpu.memref_slice %arg3[%add3A_286, %dma_start3A_291, %dma_start3A_292] : memref<3648x88x128xf32, #tpu.memory_space<hbm>> -> memref<1x88x128xf32, #tpu.memory_space<hbm>>
        %dma_start3A_294 = tpu.memref_squeeze %dma_start3A_293 : memref<1x88x128xf32, #tpu.memory_space<hbm>> -> memref<88x128xf32, #tpu.memory_space<hbm>>
        tpu.enqueue_dma source(%dma_start3A_294 : memref<88x128xf32, #tpu.memory_space<hbm>>) target(%arg12 : memref<88x128xf32, #tpu.memory_space<vmem>>) target_semaphore(%arg18 : memref<!tpu.dma_semaphore, #tpu.memory_space<semaphore_mem>>)
      } else {
      }
      %mul3A_244 = arith.constant 2 : i32
      %mul3A_245 = arith.muli %mul3A_244, %scan3A_220 : i32
      %add3A_246 = arith.constant 1 : i32
      %add3A_247 = arith.addi %mul3A_245, %add3A_246 : i32
      %dma_wait3A_248 = arith.constant 0 : i32
      %dma_wait3A_249 = arith.constant 0 : i32
      %dma_wait3A_250 = arith.constant 0 : i32
      %dma_wait3A_251 = tpu.memref_slice %arg3[%dma_wait3A_248, %dma_wait3A_249, %dma_wait3A_250] : memref<3648x88x128xf32, #tpu.memory_space<hbm>> -> memref<1x88x128xf32, #tpu.memory_space<hbm>>
      %dma_wait3A_252 = tpu.memref_squeeze %dma_wait3A_251 : memref<1x88x128xf32, #tpu.memory_space<hbm>> -> memref<88x128xf32, #tpu.memory_space<hbm>>
      %dma_wait3A_253 = arith.constant 0 : i32
      %dma_wait3A_254 = arith.constant 0 : i32
      %dma_wait3A_255 = tpu.memref_slice %arg3[%dma_wait3A_248, %dma_wait3A_253, %dma_wait3A_254] : memref<3648x88x128xf32, #tpu.memory_space<hbm>> -> memref<1x88x128xf32, #tpu.memory_space<hbm>>
      %dma_wait3A_256 = tpu.memref_squeeze %dma_wait3A_255 : memref<1x88x128xf32, #tpu.memory_space<hbm>> -> memref<88x128xf32, #tpu.memory_space<hbm>>
      tpu.wait_dma2 semaphore(%arg19 : memref<!tpu.dma_semaphore, #tpu.memory_space<semaphore_mem>>) src(%dma_wait3A_256 : memref<88x128xf32, #tpu.memory_space<hbm>>) dst(%arg13 : memref<88x128xf32, #tpu.memory_space<vmem>>)
      %dma_wait3A_257 = arith.constant 0 : i32
      %dma_wait3A_258 = arith.constant 0 : i32
      %dma_wait3A_259 = arith.constant 0 : i32
      %dma_wait3A_260 = tpu.memref_slice %arg3[%dma_wait3A_257, %dma_wait3A_258, %dma_wait3A_259] : memref<3648x88x128xf32, #tpu.memory_space<hbm>> -> memref<1x88x128xf32, #tpu.memory_space<hbm>>
      %dma_wait3A_261 = tpu.memref_squeeze %dma_wait3A_260 : memref<1x88x128xf32, #tpu.memory_space<hbm>> -> memref<88x128xf32, #tpu.memory_space<hbm>>
      %dma_wait3A_262 = arith.constant 0 : i32
      %dma_wait3A_263 = arith.constant 0 : i32
      %dma_wait3A_264 = tpu.memref_slice %arg3[%dma_wait3A_257, %dma_wait3A_262, %dma_wait3A_263] : memref<3648x88x128xf32, #tpu.memory_space<hbm>> -> memref<1x88x128xf32, #tpu.memory_space<hbm>>
      %dma_wait3A_265 = tpu.memref_squeeze %dma_wait3A_264 : memref<1x88x128xf32, #tpu.memory_space<hbm>> -> memref<88x128xf32, #tpu.memory_space<hbm>>
      tpu.wait_dma2 semaphore(%arg20 : memref<!tpu.dma_semaphore, #tpu.memory_space<semaphore_mem>>) src(%dma_wait3A_265 : memref<88x128xf32, #tpu.memory_space<hbm>>) dst(%arg14 : memref<88x128xf32, #tpu.memory_space<vmem>>)
      "tpu.region"() ({
        %run_scoped3A = tpu.sem_alloc : memref<!tpu.dma_semaphore, #tpu.memory_space<semaphore_mem>>
        %dma_start3A_273 = arith.constant 0 : i32
        %dma_start3A_274 = arith.constant 0 : i32
        %dma_start3A_275 = tpu.memref_slice %arg16[%dma_start3A_273, %dma_start3A_274] : memref<10240x128xf32, #tpu.memory_space<vmem_shared>> -> memref<10240x128xf32, #tpu.memory_space<vmem_shared>>
        tpu.enqueue_indirect_dma source(%arg13 : memref<88x128xf32, #tpu.memory_space<vmem>>) target(%dma_start3A_275 : memref<10240x128xf32, #tpu.memory_space<vmem_shared>>) offsets(%arg10 : memref<88xi32, #tpu.memory_space<vmem>>) semaphore(%run_scoped3A : memref<!tpu.dma_semaphore, #tpu.memory_space<semaphore_mem>>) {add = true}
        %dma_wait3A_276 = arith.constant 0 : i32
        %dma_wait3A_277 = arith.constant 0 : i32
        %dma_wait3A_278 = tpu.memref_slice %arg16[%dma_wait3A_276, %dma_wait3A_277] : memref<10240x128xf32, #tpu.memory_space<vmem_shared>> -> memref<10240x128xf32, #tpu.memory_space<vmem_shared>>
        tpu.wait_indirect_dma semaphore(%run_scoped3A : memref<!tpu.dma_semaphore, #tpu.memory_space<semaphore_mem>>) src(%arg13 : memref<88x128xf32, #tpu.memory_space<vmem>>) dst(%dma_wait3A_278 : memref<10240x128xf32, #tpu.memory_space<vmem_shared>>)
        tpu.yield
      }) : () -> ()
      "tpu.region"() ({
        %run_scoped3A = tpu.sem_alloc : memref<!tpu.dma_semaphore, #tpu.memory_space<semaphore_mem>>
        %dma_start3A_273 = arith.constant 0 : i32
        %dma_start3A_274 = arith.constant 0 : i32
        %dma_start3A_275 = tpu.memref_slice %arg16[%dma_start3A_273, %dma_start3A_274] : memref<10240x128xf32, #tpu.memory_space<vmem_shared>> -> memref<10240x128xf32, #tpu.memory_space<vmem_shared>>
        tpu.enqueue_indirect_dma source(%arg14 : memref<88x128xf32, #tpu.memory_space<vmem>>) target(%dma_start3A_275 : memref<10240x128xf32, #tpu.memory_space<vmem_shared>>) offsets(%arg10 : memref<88xi32, #tpu.memory_space<vmem>>) semaphore(%run_scoped3A : memref<!tpu.dma_semaphore, #tpu.memory_space<semaphore_mem>>) {add = true}
        %dma_wait3A_276 = arith.constant 0 : i32
        %dma_wait3A_277 = arith.constant 0 : i32
        %dma_wait3A_278 = tpu.memref_slice %arg16[%dma_wait3A_276, %dma_wait3A_277] : memref<10240x128xf32, #tpu.memory_space<vmem_shared>> -> memref<10240x128xf32, #tpu.memory_space<vmem_shared>>
        tpu.wait_indirect_dma semaphore(%run_scoped3A : memref<!tpu.dma_semaphore, #tpu.memory_space<semaphore_mem>>) src(%arg14 : memref<88x128xf32, #tpu.memory_space<vmem>>) dst(%dma_wait3A_278 : memref<10240x128xf32, #tpu.memory_space<vmem_shared>>)
        tpu.yield
      }) : () -> ()
      %add3A_266 = arith.constant 2 : i32
      %add3A_267 = arith.addi %add3A_247, %add3A_266 : i32
      %lt3A_268 = arith.constant 114 : i32
      %lt3A_269 = arith.cmpi slt, %add3A_267, %lt3A_268 : i32
      %convert_element_type3A_270 = arith.extui %lt3A_269 : i1 to i32
      %cond3A_271 = arith.constant 0 : i32
      %cond3A_272 = arith.cmpi ne, %convert_element_type3A_270, %cond3A_271 : i32
      scf.if %cond3A_272 {
        %add3A_273 = arith.constant 2 : i32
        %add3A_274 = arith.addi %add3A_247, %add3A_273 : i32
        %add3A_275 = arith.addi %mul3A_2, %add3A_274 : i32
        %mul3A_276 = arith.constant 88 : i32
        %mul3A_277 = arith.muli %add3A_275, %mul3A_276 : i32
        "tpu.region"() ({
          %run_scoped3A = tpu.sem_alloc : memref<!tpu.dma_semaphore, #tpu.memory_space<semaphore_mem>>
          %dma_start3A_295 = tpu.memref_slice %arg4[%mul3A_277] : memref<321024xi32, #tpu.memory_space<hbm>> -> memref<88xi32, #tpu.memory_space<hbm>>
          %dma_start3A_296 = tpu.memref_slice %arg4[%mul3A_277] : memref<321024xi32, #tpu.memory_space<hbm>> -> memref<88xi32, #tpu.memory_space<hbm>>
          tpu.enqueue_dma source(%dma_start3A_296 : memref<88xi32, #tpu.memory_space<hbm>>) target(%arg9 : memref<88xi32, #tpu.memory_space<vmem>>) target_semaphore(%run_scoped3A : memref<!tpu.dma_semaphore, #tpu.memory_space<semaphore_mem>>)
          %dma_wait3A_297 = tpu.memref_slice %arg4[%mul3A_277] : memref<321024xi32, #tpu.memory_space<hbm>> -> memref<88xi32, #tpu.memory_space<hbm>>
          %dma_wait3A_298 = tpu.memref_slice %arg4[%mul3A_277] : memref<321024xi32, #tpu.memory_space<hbm>> -> memref<88xi32, #tpu.memory_space<hbm>>
          tpu.wait_dma2 semaphore(%run_scoped3A : memref<!tpu.dma_semaphore, #tpu.memory_space<semaphore_mem>>) src(%dma_wait3A_298 : memref<88xi32, #tpu.memory_space<hbm>>) dst(%arg9 : memref<88xi32, #tpu.memory_space<vmem>>)
          tpu.yield
        }) : () -> ()
        %add3A_278 = arith.addi %mul3A_2, %add3A_274 : i32
        %mul3A_279 = arith.constant 88 : i32
        %mul3A_280 = arith.muli %add3A_278, %mul3A_279 : i32
        "tpu.region"() ({
          %run_scoped3A = tpu.sem_alloc : memref<!tpu.dma_semaphore, #tpu.memory_space<semaphore_mem>>
          %dma_start3A_295 = tpu.memref_slice %arg5[%mul3A_280] : memref<321024xi32, #tpu.memory_space<hbm>> -> memref<88xi32, #tpu.memory_space<hbm>>
          %dma_start3A_296 = tpu.memref_slice %arg5[%mul3A_280] : memref<321024xi32, #tpu.memory_space<hbm>> -> memref<88xi32, #tpu.memory_space<hbm>>
          tpu.enqueue_dma source(%dma_start3A_296 : memref<88xi32, #tpu.memory_space<hbm>>) target(%arg10 : memref<88xi32, #tpu.memory_space<vmem>>) target_semaphore(%run_scoped3A : memref<!tpu.dma_semaphore, #tpu.memory_space<semaphore_mem>>)
          %dma_wait3A_297 = tpu.memref_slice %arg5[%mul3A_280] : memref<321024xi32, #tpu.memory_space<hbm>> -> memref<88xi32, #tpu.memory_space<hbm>>
          %dma_wait3A_298 = tpu.memref_slice %arg5[%mul3A_280] : memref<321024xi32, #tpu.memory_space<hbm>> -> memref<88xi32, #tpu.memory_space<hbm>>
          tpu.wait_dma2 semaphore(%run_scoped3A : memref<!tpu.dma_semaphore, #tpu.memory_space<semaphore_mem>>) src(%dma_wait3A_298 : memref<88xi32, #tpu.memory_space<hbm>>) dst(%arg10 : memref<88xi32, #tpu.memory_space<vmem>>)
          tpu.yield
        }) : () -> ()
        %dma_start3A_281 = arith.constant 0 : i32
        %dma_start3A_282 = arith.constant 0 : i32
        %dma_start3A_283 = tpu.memref_slice %arg2[%dma_start3A_281, %dma_start3A_282] : memref<10000x128xf32, #tpu.memory_space<hbm>> -> memref<10000x128xf32, #tpu.memory_space<hbm>>
        tpu.enqueue_indirect_dma source(%dma_start3A_283 : memref<10000x128xf32, #tpu.memory_space<hbm>>) target(%arg13 : memref<88x128xf32, #tpu.memory_space<vmem>>) offsets(%arg9 : memref<88xi32, #tpu.memory_space<vmem>>) semaphore(%arg19 : memref<!tpu.dma_semaphore, #tpu.memory_space<semaphore_mem>>)
        %add3A_284 = arith.addi %mul3A_2, %add3A_247 : i32
        %add3A_285 = arith.constant 2 : i32
        %add3A_286 = arith.addi %add3A_284, %add3A_285 : i32
        %dma_start3A_287 = arith.constant 0 : i32
        %dma_start3A_288 = arith.constant 0 : i32
        %dma_start3A_289 = tpu.memref_slice %arg3[%add3A_286, %dma_start3A_287, %dma_start3A_288] : memref<3648x88x128xf32, #tpu.memory_space<hbm>> -> memref<1x88x128xf32, #tpu.memory_space<hbm>>
        %dma_start3A_290 = tpu.memref_squeeze %dma_start3A_289 : memref<1x88x128xf32, #tpu.memory_space<hbm>> -> memref<88x128xf32, #tpu.memory_space<hbm>>
        %dma_start3A_291 = arith.constant 0 : i32
        %dma_start3A_292 = arith.constant 0 : i32
        %dma_start3A_293 = tpu.memref_slice %arg3[%add3A_286, %dma_start3A_291, %dma_start3A_292] : memref<3648x88x128xf32, #tpu.memory_space<hbm>> -> memref<1x88x128xf32, #tpu.memory_space<hbm>>
        %dma_start3A_294 = tpu.memref_squeeze %dma_start3A_293 : memref<1x88x128xf32, #tpu.memory_space<hbm>> -> memref<88x128xf32, #tpu.memory_space<hbm>>
        tpu.enqueue_dma source(%dma_start3A_294 : memref<88x128xf32, #tpu.memory_space<hbm>>) target(%arg14 : memref<88x128xf32, #tpu.memory_space<vmem>>) target_semaphore(%arg20 : memref<!tpu.dma_semaphore, #tpu.memory_space<semaphore_mem>>)
      } else {
      }
    }
    %scan3A_214 = arith.constant 57 : i32
    %barrier3A_215 = arith.constant 0 : index
    tpu.barrier barrier_id(%barrier3A_215)
    %mul3A_216 = arith.constant 640 : i32
    %mul3A_217 = arith.muli %arg1, %mul3A_216 : i32
    %mul3A_218 = arith.constant 640 : i32
    %mul3A_219 = arith.muli %arg1, %mul3A_218 : i32
    "tpu.region"() ({
      %run_scoped3A = tpu.sem_alloc : memref<!tpu.dma_semaphore, #tpu.memory_space<semaphore_mem>>
      %dma_start3A_220 = arith.constant 0 : i32
      %dma_start3A_221 = tpu.memref_slice %arg6[%arg0, %mul3A_219, %dma_start3A_220] : memref<2x10240x128xf32, #tpu.memory_space<hbm>> -> memref<1x640x128xf32, #tpu.memory_space<hbm>>
      %dma_start3A_222 = tpu.memref_squeeze %dma_start3A_221 : memref<1x640x128xf32, #tpu.memory_space<hbm>> -> memref<640x128xf32, #tpu.memory_space<hbm>>
      %dma_start3A_223 = arith.constant 0 : i32
      %dma_start3A_224 = tpu.memref_slice %arg16[%mul3A_217, %dma_start3A_223] : memref<10240x128xf32, #tpu.memory_space<vmem_shared>> -> memref<640x128xf32, #tpu.memory_space<vmem_shared>>
      tpu.enqueue_dma source(%dma_start3A_224 : memref<640x128xf32, #tpu.memory_space<vmem_shared>>) target(%dma_start3A_222 : memref<640x128xf32, #tpu.memory_space<hbm>>) target_semaphore(%run_scoped3A : memref<!tpu.dma_semaphore, #tpu.memory_space<semaphore_mem>>)
      %dma_wait3A = arith.constant 0 : i32
      %dma_wait3A_225 = tpu.memref_slice %arg6[%arg0, %mul3A_219, %dma_wait3A] : memref<2x10240x128xf32, #tpu.memory_space<hbm>> -> memref<1x640x128xf32, #tpu.memory_space<hbm>>
      %dma_wait3A_226 = tpu.memref_squeeze %dma_wait3A_225 : memref<1x640x128xf32, #tpu.memory_space<hbm>> -> memref<640x128xf32, #tpu.memory_space<hbm>>
      %dma_wait3A_227 = arith.constant 0 : i32
      %dma_wait3A_228 = tpu.memref_slice %arg16[%mul3A_217, %dma_wait3A_227] : memref<10240x128xf32, #tpu.memory_space<vmem_shared>> -> memref<640x128xf32, #tpu.memory_space<vmem_shared>>
      tpu.wait_dma2 semaphore(%run_scoped3A : memref<!tpu.dma_semaphore, #tpu.memory_space<semaphore_mem>>) src(%dma_wait3A_228 : memref<640x128xf32, #tpu.memory_space<vmem_shared>>) dst(%dma_wait3A_226 : memref<640x128xf32, #tpu.memory_space<hbm>>)
      tpu.yield
    }) : () -> ()
    return
  }
}

#map = affine_map<(d0, d1) -> (0, 0)>
#map1 = affine_map<(d0, d1) -> (0, 0, 0)>
#map2 = affine_map<(d0, d1) -> (0)>
module attributes {stable_mosaic.version = 14 : i64} {
  func.func @_sc_msg_agg(%arg0: i32, %arg1: i32, %arg2: memref<10000x128xf32, #tpu.memory_space<hbm>>, %arg3: memref<3648x88x128xf32, #tpu.memory_space<hbm>>, %arg4: memref<321024xi32, #tpu.memory_space<hbm>>, %arg5: memref<321024xi32, #tpu.memory_space<hbm>>, %arg6: memref<2x10240x128xf32, #tpu.memory_space<hbm>>, %arg7: memref<88xi32, #tpu.memory_space<vmem>>, %arg8: memref<88xi32, #tpu.memory_space<vmem>>, %arg9: memref<88xi32, #tpu.memory_space<vmem>>, %arg10: memref<88xi32, #tpu.memory_space<vmem>>, %arg11: memref<88x128xf32, #tpu.memory_space<vmem>>, %arg12: memref<88x128xf32, #tpu.memory_space<vmem>>, %arg13: memref<88x128xf32, #tpu.memory_space<vmem>>, %arg14: memref<88x128xf32, #tpu.memory_space<vmem>>, %arg15: memref<16x128xf32, #tpu.memory_space<vmem>>, %arg16: memref<10240x128xf32, #tpu.memory_space<vmem_shared>>, %arg17: memref<!tpu.dma_semaphore, #tpu.memory_space<semaphore_mem>>, %arg18: memref<!tpu.dma_semaphore, #tpu.memory_space<semaphore_mem>>, %arg19: memref<!tpu.dma_semaphore, #tpu.memory_space<semaphore_mem>>, %arg20: memref<!tpu.dma_semaphore, #tpu.memory_space<semaphore_mem>>) attributes {dimension_semantics = [#tpu.dimension_semantics<core_parallel>, #tpu.dimension_semantics<subcore_parallel>], iteration_bounds = array<i64: 2, 16>, scalar_prefetch = 0 : i64, scratch_operands = 14 : i64, tpu.core_type = #tpu.core_type<sc_vector_subcore>, window_params = [{transform_indices = #map}, {transform_indices = #map1}, {transform_indices = #map2}, {transform_indices = #map2}, {transform_indices = #map1}]} {
    %mul3A = arith.constant 16 : i32
    %mul3A_0 = arith.muli %arg0, %mul3A : i32
    %add3A = arith.addi %mul3A_0, %arg1 : i32
    %mul3A_1 = arith.constant 114 : i32
    %mul3A_2 = arith.muli %add3A, %mul3A_1 : i32
    %add3A_3 = arith.constant 0 : i32
    %add3A_4 = arith.addi %mul3A_2, %add3A_3 : i32
    %mul3A_5 = arith.constant 88 : i32
    %mul3A_6 = arith.muli %add3A_4, %mul3A_5 : i32
    "tpu.region"() ({
      %run_scoped3A = tpu.sem_alloc : memref<!tpu.dma_semaphore, #tpu.memory_space<semaphore_mem>>
      %dma_start3A_220 = tpu.memref_slice %arg4[%mul3A_6] : memref<321024xi32, #tpu.memory_space<hbm>> -> memref<88xi32, #tpu.memory_space<hbm>>
      %dma_start3A_221 = tpu.memref_slice %arg4[%mul3A_6] : memref<321024xi32, #tpu.memory_space<hbm>> -> memref<88xi32, #tpu.memory_space<hbm>>
      tpu.enqueue_dma source(%dma_start3A_221 : memref<88xi32, #tpu.memory_space<hbm>>) target(%arg7 : memref<88xi32, #tpu.memory_space<vmem>>) target_semaphore(%run_scoped3A : memref<!tpu.dma_semaphore, #tpu.memory_space<semaphore_mem>>)
      %dma_wait3A = tpu.memref_slice %arg4[%mul3A_6] : memref<321024xi32, #tpu.memory_space<hbm>> -> memref<88xi32, #tpu.memory_space<hbm>>
      %dma_wait3A_222 = tpu.memref_slice %arg4[%mul3A_6] : memref<321024xi32, #tpu.memory_space<hbm>> -> memref<88xi32, #tpu.memory_space<hbm>>
      tpu.wait_dma2 semaphore(%run_scoped3A : memref<!tpu.dma_semaphore, #tpu.memory_space<semaphore_mem>>) src(%dma_wait3A_222 : memref<88xi32, #tpu.memory_space<hbm>>) dst(%arg7 : memref<88xi32, #tpu.memory_space<vmem>>)
      tpu.yield
    }) : () -> ()
    %add3A_7 = arith.constant 0 : i32
    %add3A_8 = arith.addi %mul3A_2, %add3A_7 : i32
    %mul3A_9 = arith.constant 88 : i32
    %mul3A_10 = arith.muli %add3A_8, %mul3A_9 : i32
    "tpu.region"() ({
      %run_scoped3A = tpu.sem_alloc : memref<!tpu.dma_semaphore, #tpu.memory_space<semaphore_mem>>
      %dma_start3A_220 = tpu.memref_slice %arg5[%mul3A_10] : memref<321024xi32, #tpu.memory_space<hbm>> -> memref<88xi32, #tpu.memory_space<hbm>>
      %dma_start3A_221 = tpu.memref_slice %arg5[%mul3A_10] : memref<321024xi32, #tpu.memory_space<hbm>> -> memref<88xi32, #tpu.memory_space<hbm>>
      tpu.enqueue_dma source(%dma_start3A_221 : memref<88xi32, #tpu.memory_space<hbm>>) target(%arg8 : memref<88xi32, #tpu.memory_space<vmem>>) target_semaphore(%run_scoped3A : memref<!tpu.dma_semaphore, #tpu.memory_space<semaphore_mem>>)
      %dma_wait3A = tpu.memref_slice %arg5[%mul3A_10] : memref<321024xi32, #tpu.memory_space<hbm>> -> memref<88xi32, #tpu.memory_space<hbm>>
      %dma_wait3A_222 = tpu.memref_slice %arg5[%mul3A_10] : memref<321024xi32, #tpu.memory_space<hbm>> -> memref<88xi32, #tpu.memory_space<hbm>>
      tpu.wait_dma2 semaphore(%run_scoped3A : memref<!tpu.dma_semaphore, #tpu.memory_space<semaphore_mem>>) src(%dma_wait3A_222 : memref<88xi32, #tpu.memory_space<hbm>>) dst(%arg8 : memref<88xi32, #tpu.memory_space<vmem>>)
      tpu.yield
    }) : () -> ()
    %dma_start3A = arith.constant 0 : i32
    %dma_start3A_11 = arith.constant 0 : i32
    %dma_start3A_12 = tpu.memref_slice %arg2[%dma_start3A, %dma_start3A_11] : memref<10000x128xf32, #tpu.memory_space<hbm>> -> memref<10000x128xf32, #tpu.memory_space<hbm>>
    tpu.enqueue_indirect_dma source(%dma_start3A_12 : memref<10000x128xf32, #tpu.memory_space<hbm>>) target(%arg11 : memref<88x128xf32, #tpu.memory_space<vmem>>) offsets(%arg7 : memref<88xi32, #tpu.memory_space<vmem>>) semaphore(%arg17 : memref<!tpu.dma_semaphore, #tpu.memory_space<semaphore_mem>>)
    %add3A_13 = arith.constant 0 : i32
    %add3A_14 = arith.addi %mul3A_2, %add3A_13 : i32
    %dma_start3A_15 = arith.constant 0 : i32
    %dma_start3A_16 = arith.constant 0 : i32
    %dma_start3A_17 = tpu.memref_slice %arg3[%add3A_14, %dma_start3A_15, %dma_start3A_16] : memref<3648x88x128xf32, #tpu.memory_space<hbm>> -> memref<1x88x128xf32, #tpu.memory_space<hbm>>
    %dma_start3A_18 = tpu.memref_squeeze %dma_start3A_17 : memref<1x88x128xf32, #tpu.memory_space<hbm>> -> memref<88x128xf32, #tpu.memory_space<hbm>>
    %dma_start3A_19 = arith.constant 0 : i32
    %dma_start3A_20 = arith.constant 0 : i32
    %dma_start3A_21 = tpu.memref_slice %arg3[%add3A_14, %dma_start3A_19, %dma_start3A_20] : memref<3648x88x128xf32, #tpu.memory_space<hbm>> -> memref<1x88x128xf32, #tpu.memory_space<hbm>>
    %dma_start3A_22 = tpu.memref_squeeze %dma_start3A_21 : memref<1x88x128xf32, #tpu.memory_space<hbm>> -> memref<88x128xf32, #tpu.memory_space<hbm>>
    tpu.enqueue_dma source(%dma_start3A_22 : memref<88x128xf32, #tpu.memory_space<hbm>>) target(%arg12 : memref<88x128xf32, #tpu.memory_space<vmem>>) target_semaphore(%arg18 : memref<!tpu.dma_semaphore, #tpu.memory_space<semaphore_mem>>)
    %add3A_23 = arith.constant 1 : i32
    %add3A_24 = arith.addi %mul3A_2, %add3A_23 : i32
    %mul3A_25 = arith.constant 88 : i32
    %mul3A_26 = arith.muli %add3A_24, %mul3A_25 : i32
    "tpu.region"() ({
      %run_scoped3A = tpu.sem_alloc : memref<!tpu.dma_semaphore, #tpu.memory_space<semaphore_mem>>
      %dma_start3A_220 = tpu.memref_slice %arg4[%mul3A_26] : memref<321024xi32, #tpu.memory_space<hbm>> -> memref<88xi32, #tpu.memory_space<hbm>>
      %dma_start3A_221 = tpu.memref_slice %arg4[%mul3A_26] : memref<321024xi32, #tpu.memory_space<hbm>> -> memref<88xi32, #tpu.memory_space<hbm>>
      tpu.enqueue_dma source(%dma_start3A_221 : memref<88xi32, #tpu.memory_space<hbm>>) target(%arg9 : memref<88xi32, #tpu.memory_space<vmem>>) target_semaphore(%run_scoped3A : memref<!tpu.dma_semaphore, #tpu.memory_space<semaphore_mem>>)
      %dma_wait3A = tpu.memref_slice %arg4[%mul3A_26] : memref<321024xi32, #tpu.memory_space<hbm>> -> memref<88xi32, #tpu.memory_space<hbm>>
      %dma_wait3A_222 = tpu.memref_slice %arg4[%mul3A_26] : memref<321024xi32, #tpu.memory_space<hbm>> -> memref<88xi32, #tpu.memory_space<hbm>>
      tpu.wait_dma2 semaphore(%run_scoped3A : memref<!tpu.dma_semaphore, #tpu.memory_space<semaphore_mem>>) src(%dma_wait3A_222 : memref<88xi32, #tpu.memory_space<hbm>>) dst(%arg9 : memref<88xi32, #tpu.memory_space<vmem>>)
      tpu.yield
    }) : () -> ()
    %add3A_27 = arith.constant 1 : i32
    %add3A_28 = arith.addi %mul3A_2, %add3A_27 : i32
    %mul3A_29 = arith.constant 88 : i32
    %mul3A_30 = arith.muli %add3A_28, %mul3A_29 : i32
    "tpu.region"() ({
      %run_scoped3A = tpu.sem_alloc : memref<!tpu.dma_semaphore, #tpu.memory_space<semaphore_mem>>
      %dma_start3A_220 = tpu.memref_slice %arg5[%mul3A_30] : memref<321024xi32, #tpu.memory_space<hbm>> -> memref<88xi32, #tpu.memory_space<hbm>>
      %dma_start3A_221 = tpu.memref_slice %arg5[%mul3A_30] : memref<321024xi32, #tpu.memory_space<hbm>> -> memref<88xi32, #tpu.memory_space<hbm>>
      tpu.enqueue_dma source(%dma_start3A_221 : memref<88xi32, #tpu.memory_space<hbm>>) target(%arg10 : memref<88xi32, #tpu.memory_space<vmem>>) target_semaphore(%run_scoped3A : memref<!tpu.dma_semaphore, #tpu.memory_space<semaphore_mem>>)
      %dma_wait3A = tpu.memref_slice %arg5[%mul3A_30] : memref<321024xi32, #tpu.memory_space<hbm>> -> memref<88xi32, #tpu.memory_space<hbm>>
      %dma_wait3A_222 = tpu.memref_slice %arg5[%mul3A_30] : memref<321024xi32, #tpu.memory_space<hbm>> -> memref<88xi32, #tpu.memory_space<hbm>>
      tpu.wait_dma2 semaphore(%run_scoped3A : memref<!tpu.dma_semaphore, #tpu.memory_space<semaphore_mem>>) src(%dma_wait3A_222 : memref<88xi32, #tpu.memory_space<hbm>>) dst(%arg10 : memref<88xi32, #tpu.memory_space<vmem>>)
      tpu.yield
    }) : () -> ()
    %dma_start3A_31 = arith.constant 0 : i32
    %dma_start3A_32 = arith.constant 0 : i32
    %dma_start3A_33 = tpu.memref_slice %arg2[%dma_start3A_31, %dma_start3A_32] : memref<10000x128xf32, #tpu.memory_space<hbm>> -> memref<10000x128xf32, #tpu.memory_space<hbm>>
    tpu.enqueue_indirect_dma source(%dma_start3A_33 : memref<10000x128xf32, #tpu.memory_space<hbm>>) target(%arg13 : memref<88x128xf32, #tpu.memory_space<vmem>>) offsets(%arg9 : memref<88xi32, #tpu.memory_space<vmem>>) semaphore(%arg19 : memref<!tpu.dma_semaphore, #tpu.memory_space<semaphore_mem>>)
    %add3A_34 = arith.constant 1 : i32
    %add3A_35 = arith.addi %mul3A_2, %add3A_34 : i32
    %dma_start3A_36 = arith.constant 0 : i32
    %dma_start3A_37 = arith.constant 0 : i32
    %dma_start3A_38 = tpu.memref_slice %arg3[%add3A_35, %dma_start3A_36, %dma_start3A_37] : memref<3648x88x128xf32, #tpu.memory_space<hbm>> -> memref<1x88x128xf32, #tpu.memory_space<hbm>>
    %dma_start3A_39 = tpu.memref_squeeze %dma_start3A_38 : memref<1x88x128xf32, #tpu.memory_space<hbm>> -> memref<88x128xf32, #tpu.memory_space<hbm>>
    %dma_start3A_40 = arith.constant 0 : i32
    %dma_start3A_41 = arith.constant 0 : i32
    %dma_start3A_42 = tpu.memref_slice %arg3[%add3A_35, %dma_start3A_40, %dma_start3A_41] : memref<3648x88x128xf32, #tpu.memory_space<hbm>> -> memref<1x88x128xf32, #tpu.memory_space<hbm>>
    %dma_start3A_43 = tpu.memref_squeeze %dma_start3A_42 : memref<1x88x128xf32, #tpu.memory_space<hbm>> -> memref<88x128xf32, #tpu.memory_space<hbm>>
    tpu.enqueue_dma source(%dma_start3A_43 : memref<88x128xf32, #tpu.memory_space<hbm>>) target(%arg14 : memref<88x128xf32, #tpu.memory_space<vmem>>) target_semaphore(%arg20 : memref<!tpu.dma_semaphore, #tpu.memory_space<semaphore_mem>>)
    %scan3A = arith.constant 0 : i32
    %scan3A_44 = arith.constant 0 : i32
    %scan3A_45 = arith.constant 128 : i32
    %scan3A_46 = arith.addi %scan3A_44, %scan3A_45 : i32
    %scan3A_47 = arith.constant 1 : i32
    scf.for %scan3A_220 = %scan3A_44 to %scan3A_46 step %scan3A_47  : i32 {
      %broadcast_in_dim3A = arith.constant 0.000000e+00 : f32
      %broadcast_in_dim3A_221 = vector.broadcast %broadcast_in_dim3A : f32 to vector<16xf32>
      %jit3A = arith.constant 8 : i32
      %div3A = arith.divsi %scan3A_220, %jit3A : i32
      %sign3A = arith.constant 0 : i32
      %sign3A_222 = arith.cmpi sgt, %scan3A_220, %sign3A : i32
      %sign3A_223 = arith.extui %sign3A_222 : i1 to i32
      %sign3A_224 = arith.constant 0 : i32
      %sign3A_225 = arith.cmpi slt, %scan3A_220, %sign3A_224 : i32
      %sign3A_226 = arith.extui %sign3A_225 : i1 to i32
      %sign3A_227 = arith.subi %sign3A_223, %sign3A_226 : i32
      %sign3A_228 = arith.constant 0 : i32
      %sign3A_229 = arith.cmpi sgt, %jit3A, %sign3A_228 : i32
      %sign3A_230 = arith.extui %sign3A_229 : i1 to i32
      %sign3A_231 = arith.constant 0 : i32
      %sign3A_232 = arith.cmpi slt, %jit3A, %sign3A_231 : i32
      %sign3A_233 = arith.extui %sign3A_232 : i1 to i32
      %sign3A_234 = arith.subi %sign3A_230, %sign3A_233 : i32
      %ne3A = arith.cmpi ne, %sign3A_227, %sign3A_234 : i32
      %rem3A = arith.remsi %scan3A_220, %jit3A : i32
      %ne3A_235 = arith.constant 0 : i32
      %ne3A_236 = arith.cmpi ne, %rem3A, %ne3A_235 : i32
      %and3A = arith.andi %ne3A, %ne3A_236 : i1
      %sub3A = arith.constant 1 : i32
      %sub3A_237 = arith.subi %div3A, %sub3A : i32
      %select_n3A = arith.select %and3A, %sub3A_237, %div3A : i32
      %jit3A_238 = arith.constant 8 : i32
      %eq3A = arith.constant 0 : i32
      %eq3A_239 = arith.cmpi eq, %jit3A_238, %eq3A : i32
      %jit3A_240 = arith.constant 1 : i32
      %select_n3A_241 = arith.select %eq3A_239, %jit3A_240, %jit3A_238 : i32
      %rem3A_242 = arith.remsi %scan3A_220, %select_n3A_241 : i32
      %ne3A_243 = arith.constant 0 : i32
      %ne3A_244 = arith.cmpi ne, %rem3A_242, %ne3A_243 : i32
      %lt3A = arith.constant 0 : i32
      %lt3A_245 = arith.cmpi slt, %rem3A_242, %lt3A : i32
      %lt3A_246 = arith.constant 0 : i32
      %lt3A_247 = arith.cmpi slt, %select_n3A_241, %lt3A_246 : i32
      %ne3A_248 = arith.xori %lt3A_245, %lt3A_247 : i1
      %and3A_249 = arith.andi %ne3A_248, %ne3A_244 : i1
      %add3A_250 = arith.addi %rem3A_242, %select_n3A_241 : i32
      %select_n3A_251 = arith.select %and3A_249, %add3A_250, %rem3A_242 : i32
      %mul3A_252 = arith.constant 16 : i32
      %mul3A_253 = arith.muli %select_n3A_251, %mul3A_252 : i32
      %swap3A = arith.index_cast %select_n3A : i32 to index
      %swap3A_254 = arith.index_cast %mul3A_253 : i32 to index
      %swap3A_255 = tpu.vector_load %arg15[%swap3A, %swap3A_254] {strides = array<i32>} : memref<16x128xf32, #tpu.memory_space<vmem>>, vector<1x16xf32>,
      %swap3A_256 = vector.shape_cast %swap3A_255 : vector<1x16xf32> to vector<16xf32>
      %swap3A_257 = vector.shape_cast %broadcast_in_dim3A_221 : vector<16xf32> to vector<1x16xf32>
      tpu.vector_store %arg15[%swap3A, %swap3A_254], %swap3A_257 {strides = array<i32>} : memref<16x128xf32, #tpu.memory_space<vmem>>, vector<1x16xf32>,
    }
    %scan3A_48 = arith.constant 128 : i32
    %mul3A_49 = arith.constant 640 : i32
    %mul3A_50 = arith.muli %arg1, %mul3A_49 : i32
    %add3A_51 = arith.constant 0 : i32
    %add3A_52 = arith.addi %mul3A_50, %add3A_51 : i32
    "tpu.region"() ({
      %run_scoped3A = tpu.sem_alloc : memref<!tpu.dma_semaphore, #tpu.memory_space<semaphore_mem>>
      %dma_start3A_220 = arith.constant 0 : i32
      %dma_start3A_221 = tpu.memref_slice %arg16[%add3A_52, %dma_start3A_220] : memref<10240x128xf32, #tpu.memory_space<vmem_shared>> -> memref<16x128xf32, #tpu.memory_space<vmem_shared>>
      %dma_start3A_222 = arith.constant 0 : i32
      %dma_start3A_223 = tpu.memref_slice %arg16[%add3A_52, %dma_start3A_222] : memref<10240x128xf32, #tpu.memory_space<vmem_shared>> -> memref<16x128xf32, #tpu.memory_space<vmem_shared>>
      tpu.enqueue_dma source(%arg15 : memref<16x128xf32, #tpu.memory_space<vmem>>) target(%dma_start3A_223 : memref<16x128xf32, #tpu.memory_space<vmem_shared>>) target_semaphore(%run_scoped3A : memref<!tpu.dma_semaphore, #tpu.memory_space<semaphore_mem>>)
      %dma_wait3A = arith.constant 0 : i32
      %dma_wait3A_224 = tpu.memref_slice %arg16[%add3A_52, %dma_wait3A] : memref<10240x128xf32, #tpu.memory_space<vmem_shared>> -> memref<16x128xf32, #tpu.memory_space<vmem_shared>>
      %dma_wait3A_225 = arith.constant 0 : i32
      %dma_wait3A_226 = tpu.memref_slice %arg16[%add3A_52, %dma_wait3A_225] : memref<10240x128xf32, #tpu.memory_space<vmem_shared>> -> memref<16x128xf32, #tpu.memory_space<vmem_shared>>
      tpu.wait_dma2 semaphore(%run_scoped3A : memref<!tpu.dma_semaphore, #tpu.memory_space<semaphore_mem>>) src(%arg15 : memref<16x128xf32, #tpu.memory_space<vmem>>) dst(%dma_wait3A_226 : memref<16x128xf32, #tpu.memory_space<vmem_shared>>)
      tpu.yield
    }) : () -> ()
    %mul3A_53 = arith.constant 640 : i32
    %mul3A_54 = arith.muli %arg1, %mul3A_53 : i32
    %add3A_55 = arith.constant 16 : i32
    %add3A_56 = arith.addi %mul3A_54, %add3A_55 : i32
    "tpu.region"() ({
      %run_scoped3A = tpu.sem_alloc : memref<!tpu.dma_semaphore, #tpu.memory_space<semaphore_mem>>
      %dma_start3A_220 = arith.constant 0 : i32
      %dma_start3A_221 = tpu.memref_slice %arg16[%add3A_56, %dma_start3A_220] : memref<10240x128xf32, #tpu.memory_space<vmem_shared>> -> memref<16x128xf32, #tpu.memory_space<vmem_shared>>
      %dma_start3A_222 = arith.constant 0 : i32
      %dma_start3A_223 = tpu.memref_slice %arg16[%add3A_56, %dma_start3A_222] : memref<10240x128xf32, #tpu.memory_space<vmem_shared>> -> memref<16x128xf32, #tpu.memory_space<vmem_shared>>
      tpu.enqueue_dma source(%arg15 : memref<16x128xf32, #tpu.memory_space<vmem>>) target(%dma_start3A_223 : memref<16x128xf32, #tpu.memory_space<vmem_shared>>) target_semaphore(%run_scoped3A : memref<!tpu.dma_semaphore, #tpu.memory_space<semaphore_mem>>)
      %dma_wait3A = arith.constant 0 : i32
      %dma_wait3A_224 = tpu.memref_slice %arg16[%add3A_56, %dma_wait3A] : memref<10240x128xf32, #tpu.memory_space<vmem_shared>> -> memref<16x128xf32, #tpu.memory_space<vmem_shared>>
      %dma_wait3A_225 = arith.constant 0 : i32
      %dma_wait3A_226 = tpu.memref_slice %arg16[%add3A_56, %dma_wait3A_225] : memref<10240x128xf32, #tpu.memory_space<vmem_shared>> -> memref<16x128xf32, #tpu.memory_space<vmem_shared>>
      tpu.wait_dma2 semaphore(%run_scoped3A : memref<!tpu.dma_semaphore, #tpu.memory_space<semaphore_mem>>) src(%arg15 : memref<16x128xf32, #tpu.memory_space<vmem>>) dst(%dma_wait3A_226 : memref<16x128xf32, #tpu.memory_space<vmem_shared>>)
      tpu.yield
    }) : () -> ()
    %mul3A_57 = arith.constant 640 : i32
    %mul3A_58 = arith.muli %arg1, %mul3A_57 : i32
    %add3A_59 = arith.constant 32 : i32
    %add3A_60 = arith.addi %mul3A_58, %add3A_59 : i32
    "tpu.region"() ({
      %run_scoped3A = tpu.sem_alloc : memref<!tpu.dma_semaphore, #tpu.memory_space<semaphore_mem>>
      %dma_start3A_220 = arith.constant 0 : i32
      %dma_start3A_221 = tpu.memref_slice %arg16[%add3A_60, %dma_start3A_220] : memref<10240x128xf32, #tpu.memory_space<vmem_shared>> -> memref<16x128xf32, #tpu.memory_space<vmem_shared>>
      %dma_start3A_222 = arith.constant 0 : i32
      %dma_start3A_223 = tpu.memref_slice %arg16[%add3A_60, %dma_start3A_222] : memref<10240x128xf32, #tpu.memory_space<vmem_shared>> -> memref<16x128xf32, #tpu.memory_space<vmem_shared>>
      tpu.enqueue_dma source(%arg15 : memref<16x128xf32, #tpu.memory_space<vmem>>) target(%dma_start3A_223 : memref<16x128xf32, #tpu.memory_space<vmem_shared>>) target_semaphore(%run_scoped3A : memref<!tpu.dma_semaphore, #tpu.memory_space<semaphore_mem>>)
      %dma_wait3A = arith.constant 0 : i32
      %dma_wait3A_224 = tpu.memref_slice %arg16[%add3A_60, %dma_wait3A] : memref<10240x128xf32, #tpu.memory_space<vmem_shared>> -> memref<16x128xf32, #tpu.memory_space<vmem_shared>>
      %dma_wait3A_225 = arith.constant 0 : i32
      %dma_wait3A_226 = tpu.memref_slice %arg16[%add3A_60, %dma_wait3A_225] : memref<10240x128xf32, #tpu.memory_space<vmem_shared>> -> memref<16x128xf32, #tpu.memory_space<vmem_shared>>
      tpu.wait_dma2 semaphore(%run_scoped3A : memref<!tpu.dma_semaphore, #tpu.memory_space<semaphore_mem>>) src(%arg15 : memref<16x128xf32, #tpu.memory_space<vmem>>) dst(%dma_wait3A_226 : memref<16x128xf32, #tpu.memory_space<vmem_shared>>)
      tpu.yield
    }) : () -> ()
    %mul3A_61 = arith.constant 640 : i32
    %mul3A_62 = arith.muli %arg1, %mul3A_61 : i32
    %add3A_63 = arith.constant 48 : i32
    %add3A_64 = arith.addi %mul3A_62, %add3A_63 : i32
    "tpu.region"() ({
      %run_scoped3A = tpu.sem_alloc : memref<!tpu.dma_semaphore, #tpu.memory_space<semaphore_mem>>
      %dma_start3A_220 = arith.constant 0 : i32
      %dma_start3A_221 = tpu.memref_slice %arg16[%add3A_64, %dma_start3A_220] : memref<10240x128xf32, #tpu.memory_space<vmem_shared>> -> memref<16x128xf32, #tpu.memory_space<vmem_shared>>
      %dma_start3A_222 = arith.constant 0 : i32
      %dma_start3A_223 = tpu.memref_slice %arg16[%add3A_64, %dma_start3A_222] : memref<10240x128xf32, #tpu.memory_space<vmem_shared>> -> memref<16x128xf32, #tpu.memory_space<vmem_shared>>
      tpu.enqueue_dma source(%arg15 : memref<16x128xf32, #tpu.memory_space<vmem>>) target(%dma_start3A_223 : memref<16x128xf32, #tpu.memory_space<vmem_shared>>) target_semaphore(%run_scoped3A : memref<!tpu.dma_semaphore, #tpu.memory_space<semaphore_mem>>)
      %dma_wait3A = arith.constant 0 : i32
      %dma_wait3A_224 = tpu.memref_slice %arg16[%add3A_64, %dma_wait3A] : memref<10240x128xf32, #tpu.memory_space<vmem_shared>> -> memref<16x128xf32, #tpu.memory_space<vmem_shared>>
      %dma_wait3A_225 = arith.constant 0 : i32
      %dma_wait3A_226 = tpu.memref_slice %arg16[%add3A_64, %dma_wait3A_225] : memref<10240x128xf32, #tpu.memory_space<vmem_shared>> -> memref<16x128xf32, #tpu.memory_space<vmem_shared>>
      tpu.wait_dma2 semaphore(%run_scoped3A : memref<!tpu.dma_semaphore, #tpu.memory_space<semaphore_mem>>) src(%arg15 : memref<16x128xf32, #tpu.memory_space<vmem>>) dst(%dma_wait3A_226 : memref<16x128xf32, #tpu.memory_space<vmem_shared>>)
      tpu.yield
    }) : () -> ()
    %mul3A_65 = arith.constant 640 : i32
    %mul3A_66 = arith.muli %arg1, %mul3A_65 : i32
    %add3A_67 = arith.constant 64 : i32
    %add3A_68 = arith.addi %mul3A_66, %add3A_67 : i32
    "tpu.region"() ({
      %run_scoped3A = tpu.sem_alloc : memref<!tpu.dma_semaphore, #tpu.memory_space<semaphore_mem>>
      %dma_start3A_220 = arith.constant 0 : i32
      %dma_start3A_221 = tpu.memref_slice %arg16[%add3A_68, %dma_start3A_220] : memref<10240x128xf32, #tpu.memory_space<vmem_shared>> -> memref<16x128xf32, #tpu.memory_space<vmem_shared>>
      %dma_start3A_222 = arith.constant 0 : i32
      %dma_start3A_223 = tpu.memref_slice %arg16[%add3A_68, %dma_start3A_222] : memref<10240x128xf32, #tpu.memory_space<vmem_shared>> -> memref<16x128xf32, #tpu.memory_space<vmem_shared>>
      tpu.enqueue_dma source(%arg15 : memref<16x128xf32, #tpu.memory_space<vmem>>) target(%dma_start3A_223 : memref<16x128xf32, #tpu.memory_space<vmem_shared>>) target_semaphore(%run_scoped3A : memref<!tpu.dma_semaphore, #tpu.memory_space<semaphore_mem>>)
      %dma_wait3A = arith.constant 0 : i32
      %dma_wait3A_224 = tpu.memref_slice %arg16[%add3A_68, %dma_wait3A] : memref<10240x128xf32, #tpu.memory_space<vmem_shared>> -> memref<16x128xf32, #tpu.memory_space<vmem_shared>>
      %dma_wait3A_225 = arith.constant 0 : i32
      %dma_wait3A_226 = tpu.memref_slice %arg16[%add3A_68, %dma_wait3A_225] : memref<10240x128xf32, #tpu.memory_space<vmem_shared>> -> memref<16x128xf32, #tpu.memory_space<vmem_shared>>
      tpu.wait_dma2 semaphore(%run_scoped3A : memref<!tpu.dma_semaphore, #tpu.memory_space<semaphore_mem>>) src(%arg15 : memref<16x128xf32, #tpu.memory_space<vmem>>) dst(%dma_wait3A_226 : memref<16x128xf32, #tpu.memory_space<vmem_shared>>)
      tpu.yield
    }) : () -> ()
    %mul3A_69 = arith.constant 640 : i32
    %mul3A_70 = arith.muli %arg1, %mul3A_69 : i32
    %add3A_71 = arith.constant 80 : i32
    %add3A_72 = arith.addi %mul3A_70, %add3A_71 : i32
    "tpu.region"() ({
      %run_scoped3A = tpu.sem_alloc : memref<!tpu.dma_semaphore, #tpu.memory_space<semaphore_mem>>
      %dma_start3A_220 = arith.constant 0 : i32
      %dma_start3A_221 = tpu.memref_slice %arg16[%add3A_72, %dma_start3A_220] : memref<10240x128xf32, #tpu.memory_space<vmem_shared>> -> memref<16x128xf32, #tpu.memory_space<vmem_shared>>
      %dma_start3A_222 = arith.constant 0 : i32
      %dma_start3A_223 = tpu.memref_slice %arg16[%add3A_72, %dma_start3A_222] : memref<10240x128xf32, #tpu.memory_space<vmem_shared>> -> memref<16x128xf32, #tpu.memory_space<vmem_shared>>
      tpu.enqueue_dma source(%arg15 : memref<16x128xf32, #tpu.memory_space<vmem>>) target(%dma_start3A_223 : memref<16x128xf32, #tpu.memory_space<vmem_shared>>) target_semaphore(%run_scoped3A : memref<!tpu.dma_semaphore, #tpu.memory_space<semaphore_mem>>)
      %dma_wait3A = arith.constant 0 : i32
      %dma_wait3A_224 = tpu.memref_slice %arg16[%add3A_72, %dma_wait3A] : memref<10240x128xf32, #tpu.memory_space<vmem_shared>> -> memref<16x128xf32, #tpu.memory_space<vmem_shared>>
      %dma_wait3A_225 = arith.constant 0 : i32
      %dma_wait3A_226 = tpu.memref_slice %arg16[%add3A_72, %dma_wait3A_225] : memref<10240x128xf32, #tpu.memory_space<vmem_shared>> -> memref<16x128xf32, #tpu.memory_space<vmem_shared>>
      tpu.wait_dma2 semaphore(%run_scoped3A : memref<!tpu.dma_semaphore, #tpu.memory_space<semaphore_mem>>) src(%arg15 : memref<16x128xf32, #tpu.memory_space<vmem>>) dst(%dma_wait3A_226 : memref<16x128xf32, #tpu.memory_space<vmem_shared>>)
      tpu.yield
    }) : () -> ()
    %mul3A_73 = arith.constant 640 : i32
    %mul3A_74 = arith.muli %arg1, %mul3A_73 : i32
    %add3A_75 = arith.constant 96 : i32
    %add3A_76 = arith.addi %mul3A_74, %add3A_75 : i32
    "tpu.region"() ({
      %run_scoped3A = tpu.sem_alloc : memref<!tpu.dma_semaphore, #tpu.memory_space<semaphore_mem>>
      %dma_start3A_220 = arith.constant 0 : i32
      %dma_start3A_221 = tpu.memref_slice %arg16[%add3A_76, %dma_start3A_220] : memref<10240x128xf32, #tpu.memory_space<vmem_shared>> -> memref<16x128xf32, #tpu.memory_space<vmem_shared>>
      %dma_start3A_222 = arith.constant 0 : i32
      %dma_start3A_223 = tpu.memref_slice %arg16[%add3A_76, %dma_start3A_222] : memref<10240x128xf32, #tpu.memory_space<vmem_shared>> -> memref<16x128xf32, #tpu.memory_space<vmem_shared>>
      tpu.enqueue_dma source(%arg15 : memref<16x128xf32, #tpu.memory_space<vmem>>) target(%dma_start3A_223 : memref<16x128xf32, #tpu.memory_space<vmem_shared>>) target_semaphore(%run_scoped3A : memref<!tpu.dma_semaphore, #tpu.memory_space<semaphore_mem>>)
      %dma_wait3A = arith.constant 0 : i32
      %dma_wait3A_224 = tpu.memref_slice %arg16[%add3A_76, %dma_wait3A] : memref<10240x128xf32, #tpu.memory_space<vmem_shared>> -> memref<16x128xf32, #tpu.memory_space<vmem_shared>>
      %dma_wait3A_225 = arith.constant 0 : i32
      %dma_wait3A_226 = tpu.memref_slice %arg16[%add3A_76, %dma_wait3A_225] : memref<10240x128xf32, #tpu.memory_space<vmem_shared>> -> memref<16x128xf32, #tpu.memory_space<vmem_shared>>
      tpu.wait_dma2 semaphore(%run_scoped3A : memref<!tpu.dma_semaphore, #tpu.memory_space<semaphore_mem>>) src(%arg15 : memref<16x128xf32, #tpu.memory_space<vmem>>) dst(%dma_wait3A_226 : memref<16x128xf32, #tpu.memory_space<vmem_shared>>)
      tpu.yield
    }) : () -> ()
    %mul3A_77 = arith.constant 640 : i32
    %mul3A_78 = arith.muli %arg1, %mul3A_77 : i32
    %add3A_79 = arith.constant 112 : i32
    %add3A_80 = arith.addi %mul3A_78, %add3A_79 : i32
    "tpu.region"() ({
      %run_scoped3A = tpu.sem_alloc : memref<!tpu.dma_semaphore, #tpu.memory_space<semaphore_mem>>
      %dma_start3A_220 = arith.constant 0 : i32
      %dma_start3A_221 = tpu.memref_slice %arg16[%add3A_80, %dma_start3A_220] : memref<10240x128xf32, #tpu.memory_space<vmem_shared>> -> memref<16x128xf32, #tpu.memory_space<vmem_shared>>
      %dma_start3A_222 = arith.constant 0 : i32
      %dma_start3A_223 = tpu.memref_slice %arg16[%add3A_80, %dma_start3A_222] : memref<10240x128xf32, #tpu.memory_space<vmem_shared>> -> memref<16x128xf32, #tpu.memory_space<vmem_shared>>
      tpu.enqueue_dma source(%arg15 : memref<16x128xf32, #tpu.memory_space<vmem>>) target(%dma_start3A_223 : memref<16x128xf32, #tpu.memory_space<vmem_shared>>) target_semaphore(%run_scoped3A : memref<!tpu.dma_semaphore, #tpu.memory_space<semaphore_mem>>)
      %dma_wait3A = arith.constant 0 : i32
      %dma_wait3A_224 = tpu.memref_slice %arg16[%add3A_80, %dma_wait3A] : memref<10240x128xf32, #tpu.memory_space<vmem_shared>> -> memref<16x128xf32, #tpu.memory_space<vmem_shared>>
      %dma_wait3A_225 = arith.constant 0 : i32
      %dma_wait3A_226 = tpu.memref_slice %arg16[%add3A_80, %dma_wait3A_225] : memref<10240x128xf32, #tpu.memory_space<vmem_shared>> -> memref<16x128xf32, #tpu.memory_space<vmem_shared>>
      tpu.wait_dma2 semaphore(%run_scoped3A : memref<!tpu.dma_semaphore, #tpu.memory_space<semaphore_mem>>) src(%arg15 : memref<16x128xf32, #tpu.memory_space<vmem>>) dst(%dma_wait3A_226 : memref<16x128xf32, #tpu.memory_space<vmem_shared>>)
      tpu.yield
    }) : () -> ()
    %mul3A_81 = arith.constant 640 : i32
    %mul3A_82 = arith.muli %arg1, %mul3A_81 : i32
    %add3A_83 = arith.constant 128 : i32
    %add3A_84 = arith.addi %mul3A_82, %add3A_83 : i32
    "tpu.region"() ({
      %run_scoped3A = tpu.sem_alloc : memref<!tpu.dma_semaphore, #tpu.memory_space<semaphore_mem>>
      %dma_start3A_220 = arith.constant 0 : i32
      %dma_start3A_221 = tpu.memref_slice %arg16[%add3A_84, %dma_start3A_220] : memref<10240x128xf32, #tpu.memory_space<vmem_shared>> -> memref<16x128xf32, #tpu.memory_space<vmem_shared>>
      %dma_start3A_222 = arith.constant 0 : i32
      %dma_start3A_223 = tpu.memref_slice %arg16[%add3A_84, %dma_start3A_222] : memref<10240x128xf32, #tpu.memory_space<vmem_shared>> -> memref<16x128xf32, #tpu.memory_space<vmem_shared>>
      tpu.enqueue_dma source(%arg15 : memref<16x128xf32, #tpu.memory_space<vmem>>) target(%dma_start3A_223 : memref<16x128xf32, #tpu.memory_space<vmem_shared>>) target_semaphore(%run_scoped3A : memref<!tpu.dma_semaphore, #tpu.memory_space<semaphore_mem>>)
      %dma_wait3A = arith.constant 0 : i32
      %dma_wait3A_224 = tpu.memref_slice %arg16[%add3A_84, %dma_wait3A] : memref<10240x128xf32, #tpu.memory_space<vmem_shared>> -> memref<16x128xf32, #tpu.memory_space<vmem_shared>>
      %dma_wait3A_225 = arith.constant 0 : i32
      %dma_wait3A_226 = tpu.memref_slice %arg16[%add3A_84, %dma_wait3A_225] : memref<10240x128xf32, #tpu.memory_space<vmem_shared>> -> memref<16x128xf32, #tpu.memory_space<vmem_shared>>
      tpu.wait_dma2 semaphore(%run_scoped3A : memref<!tpu.dma_semaphore, #tpu.memory_space<semaphore_mem>>) src(%arg15 : memref<16x128xf32, #tpu.memory_space<vmem>>) dst(%dma_wait3A_226 : memref<16x128xf32, #tpu.memory_space<vmem_shared>>)
      tpu.yield
    }) : () -> ()
    %mul3A_85 = arith.constant 640 : i32
    %mul3A_86 = arith.muli %arg1, %mul3A_85 : i32
    %add3A_87 = arith.constant 144 : i32
    %add3A_88 = arith.addi %mul3A_86, %add3A_87 : i32
    "tpu.region"() ({
      %run_scoped3A = tpu.sem_alloc : memref<!tpu.dma_semaphore, #tpu.memory_space<semaphore_mem>>
      %dma_start3A_220 = arith.constant 0 : i32
      %dma_start3A_221 = tpu.memref_slice %arg16[%add3A_88, %dma_start3A_220] : memref<10240x128xf32, #tpu.memory_space<vmem_shared>> -> memref<16x128xf32, #tpu.memory_space<vmem_shared>>
      %dma_start3A_222 = arith.constant 0 : i32
      %dma_start3A_223 = tpu.memref_slice %arg16[%add3A_88, %dma_start3A_222] : memref<10240x128xf32, #tpu.memory_space<vmem_shared>> -> memref<16x128xf32, #tpu.memory_space<vmem_shared>>
      tpu.enqueue_dma source(%arg15 : memref<16x128xf32, #tpu.memory_space<vmem>>) target(%dma_start3A_223 : memref<16x128xf32, #tpu.memory_space<vmem_shared>>) target_semaphore(%run_scoped3A : memref<!tpu.dma_semaphore, #tpu.memory_space<semaphore_mem>>)
      %dma_wait3A = arith.constant 0 : i32
      %dma_wait3A_224 = tpu.memref_slice %arg16[%add3A_88, %dma_wait3A] : memref<10240x128xf32, #tpu.memory_space<vmem_shared>> -> memref<16x128xf32, #tpu.memory_space<vmem_shared>>
      %dma_wait3A_225 = arith.constant 0 : i32
      %dma_wait3A_226 = tpu.memref_slice %arg16[%add3A_88, %dma_wait3A_225] : memref<10240x128xf32, #tpu.memory_space<vmem_shared>> -> memref<16x128xf32, #tpu.memory_space<vmem_shared>>
      tpu.wait_dma2 semaphore(%run_scoped3A : memref<!tpu.dma_semaphore, #tpu.memory_space<semaphore_mem>>) src(%arg15 : memref<16x128xf32, #tpu.memory_space<vmem>>) dst(%dma_wait3A_226 : memref<16x128xf32, #tpu.memory_space<vmem_shared>>)
      tpu.yield
    }) : () -> ()
    %mul3A_89 = arith.constant 640 : i32
    %mul3A_90 = arith.muli %arg1, %mul3A_89 : i32
    %add3A_91 = arith.constant 160 : i32
    %add3A_92 = arith.addi %mul3A_90, %add3A_91 : i32
    "tpu.region"() ({
      %run_scoped3A = tpu.sem_alloc : memref<!tpu.dma_semaphore, #tpu.memory_space<semaphore_mem>>
      %dma_start3A_220 = arith.constant 0 : i32
      %dma_start3A_221 = tpu.memref_slice %arg16[%add3A_92, %dma_start3A_220] : memref<10240x128xf32, #tpu.memory_space<vmem_shared>> -> memref<16x128xf32, #tpu.memory_space<vmem_shared>>
      %dma_start3A_222 = arith.constant 0 : i32
      %dma_start3A_223 = tpu.memref_slice %arg16[%add3A_92, %dma_start3A_222] : memref<10240x128xf32, #tpu.memory_space<vmem_shared>> -> memref<16x128xf32, #tpu.memory_space<vmem_shared>>
      tpu.enqueue_dma source(%arg15 : memref<16x128xf32, #tpu.memory_space<vmem>>) target(%dma_start3A_223 : memref<16x128xf32, #tpu.memory_space<vmem_shared>>) target_semaphore(%run_scoped3A : memref<!tpu.dma_semaphore, #tpu.memory_space<semaphore_mem>>)
      %dma_wait3A = arith.constant 0 : i32
      %dma_wait3A_224 = tpu.memref_slice %arg16[%add3A_92, %dma_wait3A] : memref<10240x128xf32, #tpu.memory_space<vmem_shared>> -> memref<16x128xf32, #tpu.memory_space<vmem_shared>>
      %dma_wait3A_225 = arith.constant 0 : i32
      %dma_wait3A_226 = tpu.memref_slice %arg16[%add3A_92, %dma_wait3A_225] : memref<10240x128xf32, #tpu.memory_space<vmem_shared>> -> memref<16x128xf32, #tpu.memory_space<vmem_shared>>
      tpu.wait_dma2 semaphore(%run_scoped3A : memref<!tpu.dma_semaphore, #tpu.memory_space<semaphore_mem>>) src(%arg15 : memref<16x128xf32, #tpu.memory_space<vmem>>) dst(%dma_wait3A_226 : memref<16x128xf32, #tpu.memory_space<vmem_shared>>)
      tpu.yield
    }) : () -> ()
    %mul3A_93 = arith.constant 640 : i32
    %mul3A_94 = arith.muli %arg1, %mul3A_93 : i32
    %add3A_95 = arith.constant 176 : i32
    %add3A_96 = arith.addi %mul3A_94, %add3A_95 : i32
    "tpu.region"() ({
      %run_scoped3A = tpu.sem_alloc : memref<!tpu.dma_semaphore, #tpu.memory_space<semaphore_mem>>
      %dma_start3A_220 = arith.constant 0 : i32
      %dma_start3A_221 = tpu.memref_slice %arg16[%add3A_96, %dma_start3A_220] : memref<10240x128xf32, #tpu.memory_space<vmem_shared>> -> memref<16x128xf32, #tpu.memory_space<vmem_shared>>
      %dma_start3A_222 = arith.constant 0 : i32
      %dma_start3A_223 = tpu.memref_slice %arg16[%add3A_96, %dma_start3A_222] : memref<10240x128xf32, #tpu.memory_space<vmem_shared>> -> memref<16x128xf32, #tpu.memory_space<vmem_shared>>
      tpu.enqueue_dma source(%arg15 : memref<16x128xf32, #tpu.memory_space<vmem>>) target(%dma_start3A_223 : memref<16x128xf32, #tpu.memory_space<vmem_shared>>) target_semaphore(%run_scoped3A : memref<!tpu.dma_semaphore, #tpu.memory_space<semaphore_mem>>)
      %dma_wait3A = arith.constant 0 : i32
      %dma_wait3A_224 = tpu.memref_slice %arg16[%add3A_96, %dma_wait3A] : memref<10240x128xf32, #tpu.memory_space<vmem_shared>> -> memref<16x128xf32, #tpu.memory_space<vmem_shared>>
      %dma_wait3A_225 = arith.constant 0 : i32
      %dma_wait3A_226 = tpu.memref_slice %arg16[%add3A_96, %dma_wait3A_225] : memref<10240x128xf32, #tpu.memory_space<vmem_shared>> -> memref<16x128xf32, #tpu.memory_space<vmem_shared>>
      tpu.wait_dma2 semaphore(%run_scoped3A : memref<!tpu.dma_semaphore, #tpu.memory_space<semaphore_mem>>) src(%arg15 : memref<16x128xf32, #tpu.memory_space<vmem>>) dst(%dma_wait3A_226 : memref<16x128xf32, #tpu.memory_space<vmem_shared>>)
      tpu.yield
    }) : () -> ()
    %mul3A_97 = arith.constant 640 : i32
    %mul3A_98 = arith.muli %arg1, %mul3A_97 : i32
    %add3A_99 = arith.constant 192 : i32
    %add3A_100 = arith.addi %mul3A_98, %add3A_99 : i32
    "tpu.region"() ({
      %run_scoped3A = tpu.sem_alloc : memref<!tpu.dma_semaphore, #tpu.memory_space<semaphore_mem>>
      %dma_start3A_220 = arith.constant 0 : i32
      %dma_start3A_221 = tpu.memref_slice %arg16[%add3A_100, %dma_start3A_220] : memref<10240x128xf32, #tpu.memory_space<vmem_shared>> -> memref<16x128xf32, #tpu.memory_space<vmem_shared>>
      %dma_start3A_222 = arith.constant 0 : i32
      %dma_start3A_223 = tpu.memref_slice %arg16[%add3A_100, %dma_start3A_222] : memref<10240x128xf32, #tpu.memory_space<vmem_shared>> -> memref<16x128xf32, #tpu.memory_space<vmem_shared>>
      tpu.enqueue_dma source(%arg15 : memref<16x128xf32, #tpu.memory_space<vmem>>) target(%dma_start3A_223 : memref<16x128xf32, #tpu.memory_space<vmem_shared>>) target_semaphore(%run_scoped3A : memref<!tpu.dma_semaphore, #tpu.memory_space<semaphore_mem>>)
      %dma_wait3A = arith.constant 0 : i32
      %dma_wait3A_224 = tpu.memref_slice %arg16[%add3A_100, %dma_wait3A] : memref<10240x128xf32, #tpu.memory_space<vmem_shared>> -> memref<16x128xf32, #tpu.memory_space<vmem_shared>>
      %dma_wait3A_225 = arith.constant 0 : i32
      %dma_wait3A_226 = tpu.memref_slice %arg16[%add3A_100, %dma_wait3A_225] : memref<10240x128xf32, #tpu.memory_space<vmem_shared>> -> memref<16x128xf32, #tpu.memory_space<vmem_shared>>
      tpu.wait_dma2 semaphore(%run_scoped3A : memref<!tpu.dma_semaphore, #tpu.memory_space<semaphore_mem>>) src(%arg15 : memref<16x128xf32, #tpu.memory_space<vmem>>) dst(%dma_wait3A_226 : memref<16x128xf32, #tpu.memory_space<vmem_shared>>)
      tpu.yield
    }) : () -> ()
    %mul3A_101 = arith.constant 640 : i32
    %mul3A_102 = arith.muli %arg1, %mul3A_101 : i32
    %add3A_103 = arith.constant 208 : i32
    %add3A_104 = arith.addi %mul3A_102, %add3A_103 : i32
    "tpu.region"() ({
      %run_scoped3A = tpu.sem_alloc : memref<!tpu.dma_semaphore, #tpu.memory_space<semaphore_mem>>
      %dma_start3A_220 = arith.constant 0 : i32
      %dma_start3A_221 = tpu.memref_slice %arg16[%add3A_104, %dma_start3A_220] : memref<10240x128xf32, #tpu.memory_space<vmem_shared>> -> memref<16x128xf32, #tpu.memory_space<vmem_shared>>
      %dma_start3A_222 = arith.constant 0 : i32
      %dma_start3A_223 = tpu.memref_slice %arg16[%add3A_104, %dma_start3A_222] : memref<10240x128xf32, #tpu.memory_space<vmem_shared>> -> memref<16x128xf32, #tpu.memory_space<vmem_shared>>
      tpu.enqueue_dma source(%arg15 : memref<16x128xf32, #tpu.memory_space<vmem>>) target(%dma_start3A_223 : memref<16x128xf32, #tpu.memory_space<vmem_shared>>) target_semaphore(%run_scoped3A : memref<!tpu.dma_semaphore, #tpu.memory_space<semaphore_mem>>)
      %dma_wait3A = arith.constant 0 : i32
      %dma_wait3A_224 = tpu.memref_slice %arg16[%add3A_104, %dma_wait3A] : memref<10240x128xf32, #tpu.memory_space<vmem_shared>> -> memref<16x128xf32, #tpu.memory_space<vmem_shared>>
      %dma_wait3A_225 = arith.constant 0 : i32
      %dma_wait3A_226 = tpu.memref_slice %arg16[%add3A_104, %dma_wait3A_225] : memref<10240x128xf32, #tpu.memory_space<vmem_shared>> -> memref<16x128xf32, #tpu.memory_space<vmem_shared>>
      tpu.wait_dma2 semaphore(%run_scoped3A : memref<!tpu.dma_semaphore, #tpu.memory_space<semaphore_mem>>) src(%arg15 : memref<16x128xf32, #tpu.memory_space<vmem>>) dst(%dma_wait3A_226 : memref<16x128xf32, #tpu.memory_space<vmem_shared>>)
      tpu.yield
    }) : () -> ()
    %mul3A_105 = arith.constant 640 : i32
    %mul3A_106 = arith.muli %arg1, %mul3A_105 : i32
    %add3A_107 = arith.constant 224 : i32
    %add3A_108 = arith.addi %mul3A_106, %add3A_107 : i32
    "tpu.region"() ({
      %run_scoped3A = tpu.sem_alloc : memref<!tpu.dma_semaphore, #tpu.memory_space<semaphore_mem>>
      %dma_start3A_220 = arith.constant 0 : i32
      %dma_start3A_221 = tpu.memref_slice %arg16[%add3A_108, %dma_start3A_220] : memref<10240x128xf32, #tpu.memory_space<vmem_shared>> -> memref<16x128xf32, #tpu.memory_space<vmem_shared>>
      %dma_start3A_222 = arith.constant 0 : i32
      %dma_start3A_223 = tpu.memref_slice %arg16[%add3A_108, %dma_start3A_222] : memref<10240x128xf32, #tpu.memory_space<vmem_shared>> -> memref<16x128xf32, #tpu.memory_space<vmem_shared>>
      tpu.enqueue_dma source(%arg15 : memref<16x128xf32, #tpu.memory_space<vmem>>) target(%dma_start3A_223 : memref<16x128xf32, #tpu.memory_space<vmem_shared>>) target_semaphore(%run_scoped3A : memref<!tpu.dma_semaphore, #tpu.memory_space<semaphore_mem>>)
      %dma_wait3A = arith.constant 0 : i32
      %dma_wait3A_224 = tpu.memref_slice %arg16[%add3A_108, %dma_wait3A] : memref<10240x128xf32, #tpu.memory_space<vmem_shared>> -> memref<16x128xf32, #tpu.memory_space<vmem_shared>>
      %dma_wait3A_225 = arith.constant 0 : i32
      %dma_wait3A_226 = tpu.memref_slice %arg16[%add3A_108, %dma_wait3A_225] : memref<10240x128xf32, #tpu.memory_space<vmem_shared>> -> memref<16x128xf32, #tpu.memory_space<vmem_shared>>
      tpu.wait_dma2 semaphore(%run_scoped3A : memref<!tpu.dma_semaphore, #tpu.memory_space<semaphore_mem>>) src(%arg15 : memref<16x128xf32, #tpu.memory_space<vmem>>) dst(%dma_wait3A_226 : memref<16x128xf32, #tpu.memory_space<vmem_shared>>)
      tpu.yield
    }) : () -> ()
    %mul3A_109 = arith.constant 640 : i32
    %mul3A_110 = arith.muli %arg1, %mul3A_109 : i32
    %add3A_111 = arith.constant 240 : i32
    %add3A_112 = arith.addi %mul3A_110, %add3A_111 : i32
    "tpu.region"() ({
      %run_scoped3A = tpu.sem_alloc : memref<!tpu.dma_semaphore, #tpu.memory_space<semaphore_mem>>
      %dma_start3A_220 = arith.constant 0 : i32
      %dma_start3A_221 = tpu.memref_slice %arg16[%add3A_112, %dma_start3A_220] : memref<10240x128xf32, #tpu.memory_space<vmem_shared>> -> memref<16x128xf32, #tpu.memory_space<vmem_shared>>
      %dma_start3A_222 = arith.constant 0 : i32
      %dma_start3A_223 = tpu.memref_slice %arg16[%add3A_112, %dma_start3A_222] : memref<10240x128xf32, #tpu.memory_space<vmem_shared>> -> memref<16x128xf32, #tpu.memory_space<vmem_shared>>
      tpu.enqueue_dma source(%arg15 : memref<16x128xf32, #tpu.memory_space<vmem>>) target(%dma_start3A_223 : memref<16x128xf32, #tpu.memory_space<vmem_shared>>) target_semaphore(%run_scoped3A : memref<!tpu.dma_semaphore, #tpu.memory_space<semaphore_mem>>)
      %dma_wait3A = arith.constant 0 : i32
      %dma_wait3A_224 = tpu.memref_slice %arg16[%add3A_112, %dma_wait3A] : memref<10240x128xf32, #tpu.memory_space<vmem_shared>> -> memref<16x128xf32, #tpu.memory_space<vmem_shared>>
      %dma_wait3A_225 = arith.constant 0 : i32
      %dma_wait3A_226 = tpu.memref_slice %arg16[%add3A_112, %dma_wait3A_225] : memref<10240x128xf32, #tpu.memory_space<vmem_shared>> -> memref<16x128xf32, #tpu.memory_space<vmem_shared>>
      tpu.wait_dma2 semaphore(%run_scoped3A : memref<!tpu.dma_semaphore, #tpu.memory_space<semaphore_mem>>) src(%arg15 : memref<16x128xf32, #tpu.memory_space<vmem>>) dst(%dma_wait3A_226 : memref<16x128xf32, #tpu.memory_space<vmem_shared>>)
      tpu.yield
    }) : () -> ()
    %mul3A_113 = arith.constant 640 : i32
    %mul3A_114 = arith.muli %arg1, %mul3A_113 : i32
    %add3A_115 = arith.constant 256 : i32
    %add3A_116 = arith.addi %mul3A_114, %add3A_115 : i32
    "tpu.region"() ({
      %run_scoped3A = tpu.sem_alloc : memref<!tpu.dma_semaphore, #tpu.memory_space<semaphore_mem>>
      %dma_start3A_220 = arith.constant 0 : i32
      %dma_start3A_221 = tpu.memref_slice %arg16[%add3A_116, %dma_start3A_220] : memref<10240x128xf32, #tpu.memory_space<vmem_shared>> -> memref<16x128xf32, #tpu.memory_space<vmem_shared>>
      %dma_start3A_222 = arith.constant 0 : i32
      %dma_start3A_223 = tpu.memref_slice %arg16[%add3A_116, %dma_start3A_222] : memref<10240x128xf32, #tpu.memory_space<vmem_shared>> -> memref<16x128xf32, #tpu.memory_space<vmem_shared>>
      tpu.enqueue_dma source(%arg15 : memref<16x128xf32, #tpu.memory_space<vmem>>) target(%dma_start3A_223 : memref<16x128xf32, #tpu.memory_space<vmem_shared>>) target_semaphore(%run_scoped3A : memref<!tpu.dma_semaphore, #tpu.memory_space<semaphore_mem>>)
      %dma_wait3A = arith.constant 0 : i32
      %dma_wait3A_224 = tpu.memref_slice %arg16[%add3A_116, %dma_wait3A] : memref<10240x128xf32, #tpu.memory_space<vmem_shared>> -> memref<16x128xf32, #tpu.memory_space<vmem_shared>>
      %dma_wait3A_225 = arith.constant 0 : i32
      %dma_wait3A_226 = tpu.memref_slice %arg16[%add3A_116, %dma_wait3A_225] : memref<10240x128xf32, #tpu.memory_space<vmem_shared>> -> memref<16x128xf32, #tpu.memory_space<vmem_shared>>
      tpu.wait_dma2 semaphore(%run_scoped3A : memref<!tpu.dma_semaphore, #tpu.memory_space<semaphore_mem>>) src(%arg15 : memref<16x128xf32, #tpu.memory_space<vmem>>) dst(%dma_wait3A_226 : memref<16x128xf32, #tpu.memory_space<vmem_shared>>)
      tpu.yield
    }) : () -> ()
    %mul3A_117 = arith.constant 640 : i32
    %mul3A_118 = arith.muli %arg1, %mul3A_117 : i32
    %add3A_119 = arith.constant 272 : i32
    %add3A_120 = arith.addi %mul3A_118, %add3A_119 : i32
    "tpu.region"() ({
      %run_scoped3A = tpu.sem_alloc : memref<!tpu.dma_semaphore, #tpu.memory_space<semaphore_mem>>
      %dma_start3A_220 = arith.constant 0 : i32
      %dma_start3A_221 = tpu.memref_slice %arg16[%add3A_120, %dma_start3A_220] : memref<10240x128xf32, #tpu.memory_space<vmem_shared>> -> memref<16x128xf32, #tpu.memory_space<vmem_shared>>
      %dma_start3A_222 = arith.constant 0 : i32
      %dma_start3A_223 = tpu.memref_slice %arg16[%add3A_120, %dma_start3A_222] : memref<10240x128xf32, #tpu.memory_space<vmem_shared>> -> memref<16x128xf32, #tpu.memory_space<vmem_shared>>
      tpu.enqueue_dma source(%arg15 : memref<16x128xf32, #tpu.memory_space<vmem>>) target(%dma_start3A_223 : memref<16x128xf32, #tpu.memory_space<vmem_shared>>) target_semaphore(%run_scoped3A : memref<!tpu.dma_semaphore, #tpu.memory_space<semaphore_mem>>)
      %dma_wait3A = arith.constant 0 : i32
      %dma_wait3A_224 = tpu.memref_slice %arg16[%add3A_120, %dma_wait3A] : memref<10240x128xf32, #tpu.memory_space<vmem_shared>> -> memref<16x128xf32, #tpu.memory_space<vmem_shared>>
      %dma_wait3A_225 = arith.constant 0 : i32
      %dma_wait3A_226 = tpu.memref_slice %arg16[%add3A_120, %dma_wait3A_225] : memref<10240x128xf32, #tpu.memory_space<vmem_shared>> -> memref<16x128xf32, #tpu.memory_space<vmem_shared>>
      tpu.wait_dma2 semaphore(%run_scoped3A : memref<!tpu.dma_semaphore, #tpu.memory_space<semaphore_mem>>) src(%arg15 : memref<16x128xf32, #tpu.memory_space<vmem>>) dst(%dma_wait3A_226 : memref<16x128xf32, #tpu.memory_space<vmem_shared>>)
      tpu.yield
    }) : () -> ()
    %mul3A_121 = arith.constant 640 : i32
    %mul3A_122 = arith.muli %arg1, %mul3A_121 : i32
    %add3A_123 = arith.constant 288 : i32
    %add3A_124 = arith.addi %mul3A_122, %add3A_123 : i32
    "tpu.region"() ({
      %run_scoped3A = tpu.sem_alloc : memref<!tpu.dma_semaphore, #tpu.memory_space<semaphore_mem>>
      %dma_start3A_220 = arith.constant 0 : i32
      %dma_start3A_221 = tpu.memref_slice %arg16[%add3A_124, %dma_start3A_220] : memref<10240x128xf32, #tpu.memory_space<vmem_shared>> -> memref<16x128xf32, #tpu.memory_space<vmem_shared>>
      %dma_start3A_222 = arith.constant 0 : i32
      %dma_start3A_223 = tpu.memref_slice %arg16[%add3A_124, %dma_start3A_222] : memref<10240x128xf32, #tpu.memory_space<vmem_shared>> -> memref<16x128xf32, #tpu.memory_space<vmem_shared>>
      tpu.enqueue_dma source(%arg15 : memref<16x128xf32, #tpu.memory_space<vmem>>) target(%dma_start3A_223 : memref<16x128xf32, #tpu.memory_space<vmem_shared>>) target_semaphore(%run_scoped3A : memref<!tpu.dma_semaphore, #tpu.memory_space<semaphore_mem>>)
      %dma_wait3A = arith.constant 0 : i32
      %dma_wait3A_224 = tpu.memref_slice %arg16[%add3A_124, %dma_wait3A] : memref<10240x128xf32, #tpu.memory_space<vmem_shared>> -> memref<16x128xf32, #tpu.memory_space<vmem_shared>>
      %dma_wait3A_225 = arith.constant 0 : i32
      %dma_wait3A_226 = tpu.memref_slice %arg16[%add3A_124, %dma_wait3A_225] : memref<10240x128xf32, #tpu.memory_space<vmem_shared>> -> memref<16x128xf32, #tpu.memory_space<vmem_shared>>
      tpu.wait_dma2 semaphore(%run_scoped3A : memref<!tpu.dma_semaphore, #tpu.memory_space<semaphore_mem>>) src(%arg15 : memref<16x128xf32, #tpu.memory_space<vmem>>) dst(%dma_wait3A_226 : memref<16x128xf32, #tpu.memory_space<vmem_shared>>)
      tpu.yield
    }) : () -> ()
    %mul3A_125 = arith.constant 640 : i32
    %mul3A_126 = arith.muli %arg1, %mul3A_125 : i32
    %add3A_127 = arith.constant 304 : i32
    %add3A_128 = arith.addi %mul3A_126, %add3A_127 : i32
    "tpu.region"() ({
      %run_scoped3A = tpu.sem_alloc : memref<!tpu.dma_semaphore, #tpu.memory_space<semaphore_mem>>
      %dma_start3A_220 = arith.constant 0 : i32
      %dma_start3A_221 = tpu.memref_slice %arg16[%add3A_128, %dma_start3A_220] : memref<10240x128xf32, #tpu.memory_space<vmem_shared>> -> memref<16x128xf32, #tpu.memory_space<vmem_shared>>
      %dma_start3A_222 = arith.constant 0 : i32
      %dma_start3A_223 = tpu.memref_slice %arg16[%add3A_128, %dma_start3A_222] : memref<10240x128xf32, #tpu.memory_space<vmem_shared>> -> memref<16x128xf32, #tpu.memory_space<vmem_shared>>
      tpu.enqueue_dma source(%arg15 : memref<16x128xf32, #tpu.memory_space<vmem>>) target(%dma_start3A_223 : memref<16x128xf32, #tpu.memory_space<vmem_shared>>) target_semaphore(%run_scoped3A : memref<!tpu.dma_semaphore, #tpu.memory_space<semaphore_mem>>)
      %dma_wait3A = arith.constant 0 : i32
      %dma_wait3A_224 = tpu.memref_slice %arg16[%add3A_128, %dma_wait3A] : memref<10240x128xf32, #tpu.memory_space<vmem_shared>> -> memref<16x128xf32, #tpu.memory_space<vmem_shared>>
      %dma_wait3A_225 = arith.constant 0 : i32
      %dma_wait3A_226 = tpu.memref_slice %arg16[%add3A_128, %dma_wait3A_225] : memref<10240x128xf32, #tpu.memory_space<vmem_shared>> -> memref<16x128xf32, #tpu.memory_space<vmem_shared>>
      tpu.wait_dma2 semaphore(%run_scoped3A : memref<!tpu.dma_semaphore, #tpu.memory_space<semaphore_mem>>) src(%arg15 : memref<16x128xf32, #tpu.memory_space<vmem>>) dst(%dma_wait3A_226 : memref<16x128xf32, #tpu.memory_space<vmem_shared>>)
      tpu.yield
    }) : () -> ()
    %mul3A_129 = arith.constant 640 : i32
    %mul3A_130 = arith.muli %arg1, %mul3A_129 : i32
    %add3A_131 = arith.constant 320 : i32
    %add3A_132 = arith.addi %mul3A_130, %add3A_131 : i32
    "tpu.region"() ({
      %run_scoped3A = tpu.sem_alloc : memref<!tpu.dma_semaphore, #tpu.memory_space<semaphore_mem>>
      %dma_start3A_220 = arith.constant 0 : i32
      %dma_start3A_221 = tpu.memref_slice %arg16[%add3A_132, %dma_start3A_220] : memref<10240x128xf32, #tpu.memory_space<vmem_shared>> -> memref<16x128xf32, #tpu.memory_space<vmem_shared>>
      %dma_start3A_222 = arith.constant 0 : i32
      %dma_start3A_223 = tpu.memref_slice %arg16[%add3A_132, %dma_start3A_222] : memref<10240x128xf32, #tpu.memory_space<vmem_shared>> -> memref<16x128xf32, #tpu.memory_space<vmem_shared>>
      tpu.enqueue_dma source(%arg15 : memref<16x128xf32, #tpu.memory_space<vmem>>) target(%dma_start3A_223 : memref<16x128xf32, #tpu.memory_space<vmem_shared>>) target_semaphore(%run_scoped3A : memref<!tpu.dma_semaphore, #tpu.memory_space<semaphore_mem>>)
      %dma_wait3A = arith.constant 0 : i32
      %dma_wait3A_224 = tpu.memref_slice %arg16[%add3A_132, %dma_wait3A] : memref<10240x128xf32, #tpu.memory_space<vmem_shared>> -> memref<16x128xf32, #tpu.memory_space<vmem_shared>>
      %dma_wait3A_225 = arith.constant 0 : i32
      %dma_wait3A_226 = tpu.memref_slice %arg16[%add3A_132, %dma_wait3A_225] : memref<10240x128xf32, #tpu.memory_space<vmem_shared>> -> memref<16x128xf32, #tpu.memory_space<vmem_shared>>
      tpu.wait_dma2 semaphore(%run_scoped3A : memref<!tpu.dma_semaphore, #tpu.memory_space<semaphore_mem>>) src(%arg15 : memref<16x128xf32, #tpu.memory_space<vmem>>) dst(%dma_wait3A_226 : memref<16x128xf32, #tpu.memory_space<vmem_shared>>)
      tpu.yield
    }) : () -> ()
    %mul3A_133 = arith.constant 640 : i32
    %mul3A_134 = arith.muli %arg1, %mul3A_133 : i32
    %add3A_135 = arith.constant 336 : i32
    %add3A_136 = arith.addi %mul3A_134, %add3A_135 : i32
    "tpu.region"() ({
      %run_scoped3A = tpu.sem_alloc : memref<!tpu.dma_semaphore, #tpu.memory_space<semaphore_mem>>
      %dma_start3A_220 = arith.constant 0 : i32
      %dma_start3A_221 = tpu.memref_slice %arg16[%add3A_136, %dma_start3A_220] : memref<10240x128xf32, #tpu.memory_space<vmem_shared>> -> memref<16x128xf32, #tpu.memory_space<vmem_shared>>
      %dma_start3A_222 = arith.constant 0 : i32
      %dma_start3A_223 = tpu.memref_slice %arg16[%add3A_136, %dma_start3A_222] : memref<10240x128xf32, #tpu.memory_space<vmem_shared>> -> memref<16x128xf32, #tpu.memory_space<vmem_shared>>
      tpu.enqueue_dma source(%arg15 : memref<16x128xf32, #tpu.memory_space<vmem>>) target(%dma_start3A_223 : memref<16x128xf32, #tpu.memory_space<vmem_shared>>) target_semaphore(%run_scoped3A : memref<!tpu.dma_semaphore, #tpu.memory_space<semaphore_mem>>)
      %dma_wait3A = arith.constant 0 : i32
      %dma_wait3A_224 = tpu.memref_slice %arg16[%add3A_136, %dma_wait3A] : memref<10240x128xf32, #tpu.memory_space<vmem_shared>> -> memref<16x128xf32, #tpu.memory_space<vmem_shared>>
      %dma_wait3A_225 = arith.constant 0 : i32
      %dma_wait3A_226 = tpu.memref_slice %arg16[%add3A_136, %dma_wait3A_225] : memref<10240x128xf32, #tpu.memory_space<vmem_shared>> -> memref<16x128xf32, #tpu.memory_space<vmem_shared>>
      tpu.wait_dma2 semaphore(%run_scoped3A : memref<!tpu.dma_semaphore, #tpu.memory_space<semaphore_mem>>) src(%arg15 : memref<16x128xf32, #tpu.memory_space<vmem>>) dst(%dma_wait3A_226 : memref<16x128xf32, #tpu.memory_space<vmem_shared>>)
      tpu.yield
    }) : () -> ()
    %mul3A_137 = arith.constant 640 : i32
    %mul3A_138 = arith.muli %arg1, %mul3A_137 : i32
    %add3A_139 = arith.constant 352 : i32
    %add3A_140 = arith.addi %mul3A_138, %add3A_139 : i32
    "tpu.region"() ({
      %run_scoped3A = tpu.sem_alloc : memref<!tpu.dma_semaphore, #tpu.memory_space<semaphore_mem>>
      %dma_start3A_220 = arith.constant 0 : i32
      %dma_start3A_221 = tpu.memref_slice %arg16[%add3A_140, %dma_start3A_220] : memref<10240x128xf32, #tpu.memory_space<vmem_shared>> -> memref<16x128xf32, #tpu.memory_space<vmem_shared>>
      %dma_start3A_222 = arith.constant 0 : i32
      %dma_start3A_223 = tpu.memref_slice %arg16[%add3A_140, %dma_start3A_222] : memref<10240x128xf32, #tpu.memory_space<vmem_shared>> -> memref<16x128xf32, #tpu.memory_space<vmem_shared>>
      tpu.enqueue_dma source(%arg15 : memref<16x128xf32, #tpu.memory_space<vmem>>) target(%dma_start3A_223 : memref<16x128xf32, #tpu.memory_space<vmem_shared>>) target_semaphore(%run_scoped3A : memref<!tpu.dma_semaphore, #tpu.memory_space<semaphore_mem>>)
      %dma_wait3A = arith.constant 0 : i32
      %dma_wait3A_224 = tpu.memref_slice %arg16[%add3A_140, %dma_wait3A] : memref<10240x128xf32, #tpu.memory_space<vmem_shared>> -> memref<16x128xf32, #tpu.memory_space<vmem_shared>>
      %dma_wait3A_225 = arith.constant 0 : i32
      %dma_wait3A_226 = tpu.memref_slice %arg16[%add3A_140, %dma_wait3A_225] : memref<10240x128xf32, #tpu.memory_space<vmem_shared>> -> memref<16x128xf32, #tpu.memory_space<vmem_shared>>
      tpu.wait_dma2 semaphore(%run_scoped3A : memref<!tpu.dma_semaphore, #tpu.memory_space<semaphore_mem>>) src(%arg15 : memref<16x128xf32, #tpu.memory_space<vmem>>) dst(%dma_wait3A_226 : memref<16x128xf32, #tpu.memory_space<vmem_shared>>)
      tpu.yield
    }) : () -> ()
    %mul3A_141 = arith.constant 640 : i32
    %mul3A_142 = arith.muli %arg1, %mul3A_141 : i32
    %add3A_143 = arith.constant 368 : i32
    %add3A_144 = arith.addi %mul3A_142, %add3A_143 : i32
    "tpu.region"() ({
      %run_scoped3A = tpu.sem_alloc : memref<!tpu.dma_semaphore, #tpu.memory_space<semaphore_mem>>
      %dma_start3A_220 = arith.constant 0 : i32
      %dma_start3A_221 = tpu.memref_slice %arg16[%add3A_144, %dma_start3A_220] : memref<10240x128xf32, #tpu.memory_space<vmem_shared>> -> memref<16x128xf32, #tpu.memory_space<vmem_shared>>
      %dma_start3A_222 = arith.constant 0 : i32
      %dma_start3A_223 = tpu.memref_slice %arg16[%add3A_144, %dma_start3A_222] : memref<10240x128xf32, #tpu.memory_space<vmem_shared>> -> memref<16x128xf32, #tpu.memory_space<vmem_shared>>
      tpu.enqueue_dma source(%arg15 : memref<16x128xf32, #tpu.memory_space<vmem>>) target(%dma_start3A_223 : memref<16x128xf32, #tpu.memory_space<vmem_shared>>) target_semaphore(%run_scoped3A : memref<!tpu.dma_semaphore, #tpu.memory_space<semaphore_mem>>)
      %dma_wait3A = arith.constant 0 : i32
      %dma_wait3A_224 = tpu.memref_slice %arg16[%add3A_144, %dma_wait3A] : memref<10240x128xf32, #tpu.memory_space<vmem_shared>> -> memref<16x128xf32, #tpu.memory_space<vmem_shared>>
      %dma_wait3A_225 = arith.constant 0 : i32
      %dma_wait3A_226 = tpu.memref_slice %arg16[%add3A_144, %dma_wait3A_225] : memref<10240x128xf32, #tpu.memory_space<vmem_shared>> -> memref<16x128xf32, #tpu.memory_space<vmem_shared>>
      tpu.wait_dma2 semaphore(%run_scoped3A : memref<!tpu.dma_semaphore, #tpu.memory_space<semaphore_mem>>) src(%arg15 : memref<16x128xf32, #tpu.memory_space<vmem>>) dst(%dma_wait3A_226 : memref<16x128xf32, #tpu.memory_space<vmem_shared>>)
      tpu.yield
    }) : () -> ()
    %mul3A_145 = arith.constant 640 : i32
    %mul3A_146 = arith.muli %arg1, %mul3A_145 : i32
    %add3A_147 = arith.constant 384 : i32
    %add3A_148 = arith.addi %mul3A_146, %add3A_147 : i32
    "tpu.region"() ({
      %run_scoped3A = tpu.sem_alloc : memref<!tpu.dma_semaphore, #tpu.memory_space<semaphore_mem>>
      %dma_start3A_220 = arith.constant 0 : i32
      %dma_start3A_221 = tpu.memref_slice %arg16[%add3A_148, %dma_start3A_220] : memref<10240x128xf32, #tpu.memory_space<vmem_shared>> -> memref<16x128xf32, #tpu.memory_space<vmem_shared>>
      %dma_start3A_222 = arith.constant 0 : i32
      %dma_start3A_223 = tpu.memref_slice %arg16[%add3A_148, %dma_start3A_222] : memref<10240x128xf32, #tpu.memory_space<vmem_shared>> -> memref<16x128xf32, #tpu.memory_space<vmem_shared>>
      tpu.enqueue_dma source(%arg15 : memref<16x128xf32, #tpu.memory_space<vmem>>) target(%dma_start3A_223 : memref<16x128xf32, #tpu.memory_space<vmem_shared>>) target_semaphore(%run_scoped3A : memref<!tpu.dma_semaphore, #tpu.memory_space<semaphore_mem>>)
      %dma_wait3A = arith.constant 0 : i32
      %dma_wait3A_224 = tpu.memref_slice %arg16[%add3A_148, %dma_wait3A] : memref<10240x128xf32, #tpu.memory_space<vmem_shared>> -> memref<16x128xf32, #tpu.memory_space<vmem_shared>>
      %dma_wait3A_225 = arith.constant 0 : i32
      %dma_wait3A_226 = tpu.memref_slice %arg16[%add3A_148, %dma_wait3A_225] : memref<10240x128xf32, #tpu.memory_space<vmem_shared>> -> memref<16x128xf32, #tpu.memory_space<vmem_shared>>
      tpu.wait_dma2 semaphore(%run_scoped3A : memref<!tpu.dma_semaphore, #tpu.memory_space<semaphore_mem>>) src(%arg15 : memref<16x128xf32, #tpu.memory_space<vmem>>) dst(%dma_wait3A_226 : memref<16x128xf32, #tpu.memory_space<vmem_shared>>)
      tpu.yield
    }) : () -> ()
    %mul3A_149 = arith.constant 640 : i32
    %mul3A_150 = arith.muli %arg1, %mul3A_149 : i32
    %add3A_151 = arith.constant 400 : i32
    %add3A_152 = arith.addi %mul3A_150, %add3A_151 : i32
    "tpu.region"() ({
      %run_scoped3A = tpu.sem_alloc : memref<!tpu.dma_semaphore, #tpu.memory_space<semaphore_mem>>
      %dma_start3A_220 = arith.constant 0 : i32
      %dma_start3A_221 = tpu.memref_slice %arg16[%add3A_152, %dma_start3A_220] : memref<10240x128xf32, #tpu.memory_space<vmem_shared>> -> memref<16x128xf32, #tpu.memory_space<vmem_shared>>
      %dma_start3A_222 = arith.constant 0 : i32
      %dma_start3A_223 = tpu.memref_slice %arg16[%add3A_152, %dma_start3A_222] : memref<10240x128xf32, #tpu.memory_space<vmem_shared>> -> memref<16x128xf32, #tpu.memory_space<vmem_shared>>
      tpu.enqueue_dma source(%arg15 : memref<16x128xf32, #tpu.memory_space<vmem>>) target(%dma_start3A_223 : memref<16x128xf32, #tpu.memory_space<vmem_shared>>) target_semaphore(%run_scoped3A : memref<!tpu.dma_semaphore, #tpu.memory_space<semaphore_mem>>)
      %dma_wait3A = arith.constant 0 : i32
      %dma_wait3A_224 = tpu.memref_slice %arg16[%add3A_152, %dma_wait3A] : memref<10240x128xf32, #tpu.memory_space<vmem_shared>> -> memref<16x128xf32, #tpu.memory_space<vmem_shared>>
      %dma_wait3A_225 = arith.constant 0 : i32
      %dma_wait3A_226 = tpu.memref_slice %arg16[%add3A_152, %dma_wait3A_225] : memref<10240x128xf32, #tpu.memory_space<vmem_shared>> -> memref<16x128xf32, #tpu.memory_space<vmem_shared>>
      tpu.wait_dma2 semaphore(%run_scoped3A : memref<!tpu.dma_semaphore, #tpu.memory_space<semaphore_mem>>) src(%arg15 : memref<16x128xf32, #tpu.memory_space<vmem>>) dst(%dma_wait3A_226 : memref<16x128xf32, #tpu.memory_space<vmem_shared>>)
      tpu.yield
    }) : () -> ()
    %mul3A_153 = arith.constant 640 : i32
    %mul3A_154 = arith.muli %arg1, %mul3A_153 : i32
    %add3A_155 = arith.constant 416 : i32
    %add3A_156 = arith.addi %mul3A_154, %add3A_155 : i32
    "tpu.region"() ({
      %run_scoped3A = tpu.sem_alloc : memref<!tpu.dma_semaphore, #tpu.memory_space<semaphore_mem>>
      %dma_start3A_220 = arith.constant 0 : i32
      %dma_start3A_221 = tpu.memref_slice %arg16[%add3A_156, %dma_start3A_220] : memref<10240x128xf32, #tpu.memory_space<vmem_shared>> -> memref<16x128xf32, #tpu.memory_space<vmem_shared>>
      %dma_start3A_222 = arith.constant 0 : i32
      %dma_start3A_223 = tpu.memref_slice %arg16[%add3A_156, %dma_start3A_222] : memref<10240x128xf32, #tpu.memory_space<vmem_shared>> -> memref<16x128xf32, #tpu.memory_space<vmem_shared>>
      tpu.enqueue_dma source(%arg15 : memref<16x128xf32, #tpu.memory_space<vmem>>) target(%dma_start3A_223 : memref<16x128xf32, #tpu.memory_space<vmem_shared>>) target_semaphore(%run_scoped3A : memref<!tpu.dma_semaphore, #tpu.memory_space<semaphore_mem>>)
      %dma_wait3A = arith.constant 0 : i32
      %dma_wait3A_224 = tpu.memref_slice %arg16[%add3A_156, %dma_wait3A] : memref<10240x128xf32, #tpu.memory_space<vmem_shared>> -> memref<16x128xf32, #tpu.memory_space<vmem_shared>>
      %dma_wait3A_225 = arith.constant 0 : i32
      %dma_wait3A_226 = tpu.memref_slice %arg16[%add3A_156, %dma_wait3A_225] : memref<10240x128xf32, #tpu.memory_space<vmem_shared>> -> memref<16x128xf32, #tpu.memory_space<vmem_shared>>
      tpu.wait_dma2 semaphore(%run_scoped3A : memref<!tpu.dma_semaphore, #tpu.memory_space<semaphore_mem>>) src(%arg15 : memref<16x128xf32, #tpu.memory_space<vmem>>) dst(%dma_wait3A_226 : memref<16x128xf32, #tpu.memory_space<vmem_shared>>)
      tpu.yield
    }) : () -> ()
    %mul3A_157 = arith.constant 640 : i32
    %mul3A_158 = arith.muli %arg1, %mul3A_157 : i32
    %add3A_159 = arith.constant 432 : i32
    %add3A_160 = arith.addi %mul3A_158, %add3A_159 : i32
    "tpu.region"() ({
      %run_scoped3A = tpu.sem_alloc : memref<!tpu.dma_semaphore, #tpu.memory_space<semaphore_mem>>
      %dma_start3A_220 = arith.constant 0 : i32
      %dma_start3A_221 = tpu.memref_slice %arg16[%add3A_160, %dma_start3A_220] : memref<10240x128xf32, #tpu.memory_space<vmem_shared>> -> memref<16x128xf32, #tpu.memory_space<vmem_shared>>
      %dma_start3A_222 = arith.constant 0 : i32
      %dma_start3A_223 = tpu.memref_slice %arg16[%add3A_160, %dma_start3A_222] : memref<10240x128xf32, #tpu.memory_space<vmem_shared>> -> memref<16x128xf32, #tpu.memory_space<vmem_shared>>
      tpu.enqueue_dma source(%arg15 : memref<16x128xf32, #tpu.memory_space<vmem>>) target(%dma_start3A_223 : memref<16x128xf32, #tpu.memory_space<vmem_shared>>) target_semaphore(%run_scoped3A : memref<!tpu.dma_semaphore, #tpu.memory_space<semaphore_mem>>)
      %dma_wait3A = arith.constant 0 : i32
      %dma_wait3A_224 = tpu.memref_slice %arg16[%add3A_160, %dma_wait3A] : memref<10240x128xf32, #tpu.memory_space<vmem_shared>> -> memref<16x128xf32, #tpu.memory_space<vmem_shared>>
      %dma_wait3A_225 = arith.constant 0 : i32
      %dma_wait3A_226 = tpu.memref_slice %arg16[%add3A_160, %dma_wait3A_225] : memref<10240x128xf32, #tpu.memory_space<vmem_shared>> -> memref<16x128xf32, #tpu.memory_space<vmem_shared>>
      tpu.wait_dma2 semaphore(%run_scoped3A : memref<!tpu.dma_semaphore, #tpu.memory_space<semaphore_mem>>) src(%arg15 : memref<16x128xf32, #tpu.memory_space<vmem>>) dst(%dma_wait3A_226 : memref<16x128xf32, #tpu.memory_space<vmem_shared>>)
      tpu.yield
    }) : () -> ()
    %mul3A_161 = arith.constant 640 : i32
    %mul3A_162 = arith.muli %arg1, %mul3A_161 : i32
    %add3A_163 = arith.constant 448 : i32
    %add3A_164 = arith.addi %mul3A_162, %add3A_163 : i32
    "tpu.region"() ({
      %run_scoped3A = tpu.sem_alloc : memref<!tpu.dma_semaphore, #tpu.memory_space<semaphore_mem>>
      %dma_start3A_220 = arith.constant 0 : i32
      %dma_start3A_221 = tpu.memref_slice %arg16[%add3A_164, %dma_start3A_220] : memref<10240x128xf32, #tpu.memory_space<vmem_shared>> -> memref<16x128xf32, #tpu.memory_space<vmem_shared>>
      %dma_start3A_222 = arith.constant 0 : i32
      %dma_start3A_223 = tpu.memref_slice %arg16[%add3A_164, %dma_start3A_222] : memref<10240x128xf32, #tpu.memory_space<vmem_shared>> -> memref<16x128xf32, #tpu.memory_space<vmem_shared>>
      tpu.enqueue_dma source(%arg15 : memref<16x128xf32, #tpu.memory_space<vmem>>) target(%dma_start3A_223 : memref<16x128xf32, #tpu.memory_space<vmem_shared>>) target_semaphore(%run_scoped3A : memref<!tpu.dma_semaphore, #tpu.memory_space<semaphore_mem>>)
      %dma_wait3A = arith.constant 0 : i32
      %dma_wait3A_224 = tpu.memref_slice %arg16[%add3A_164, %dma_wait3A] : memref<10240x128xf32, #tpu.memory_space<vmem_shared>> -> memref<16x128xf32, #tpu.memory_space<vmem_shared>>
      %dma_wait3A_225 = arith.constant 0 : i32
      %dma_wait3A_226 = tpu.memref_slice %arg16[%add3A_164, %dma_wait3A_225] : memref<10240x128xf32, #tpu.memory_space<vmem_shared>> -> memref<16x128xf32, #tpu.memory_space<vmem_shared>>
      tpu.wait_dma2 semaphore(%run_scoped3A : memref<!tpu.dma_semaphore, #tpu.memory_space<semaphore_mem>>) src(%arg15 : memref<16x128xf32, #tpu.memory_space<vmem>>) dst(%dma_wait3A_226 : memref<16x128xf32, #tpu.memory_space<vmem_shared>>)
      tpu.yield
    }) : () -> ()
    %mul3A_165 = arith.constant 640 : i32
    %mul3A_166 = arith.muli %arg1, %mul3A_165 : i32
    %add3A_167 = arith.constant 464 : i32
    %add3A_168 = arith.addi %mul3A_166, %add3A_167 : i32
    "tpu.region"() ({
      %run_scoped3A = tpu.sem_alloc : memref<!tpu.dma_semaphore, #tpu.memory_space<semaphore_mem>>
      %dma_start3A_220 = arith.constant 0 : i32
      %dma_start3A_221 = tpu.memref_slice %arg16[%add3A_168, %dma_start3A_220] : memref<10240x128xf32, #tpu.memory_space<vmem_shared>> -> memref<16x128xf32, #tpu.memory_space<vmem_shared>>
      %dma_start3A_222 = arith.constant 0 : i32
      %dma_start3A_223 = tpu.memref_slice %arg16[%add3A_168, %dma_start3A_222] : memref<10240x128xf32, #tpu.memory_space<vmem_shared>> -> memref<16x128xf32, #tpu.memory_space<vmem_shared>>
      tpu.enqueue_dma source(%arg15 : memref<16x128xf32, #tpu.memory_space<vmem>>) target(%dma_start3A_223 : memref<16x128xf32, #tpu.memory_space<vmem_shared>>) target_semaphore(%run_scoped3A : memref<!tpu.dma_semaphore, #tpu.memory_space<semaphore_mem>>)
      %dma_wait3A = arith.constant 0 : i32
      %dma_wait3A_224 = tpu.memref_slice %arg16[%add3A_168, %dma_wait3A] : memref<10240x128xf32, #tpu.memory_space<vmem_shared>> -> memref<16x128xf32, #tpu.memory_space<vmem_shared>>
      %dma_wait3A_225 = arith.constant 0 : i32
      %dma_wait3A_226 = tpu.memref_slice %arg16[%add3A_168, %dma_wait3A_225] : memref<10240x128xf32, #tpu.memory_space<vmem_shared>> -> memref<16x128xf32, #tpu.memory_space<vmem_shared>>
      tpu.wait_dma2 semaphore(%run_scoped3A : memref<!tpu.dma_semaphore, #tpu.memory_space<semaphore_mem>>) src(%arg15 : memref<16x128xf32, #tpu.memory_space<vmem>>) dst(%dma_wait3A_226 : memref<16x128xf32, #tpu.memory_space<vmem_shared>>)
      tpu.yield
    }) : () -> ()
    %mul3A_169 = arith.constant 640 : i32
    %mul3A_170 = arith.muli %arg1, %mul3A_169 : i32
    %add3A_171 = arith.constant 480 : i32
    %add3A_172 = arith.addi %mul3A_170, %add3A_171 : i32
    "tpu.region"() ({
      %run_scoped3A = tpu.sem_alloc : memref<!tpu.dma_semaphore, #tpu.memory_space<semaphore_mem>>
      %dma_start3A_220 = arith.constant 0 : i32
      %dma_start3A_221 = tpu.memref_slice %arg16[%add3A_172, %dma_start3A_220] : memref<10240x128xf32, #tpu.memory_space<vmem_shared>> -> memref<16x128xf32, #tpu.memory_space<vmem_shared>>
      %dma_start3A_222 = arith.constant 0 : i32
      %dma_start3A_223 = tpu.memref_slice %arg16[%add3A_172, %dma_start3A_222] : memref<10240x128xf32, #tpu.memory_space<vmem_shared>> -> memref<16x128xf32, #tpu.memory_space<vmem_shared>>
      tpu.enqueue_dma source(%arg15 : memref<16x128xf32, #tpu.memory_space<vmem>>) target(%dma_start3A_223 : memref<16x128xf32, #tpu.memory_space<vmem_shared>>) target_semaphore(%run_scoped3A : memref<!tpu.dma_semaphore, #tpu.memory_space<semaphore_mem>>)
      %dma_wait3A = arith.constant 0 : i32
      %dma_wait3A_224 = tpu.memref_slice %arg16[%add3A_172, %dma_wait3A] : memref<10240x128xf32, #tpu.memory_space<vmem_shared>> -> memref<16x128xf32, #tpu.memory_space<vmem_shared>>
      %dma_wait3A_225 = arith.constant 0 : i32
      %dma_wait3A_226 = tpu.memref_slice %arg16[%add3A_172, %dma_wait3A_225] : memref<10240x128xf32, #tpu.memory_space<vmem_shared>> -> memref<16x128xf32, #tpu.memory_space<vmem_shared>>
      tpu.wait_dma2 semaphore(%run_scoped3A : memref<!tpu.dma_semaphore, #tpu.memory_space<semaphore_mem>>) src(%arg15 : memref<16x128xf32, #tpu.memory_space<vmem>>) dst(%dma_wait3A_226 : memref<16x128xf32, #tpu.memory_space<vmem_shared>>)
      tpu.yield
    }) : () -> ()
    %mul3A_173 = arith.constant 640 : i32
    %mul3A_174 = arith.muli %arg1, %mul3A_173 : i32
    %add3A_175 = arith.constant 496 : i32
    %add3A_176 = arith.addi %mul3A_174, %add3A_175 : i32
    "tpu.region"() ({
      %run_scoped3A = tpu.sem_alloc : memref<!tpu.dma_semaphore, #tpu.memory_space<semaphore_mem>>
      %dma_start3A_220 = arith.constant 0 : i32
      %dma_start3A_221 = tpu.memref_slice %arg16[%add3A_176, %dma_start3A_220] : memref<10240x128xf32, #tpu.memory_space<vmem_shared>> -> memref<16x128xf32, #tpu.memory_space<vmem_shared>>
      %dma_start3A_222 = arith.constant 0 : i32
      %dma_start3A_223 = tpu.memref_slice %arg16[%add3A_176, %dma_start3A_222] : memref<10240x128xf32, #tpu.memory_space<vmem_shared>> -> memref<16x128xf32, #tpu.memory_space<vmem_shared>>
      tpu.enqueue_dma source(%arg15 : memref<16x128xf32, #tpu.memory_space<vmem>>) target(%dma_start3A_223 : memref<16x128xf32, #tpu.memory_space<vmem_shared>>) target_semaphore(%run_scoped3A : memref<!tpu.dma_semaphore, #tpu.memory_space<semaphore_mem>>)
      %dma_wait3A = arith.constant 0 : i32
      %dma_wait3A_224 = tpu.memref_slice %arg16[%add3A_176, %dma_wait3A] : memref<10240x128xf32, #tpu.memory_space<vmem_shared>> -> memref<16x128xf32, #tpu.memory_space<vmem_shared>>
      %dma_wait3A_225 = arith.constant 0 : i32
      %dma_wait3A_226 = tpu.memref_slice %arg16[%add3A_176, %dma_wait3A_225] : memref<10240x128xf32, #tpu.memory_space<vmem_shared>> -> memref<16x128xf32, #tpu.memory_space<vmem_shared>>
      tpu.wait_dma2 semaphore(%run_scoped3A : memref<!tpu.dma_semaphore, #tpu.memory_space<semaphore_mem>>) src(%arg15 : memref<16x128xf32, #tpu.memory_space<vmem>>) dst(%dma_wait3A_226 : memref<16x128xf32, #tpu.memory_space<vmem_shared>>)
      tpu.yield
    }) : () -> ()
    %mul3A_177 = arith.constant 640 : i32
    %mul3A_178 = arith.muli %arg1, %mul3A_177 : i32
    %add3A_179 = arith.constant 512 : i32
    %add3A_180 = arith.addi %mul3A_178, %add3A_179 : i32
    "tpu.region"() ({
      %run_scoped3A = tpu.sem_alloc : memref<!tpu.dma_semaphore, #tpu.memory_space<semaphore_mem>>
      %dma_start3A_220 = arith.constant 0 : i32
      %dma_start3A_221 = tpu.memref_slice %arg16[%add3A_180, %dma_start3A_220] : memref<10240x128xf32, #tpu.memory_space<vmem_shared>> -> memref<16x128xf32, #tpu.memory_space<vmem_shared>>
      %dma_start3A_222 = arith.constant 0 : i32
      %dma_start3A_223 = tpu.memref_slice %arg16[%add3A_180, %dma_start3A_222] : memref<10240x128xf32, #tpu.memory_space<vmem_shared>> -> memref<16x128xf32, #tpu.memory_space<vmem_shared>>
      tpu.enqueue_dma source(%arg15 : memref<16x128xf32, #tpu.memory_space<vmem>>) target(%dma_start3A_223 : memref<16x128xf32, #tpu.memory_space<vmem_shared>>) target_semaphore(%run_scoped3A : memref<!tpu.dma_semaphore, #tpu.memory_space<semaphore_mem>>)
      %dma_wait3A = arith.constant 0 : i32
      %dma_wait3A_224 = tpu.memref_slice %arg16[%add3A_180, %dma_wait3A] : memref<10240x128xf32, #tpu.memory_space<vmem_shared>> -> memref<16x128xf32, #tpu.memory_space<vmem_shared>>
      %dma_wait3A_225 = arith.constant 0 : i32
      %dma_wait3A_226 = tpu.memref_slice %arg16[%add3A_180, %dma_wait3A_225] : memref<10240x128xf32, #tpu.memory_space<vmem_shared>> -> memref<16x128xf32, #tpu.memory_space<vmem_shared>>
      tpu.wait_dma2 semaphore(%run_scoped3A : memref<!tpu.dma_semaphore, #tpu.memory_space<semaphore_mem>>) src(%arg15 : memref<16x128xf32, #tpu.memory_space<vmem>>) dst(%dma_wait3A_226 : memref<16x128xf32, #tpu.memory_space<vmem_shared>>)
      tpu.yield
    }) : () -> ()
    %mul3A_181 = arith.constant 640 : i32
    %mul3A_182 = arith.muli %arg1, %mul3A_181 : i32
    %add3A_183 = arith.constant 528 : i32
    %add3A_184 = arith.addi %mul3A_182, %add3A_183 : i32
    "tpu.region"() ({
      %run_scoped3A = tpu.sem_alloc : memref<!tpu.dma_semaphore, #tpu.memory_space<semaphore_mem>>
      %dma_start3A_220 = arith.constant 0 : i32
      %dma_start3A_221 = tpu.memref_slice %arg16[%add3A_184, %dma_start3A_220] : memref<10240x128xf32, #tpu.memory_space<vmem_shared>> -> memref<16x128xf32, #tpu.memory_space<vmem_shared>>
      %dma_start3A_222 = arith.constant 0 : i32
      %dma_start3A_223 = tpu.memref_slice %arg16[%add3A_184, %dma_start3A_222] : memref<10240x128xf32, #tpu.memory_space<vmem_shared>> -> memref<16x128xf32, #tpu.memory_space<vmem_shared>>
      tpu.enqueue_dma source(%arg15 : memref<16x128xf32, #tpu.memory_space<vmem>>) target(%dma_start3A_223 : memref<16x128xf32, #tpu.memory_space<vmem_shared>>) target_semaphore(%run_scoped3A : memref<!tpu.dma_semaphore, #tpu.memory_space<semaphore_mem>>)
      %dma_wait3A = arith.constant 0 : i32
      %dma_wait3A_224 = tpu.memref_slice %arg16[%add3A_184, %dma_wait3A] : memref<10240x128xf32, #tpu.memory_space<vmem_shared>> -> memref<16x128xf32, #tpu.memory_space<vmem_shared>>
      %dma_wait3A_225 = arith.constant 0 : i32
      %dma_wait3A_226 = tpu.memref_slice %arg16[%add3A_184, %dma_wait3A_225] : memref<10240x128xf32, #tpu.memory_space<vmem_shared>> -> memref<16x128xf32, #tpu.memory_space<vmem_shared>>
      tpu.wait_dma2 semaphore(%run_scoped3A : memref<!tpu.dma_semaphore, #tpu.memory_space<semaphore_mem>>) src(%arg15 : memref<16x128xf32, #tpu.memory_space<vmem>>) dst(%dma_wait3A_226 : memref<16x128xf32, #tpu.memory_space<vmem_shared>>)
      tpu.yield
    }) : () -> ()
    %mul3A_185 = arith.constant 640 : i32
    %mul3A_186 = arith.muli %arg1, %mul3A_185 : i32
    %add3A_187 = arith.constant 544 : i32
    %add3A_188 = arith.addi %mul3A_186, %add3A_187 : i32
    "tpu.region"() ({
      %run_scoped3A = tpu.sem_alloc : memref<!tpu.dma_semaphore, #tpu.memory_space<semaphore_mem>>
      %dma_start3A_220 = arith.constant 0 : i32
      %dma_start3A_221 = tpu.memref_slice %arg16[%add3A_188, %dma_start3A_220] : memref<10240x128xf32, #tpu.memory_space<vmem_shared>> -> memref<16x128xf32, #tpu.memory_space<vmem_shared>>
      %dma_start3A_222 = arith.constant 0 : i32
      %dma_start3A_223 = tpu.memref_slice %arg16[%add3A_188, %dma_start3A_222] : memref<10240x128xf32, #tpu.memory_space<vmem_shared>> -> memref<16x128xf32, #tpu.memory_space<vmem_shared>>
      tpu.enqueue_dma source(%arg15 : memref<16x128xf32, #tpu.memory_space<vmem>>) target(%dma_start3A_223 : memref<16x128xf32, #tpu.memory_space<vmem_shared>>) target_semaphore(%run_scoped3A : memref<!tpu.dma_semaphore, #tpu.memory_space<semaphore_mem>>)
      %dma_wait3A = arith.constant 0 : i32
      %dma_wait3A_224 = tpu.memref_slice %arg16[%add3A_188, %dma_wait3A] : memref<10240x128xf32, #tpu.memory_space<vmem_shared>> -> memref<16x128xf32, #tpu.memory_space<vmem_shared>>
      %dma_wait3A_225 = arith.constant 0 : i32
      %dma_wait3A_226 = tpu.memref_slice %arg16[%add3A_188, %dma_wait3A_225] : memref<10240x128xf32, #tpu.memory_space<vmem_shared>> -> memref<16x128xf32, #tpu.memory_space<vmem_shared>>
      tpu.wait_dma2 semaphore(%run_scoped3A : memref<!tpu.dma_semaphore, #tpu.memory_space<semaphore_mem>>) src(%arg15 : memref<16x128xf32, #tpu.memory_space<vmem>>) dst(%dma_wait3A_226 : memref<16x128xf32, #tpu.memory_space<vmem_shared>>)
      tpu.yield
    }) : () -> ()
    %mul3A_189 = arith.constant 640 : i32
    %mul3A_190 = arith.muli %arg1, %mul3A_189 : i32
    %add3A_191 = arith.constant 560 : i32
    %add3A_192 = arith.addi %mul3A_190, %add3A_191 : i32
    "tpu.region"() ({
      %run_scoped3A = tpu.sem_alloc : memref<!tpu.dma_semaphore, #tpu.memory_space<semaphore_mem>>
      %dma_start3A_220 = arith.constant 0 : i32
      %dma_start3A_221 = tpu.memref_slice %arg16[%add3A_192, %dma_start3A_220] : memref<10240x128xf32, #tpu.memory_space<vmem_shared>> -> memref<16x128xf32, #tpu.memory_space<vmem_shared>>
      %dma_start3A_222 = arith.constant 0 : i32
      %dma_start3A_223 = tpu.memref_slice %arg16[%add3A_192, %dma_start3A_222] : memref<10240x128xf32, #tpu.memory_space<vmem_shared>> -> memref<16x128xf32, #tpu.memory_space<vmem_shared>>
      tpu.enqueue_dma source(%arg15 : memref<16x128xf32, #tpu.memory_space<vmem>>) target(%dma_start3A_223 : memref<16x128xf32, #tpu.memory_space<vmem_shared>>) target_semaphore(%run_scoped3A : memref<!tpu.dma_semaphore, #tpu.memory_space<semaphore_mem>>)
      %dma_wait3A = arith.constant 0 : i32
      %dma_wait3A_224 = tpu.memref_slice %arg16[%add3A_192, %dma_wait3A] : memref<10240x128xf32, #tpu.memory_space<vmem_shared>> -> memref<16x128xf32, #tpu.memory_space<vmem_shared>>
      %dma_wait3A_225 = arith.constant 0 : i32
      %dma_wait3A_226 = tpu.memref_slice %arg16[%add3A_192, %dma_wait3A_225] : memref<10240x128xf32, #tpu.memory_space<vmem_shared>> -> memref<16x128xf32, #tpu.memory_space<vmem_shared>>
      tpu.wait_dma2 semaphore(%run_scoped3A : memref<!tpu.dma_semaphore, #tpu.memory_space<semaphore_mem>>) src(%arg15 : memref<16x128xf32, #tpu.memory_space<vmem>>) dst(%dma_wait3A_226 : memref<16x128xf32, #tpu.memory_space<vmem_shared>>)
      tpu.yield
    }) : () -> ()
    %mul3A_193 = arith.constant 640 : i32
    %mul3A_194 = arith.muli %arg1, %mul3A_193 : i32
    %add3A_195 = arith.constant 576 : i32
    %add3A_196 = arith.addi %mul3A_194, %add3A_195 : i32
    "tpu.region"() ({
      %run_scoped3A = tpu.sem_alloc : memref<!tpu.dma_semaphore, #tpu.memory_space<semaphore_mem>>
      %dma_start3A_220 = arith.constant 0 : i32
      %dma_start3A_221 = tpu.memref_slice %arg16[%add3A_196, %dma_start3A_220] : memref<10240x128xf32, #tpu.memory_space<vmem_shared>> -> memref<16x128xf32, #tpu.memory_space<vmem_shared>>
      %dma_start3A_222 = arith.constant 0 : i32
      %dma_start3A_223 = tpu.memref_slice %arg16[%add3A_196, %dma_start3A_222] : memref<10240x128xf32, #tpu.memory_space<vmem_shared>> -> memref<16x128xf32, #tpu.memory_space<vmem_shared>>
      tpu.enqueue_dma source(%arg15 : memref<16x128xf32, #tpu.memory_space<vmem>>) target(%dma_start3A_223 : memref<16x128xf32, #tpu.memory_space<vmem_shared>>) target_semaphore(%run_scoped3A : memref<!tpu.dma_semaphore, #tpu.memory_space<semaphore_mem>>)
      %dma_wait3A = arith.constant 0 : i32
      %dma_wait3A_224 = tpu.memref_slice %arg16[%add3A_196, %dma_wait3A] : memref<10240x128xf32, #tpu.memory_space<vmem_shared>> -> memref<16x128xf32, #tpu.memory_space<vmem_shared>>
      %dma_wait3A_225 = arith.constant 0 : i32
      %dma_wait3A_226 = tpu.memref_slice %arg16[%add3A_196, %dma_wait3A_225] : memref<10240x128xf32, #tpu.memory_space<vmem_shared>> -> memref<16x128xf32, #tpu.memory_space<vmem_shared>>
      tpu.wait_dma2 semaphore(%run_scoped3A : memref<!tpu.dma_semaphore, #tpu.memory_space<semaphore_mem>>) src(%arg15 : memref<16x128xf32, #tpu.memory_space<vmem>>) dst(%dma_wait3A_226 : memref<16x128xf32, #tpu.memory_space<vmem_shared>>)
      tpu.yield
    }) : () -> ()
    %mul3A_197 = arith.constant 640 : i32
    %mul3A_198 = arith.muli %arg1, %mul3A_197 : i32
    %add3A_199 = arith.constant 592 : i32
    %add3A_200 = arith.addi %mul3A_198, %add3A_199 : i32
    "tpu.region"() ({
      %run_scoped3A = tpu.sem_alloc : memref<!tpu.dma_semaphore, #tpu.memory_space<semaphore_mem>>
      %dma_start3A_220 = arith.constant 0 : i32
      %dma_start3A_221 = tpu.memref_slice %arg16[%add3A_200, %dma_start3A_220] : memref<10240x128xf32, #tpu.memory_space<vmem_shared>> -> memref<16x128xf32, #tpu.memory_space<vmem_shared>>
      %dma_start3A_222 = arith.constant 0 : i32
      %dma_start3A_223 = tpu.memref_slice %arg16[%add3A_200, %dma_start3A_222] : memref<10240x128xf32, #tpu.memory_space<vmem_shared>> -> memref<16x128xf32, #tpu.memory_space<vmem_shared>>
      tpu.enqueue_dma source(%arg15 : memref<16x128xf32, #tpu.memory_space<vmem>>) target(%dma_start3A_223 : memref<16x128xf32, #tpu.memory_space<vmem_shared>>) target_semaphore(%run_scoped3A : memref<!tpu.dma_semaphore, #tpu.memory_space<semaphore_mem>>)
      %dma_wait3A = arith.constant 0 : i32
      %dma_wait3A_224 = tpu.memref_slice %arg16[%add3A_200, %dma_wait3A] : memref<10240x128xf32, #tpu.memory_space<vmem_shared>> -> memref<16x128xf32, #tpu.memory_space<vmem_shared>>
      %dma_wait3A_225 = arith.constant 0 : i32
      %dma_wait3A_226 = tpu.memref_slice %arg16[%add3A_200, %dma_wait3A_225] : memref<10240x128xf32, #tpu.memory_space<vmem_shared>> -> memref<16x128xf32, #tpu.memory_space<vmem_shared>>
      tpu.wait_dma2 semaphore(%run_scoped3A : memref<!tpu.dma_semaphore, #tpu.memory_space<semaphore_mem>>) src(%arg15 : memref<16x128xf32, #tpu.memory_space<vmem>>) dst(%dma_wait3A_226 : memref<16x128xf32, #tpu.memory_space<vmem_shared>>)
      tpu.yield
    }) : () -> ()
    %mul3A_201 = arith.constant 640 : i32
    %mul3A_202 = arith.muli %arg1, %mul3A_201 : i32
    %add3A_203 = arith.constant 608 : i32
    %add3A_204 = arith.addi %mul3A_202, %add3A_203 : i32
    "tpu.region"() ({
      %run_scoped3A = tpu.sem_alloc : memref<!tpu.dma_semaphore, #tpu.memory_space<semaphore_mem>>
      %dma_start3A_220 = arith.constant 0 : i32
      %dma_start3A_221 = tpu.memref_slice %arg16[%add3A_204, %dma_start3A_220] : memref<10240x128xf32, #tpu.memory_space<vmem_shared>> -> memref<16x128xf32, #tpu.memory_space<vmem_shared>>
      %dma_start3A_222 = arith.constant 0 : i32
      %dma_start3A_223 = tpu.memref_slice %arg16[%add3A_204, %dma_start3A_222] : memref<10240x128xf32, #tpu.memory_space<vmem_shared>> -> memref<16x128xf32, #tpu.memory_space<vmem_shared>>
      tpu.enqueue_dma source(%arg15 : memref<16x128xf32, #tpu.memory_space<vmem>>) target(%dma_start3A_223 : memref<16x128xf32, #tpu.memory_space<vmem_shared>>) target_semaphore(%run_scoped3A : memref<!tpu.dma_semaphore, #tpu.memory_space<semaphore_mem>>)
      %dma_wait3A = arith.constant 0 : i32
      %dma_wait3A_224 = tpu.memref_slice %arg16[%add3A_204, %dma_wait3A] : memref<10240x128xf32, #tpu.memory_space<vmem_shared>> -> memref<16x128xf32, #tpu.memory_space<vmem_shared>>
      %dma_wait3A_225 = arith.constant 0 : i32
      %dma_wait3A_226 = tpu.memref_slice %arg16[%add3A_204, %dma_wait3A_225] : memref<10240x128xf32, #tpu.memory_space<vmem_shared>> -> memref<16x128xf32, #tpu.memory_space<vmem_shared>>
      tpu.wait_dma2 semaphore(%run_scoped3A : memref<!tpu.dma_semaphore, #tpu.memory_space<semaphore_mem>>) src(%arg15 : memref<16x128xf32, #tpu.memory_space<vmem>>) dst(%dma_wait3A_226 : memref<16x128xf32, #tpu.memory_space<vmem_shared>>)
      tpu.yield
    }) : () -> ()
    %mul3A_205 = arith.constant 640 : i32
    %mul3A_206 = arith.muli %arg1, %mul3A_205 : i32
    %add3A_207 = arith.constant 624 : i32
    %add3A_208 = arith.addi %mul3A_206, %add3A_207 : i32
    "tpu.region"() ({
      %run_scoped3A = tpu.sem_alloc : memref<!tpu.dma_semaphore, #tpu.memory_space<semaphore_mem>>
      %dma_start3A_220 = arith.constant 0 : i32
      %dma_start3A_221 = tpu.memref_slice %arg16[%add3A_208, %dma_start3A_220] : memref<10240x128xf32, #tpu.memory_space<vmem_shared>> -> memref<16x128xf32, #tpu.memory_space<vmem_shared>>
      %dma_start3A_222 = arith.constant 0 : i32
      %dma_start3A_223 = tpu.memref_slice %arg16[%add3A_208, %dma_start3A_222] : memref<10240x128xf32, #tpu.memory_space<vmem_shared>> -> memref<16x128xf32, #tpu.memory_space<vmem_shared>>
      tpu.enqueue_dma source(%arg15 : memref<16x128xf32, #tpu.memory_space<vmem>>) target(%dma_start3A_223 : memref<16x128xf32, #tpu.memory_space<vmem_shared>>) target_semaphore(%run_scoped3A : memref<!tpu.dma_semaphore, #tpu.memory_space<semaphore_mem>>)
      %dma_wait3A = arith.constant 0 : i32
      %dma_wait3A_224 = tpu.memref_slice %arg16[%add3A_208, %dma_wait3A] : memref<10240x128xf32, #tpu.memory_space<vmem_shared>> -> memref<16x128xf32, #tpu.memory_space<vmem_shared>>
      %dma_wait3A_225 = arith.constant 0 : i32
      %dma_wait3A_226 = tpu.memref_slice %arg16[%add3A_208, %dma_wait3A_225] : memref<10240x128xf32, #tpu.memory_space<vmem_shared>> -> memref<16x128xf32, #tpu.memory_space<vmem_shared>>
      tpu.wait_dma2 semaphore(%run_scoped3A : memref<!tpu.dma_semaphore, #tpu.memory_space<semaphore_mem>>) src(%arg15 : memref<16x128xf32, #tpu.memory_space<vmem>>) dst(%dma_wait3A_226 : memref<16x128xf32, #tpu.memory_space<vmem_shared>>)
      tpu.yield
    }) : () -> ()
    %barrier3A = arith.constant 0 : index
    tpu.barrier barrier_id(%barrier3A)
    %scan3A_209 = arith.constant 0 : i32
    %scan3A_210 = arith.constant 0 : i32
    %scan3A_211 = arith.constant 57 : i32
    %scan3A_212 = arith.addi %scan3A_210, %scan3A_211 : i32
    %scan3A_213 = arith.constant 1 : i32
    scf.for %scan3A_220 = %scan3A_210 to %scan3A_212 step %scan3A_213  : i32 {
      %mul3A_221 = arith.constant 2 : i32
      %mul3A_222 = arith.muli %mul3A_221, %scan3A_220 : i32
      %dma_wait3A = arith.constant 0 : i32
      %dma_wait3A_223 = arith.constant 0 : i32
      %dma_wait3A_224 = arith.constant 0 : i32
      %dma_wait3A_225 = tpu.memref_slice %arg3[%dma_wait3A, %dma_wait3A_223, %dma_wait3A_224] : memref<3648x88x128xf32, #tpu.memory_space<hbm>> -> memref<1x88x128xf32, #tpu.memory_space<hbm>>
      %dma_wait3A_226 = tpu.memref_squeeze %dma_wait3A_225 : memref<1x88x128xf32, #tpu.memory_space<hbm>> -> memref<88x128xf32, #tpu.memory_space<hbm>>
      %dma_wait3A_227 = arith.constant 0 : i32
      %dma_wait3A_228 = arith.constant 0 : i32
      %dma_wait3A_229 = tpu.memref_slice %arg3[%dma_wait3A, %dma_wait3A_227, %dma_wait3A_228] : memref<3648x88x128xf32, #tpu.memory_space<hbm>> -> memref<1x88x128xf32, #tpu.memory_space<hbm>>
      %dma_wait3A_230 = tpu.memref_squeeze %dma_wait3A_229 : memref<1x88x128xf32, #tpu.memory_space<hbm>> -> memref<88x128xf32, #tpu.memory_space<hbm>>
      tpu.wait_dma2 semaphore(%arg17 : memref<!tpu.dma_semaphore, #tpu.memory_space<semaphore_mem>>) src(%dma_wait3A_230 : memref<88x128xf32, #tpu.memory_space<hbm>>) dst(%arg11 : memref<88x128xf32, #tpu.memory_space<vmem>>)
      %dma_wait3A_231 = arith.constant 0 : i32
      %dma_wait3A_232 = arith.constant 0 : i32
      %dma_wait3A_233 = arith.constant 0 : i32
      %dma_wait3A_234 = tpu.memref_slice %arg3[%dma_wait3A_231, %dma_wait3A_232, %dma_wait3A_233] : memref<3648x88x128xf32, #tpu.memory_space<hbm>> -> memref<1x88x128xf32, #tpu.memory_space<hbm>>
      %dma_wait3A_235 = tpu.memref_squeeze %dma_wait3A_234 : memref<1x88x128xf32, #tpu.memory_space<hbm>> -> memref<88x128xf32, #tpu.memory_space<hbm>>
      %dma_wait3A_236 = arith.constant 0 : i32
      %dma_wait3A_237 = arith.constant 0 : i32
      %dma_wait3A_238 = tpu.memref_slice %arg3[%dma_wait3A_231, %dma_wait3A_236, %dma_wait3A_237] : memref<3648x88x128xf32, #tpu.memory_space<hbm>> -> memref<1x88x128xf32, #tpu.memory_space<hbm>>
      %dma_wait3A_239 = tpu.memref_squeeze %dma_wait3A_238 : memref<1x88x128xf32, #tpu.memory_space<hbm>> -> memref<88x128xf32, #tpu.memory_space<hbm>>
      tpu.wait_dma2 semaphore(%arg18 : memref<!tpu.dma_semaphore, #tpu.memory_space<semaphore_mem>>) src(%dma_wait3A_239 : memref<88x128xf32, #tpu.memory_space<hbm>>) dst(%arg12 : memref<88x128xf32, #tpu.memory_space<vmem>>)
      "tpu.region"() ({
        %run_scoped3A = tpu.sem_alloc : memref<!tpu.dma_semaphore, #tpu.memory_space<semaphore_mem>>
        %dma_start3A_273 = arith.constant 0 : i32
        %dma_start3A_274 = arith.constant 0 : i32
        %dma_start3A_275 = tpu.memref_slice %arg16[%dma_start3A_273, %dma_start3A_274] : memref<10240x128xf32, #tpu.memory_space<vmem_shared>> -> memref<10240x128xf32, #tpu.memory_space<vmem_shared>>
        tpu.enqueue_indirect_dma source(%arg11 : memref<88x128xf32, #tpu.memory_space<vmem>>) target(%dma_start3A_275 : memref<10240x128xf32, #tpu.memory_space<vmem_shared>>) offsets(%arg8 : memref<88xi32, #tpu.memory_space<vmem>>) semaphore(%run_scoped3A : memref<!tpu.dma_semaphore, #tpu.memory_space<semaphore_mem>>) {add = true}
        %dma_wait3A_276 = arith.constant 0 : i32
        %dma_wait3A_277 = arith.constant 0 : i32
        %dma_wait3A_278 = tpu.memref_slice %arg16[%dma_wait3A_276, %dma_wait3A_277] : memref<10240x128xf32, #tpu.memory_space<vmem_shared>> -> memref<10240x128xf32, #tpu.memory_space<vmem_shared>>
        tpu.wait_indirect_dma semaphore(%run_scoped3A : memref<!tpu.dma_semaphore, #tpu.memory_space<semaphore_mem>>) src(%arg11 : memref<88x128xf32, #tpu.memory_space<vmem>>) dst(%dma_wait3A_278 : memref<10240x128xf32, #tpu.memory_space<vmem_shared>>)
        tpu.yield
      }) : () -> ()
      "tpu.region"() ({
        %run_scoped3A = tpu.sem_alloc : memref<!tpu.dma_semaphore, #tpu.memory_space<semaphore_mem>>
        %dma_start3A_273 = arith.constant 0 : i32
        %dma_start3A_274 = arith.constant 0 : i32
        %dma_start3A_275 = tpu.memref_slice %arg16[%dma_start3A_273, %dma_start3A_274] : memref<10240x128xf32, #tpu.memory_space<vmem_shared>> -> memref<10240x128xf32, #tpu.memory_space<vmem_shared>>
        tpu.enqueue_indirect_dma source(%arg12 : memref<88x128xf32, #tpu.memory_space<vmem>>) target(%dma_start3A_275 : memref<10240x128xf32, #tpu.memory_space<vmem_shared>>) offsets(%arg8 : memref<88xi32, #tpu.memory_space<vmem>>) semaphore(%run_scoped3A : memref<!tpu.dma_semaphore, #tpu.memory_space<semaphore_mem>>) {add = true}
        %dma_wait3A_276 = arith.constant 0 : i32
        %dma_wait3A_277 = arith.constant 0 : i32
        %dma_wait3A_278 = tpu.memref_slice %arg16[%dma_wait3A_276, %dma_wait3A_277] : memref<10240x128xf32, #tpu.memory_space<vmem_shared>> -> memref<10240x128xf32, #tpu.memory_space<vmem_shared>>
        tpu.wait_indirect_dma semaphore(%run_scoped3A : memref<!tpu.dma_semaphore, #tpu.memory_space<semaphore_mem>>) src(%arg12 : memref<88x128xf32, #tpu.memory_space<vmem>>) dst(%dma_wait3A_278 : memref<10240x128xf32, #tpu.memory_space<vmem_shared>>)
        tpu.yield
      }) : () -> ()
      %add3A_240 = arith.constant 2 : i32
      %add3A_241 = arith.addi %mul3A_222, %add3A_240 : i32
      %lt3A = arith.constant 114 : i32
      %lt3A_242 = arith.cmpi slt, %add3A_241, %lt3A : i32
      %convert_element_type3A = arith.extui %lt3A_242 : i1 to i32
      %cond3A = arith.constant 0 : i32
      %cond3A_243 = arith.cmpi ne, %convert_element_type3A, %cond3A : i32
      scf.if %cond3A_243 {
        %add3A_273 = arith.constant 2 : i32
        %add3A_274 = arith.addi %mul3A_222, %add3A_273 : i32
        %add3A_275 = arith.addi %mul3A_2, %add3A_274 : i32
        %mul3A_276 = arith.constant 88 : i32
        %mul3A_277 = arith.muli %add3A_275, %mul3A_276 : i32
        "tpu.region"() ({
          %run_scoped3A = tpu.sem_alloc : memref<!tpu.dma_semaphore, #tpu.memory_space<semaphore_mem>>
          %dma_start3A_295 = tpu.memref_slice %arg4[%mul3A_277] : memref<321024xi32, #tpu.memory_space<hbm>> -> memref<88xi32, #tpu.memory_space<hbm>>
          %dma_start3A_296 = tpu.memref_slice %arg4[%mul3A_277] : memref<321024xi32, #tpu.memory_space<hbm>> -> memref<88xi32, #tpu.memory_space<hbm>>
          tpu.enqueue_dma source(%dma_start3A_296 : memref<88xi32, #tpu.memory_space<hbm>>) target(%arg7 : memref<88xi32, #tpu.memory_space<vmem>>) target_semaphore(%run_scoped3A : memref<!tpu.dma_semaphore, #tpu.memory_space<semaphore_mem>>)
          %dma_wait3A_297 = tpu.memref_slice %arg4[%mul3A_277] : memref<321024xi32, #tpu.memory_space<hbm>> -> memref<88xi32, #tpu.memory_space<hbm>>
          %dma_wait3A_298 = tpu.memref_slice %arg4[%mul3A_277] : memref<321024xi32, #tpu.memory_space<hbm>> -> memref<88xi32, #tpu.memory_space<hbm>>
          tpu.wait_dma2 semaphore(%run_scoped3A : memref<!tpu.dma_semaphore, #tpu.memory_space<semaphore_mem>>) src(%dma_wait3A_298 : memref<88xi32, #tpu.memory_space<hbm>>) dst(%arg7 : memref<88xi32, #tpu.memory_space<vmem>>)
          tpu.yield
        }) : () -> ()
        %add3A_278 = arith.addi %mul3A_2, %add3A_274 : i32
        %mul3A_279 = arith.constant 88 : i32
        %mul3A_280 = arith.muli %add3A_278, %mul3A_279 : i32
        "tpu.region"() ({
          %run_scoped3A = tpu.sem_alloc : memref<!tpu.dma_semaphore, #tpu.memory_space<semaphore_mem>>
          %dma_start3A_295 = tpu.memref_slice %arg5[%mul3A_280] : memref<321024xi32, #tpu.memory_space<hbm>> -> memref<88xi32, #tpu.memory_space<hbm>>
          %dma_start3A_296 = tpu.memref_slice %arg5[%mul3A_280] : memref<321024xi32, #tpu.memory_space<hbm>> -> memref<88xi32, #tpu.memory_space<hbm>>
          tpu.enqueue_dma source(%dma_start3A_296 : memref<88xi32, #tpu.memory_space<hbm>>) target(%arg8 : memref<88xi32, #tpu.memory_space<vmem>>) target_semaphore(%run_scoped3A : memref<!tpu.dma_semaphore, #tpu.memory_space<semaphore_mem>>)
          %dma_wait3A_297 = tpu.memref_slice %arg5[%mul3A_280] : memref<321024xi32, #tpu.memory_space<hbm>> -> memref<88xi32, #tpu.memory_space<hbm>>
          %dma_wait3A_298 = tpu.memref_slice %arg5[%mul3A_280] : memref<321024xi32, #tpu.memory_space<hbm>> -> memref<88xi32, #tpu.memory_space<hbm>>
          tpu.wait_dma2 semaphore(%run_scoped3A : memref<!tpu.dma_semaphore, #tpu.memory_space<semaphore_mem>>) src(%dma_wait3A_298 : memref<88xi32, #tpu.memory_space<hbm>>) dst(%arg8 : memref<88xi32, #tpu.memory_space<vmem>>)
          tpu.yield
        }) : () -> ()
        %dma_start3A_281 = arith.constant 0 : i32
        %dma_start3A_282 = arith.constant 0 : i32
        %dma_start3A_283 = tpu.memref_slice %arg2[%dma_start3A_281, %dma_start3A_282] : memref<10000x128xf32, #tpu.memory_space<hbm>> -> memref<10000x128xf32, #tpu.memory_space<hbm>>
        tpu.enqueue_indirect_dma source(%dma_start3A_283 : memref<10000x128xf32, #tpu.memory_space<hbm>>) target(%arg11 : memref<88x128xf32, #tpu.memory_space<vmem>>) offsets(%arg7 : memref<88xi32, #tpu.memory_space<vmem>>) semaphore(%arg17 : memref<!tpu.dma_semaphore, #tpu.memory_space<semaphore_mem>>)
        %add3A_284 = arith.addi %mul3A_2, %mul3A_222 : i32
        %add3A_285 = arith.constant 2 : i32
        %add3A_286 = arith.addi %add3A_284, %add3A_285 : i32
        %dma_start3A_287 = arith.constant 0 : i32
        %dma_start3A_288 = arith.constant 0 : i32
        %dma_start3A_289 = tpu.memref_slice %arg3[%add3A_286, %dma_start3A_287, %dma_start3A_288] : memref<3648x88x128xf32, #tpu.memory_space<hbm>> -> memref<1x88x128xf32, #tpu.memory_space<hbm>>
        %dma_start3A_290 = tpu.memref_squeeze %dma_start3A_289 : memref<1x88x128xf32, #tpu.memory_space<hbm>> -> memref<88x128xf32, #tpu.memory_space<hbm>>
        %dma_start3A_291 = arith.constant 0 : i32
        %dma_start3A_292 = arith.constant 0 : i32
        %dma_start3A_293 = tpu.memref_slice %arg3[%add3A_286, %dma_start3A_291, %dma_start3A_292] : memref<3648x88x128xf32, #tpu.memory_space<hbm>> -> memref<1x88x128xf32, #tpu.memory_space<hbm>>
        %dma_start3A_294 = tpu.memref_squeeze %dma_start3A_293 : memref<1x88x128xf32, #tpu.memory_space<hbm>> -> memref<88x128xf32, #tpu.memory_space<hbm>>
        tpu.enqueue_dma source(%dma_start3A_294 : memref<88x128xf32, #tpu.memory_space<hbm>>) target(%arg12 : memref<88x128xf32, #tpu.memory_space<vmem>>) target_semaphore(%arg18 : memref<!tpu.dma_semaphore, #tpu.memory_space<semaphore_mem>>)
      } else {
      }
      %mul3A_244 = arith.constant 2 : i32
      %mul3A_245 = arith.muli %mul3A_244, %scan3A_220 : i32
      %add3A_246 = arith.constant 1 : i32
      %add3A_247 = arith.addi %mul3A_245, %add3A_246 : i32
      %dma_wait3A_248 = arith.constant 0 : i32
      %dma_wait3A_249 = arith.constant 0 : i32
      %dma_wait3A_250 = arith.constant 0 : i32
      %dma_wait3A_251 = tpu.memref_slice %arg3[%dma_wait3A_248, %dma_wait3A_249, %dma_wait3A_250] : memref<3648x88x128xf32, #tpu.memory_space<hbm>> -> memref<1x88x128xf32, #tpu.memory_space<hbm>>
      %dma_wait3A_252 = tpu.memref_squeeze %dma_wait3A_251 : memref<1x88x128xf32, #tpu.memory_space<hbm>> -> memref<88x128xf32, #tpu.memory_space<hbm>>
      %dma_wait3A_253 = arith.constant 0 : i32
      %dma_wait3A_254 = arith.constant 0 : i32
      %dma_wait3A_255 = tpu.memref_slice %arg3[%dma_wait3A_248, %dma_wait3A_253, %dma_wait3A_254] : memref<3648x88x128xf32, #tpu.memory_space<hbm>> -> memref<1x88x128xf32, #tpu.memory_space<hbm>>
      %dma_wait3A_256 = tpu.memref_squeeze %dma_wait3A_255 : memref<1x88x128xf32, #tpu.memory_space<hbm>> -> memref<88x128xf32, #tpu.memory_space<hbm>>
      tpu.wait_dma2 semaphore(%arg19 : memref<!tpu.dma_semaphore, #tpu.memory_space<semaphore_mem>>) src(%dma_wait3A_256 : memref<88x128xf32, #tpu.memory_space<hbm>>) dst(%arg13 : memref<88x128xf32, #tpu.memory_space<vmem>>)
      %dma_wait3A_257 = arith.constant 0 : i32
      %dma_wait3A_258 = arith.constant 0 : i32
      %dma_wait3A_259 = arith.constant 0 : i32
      %dma_wait3A_260 = tpu.memref_slice %arg3[%dma_wait3A_257, %dma_wait3A_258, %dma_wait3A_259] : memref<3648x88x128xf32, #tpu.memory_space<hbm>> -> memref<1x88x128xf32, #tpu.memory_space<hbm>>
      %dma_wait3A_261 = tpu.memref_squeeze %dma_wait3A_260 : memref<1x88x128xf32, #tpu.memory_space<hbm>> -> memref<88x128xf32, #tpu.memory_space<hbm>>
      %dma_wait3A_262 = arith.constant 0 : i32
      %dma_wait3A_263 = arith.constant 0 : i32
      %dma_wait3A_264 = tpu.memref_slice %arg3[%dma_wait3A_257, %dma_wait3A_262, %dma_wait3A_263] : memref<3648x88x128xf32, #tpu.memory_space<hbm>> -> memref<1x88x128xf32, #tpu.memory_space<hbm>>
      %dma_wait3A_265 = tpu.memref_squeeze %dma_wait3A_264 : memref<1x88x128xf32, #tpu.memory_space<hbm>> -> memref<88x128xf32, #tpu.memory_space<hbm>>
      tpu.wait_dma2 semaphore(%arg20 : memref<!tpu.dma_semaphore, #tpu.memory_space<semaphore_mem>>) src(%dma_wait3A_265 : memref<88x128xf32, #tpu.memory_space<hbm>>) dst(%arg14 : memref<88x128xf32, #tpu.memory_space<vmem>>)
      "tpu.region"() ({
        %run_scoped3A = tpu.sem_alloc : memref<!tpu.dma_semaphore, #tpu.memory_space<semaphore_mem>>
        %dma_start3A_273 = arith.constant 0 : i32
        %dma_start3A_274 = arith.constant 0 : i32
        %dma_start3A_275 = tpu.memref_slice %arg16[%dma_start3A_273, %dma_start3A_274] : memref<10240x128xf32, #tpu.memory_space<vmem_shared>> -> memref<10240x128xf32, #tpu.memory_space<vmem_shared>>
        tpu.enqueue_indirect_dma source(%arg13 : memref<88x128xf32, #tpu.memory_space<vmem>>) target(%dma_start3A_275 : memref<10240x128xf32, #tpu.memory_space<vmem_shared>>) offsets(%arg10 : memref<88xi32, #tpu.memory_space<vmem>>) semaphore(%run_scoped3A : memref<!tpu.dma_semaphore, #tpu.memory_space<semaphore_mem>>) {add = true}
        %dma_wait3A_276 = arith.constant 0 : i32
        %dma_wait3A_277 = arith.constant 0 : i32
        %dma_wait3A_278 = tpu.memref_slice %arg16[%dma_wait3A_276, %dma_wait3A_277] : memref<10240x128xf32, #tpu.memory_space<vmem_shared>> -> memref<10240x128xf32, #tpu.memory_space<vmem_shared>>
        tpu.wait_indirect_dma semaphore(%run_scoped3A : memref<!tpu.dma_semaphore, #tpu.memory_space<semaphore_mem>>) src(%arg13 : memref<88x128xf32, #tpu.memory_space<vmem>>) dst(%dma_wait3A_278 : memref<10240x128xf32, #tpu.memory_space<vmem_shared>>)
        tpu.yield
      }) : () -> ()
      "tpu.region"() ({
        %run_scoped3A = tpu.sem_alloc : memref<!tpu.dma_semaphore, #tpu.memory_space<semaphore_mem>>
        %dma_start3A_273 = arith.constant 0 : i32
        %dma_start3A_274 = arith.constant 0 : i32
        %dma_start3A_275 = tpu.memref_slice %arg16[%dma_start3A_273, %dma_start3A_274] : memref<10240x128xf32, #tpu.memory_space<vmem_shared>> -> memref<10240x128xf32, #tpu.memory_space<vmem_shared>>
        tpu.enqueue_indirect_dma source(%arg14 : memref<88x128xf32, #tpu.memory_space<vmem>>) target(%dma_start3A_275 : memref<10240x128xf32, #tpu.memory_space<vmem_shared>>) offsets(%arg10 : memref<88xi32, #tpu.memory_space<vmem>>) semaphore(%run_scoped3A : memref<!tpu.dma_semaphore, #tpu.memory_space<semaphore_mem>>) {add = true}
        %dma_wait3A_276 = arith.constant 0 : i32
        %dma_wait3A_277 = arith.constant 0 : i32
        %dma_wait3A_278 = tpu.memref_slice %arg16[%dma_wait3A_276, %dma_wait3A_277] : memref<10240x128xf32, #tpu.memory_space<vmem_shared>> -> memref<10240x128xf32, #tpu.memory_space<vmem_shared>>
        tpu.wait_indirect_dma semaphore(%run_scoped3A : memref<!tpu.dma_semaphore, #tpu.memory_space<semaphore_mem>>) src(%arg14 : memref<88x128xf32, #tpu.memory_space<vmem>>) dst(%dma_wait3A_278 : memref<10240x128xf32, #tpu.memory_space<vmem_shared>>)
        tpu.yield
      }) : () -> ()
      %add3A_266 = arith.constant 2 : i32
      %add3A_267 = arith.addi %add3A_247, %add3A_266 : i32
      %lt3A_268 = arith.constant 114 : i32
      %lt3A_269 = arith.cmpi slt, %add3A_267, %lt3A_268 : i32
      %convert_element_type3A_270 = arith.extui %lt3A_269 : i1 to i32
      %cond3A_271 = arith.constant 0 : i32
      %cond3A_272 = arith.cmpi ne, %convert_element_type3A_270, %cond3A_271 : i32
      scf.if %cond3A_272 {
        %add3A_273 = arith.constant 2 : i32
        %add3A_274 = arith.addi %add3A_247, %add3A_273 : i32
        %add3A_275 = arith.addi %mul3A_2, %add3A_274 : i32
        %mul3A_276 = arith.constant 88 : i32
        %mul3A_277 = arith.muli %add3A_275, %mul3A_276 : i32
        "tpu.region"() ({
          %run_scoped3A = tpu.sem_alloc : memref<!tpu.dma_semaphore, #tpu.memory_space<semaphore_mem>>
          %dma_start3A_295 = tpu.memref_slice %arg4[%mul3A_277] : memref<321024xi32, #tpu.memory_space<hbm>> -> memref<88xi32, #tpu.memory_space<hbm>>
          %dma_start3A_296 = tpu.memref_slice %arg4[%mul3A_277] : memref<321024xi32, #tpu.memory_space<hbm>> -> memref<88xi32, #tpu.memory_space<hbm>>
          tpu.enqueue_dma source(%dma_start3A_296 : memref<88xi32, #tpu.memory_space<hbm>>) target(%arg9 : memref<88xi32, #tpu.memory_space<vmem>>) target_semaphore(%run_scoped3A : memref<!tpu.dma_semaphore, #tpu.memory_space<semaphore_mem>>)
          %dma_wait3A_297 = tpu.memref_slice %arg4[%mul3A_277] : memref<321024xi32, #tpu.memory_space<hbm>> -> memref<88xi32, #tpu.memory_space<hbm>>
          %dma_wait3A_298 = tpu.memref_slice %arg4[%mul3A_277] : memref<321024xi32, #tpu.memory_space<hbm>> -> memref<88xi32, #tpu.memory_space<hbm>>
          tpu.wait_dma2 semaphore(%run_scoped3A : memref<!tpu.dma_semaphore, #tpu.memory_space<semaphore_mem>>) src(%dma_wait3A_298 : memref<88xi32, #tpu.memory_space<hbm>>) dst(%arg9 : memref<88xi32, #tpu.memory_space<vmem>>)
          tpu.yield
        }) : () -> ()
        %add3A_278 = arith.addi %mul3A_2, %add3A_274 : i32
        %mul3A_279 = arith.constant 88 : i32
        %mul3A_280 = arith.muli %add3A_278, %mul3A_279 : i32
        "tpu.region"() ({
          %run_scoped3A = tpu.sem_alloc : memref<!tpu.dma_semaphore, #tpu.memory_space<semaphore_mem>>
          %dma_start3A_295 = tpu.memref_slice %arg5[%mul3A_280] : memref<321024xi32, #tpu.memory_space<hbm>> -> memref<88xi32, #tpu.memory_space<hbm>>
          %dma_start3A_296 = tpu.memref_slice %arg5[%mul3A_280] : memref<321024xi32, #tpu.memory_space<hbm>> -> memref<88xi32, #tpu.memory_space<hbm>>
          tpu.enqueue_dma source(%dma_start3A_296 : memref<88xi32, #tpu.memory_space<hbm>>) target(%arg10 : memref<88xi32, #tpu.memory_space<vmem>>) target_semaphore(%run_scoped3A : memref<!tpu.dma_semaphore, #tpu.memory_space<semaphore_mem>>)
          %dma_wait3A_297 = tpu.memref_slice %arg5[%mul3A_280] : memref<321024xi32, #tpu.memory_space<hbm>> -> memref<88xi32, #tpu.memory_space<hbm>>
          %dma_wait3A_298 = tpu.memref_slice %arg5[%mul3A_280] : memref<321024xi32, #tpu.memory_space<hbm>> -> memref<88xi32, #tpu.memory_space<hbm>>
          tpu.wait_dma2 semaphore(%run_scoped3A : memref<!tpu.dma_semaphore, #tpu.memory_space<semaphore_mem>>) src(%dma_wait3A_298 : memref<88xi32, #tpu.memory_space<hbm>>) dst(%arg10 : memref<88xi32, #tpu.memory_space<vmem>>)
          tpu.yield
        }) : () -> ()
        %dma_start3A_281 = arith.constant 0 : i32
        %dma_start3A_282 = arith.constant 0 : i32
        %dma_start3A_283 = tpu.memref_slice %arg2[%dma_start3A_281, %dma_start3A_282] : memref<10000x128xf32, #tpu.memory_space<hbm>> -> memref<10000x128xf32, #tpu.memory_space<hbm>>
        tpu.enqueue_indirect_dma source(%dma_start3A_283 : memref<10000x128xf32, #tpu.memory_space<hbm>>) target(%arg13 : memref<88x128xf32, #tpu.memory_space<vmem>>) offsets(%arg9 : memref<88xi32, #tpu.memory_space<vmem>>) semaphore(%arg19 : memref<!tpu.dma_semaphore, #tpu.memory_space<semaphore_mem>>)
        %add3A_284 = arith.addi %mul3A_2, %add3A_247 : i32
        %add3A_285 = arith.constant 2 : i32
        %add3A_286 = arith.addi %add3A_284, %add3A_285 : i32
        %dma_start3A_287 = arith.constant 0 : i32
        %dma_start3A_288 = arith.constant 0 : i32
        %dma_start3A_289 = tpu.memref_slice %arg3[%add3A_286, %dma_start3A_287, %dma_start3A_288] : memref<3648x88x128xf32, #tpu.memory_space<hbm>> -> memref<1x88x128xf32, #tpu.memory_space<hbm>>
        %dma_start3A_290 = tpu.memref_squeeze %dma_start3A_289 : memref<1x88x128xf32, #tpu.memory_space<hbm>> -> memref<88x128xf32, #tpu.memory_space<hbm>>
        %dma_start3A_291 = arith.constant 0 : i32
        %dma_start3A_292 = arith.constant 0 : i32
        %dma_start3A_293 = tpu.memref_slice %arg3[%add3A_286, %dma_start3A_291, %dma_start3A_292] : memref<3648x88x128xf32, #tpu.memory_space<hbm>> -> memref<1x88x128xf32, #tpu.memory_space<hbm>>
        %dma_start3A_294 = tpu.memref_squeeze %dma_start3A_293 : memref<1x88x128xf32, #tpu.memory_space<hbm>> -> memref<88x128xf32, #tpu.memory_space<hbm>>
        tpu.enqueue_dma source(%dma_start3A_294 : memref<88x128xf32, #tpu.memory_space<hbm>>) target(%arg14 : memref<88x128xf32, #tpu.memory_space<vmem>>) target_semaphore(%arg20 : memref<!tpu.dma_semaphore, #tpu.memory_space<semaphore_mem>>)
      } else {
      }
    }
    %scan3A_214 = arith.constant 57 : i32
    %barrier3A_215 = arith.constant 0 : index
    tpu.barrier barrier_id(%barrier3A_215)
    %mul3A_216 = arith.constant 640 : i32
    %mul3A_217 = arith.muli %arg1, %mul3A_216 : i32
    %mul3A_218 = arith.constant 640 : i32
    %mul3A_219 = arith.muli %arg1, %mul3A_218 : i32
    "tpu.region"() ({
      %run_scoped3A = tpu.sem_alloc : memref<!tpu.dma_semaphore, #tpu.memory_space<semaphore_mem>>
      %dma_start3A_220 = arith.constant 0 : i32
      %dma_start3A_221 = tpu.memref_slice %arg6[%arg0, %mul3A_219, %dma_start3A_220] : memref<2x10240x128xf32, #tpu.memory_space<hbm>> -> memref<1x640x128xf32, #tpu.memory_space<hbm>>
      %dma_start3A_222 = tpu.memref_squeeze %dma_start3A_221 : memref<1x640x128xf32, #tpu.memory_space<hbm>> -> memref<640x128xf32, #tpu.memory_space<hbm>>
      %dma_start3A_223 = arith.constant 0 : i32
      %dma_start3A_224 = tpu.memref_slice %arg16[%mul3A_217, %dma_start3A_223] : memref<10240x128xf32, #tpu.memory_space<vmem_shared>> -> memref<640x128xf32, #tpu.memory_space<vmem_shared>>
      tpu.enqueue_dma source(%dma_start3A_224 : memref<640x128xf32, #tpu.memory_space<vmem_shared>>) target(%dma_start3A_222 : memref<640x128xf32, #tpu.memory_space<hbm>>) target_semaphore(%run_scoped3A : memref<!tpu.dma_semaphore, #tpu.memory_space<semaphore_mem>>)
      %dma_wait3A = arith.constant 0 : i32
      %dma_wait3A_225 = tpu.memref_slice %arg6[%arg0, %mul3A_219, %dma_wait3A] : memref<2x10240x128xf32, #tpu.memory_space<hbm>> -> memref<1x640x128xf32, #tpu.memory_space<hbm>>
      %dma_wait3A_226 = tpu.memref_squeeze %dma_wait3A_225 : memref<1x640x128xf32, #tpu.memory_space<hbm>> -> memref<640x128xf32, #tpu.memory_space<hbm>>
      %dma_wait3A_227 = arith.constant 0 : i32
      %dma_wait3A_228 = tpu.memref_slice %arg16[%mul3A_217, %dma_wait3A_227] : memref<10240x128xf32, #tpu.memory_space<vmem_shared>> -> memref<640x128xf32, #tpu.memory_space<vmem_shared>>
      tpu.wait_dma2 semaphore(%run_scoped3A : memref<!tpu.dma_semaphore, #tpu.memory_space<semaphore_mem>>) src(%dma_wait3A_228 : memref<640x128xf32, #tpu.memory_space<vmem_shared>>) dst(%dma_wait3A_226 : memref<640x128xf32, #tpu.memory_space<hbm>>)
      tpu.yield
    }) : () -> ()
    return
  }
}

#map = affine_map<(d0, d1) -> (0, 0)>
#map1 = affine_map<(d0, d1) -> (0, 0, 0)>
#map2 = affine_map<(d0, d1) -> (0)>
module attributes {stable_mosaic.version = 14 : i64} {
  func.func @_sc_msg_agg(%arg0: i32, %arg1: i32, %arg2: memref<10000x128xf32, #tpu.memory_space<hbm>>, %arg3: memref<3648x88x128xf32, #tpu.memory_space<hbm>>, %arg4: memref<321024xi32, #tpu.memory_space<hbm>>, %arg5: memref<321024xi32, #tpu.memory_space<hbm>>, %arg6: memref<2x10240x128xf32, #tpu.memory_space<hbm>>, %arg7: memref<88xi32, #tpu.memory_space<vmem>>, %arg8: memref<88xi32, #tpu.memory_space<vmem>>, %arg9: memref<88xi32, #tpu.memory_space<vmem>>, %arg10: memref<88xi32, #tpu.memory_space<vmem>>, %arg11: memref<88x128xf32, #tpu.memory_space<vmem>>, %arg12: memref<88x128xf32, #tpu.memory_space<vmem>>, %arg13: memref<88x128xf32, #tpu.memory_space<vmem>>, %arg14: memref<88x128xf32, #tpu.memory_space<vmem>>, %arg15: memref<16x128xf32, #tpu.memory_space<vmem>>, %arg16: memref<10240x128xf32, #tpu.memory_space<vmem_shared>>, %arg17: memref<!tpu.dma_semaphore, #tpu.memory_space<semaphore_mem>>, %arg18: memref<!tpu.dma_semaphore, #tpu.memory_space<semaphore_mem>>, %arg19: memref<!tpu.dma_semaphore, #tpu.memory_space<semaphore_mem>>, %arg20: memref<!tpu.dma_semaphore, #tpu.memory_space<semaphore_mem>>) attributes {dimension_semantics = [#tpu.dimension_semantics<core_parallel>, #tpu.dimension_semantics<subcore_parallel>], iteration_bounds = array<i64: 2, 16>, scalar_prefetch = 0 : i64, scratch_operands = 14 : i64, tpu.core_type = #tpu.core_type<sc_vector_subcore>, window_params = [{transform_indices = #map}, {transform_indices = #map1}, {transform_indices = #map2}, {transform_indices = #map2}, {transform_indices = #map1}]} {
    %mul3A = arith.constant 16 : i32
    %mul3A_0 = arith.muli %arg0, %mul3A : i32
    %add3A = arith.addi %mul3A_0, %arg1 : i32
    %mul3A_1 = arith.constant 114 : i32
    %mul3A_2 = arith.muli %add3A, %mul3A_1 : i32
    %add3A_3 = arith.constant 0 : i32
    %add3A_4 = arith.addi %mul3A_2, %add3A_3 : i32
    %mul3A_5 = arith.constant 88 : i32
    %mul3A_6 = arith.muli %add3A_4, %mul3A_5 : i32
    "tpu.region"() ({
      %run_scoped3A = tpu.sem_alloc : memref<!tpu.dma_semaphore, #tpu.memory_space<semaphore_mem>>
      %dma_start3A_220 = tpu.memref_slice %arg4[%mul3A_6] : memref<321024xi32, #tpu.memory_space<hbm>> -> memref<88xi32, #tpu.memory_space<hbm>>
      %dma_start3A_221 = tpu.memref_slice %arg4[%mul3A_6] : memref<321024xi32, #tpu.memory_space<hbm>> -> memref<88xi32, #tpu.memory_space<hbm>>
      tpu.enqueue_dma source(%dma_start3A_221 : memref<88xi32, #tpu.memory_space<hbm>>) target(%arg7 : memref<88xi32, #tpu.memory_space<vmem>>) target_semaphore(%run_scoped3A : memref<!tpu.dma_semaphore, #tpu.memory_space<semaphore_mem>>)
      %dma_wait3A = tpu.memref_slice %arg4[%mul3A_6] : memref<321024xi32, #tpu.memory_space<hbm>> -> memref<88xi32, #tpu.memory_space<hbm>>
      %dma_wait3A_222 = tpu.memref_slice %arg4[%mul3A_6] : memref<321024xi32, #tpu.memory_space<hbm>> -> memref<88xi32, #tpu.memory_space<hbm>>
      tpu.wait_dma2 semaphore(%run_scoped3A : memref<!tpu.dma_semaphore, #tpu.memory_space<semaphore_mem>>) src(%dma_wait3A_222 : memref<88xi32, #tpu.memory_space<hbm>>) dst(%arg7 : memref<88xi32, #tpu.memory_space<vmem>>)
      tpu.yield
    }) : () -> ()
    %add3A_7 = arith.constant 0 : i32
    %add3A_8 = arith.addi %mul3A_2, %add3A_7 : i32
    %mul3A_9 = arith.constant 88 : i32
    %mul3A_10 = arith.muli %add3A_8, %mul3A_9 : i32
    "tpu.region"() ({
      %run_scoped3A = tpu.sem_alloc : memref<!tpu.dma_semaphore, #tpu.memory_space<semaphore_mem>>
      %dma_start3A_220 = tpu.memref_slice %arg5[%mul3A_10] : memref<321024xi32, #tpu.memory_space<hbm>> -> memref<88xi32, #tpu.memory_space<hbm>>
      %dma_start3A_221 = tpu.memref_slice %arg5[%mul3A_10] : memref<321024xi32, #tpu.memory_space<hbm>> -> memref<88xi32, #tpu.memory_space<hbm>>
      tpu.enqueue_dma source(%dma_start3A_221 : memref<88xi32, #tpu.memory_space<hbm>>) target(%arg8 : memref<88xi32, #tpu.memory_space<vmem>>) target_semaphore(%run_scoped3A : memref<!tpu.dma_semaphore, #tpu.memory_space<semaphore_mem>>)
      %dma_wait3A = tpu.memref_slice %arg5[%mul3A_10] : memref<321024xi32, #tpu.memory_space<hbm>> -> memref<88xi32, #tpu.memory_space<hbm>>
      %dma_wait3A_222 = tpu.memref_slice %arg5[%mul3A_10] : memref<321024xi32, #tpu.memory_space<hbm>> -> memref<88xi32, #tpu.memory_space<hbm>>
      tpu.wait_dma2 semaphore(%run_scoped3A : memref<!tpu.dma_semaphore, #tpu.memory_space<semaphore_mem>>) src(%dma_wait3A_222 : memref<88xi32, #tpu.memory_space<hbm>>) dst(%arg8 : memref<88xi32, #tpu.memory_space<vmem>>)
      tpu.yield
    }) : () -> ()
    %dma_start3A = arith.constant 0 : i32
    %dma_start3A_11 = arith.constant 0 : i32
    %dma_start3A_12 = tpu.memref_slice %arg2[%dma_start3A, %dma_start3A_11] : memref<10000x128xf32, #tpu.memory_space<hbm>> -> memref<10000x128xf32, #tpu.memory_space<hbm>>
    tpu.enqueue_indirect_dma source(%dma_start3A_12 : memref<10000x128xf32, #tpu.memory_space<hbm>>) target(%arg11 : memref<88x128xf32, #tpu.memory_space<vmem>>) offsets(%arg7 : memref<88xi32, #tpu.memory_space<vmem>>) semaphore(%arg17 : memref<!tpu.dma_semaphore, #tpu.memory_space<semaphore_mem>>)
    %add3A_13 = arith.constant 0 : i32
    %add3A_14 = arith.addi %mul3A_2, %add3A_13 : i32
    %dma_start3A_15 = arith.constant 0 : i32
    %dma_start3A_16 = arith.constant 0 : i32
    %dma_start3A_17 = tpu.memref_slice %arg3[%add3A_14, %dma_start3A_15, %dma_start3A_16] : memref<3648x88x128xf32, #tpu.memory_space<hbm>> -> memref<1x88x128xf32, #tpu.memory_space<hbm>>
    %dma_start3A_18 = tpu.memref_squeeze %dma_start3A_17 : memref<1x88x128xf32, #tpu.memory_space<hbm>> -> memref<88x128xf32, #tpu.memory_space<hbm>>
    %dma_start3A_19 = arith.constant 0 : i32
    %dma_start3A_20 = arith.constant 0 : i32
    %dma_start3A_21 = tpu.memref_slice %arg3[%add3A_14, %dma_start3A_19, %dma_start3A_20] : memref<3648x88x128xf32, #tpu.memory_space<hbm>> -> memref<1x88x128xf32, #tpu.memory_space<hbm>>
    %dma_start3A_22 = tpu.memref_squeeze %dma_start3A_21 : memref<1x88x128xf32, #tpu.memory_space<hbm>> -> memref<88x128xf32, #tpu.memory_space<hbm>>
    tpu.enqueue_dma source(%dma_start3A_22 : memref<88x128xf32, #tpu.memory_space<hbm>>) target(%arg12 : memref<88x128xf32, #tpu.memory_space<vmem>>) target_semaphore(%arg18 : memref<!tpu.dma_semaphore, #tpu.memory_space<semaphore_mem>>)
    %add3A_23 = arith.constant 1 : i32
    %add3A_24 = arith.addi %mul3A_2, %add3A_23 : i32
    %mul3A_25 = arith.constant 88 : i32
    %mul3A_26 = arith.muli %add3A_24, %mul3A_25 : i32
    "tpu.region"() ({
      %run_scoped3A = tpu.sem_alloc : memref<!tpu.dma_semaphore, #tpu.memory_space<semaphore_mem>>
      %dma_start3A_220 = tpu.memref_slice %arg4[%mul3A_26] : memref<321024xi32, #tpu.memory_space<hbm>> -> memref<88xi32, #tpu.memory_space<hbm>>
      %dma_start3A_221 = tpu.memref_slice %arg4[%mul3A_26] : memref<321024xi32, #tpu.memory_space<hbm>> -> memref<88xi32, #tpu.memory_space<hbm>>
      tpu.enqueue_dma source(%dma_start3A_221 : memref<88xi32, #tpu.memory_space<hbm>>) target(%arg9 : memref<88xi32, #tpu.memory_space<vmem>>) target_semaphore(%run_scoped3A : memref<!tpu.dma_semaphore, #tpu.memory_space<semaphore_mem>>)
      %dma_wait3A = tpu.memref_slice %arg4[%mul3A_26] : memref<321024xi32, #tpu.memory_space<hbm>> -> memref<88xi32, #tpu.memory_space<hbm>>
      %dma_wait3A_222 = tpu.memref_slice %arg4[%mul3A_26] : memref<321024xi32, #tpu.memory_space<hbm>> -> memref<88xi32, #tpu.memory_space<hbm>>
      tpu.wait_dma2 semaphore(%run_scoped3A : memref<!tpu.dma_semaphore, #tpu.memory_space<semaphore_mem>>) src(%dma_wait3A_222 : memref<88xi32, #tpu.memory_space<hbm>>) dst(%arg9 : memref<88xi32, #tpu.memory_space<vmem>>)
      tpu.yield
    }) : () -> ()
    %add3A_27 = arith.constant 1 : i32
    %add3A_28 = arith.addi %mul3A_2, %add3A_27 : i32
    %mul3A_29 = arith.constant 88 : i32
    %mul3A_30 = arith.muli %add3A_28, %mul3A_29 : i32
    "tpu.region"() ({
      %run_scoped3A = tpu.sem_alloc : memref<!tpu.dma_semaphore, #tpu.memory_space<semaphore_mem>>
      %dma_start3A_220 = tpu.memref_slice %arg5[%mul3A_30] : memref<321024xi32, #tpu.memory_space<hbm>> -> memref<88xi32, #tpu.memory_space<hbm>>
      %dma_start3A_221 = tpu.memref_slice %arg5[%mul3A_30] : memref<321024xi32, #tpu.memory_space<hbm>> -> memref<88xi32, #tpu.memory_space<hbm>>
      tpu.enqueue_dma source(%dma_start3A_221 : memref<88xi32, #tpu.memory_space<hbm>>) target(%arg10 : memref<88xi32, #tpu.memory_space<vmem>>) target_semaphore(%run_scoped3A : memref<!tpu.dma_semaphore, #tpu.memory_space<semaphore_mem>>)
      %dma_wait3A = tpu.memref_slice %arg5[%mul3A_30] : memref<321024xi32, #tpu.memory_space<hbm>> -> memref<88xi32, #tpu.memory_space<hbm>>
      %dma_wait3A_222 = tpu.memref_slice %arg5[%mul3A_30] : memref<321024xi32, #tpu.memory_space<hbm>> -> memref<88xi32, #tpu.memory_space<hbm>>
      tpu.wait_dma2 semaphore(%run_scoped3A : memref<!tpu.dma_semaphore, #tpu.memory_space<semaphore_mem>>) src(%dma_wait3A_222 : memref<88xi32, #tpu.memory_space<hbm>>) dst(%arg10 : memref<88xi32, #tpu.memory_space<vmem>>)
      tpu.yield
    }) : () -> ()
    %dma_start3A_31 = arith.constant 0 : i32
    %dma_start3A_32 = arith.constant 0 : i32
    %dma_start3A_33 = tpu.memref_slice %arg2[%dma_start3A_31, %dma_start3A_32] : memref<10000x128xf32, #tpu.memory_space<hbm>> -> memref<10000x128xf32, #tpu.memory_space<hbm>>
    tpu.enqueue_indirect_dma source(%dma_start3A_33 : memref<10000x128xf32, #tpu.memory_space<hbm>>) target(%arg13 : memref<88x128xf32, #tpu.memory_space<vmem>>) offsets(%arg9 : memref<88xi32, #tpu.memory_space<vmem>>) semaphore(%arg19 : memref<!tpu.dma_semaphore, #tpu.memory_space<semaphore_mem>>)
    %add3A_34 = arith.constant 1 : i32
    %add3A_35 = arith.addi %mul3A_2, %add3A_34 : i32
    %dma_start3A_36 = arith.constant 0 : i32
    %dma_start3A_37 = arith.constant 0 : i32
    %dma_start3A_38 = tpu.memref_slice %arg3[%add3A_35, %dma_start3A_36, %dma_start3A_37] : memref<3648x88x128xf32, #tpu.memory_space<hbm>> -> memref<1x88x128xf32, #tpu.memory_space<hbm>>
    %dma_start3A_39 = tpu.memref_squeeze %dma_start3A_38 : memref<1x88x128xf32, #tpu.memory_space<hbm>> -> memref<88x128xf32, #tpu.memory_space<hbm>>
    %dma_start3A_40 = arith.constant 0 : i32
    %dma_start3A_41 = arith.constant 0 : i32
    %dma_start3A_42 = tpu.memref_slice %arg3[%add3A_35, %dma_start3A_40, %dma_start3A_41] : memref<3648x88x128xf32, #tpu.memory_space<hbm>> -> memref<1x88x128xf32, #tpu.memory_space<hbm>>
    %dma_start3A_43 = tpu.memref_squeeze %dma_start3A_42 : memref<1x88x128xf32, #tpu.memory_space<hbm>> -> memref<88x128xf32, #tpu.memory_space<hbm>>
    tpu.enqueue_dma source(%dma_start3A_43 : memref<88x128xf32, #tpu.memory_space<hbm>>) target(%arg14 : memref<88x128xf32, #tpu.memory_space<vmem>>) target_semaphore(%arg20 : memref<!tpu.dma_semaphore, #tpu.memory_space<semaphore_mem>>)
    %scan3A = arith.constant 0 : i32
    %scan3A_44 = arith.constant 0 : i32
    %scan3A_45 = arith.constant 128 : i32
    %scan3A_46 = arith.addi %scan3A_44, %scan3A_45 : i32
    %scan3A_47 = arith.constant 1 : i32
    scf.for %scan3A_220 = %scan3A_44 to %scan3A_46 step %scan3A_47  : i32 {
      %broadcast_in_dim3A = arith.constant 0.000000e+00 : f32
      %broadcast_in_dim3A_221 = vector.broadcast %broadcast_in_dim3A : f32 to vector<16xf32>
      %jit3A = arith.constant 8 : i32
      %div3A = arith.divsi %scan3A_220, %jit3A : i32
      %sign3A = arith.constant 0 : i32
      %sign3A_222 = arith.cmpi sgt, %scan3A_220, %sign3A : i32
      %sign3A_223 = arith.extui %sign3A_222 : i1 to i32
      %sign3A_224 = arith.constant 0 : i32
      %sign3A_225 = arith.cmpi slt, %scan3A_220, %sign3A_224 : i32
      %sign3A_226 = arith.extui %sign3A_225 : i1 to i32
      %sign3A_227 = arith.subi %sign3A_223, %sign3A_226 : i32
      %sign3A_228 = arith.constant 0 : i32
      %sign3A_229 = arith.cmpi sgt, %jit3A, %sign3A_228 : i32
      %sign3A_230 = arith.extui %sign3A_229 : i1 to i32
      %sign3A_231 = arith.constant 0 : i32
      %sign3A_232 = arith.cmpi slt, %jit3A, %sign3A_231 : i32
      %sign3A_233 = arith.extui %sign3A_232 : i1 to i32
      %sign3A_234 = arith.subi %sign3A_230, %sign3A_233 : i32
      %ne3A = arith.cmpi ne, %sign3A_227, %sign3A_234 : i32
      %rem3A = arith.remsi %scan3A_220, %jit3A : i32
      %ne3A_235 = arith.constant 0 : i32
      %ne3A_236 = arith.cmpi ne, %rem3A, %ne3A_235 : i32
      %and3A = arith.andi %ne3A, %ne3A_236 : i1
      %sub3A = arith.constant 1 : i32
      %sub3A_237 = arith.subi %div3A, %sub3A : i32
      %select_n3A = arith.select %and3A, %sub3A_237, %div3A : i32
      %jit3A_238 = arith.constant 8 : i32
      %eq3A = arith.constant 0 : i32
      %eq3A_239 = arith.cmpi eq, %jit3A_238, %eq3A : i32
      %jit3A_240 = arith.constant 1 : i32
      %select_n3A_241 = arith.select %eq3A_239, %jit3A_240, %jit3A_238 : i32
      %rem3A_242 = arith.remsi %scan3A_220, %select_n3A_241 : i32
      %ne3A_243 = arith.constant 0 : i32
      %ne3A_244 = arith.cmpi ne, %rem3A_242, %ne3A_243 : i32
      %lt3A = arith.constant 0 : i32
      %lt3A_245 = arith.cmpi slt, %rem3A_242, %lt3A : i32
      %lt3A_246 = arith.constant 0 : i32
      %lt3A_247 = arith.cmpi slt, %select_n3A_241, %lt3A_246 : i32
      %ne3A_248 = arith.xori %lt3A_245, %lt3A_247 : i1
      %and3A_249 = arith.andi %ne3A_248, %ne3A_244 : i1
      %add3A_250 = arith.addi %rem3A_242, %select_n3A_241 : i32
      %select_n3A_251 = arith.select %and3A_249, %add3A_250, %rem3A_242 : i32
      %mul3A_252 = arith.constant 16 : i32
      %mul3A_253 = arith.muli %select_n3A_251, %mul3A_252 : i32
      %swap3A = arith.index_cast %select_n3A : i32 to index
      %swap3A_254 = arith.index_cast %mul3A_253 : i32 to index
      %swap3A_255 = tpu.vector_load %arg15[%swap3A, %swap3A_254] {strides = array<i32>} : memref<16x128xf32, #tpu.memory_space<vmem>>, vector<1x16xf32>,
      %swap3A_256 = vector.shape_cast %swap3A_255 : vector<1x16xf32> to vector<16xf32>
      %swap3A_257 = vector.shape_cast %broadcast_in_dim3A_221 : vector<16xf32> to vector<1x16xf32>
      tpu.vector_store %arg15[%swap3A, %swap3A_254], %swap3A_257 {strides = array<i32>} : memref<16x128xf32, #tpu.memory_space<vmem>>, vector<1x16xf32>,
    }
    %scan3A_48 = arith.constant 128 : i32
    %mul3A_49 = arith.constant 640 : i32
    %mul3A_50 = arith.muli %arg1, %mul3A_49 : i32
    %add3A_51 = arith.constant 0 : i32
    %add3A_52 = arith.addi %mul3A_50, %add3A_51 : i32
    "tpu.region"() ({
      %run_scoped3A = tpu.sem_alloc : memref<!tpu.dma_semaphore, #tpu.memory_space<semaphore_mem>>
      %dma_start3A_220 = arith.constant 0 : i32
      %dma_start3A_221 = tpu.memref_slice %arg16[%add3A_52, %dma_start3A_220] : memref<10240x128xf32, #tpu.memory_space<vmem_shared>> -> memref<16x128xf32, #tpu.memory_space<vmem_shared>>
      %dma_start3A_222 = arith.constant 0 : i32
      %dma_start3A_223 = tpu.memref_slice %arg16[%add3A_52, %dma_start3A_222] : memref<10240x128xf32, #tpu.memory_space<vmem_shared>> -> memref<16x128xf32, #tpu.memory_space<vmem_shared>>
      tpu.enqueue_dma source(%arg15 : memref<16x128xf32, #tpu.memory_space<vmem>>) target(%dma_start3A_223 : memref<16x128xf32, #tpu.memory_space<vmem_shared>>) target_semaphore(%run_scoped3A : memref<!tpu.dma_semaphore, #tpu.memory_space<semaphore_mem>>)
      %dma_wait3A = arith.constant 0 : i32
      %dma_wait3A_224 = tpu.memref_slice %arg16[%add3A_52, %dma_wait3A] : memref<10240x128xf32, #tpu.memory_space<vmem_shared>> -> memref<16x128xf32, #tpu.memory_space<vmem_shared>>
      %dma_wait3A_225 = arith.constant 0 : i32
      %dma_wait3A_226 = tpu.memref_slice %arg16[%add3A_52, %dma_wait3A_225] : memref<10240x128xf32, #tpu.memory_space<vmem_shared>> -> memref<16x128xf32, #tpu.memory_space<vmem_shared>>
      tpu.wait_dma2 semaphore(%run_scoped3A : memref<!tpu.dma_semaphore, #tpu.memory_space<semaphore_mem>>) src(%arg15 : memref<16x128xf32, #tpu.memory_space<vmem>>) dst(%dma_wait3A_226 : memref<16x128xf32, #tpu.memory_space<vmem_shared>>)
      tpu.yield
    }) : () -> ()
    %mul3A_53 = arith.constant 640 : i32
    %mul3A_54 = arith.muli %arg1, %mul3A_53 : i32
    %add3A_55 = arith.constant 16 : i32
    %add3A_56 = arith.addi %mul3A_54, %add3A_55 : i32
    "tpu.region"() ({
      %run_scoped3A = tpu.sem_alloc : memref<!tpu.dma_semaphore, #tpu.memory_space<semaphore_mem>>
      %dma_start3A_220 = arith.constant 0 : i32
      %dma_start3A_221 = tpu.memref_slice %arg16[%add3A_56, %dma_start3A_220] : memref<10240x128xf32, #tpu.memory_space<vmem_shared>> -> memref<16x128xf32, #tpu.memory_space<vmem_shared>>
      %dma_start3A_222 = arith.constant 0 : i32
      %dma_start3A_223 = tpu.memref_slice %arg16[%add3A_56, %dma_start3A_222] : memref<10240x128xf32, #tpu.memory_space<vmem_shared>> -> memref<16x128xf32, #tpu.memory_space<vmem_shared>>
      tpu.enqueue_dma source(%arg15 : memref<16x128xf32, #tpu.memory_space<vmem>>) target(%dma_start3A_223 : memref<16x128xf32, #tpu.memory_space<vmem_shared>>) target_semaphore(%run_scoped3A : memref<!tpu.dma_semaphore, #tpu.memory_space<semaphore_mem>>)
      %dma_wait3A = arith.constant 0 : i32
      %dma_wait3A_224 = tpu.memref_slice %arg16[%add3A_56, %dma_wait3A] : memref<10240x128xf32, #tpu.memory_space<vmem_shared>> -> memref<16x128xf32, #tpu.memory_space<vmem_shared>>
      %dma_wait3A_225 = arith.constant 0 : i32
      %dma_wait3A_226 = tpu.memref_slice %arg16[%add3A_56, %dma_wait3A_225] : memref<10240x128xf32, #tpu.memory_space<vmem_shared>> -> memref<16x128xf32, #tpu.memory_space<vmem_shared>>
      tpu.wait_dma2 semaphore(%run_scoped3A : memref<!tpu.dma_semaphore, #tpu.memory_space<semaphore_mem>>) src(%arg15 : memref<16x128xf32, #tpu.memory_space<vmem>>) dst(%dma_wait3A_226 : memref<16x128xf32, #tpu.memory_space<vmem_shared>>)
      tpu.yield
    }) : () -> ()
    %mul3A_57 = arith.constant 640 : i32
    %mul3A_58 = arith.muli %arg1, %mul3A_57 : i32
    %add3A_59 = arith.constant 32 : i32
    %add3A_60 = arith.addi %mul3A_58, %add3A_59 : i32
    "tpu.region"() ({
      %run_scoped3A = tpu.sem_alloc : memref<!tpu.dma_semaphore, #tpu.memory_space<semaphore_mem>>
      %dma_start3A_220 = arith.constant 0 : i32
      %dma_start3A_221 = tpu.memref_slice %arg16[%add3A_60, %dma_start3A_220] : memref<10240x128xf32, #tpu.memory_space<vmem_shared>> -> memref<16x128xf32, #tpu.memory_space<vmem_shared>>
      %dma_start3A_222 = arith.constant 0 : i32
      %dma_start3A_223 = tpu.memref_slice %arg16[%add3A_60, %dma_start3A_222] : memref<10240x128xf32, #tpu.memory_space<vmem_shared>> -> memref<16x128xf32, #tpu.memory_space<vmem_shared>>
      tpu.enqueue_dma source(%arg15 : memref<16x128xf32, #tpu.memory_space<vmem>>) target(%dma_start3A_223 : memref<16x128xf32, #tpu.memory_space<vmem_shared>>) target_semaphore(%run_scoped3A : memref<!tpu.dma_semaphore, #tpu.memory_space<semaphore_mem>>)
      %dma_wait3A = arith.constant 0 : i32
      %dma_wait3A_224 = tpu.memref_slice %arg16[%add3A_60, %dma_wait3A] : memref<10240x128xf32, #tpu.memory_space<vmem_shared>> -> memref<16x128xf32, #tpu.memory_space<vmem_shared>>
      %dma_wait3A_225 = arith.constant 0 : i32
      %dma_wait3A_226 = tpu.memref_slice %arg16[%add3A_60, %dma_wait3A_225] : memref<10240x128xf32, #tpu.memory_space<vmem_shared>> -> memref<16x128xf32, #tpu.memory_space<vmem_shared>>
      tpu.wait_dma2 semaphore(%run_scoped3A : memref<!tpu.dma_semaphore, #tpu.memory_space<semaphore_mem>>) src(%arg15 : memref<16x128xf32, #tpu.memory_space<vmem>>) dst(%dma_wait3A_226 : memref<16x128xf32, #tpu.memory_space<vmem_shared>>)
      tpu.yield
    }) : () -> ()
    %mul3A_61 = arith.constant 640 : i32
    %mul3A_62 = arith.muli %arg1, %mul3A_61 : i32
    %add3A_63 = arith.constant 48 : i32
    %add3A_64 = arith.addi %mul3A_62, %add3A_63 : i32
    "tpu.region"() ({
      %run_scoped3A = tpu.sem_alloc : memref<!tpu.dma_semaphore, #tpu.memory_space<semaphore_mem>>
      %dma_start3A_220 = arith.constant 0 : i32
      %dma_start3A_221 = tpu.memref_slice %arg16[%add3A_64, %dma_start3A_220] : memref<10240x128xf32, #tpu.memory_space<vmem_shared>> -> memref<16x128xf32, #tpu.memory_space<vmem_shared>>
      %dma_start3A_222 = arith.constant 0 : i32
      %dma_start3A_223 = tpu.memref_slice %arg16[%add3A_64, %dma_start3A_222] : memref<10240x128xf32, #tpu.memory_space<vmem_shared>> -> memref<16x128xf32, #tpu.memory_space<vmem_shared>>
      tpu.enqueue_dma source(%arg15 : memref<16x128xf32, #tpu.memory_space<vmem>>) target(%dma_start3A_223 : memref<16x128xf32, #tpu.memory_space<vmem_shared>>) target_semaphore(%run_scoped3A : memref<!tpu.dma_semaphore, #tpu.memory_space<semaphore_mem>>)
      %dma_wait3A = arith.constant 0 : i32
      %dma_wait3A_224 = tpu.memref_slice %arg16[%add3A_64, %dma_wait3A] : memref<10240x128xf32, #tpu.memory_space<vmem_shared>> -> memref<16x128xf32, #tpu.memory_space<vmem_shared>>
      %dma_wait3A_225 = arith.constant 0 : i32
      %dma_wait3A_226 = tpu.memref_slice %arg16[%add3A_64, %dma_wait3A_225] : memref<10240x128xf32, #tpu.memory_space<vmem_shared>> -> memref<16x128xf32, #tpu.memory_space<vmem_shared>>
      tpu.wait_dma2 semaphore(%run_scoped3A : memref<!tpu.dma_semaphore, #tpu.memory_space<semaphore_mem>>) src(%arg15 : memref<16x128xf32, #tpu.memory_space<vmem>>) dst(%dma_wait3A_226 : memref<16x128xf32, #tpu.memory_space<vmem_shared>>)
      tpu.yield
    }) : () -> ()
    %mul3A_65 = arith.constant 640 : i32
    %mul3A_66 = arith.muli %arg1, %mul3A_65 : i32
    %add3A_67 = arith.constant 64 : i32
    %add3A_68 = arith.addi %mul3A_66, %add3A_67 : i32
    "tpu.region"() ({
      %run_scoped3A = tpu.sem_alloc : memref<!tpu.dma_semaphore, #tpu.memory_space<semaphore_mem>>
      %dma_start3A_220 = arith.constant 0 : i32
      %dma_start3A_221 = tpu.memref_slice %arg16[%add3A_68, %dma_start3A_220] : memref<10240x128xf32, #tpu.memory_space<vmem_shared>> -> memref<16x128xf32, #tpu.memory_space<vmem_shared>>
      %dma_start3A_222 = arith.constant 0 : i32
      %dma_start3A_223 = tpu.memref_slice %arg16[%add3A_68, %dma_start3A_222] : memref<10240x128xf32, #tpu.memory_space<vmem_shared>> -> memref<16x128xf32, #tpu.memory_space<vmem_shared>>
      tpu.enqueue_dma source(%arg15 : memref<16x128xf32, #tpu.memory_space<vmem>>) target(%dma_start3A_223 : memref<16x128xf32, #tpu.memory_space<vmem_shared>>) target_semaphore(%run_scoped3A : memref<!tpu.dma_semaphore, #tpu.memory_space<semaphore_mem>>)
      %dma_wait3A = arith.constant 0 : i32
      %dma_wait3A_224 = tpu.memref_slice %arg16[%add3A_68, %dma_wait3A] : memref<10240x128xf32, #tpu.memory_space<vmem_shared>> -> memref<16x128xf32, #tpu.memory_space<vmem_shared>>
      %dma_wait3A_225 = arith.constant 0 : i32
      %dma_wait3A_226 = tpu.memref_slice %arg16[%add3A_68, %dma_wait3A_225] : memref<10240x128xf32, #tpu.memory_space<vmem_shared>> -> memref<16x128xf32, #tpu.memory_space<vmem_shared>>
      tpu.wait_dma2 semaphore(%run_scoped3A : memref<!tpu.dma_semaphore, #tpu.memory_space<semaphore_mem>>) src(%arg15 : memref<16x128xf32, #tpu.memory_space<vmem>>) dst(%dma_wait3A_226 : memref<16x128xf32, #tpu.memory_space<vmem_shared>>)
      tpu.yield
    }) : () -> ()
    %mul3A_69 = arith.constant 640 : i32
    %mul3A_70 = arith.muli %arg1, %mul3A_69 : i32
    %add3A_71 = arith.constant 80 : i32
    %add3A_72 = arith.addi %mul3A_70, %add3A_71 : i32
    "tpu.region"() ({
      %run_scoped3A = tpu.sem_alloc : memref<!tpu.dma_semaphore, #tpu.memory_space<semaphore_mem>>
      %dma_start3A_220 = arith.constant 0 : i32
      %dma_start3A_221 = tpu.memref_slice %arg16[%add3A_72, %dma_start3A_220] : memref<10240x128xf32, #tpu.memory_space<vmem_shared>> -> memref<16x128xf32, #tpu.memory_space<vmem_shared>>
      %dma_start3A_222 = arith.constant 0 : i32
      %dma_start3A_223 = tpu.memref_slice %arg16[%add3A_72, %dma_start3A_222] : memref<10240x128xf32, #tpu.memory_space<vmem_shared>> -> memref<16x128xf32, #tpu.memory_space<vmem_shared>>
      tpu.enqueue_dma source(%arg15 : memref<16x128xf32, #tpu.memory_space<vmem>>) target(%dma_start3A_223 : memref<16x128xf32, #tpu.memory_space<vmem_shared>>) target_semaphore(%run_scoped3A : memref<!tpu.dma_semaphore, #tpu.memory_space<semaphore_mem>>)
      %dma_wait3A = arith.constant 0 : i32
      %dma_wait3A_224 = tpu.memref_slice %arg16[%add3A_72, %dma_wait3A] : memref<10240x128xf32, #tpu.memory_space<vmem_shared>> -> memref<16x128xf32, #tpu.memory_space<vmem_shared>>
      %dma_wait3A_225 = arith.constant 0 : i32
      %dma_wait3A_226 = tpu.memref_slice %arg16[%add3A_72, %dma_wait3A_225] : memref<10240x128xf32, #tpu.memory_space<vmem_shared>> -> memref<16x128xf32, #tpu.memory_space<vmem_shared>>
      tpu.wait_dma2 semaphore(%run_scoped3A : memref<!tpu.dma_semaphore, #tpu.memory_space<semaphore_mem>>) src(%arg15 : memref<16x128xf32, #tpu.memory_space<vmem>>) dst(%dma_wait3A_226 : memref<16x128xf32, #tpu.memory_space<vmem_shared>>)
      tpu.yield
    }) : () -> ()
    %mul3A_73 = arith.constant 640 : i32
    %mul3A_74 = arith.muli %arg1, %mul3A_73 : i32
    %add3A_75 = arith.constant 96 : i32
    %add3A_76 = arith.addi %mul3A_74, %add3A_75 : i32
    "tpu.region"() ({
      %run_scoped3A = tpu.sem_alloc : memref<!tpu.dma_semaphore, #tpu.memory_space<semaphore_mem>>
      %dma_start3A_220 = arith.constant 0 : i32
      %dma_start3A_221 = tpu.memref_slice %arg16[%add3A_76, %dma_start3A_220] : memref<10240x128xf32, #tpu.memory_space<vmem_shared>> -> memref<16x128xf32, #tpu.memory_space<vmem_shared>>
      %dma_start3A_222 = arith.constant 0 : i32
      %dma_start3A_223 = tpu.memref_slice %arg16[%add3A_76, %dma_start3A_222] : memref<10240x128xf32, #tpu.memory_space<vmem_shared>> -> memref<16x128xf32, #tpu.memory_space<vmem_shared>>
      tpu.enqueue_dma source(%arg15 : memref<16x128xf32, #tpu.memory_space<vmem>>) target(%dma_start3A_223 : memref<16x128xf32, #tpu.memory_space<vmem_shared>>) target_semaphore(%run_scoped3A : memref<!tpu.dma_semaphore, #tpu.memory_space<semaphore_mem>>)
      %dma_wait3A = arith.constant 0 : i32
      %dma_wait3A_224 = tpu.memref_slice %arg16[%add3A_76, %dma_wait3A] : memref<10240x128xf32, #tpu.memory_space<vmem_shared>> -> memref<16x128xf32, #tpu.memory_space<vmem_shared>>
      %dma_wait3A_225 = arith.constant 0 : i32
      %dma_wait3A_226 = tpu.memref_slice %arg16[%add3A_76, %dma_wait3A_225] : memref<10240x128xf32, #tpu.memory_space<vmem_shared>> -> memref<16x128xf32, #tpu.memory_space<vmem_shared>>
      tpu.wait_dma2 semaphore(%run_scoped3A : memref<!tpu.dma_semaphore, #tpu.memory_space<semaphore_mem>>) src(%arg15 : memref<16x128xf32, #tpu.memory_space<vmem>>) dst(%dma_wait3A_226 : memref<16x128xf32, #tpu.memory_space<vmem_shared>>)
      tpu.yield
    }) : () -> ()
    %mul3A_77 = arith.constant 640 : i32
    %mul3A_78 = arith.muli %arg1, %mul3A_77 : i32
    %add3A_79 = arith.constant 112 : i32
    %add3A_80 = arith.addi %mul3A_78, %add3A_79 : i32
    "tpu.region"() ({
      %run_scoped3A = tpu.sem_alloc : memref<!tpu.dma_semaphore, #tpu.memory_space<semaphore_mem>>
      %dma_start3A_220 = arith.constant 0 : i32
      %dma_start3A_221 = tpu.memref_slice %arg16[%add3A_80, %dma_start3A_220] : memref<10240x128xf32, #tpu.memory_space<vmem_shared>> -> memref<16x128xf32, #tpu.memory_space<vmem_shared>>
      %dma_start3A_222 = arith.constant 0 : i32
      %dma_start3A_223 = tpu.memref_slice %arg16[%add3A_80, %dma_start3A_222] : memref<10240x128xf32, #tpu.memory_space<vmem_shared>> -> memref<16x128xf32, #tpu.memory_space<vmem_shared>>
      tpu.enqueue_dma source(%arg15 : memref<16x128xf32, #tpu.memory_space<vmem>>) target(%dma_start3A_223 : memref<16x128xf32, #tpu.memory_space<vmem_shared>>) target_semaphore(%run_scoped3A : memref<!tpu.dma_semaphore, #tpu.memory_space<semaphore_mem>>)
      %dma_wait3A = arith.constant 0 : i32
      %dma_wait3A_224 = tpu.memref_slice %arg16[%add3A_80, %dma_wait3A] : memref<10240x128xf32, #tpu.memory_space<vmem_shared>> -> memref<16x128xf32, #tpu.memory_space<vmem_shared>>
      %dma_wait3A_225 = arith.constant 0 : i32
      %dma_wait3A_226 = tpu.memref_slice %arg16[%add3A_80, %dma_wait3A_225] : memref<10240x128xf32, #tpu.memory_space<vmem_shared>> -> memref<16x128xf32, #tpu.memory_space<vmem_shared>>
      tpu.wait_dma2 semaphore(%run_scoped3A : memref<!tpu.dma_semaphore, #tpu.memory_space<semaphore_mem>>) src(%arg15 : memref<16x128xf32, #tpu.memory_space<vmem>>) dst(%dma_wait3A_226 : memref<16x128xf32, #tpu.memory_space<vmem_shared>>)
      tpu.yield
    }) : () -> ()
    %mul3A_81 = arith.constant 640 : i32
    %mul3A_82 = arith.muli %arg1, %mul3A_81 : i32
    %add3A_83 = arith.constant 128 : i32
    %add3A_84 = arith.addi %mul3A_82, %add3A_83 : i32
    "tpu.region"() ({
      %run_scoped3A = tpu.sem_alloc : memref<!tpu.dma_semaphore, #tpu.memory_space<semaphore_mem>>
      %dma_start3A_220 = arith.constant 0 : i32
      %dma_start3A_221 = tpu.memref_slice %arg16[%add3A_84, %dma_start3A_220] : memref<10240x128xf32, #tpu.memory_space<vmem_shared>> -> memref<16x128xf32, #tpu.memory_space<vmem_shared>>
      %dma_start3A_222 = arith.constant 0 : i32
      %dma_start3A_223 = tpu.memref_slice %arg16[%add3A_84, %dma_start3A_222] : memref<10240x128xf32, #tpu.memory_space<vmem_shared>> -> memref<16x128xf32, #tpu.memory_space<vmem_shared>>
      tpu.enqueue_dma source(%arg15 : memref<16x128xf32, #tpu.memory_space<vmem>>) target(%dma_start3A_223 : memref<16x128xf32, #tpu.memory_space<vmem_shared>>) target_semaphore(%run_scoped3A : memref<!tpu.dma_semaphore, #tpu.memory_space<semaphore_mem>>)
      %dma_wait3A = arith.constant 0 : i32
      %dma_wait3A_224 = tpu.memref_slice %arg16[%add3A_84, %dma_wait3A] : memref<10240x128xf32, #tpu.memory_space<vmem_shared>> -> memref<16x128xf32, #tpu.memory_space<vmem_shared>>
      %dma_wait3A_225 = arith.constant 0 : i32
      %dma_wait3A_226 = tpu.memref_slice %arg16[%add3A_84, %dma_wait3A_225] : memref<10240x128xf32, #tpu.memory_space<vmem_shared>> -> memref<16x128xf32, #tpu.memory_space<vmem_shared>>
      tpu.wait_dma2 semaphore(%run_scoped3A : memref<!tpu.dma_semaphore, #tpu.memory_space<semaphore_mem>>) src(%arg15 : memref<16x128xf32, #tpu.memory_space<vmem>>) dst(%dma_wait3A_226 : memref<16x128xf32, #tpu.memory_space<vmem_shared>>)
      tpu.yield
    }) : () -> ()
    %mul3A_85 = arith.constant 640 : i32
    %mul3A_86 = arith.muli %arg1, %mul3A_85 : i32
    %add3A_87 = arith.constant 144 : i32
    %add3A_88 = arith.addi %mul3A_86, %add3A_87 : i32
    "tpu.region"() ({
      %run_scoped3A = tpu.sem_alloc : memref<!tpu.dma_semaphore, #tpu.memory_space<semaphore_mem>>
      %dma_start3A_220 = arith.constant 0 : i32
      %dma_start3A_221 = tpu.memref_slice %arg16[%add3A_88, %dma_start3A_220] : memref<10240x128xf32, #tpu.memory_space<vmem_shared>> -> memref<16x128xf32, #tpu.memory_space<vmem_shared>>
      %dma_start3A_222 = arith.constant 0 : i32
      %dma_start3A_223 = tpu.memref_slice %arg16[%add3A_88, %dma_start3A_222] : memref<10240x128xf32, #tpu.memory_space<vmem_shared>> -> memref<16x128xf32, #tpu.memory_space<vmem_shared>>
      tpu.enqueue_dma source(%arg15 : memref<16x128xf32, #tpu.memory_space<vmem>>) target(%dma_start3A_223 : memref<16x128xf32, #tpu.memory_space<vmem_shared>>) target_semaphore(%run_scoped3A : memref<!tpu.dma_semaphore, #tpu.memory_space<semaphore_mem>>)
      %dma_wait3A = arith.constant 0 : i32
      %dma_wait3A_224 = tpu.memref_slice %arg16[%add3A_88, %dma_wait3A] : memref<10240x128xf32, #tpu.memory_space<vmem_shared>> -> memref<16x128xf32, #tpu.memory_space<vmem_shared>>
      %dma_wait3A_225 = arith.constant 0 : i32
      %dma_wait3A_226 = tpu.memref_slice %arg16[%add3A_88, %dma_wait3A_225] : memref<10240x128xf32, #tpu.memory_space<vmem_shared>> -> memref<16x128xf32, #tpu.memory_space<vmem_shared>>
      tpu.wait_dma2 semaphore(%run_scoped3A : memref<!tpu.dma_semaphore, #tpu.memory_space<semaphore_mem>>) src(%arg15 : memref<16x128xf32, #tpu.memory_space<vmem>>) dst(%dma_wait3A_226 : memref<16x128xf32, #tpu.memory_space<vmem_shared>>)
      tpu.yield
    }) : () -> ()
    %mul3A_89 = arith.constant 640 : i32
    %mul3A_90 = arith.muli %arg1, %mul3A_89 : i32
    %add3A_91 = arith.constant 160 : i32
    %add3A_92 = arith.addi %mul3A_90, %add3A_91 : i32
    "tpu.region"() ({
      %run_scoped3A = tpu.sem_alloc : memref<!tpu.dma_semaphore, #tpu.memory_space<semaphore_mem>>
      %dma_start3A_220 = arith.constant 0 : i32
      %dma_start3A_221 = tpu.memref_slice %arg16[%add3A_92, %dma_start3A_220] : memref<10240x128xf32, #tpu.memory_space<vmem_shared>> -> memref<16x128xf32, #tpu.memory_space<vmem_shared>>
      %dma_start3A_222 = arith.constant 0 : i32
      %dma_start3A_223 = tpu.memref_slice %arg16[%add3A_92, %dma_start3A_222] : memref<10240x128xf32, #tpu.memory_space<vmem_shared>> -> memref<16x128xf32, #tpu.memory_space<vmem_shared>>
      tpu.enqueue_dma source(%arg15 : memref<16x128xf32, #tpu.memory_space<vmem>>) target(%dma_start3A_223 : memref<16x128xf32, #tpu.memory_space<vmem_shared>>) target_semaphore(%run_scoped3A : memref<!tpu.dma_semaphore, #tpu.memory_space<semaphore_mem>>)
      %dma_wait3A = arith.constant 0 : i32
      %dma_wait3A_224 = tpu.memref_slice %arg16[%add3A_92, %dma_wait3A] : memref<10240x128xf32, #tpu.memory_space<vmem_shared>> -> memref<16x128xf32, #tpu.memory_space<vmem_shared>>
      %dma_wait3A_225 = arith.constant 0 : i32
      %dma_wait3A_226 = tpu.memref_slice %arg16[%add3A_92, %dma_wait3A_225] : memref<10240x128xf32, #tpu.memory_space<vmem_shared>> -> memref<16x128xf32, #tpu.memory_space<vmem_shared>>
      tpu.wait_dma2 semaphore(%run_scoped3A : memref<!tpu.dma_semaphore, #tpu.memory_space<semaphore_mem>>) src(%arg15 : memref<16x128xf32, #tpu.memory_space<vmem>>) dst(%dma_wait3A_226 : memref<16x128xf32, #tpu.memory_space<vmem_shared>>)
      tpu.yield
    }) : () -> ()
    %mul3A_93 = arith.constant 640 : i32
    %mul3A_94 = arith.muli %arg1, %mul3A_93 : i32
    %add3A_95 = arith.constant 176 : i32
    %add3A_96 = arith.addi %mul3A_94, %add3A_95 : i32
    "tpu.region"() ({
      %run_scoped3A = tpu.sem_alloc : memref<!tpu.dma_semaphore, #tpu.memory_space<semaphore_mem>>
      %dma_start3A_220 = arith.constant 0 : i32
      %dma_start3A_221 = tpu.memref_slice %arg16[%add3A_96, %dma_start3A_220] : memref<10240x128xf32, #tpu.memory_space<vmem_shared>> -> memref<16x128xf32, #tpu.memory_space<vmem_shared>>
      %dma_start3A_222 = arith.constant 0 : i32
      %dma_start3A_223 = tpu.memref_slice %arg16[%add3A_96, %dma_start3A_222] : memref<10240x128xf32, #tpu.memory_space<vmem_shared>> -> memref<16x128xf32, #tpu.memory_space<vmem_shared>>
      tpu.enqueue_dma source(%arg15 : memref<16x128xf32, #tpu.memory_space<vmem>>) target(%dma_start3A_223 : memref<16x128xf32, #tpu.memory_space<vmem_shared>>) target_semaphore(%run_scoped3A : memref<!tpu.dma_semaphore, #tpu.memory_space<semaphore_mem>>)
      %dma_wait3A = arith.constant 0 : i32
      %dma_wait3A_224 = tpu.memref_slice %arg16[%add3A_96, %dma_wait3A] : memref<10240x128xf32, #tpu.memory_space<vmem_shared>> -> memref<16x128xf32, #tpu.memory_space<vmem_shared>>
      %dma_wait3A_225 = arith.constant 0 : i32
      %dma_wait3A_226 = tpu.memref_slice %arg16[%add3A_96, %dma_wait3A_225] : memref<10240x128xf32, #tpu.memory_space<vmem_shared>> -> memref<16x128xf32, #tpu.memory_space<vmem_shared>>
      tpu.wait_dma2 semaphore(%run_scoped3A : memref<!tpu.dma_semaphore, #tpu.memory_space<semaphore_mem>>) src(%arg15 : memref<16x128xf32, #tpu.memory_space<vmem>>) dst(%dma_wait3A_226 : memref<16x128xf32, #tpu.memory_space<vmem_shared>>)
      tpu.yield
    }) : () -> ()
    %mul3A_97 = arith.constant 640 : i32
    %mul3A_98 = arith.muli %arg1, %mul3A_97 : i32
    %add3A_99 = arith.constant 192 : i32
    %add3A_100 = arith.addi %mul3A_98, %add3A_99 : i32
    "tpu.region"() ({
      %run_scoped3A = tpu.sem_alloc : memref<!tpu.dma_semaphore, #tpu.memory_space<semaphore_mem>>
      %dma_start3A_220 = arith.constant 0 : i32
      %dma_start3A_221 = tpu.memref_slice %arg16[%add3A_100, %dma_start3A_220] : memref<10240x128xf32, #tpu.memory_space<vmem_shared>> -> memref<16x128xf32, #tpu.memory_space<vmem_shared>>
      %dma_start3A_222 = arith.constant 0 : i32
      %dma_start3A_223 = tpu.memref_slice %arg16[%add3A_100, %dma_start3A_222] : memref<10240x128xf32, #tpu.memory_space<vmem_shared>> -> memref<16x128xf32, #tpu.memory_space<vmem_shared>>
      tpu.enqueue_dma source(%arg15 : memref<16x128xf32, #tpu.memory_space<vmem>>) target(%dma_start3A_223 : memref<16x128xf32, #tpu.memory_space<vmem_shared>>) target_semaphore(%run_scoped3A : memref<!tpu.dma_semaphore, #tpu.memory_space<semaphore_mem>>)
      %dma_wait3A = arith.constant 0 : i32
      %dma_wait3A_224 = tpu.memref_slice %arg16[%add3A_100, %dma_wait3A] : memref<10240x128xf32, #tpu.memory_space<vmem_shared>> -> memref<16x128xf32, #tpu.memory_space<vmem_shared>>
      %dma_wait3A_225 = arith.constant 0 : i32
      %dma_wait3A_226 = tpu.memref_slice %arg16[%add3A_100, %dma_wait3A_225] : memref<10240x128xf32, #tpu.memory_space<vmem_shared>> -> memref<16x128xf32, #tpu.memory_space<vmem_shared>>
      tpu.wait_dma2 semaphore(%run_scoped3A : memref<!tpu.dma_semaphore, #tpu.memory_space<semaphore_mem>>) src(%arg15 : memref<16x128xf32, #tpu.memory_space<vmem>>) dst(%dma_wait3A_226 : memref<16x128xf32, #tpu.memory_space<vmem_shared>>)
      tpu.yield
    }) : () -> ()
    %mul3A_101 = arith.constant 640 : i32
    %mul3A_102 = arith.muli %arg1, %mul3A_101 : i32
    %add3A_103 = arith.constant 208 : i32
    %add3A_104 = arith.addi %mul3A_102, %add3A_103 : i32
    "tpu.region"() ({
      %run_scoped3A = tpu.sem_alloc : memref<!tpu.dma_semaphore, #tpu.memory_space<semaphore_mem>>
      %dma_start3A_220 = arith.constant 0 : i32
      %dma_start3A_221 = tpu.memref_slice %arg16[%add3A_104, %dma_start3A_220] : memref<10240x128xf32, #tpu.memory_space<vmem_shared>> -> memref<16x128xf32, #tpu.memory_space<vmem_shared>>
      %dma_start3A_222 = arith.constant 0 : i32
      %dma_start3A_223 = tpu.memref_slice %arg16[%add3A_104, %dma_start3A_222] : memref<10240x128xf32, #tpu.memory_space<vmem_shared>> -> memref<16x128xf32, #tpu.memory_space<vmem_shared>>
      tpu.enqueue_dma source(%arg15 : memref<16x128xf32, #tpu.memory_space<vmem>>) target(%dma_start3A_223 : memref<16x128xf32, #tpu.memory_space<vmem_shared>>) target_semaphore(%run_scoped3A : memref<!tpu.dma_semaphore, #tpu.memory_space<semaphore_mem>>)
      %dma_wait3A = arith.constant 0 : i32
      %dma_wait3A_224 = tpu.memref_slice %arg16[%add3A_104, %dma_wait3A] : memref<10240x128xf32, #tpu.memory_space<vmem_shared>> -> memref<16x128xf32, #tpu.memory_space<vmem_shared>>
      %dma_wait3A_225 = arith.constant 0 : i32
      %dma_wait3A_226 = tpu.memref_slice %arg16[%add3A_104, %dma_wait3A_225] : memref<10240x128xf32, #tpu.memory_space<vmem_shared>> -> memref<16x128xf32, #tpu.memory_space<vmem_shared>>
      tpu.wait_dma2 semaphore(%run_scoped3A : memref<!tpu.dma_semaphore, #tpu.memory_space<semaphore_mem>>) src(%arg15 : memref<16x128xf32, #tpu.memory_space<vmem>>) dst(%dma_wait3A_226 : memref<16x128xf32, #tpu.memory_space<vmem_shared>>)
      tpu.yield
    }) : () -> ()
    %mul3A_105 = arith.constant 640 : i32
    %mul3A_106 = arith.muli %arg1, %mul3A_105 : i32
    %add3A_107 = arith.constant 224 : i32
    %add3A_108 = arith.addi %mul3A_106, %add3A_107 : i32
    "tpu.region"() ({
      %run_scoped3A = tpu.sem_alloc : memref<!tpu.dma_semaphore, #tpu.memory_space<semaphore_mem>>
      %dma_start3A_220 = arith.constant 0 : i32
      %dma_start3A_221 = tpu.memref_slice %arg16[%add3A_108, %dma_start3A_220] : memref<10240x128xf32, #tpu.memory_space<vmem_shared>> -> memref<16x128xf32, #tpu.memory_space<vmem_shared>>
      %dma_start3A_222 = arith.constant 0 : i32
      %dma_start3A_223 = tpu.memref_slice %arg16[%add3A_108, %dma_start3A_222] : memref<10240x128xf32, #tpu.memory_space<vmem_shared>> -> memref<16x128xf32, #tpu.memory_space<vmem_shared>>
      tpu.enqueue_dma source(%arg15 : memref<16x128xf32, #tpu.memory_space<vmem>>) target(%dma_start3A_223 : memref<16x128xf32, #tpu.memory_space<vmem_shared>>) target_semaphore(%run_scoped3A : memref<!tpu.dma_semaphore, #tpu.memory_space<semaphore_mem>>)
      %dma_wait3A = arith.constant 0 : i32
      %dma_wait3A_224 = tpu.memref_slice %arg16[%add3A_108, %dma_wait3A] : memref<10240x128xf32, #tpu.memory_space<vmem_shared>> -> memref<16x128xf32, #tpu.memory_space<vmem_shared>>
      %dma_wait3A_225 = arith.constant 0 : i32
      %dma_wait3A_226 = tpu.memref_slice %arg16[%add3A_108, %dma_wait3A_225] : memref<10240x128xf32, #tpu.memory_space<vmem_shared>> -> memref<16x128xf32, #tpu.memory_space<vmem_shared>>
      tpu.wait_dma2 semaphore(%run_scoped3A : memref<!tpu.dma_semaphore, #tpu.memory_space<semaphore_mem>>) src(%arg15 : memref<16x128xf32, #tpu.memory_space<vmem>>) dst(%dma_wait3A_226 : memref<16x128xf32, #tpu.memory_space<vmem_shared>>)
      tpu.yield
    }) : () -> ()
    %mul3A_109 = arith.constant 640 : i32
    %mul3A_110 = arith.muli %arg1, %mul3A_109 : i32
    %add3A_111 = arith.constant 240 : i32
    %add3A_112 = arith.addi %mul3A_110, %add3A_111 : i32
    "tpu.region"() ({
      %run_scoped3A = tpu.sem_alloc : memref<!tpu.dma_semaphore, #tpu.memory_space<semaphore_mem>>
      %dma_start3A_220 = arith.constant 0 : i32
      %dma_start3A_221 = tpu.memref_slice %arg16[%add3A_112, %dma_start3A_220] : memref<10240x128xf32, #tpu.memory_space<vmem_shared>> -> memref<16x128xf32, #tpu.memory_space<vmem_shared>>
      %dma_start3A_222 = arith.constant 0 : i32
      %dma_start3A_223 = tpu.memref_slice %arg16[%add3A_112, %dma_start3A_222] : memref<10240x128xf32, #tpu.memory_space<vmem_shared>> -> memref<16x128xf32, #tpu.memory_space<vmem_shared>>
      tpu.enqueue_dma source(%arg15 : memref<16x128xf32, #tpu.memory_space<vmem>>) target(%dma_start3A_223 : memref<16x128xf32, #tpu.memory_space<vmem_shared>>) target_semaphore(%run_scoped3A : memref<!tpu.dma_semaphore, #tpu.memory_space<semaphore_mem>>)
      %dma_wait3A = arith.constant 0 : i32
      %dma_wait3A_224 = tpu.memref_slice %arg16[%add3A_112, %dma_wait3A] : memref<10240x128xf32, #tpu.memory_space<vmem_shared>> -> memref<16x128xf32, #tpu.memory_space<vmem_shared>>
      %dma_wait3A_225 = arith.constant 0 : i32
      %dma_wait3A_226 = tpu.memref_slice %arg16[%add3A_112, %dma_wait3A_225] : memref<10240x128xf32, #tpu.memory_space<vmem_shared>> -> memref<16x128xf32, #tpu.memory_space<vmem_shared>>
      tpu.wait_dma2 semaphore(%run_scoped3A : memref<!tpu.dma_semaphore, #tpu.memory_space<semaphore_mem>>) src(%arg15 : memref<16x128xf32, #tpu.memory_space<vmem>>) dst(%dma_wait3A_226 : memref<16x128xf32, #tpu.memory_space<vmem_shared>>)
      tpu.yield
    }) : () -> ()
    %mul3A_113 = arith.constant 640 : i32
    %mul3A_114 = arith.muli %arg1, %mul3A_113 : i32
    %add3A_115 = arith.constant 256 : i32
    %add3A_116 = arith.addi %mul3A_114, %add3A_115 : i32
    "tpu.region"() ({
      %run_scoped3A = tpu.sem_alloc : memref<!tpu.dma_semaphore, #tpu.memory_space<semaphore_mem>>
      %dma_start3A_220 = arith.constant 0 : i32
      %dma_start3A_221 = tpu.memref_slice %arg16[%add3A_116, %dma_start3A_220] : memref<10240x128xf32, #tpu.memory_space<vmem_shared>> -> memref<16x128xf32, #tpu.memory_space<vmem_shared>>
      %dma_start3A_222 = arith.constant 0 : i32
      %dma_start3A_223 = tpu.memref_slice %arg16[%add3A_116, %dma_start3A_222] : memref<10240x128xf32, #tpu.memory_space<vmem_shared>> -> memref<16x128xf32, #tpu.memory_space<vmem_shared>>
      tpu.enqueue_dma source(%arg15 : memref<16x128xf32, #tpu.memory_space<vmem>>) target(%dma_start3A_223 : memref<16x128xf32, #tpu.memory_space<vmem_shared>>) target_semaphore(%run_scoped3A : memref<!tpu.dma_semaphore, #tpu.memory_space<semaphore_mem>>)
      %dma_wait3A = arith.constant 0 : i32
      %dma_wait3A_224 = tpu.memref_slice %arg16[%add3A_116, %dma_wait3A] : memref<10240x128xf32, #tpu.memory_space<vmem_shared>> -> memref<16x128xf32, #tpu.memory_space<vmem_shared>>
      %dma_wait3A_225 = arith.constant 0 : i32
      %dma_wait3A_226 = tpu.memref_slice %arg16[%add3A_116, %dma_wait3A_225] : memref<10240x128xf32, #tpu.memory_space<vmem_shared>> -> memref<16x128xf32, #tpu.memory_space<vmem_shared>>
      tpu.wait_dma2 semaphore(%run_scoped3A : memref<!tpu.dma_semaphore, #tpu.memory_space<semaphore_mem>>) src(%arg15 : memref<16x128xf32, #tpu.memory_space<vmem>>) dst(%dma_wait3A_226 : memref<16x128xf32, #tpu.memory_space<vmem_shared>>)
      tpu.yield
    }) : () -> ()
    %mul3A_117 = arith.constant 640 : i32
    %mul3A_118 = arith.muli %arg1, %mul3A_117 : i32
    %add3A_119 = arith.constant 272 : i32
    %add3A_120 = arith.addi %mul3A_118, %add3A_119 : i32
    "tpu.region"() ({
      %run_scoped3A = tpu.sem_alloc : memref<!tpu.dma_semaphore, #tpu.memory_space<semaphore_mem>>
      %dma_start3A_220 = arith.constant 0 : i32
      %dma_start3A_221 = tpu.memref_slice %arg16[%add3A_120, %dma_start3A_220] : memref<10240x128xf32, #tpu.memory_space<vmem_shared>> -> memref<16x128xf32, #tpu.memory_space<vmem_shared>>
      %dma_start3A_222 = arith.constant 0 : i32
      %dma_start3A_223 = tpu.memref_slice %arg16[%add3A_120, %dma_start3A_222] : memref<10240x128xf32, #tpu.memory_space<vmem_shared>> -> memref<16x128xf32, #tpu.memory_space<vmem_shared>>
      tpu.enqueue_dma source(%arg15 : memref<16x128xf32, #tpu.memory_space<vmem>>) target(%dma_start3A_223 : memref<16x128xf32, #tpu.memory_space<vmem_shared>>) target_semaphore(%run_scoped3A : memref<!tpu.dma_semaphore, #tpu.memory_space<semaphore_mem>>)
      %dma_wait3A = arith.constant 0 : i32
      %dma_wait3A_224 = tpu.memref_slice %arg16[%add3A_120, %dma_wait3A] : memref<10240x128xf32, #tpu.memory_space<vmem_shared>> -> memref<16x128xf32, #tpu.memory_space<vmem_shared>>
      %dma_wait3A_225 = arith.constant 0 : i32
      %dma_wait3A_226 = tpu.memref_slice %arg16[%add3A_120, %dma_wait3A_225] : memref<10240x128xf32, #tpu.memory_space<vmem_shared>> -> memref<16x128xf32, #tpu.memory_space<vmem_shared>>
      tpu.wait_dma2 semaphore(%run_scoped3A : memref<!tpu.dma_semaphore, #tpu.memory_space<semaphore_mem>>) src(%arg15 : memref<16x128xf32, #tpu.memory_space<vmem>>) dst(%dma_wait3A_226 : memref<16x128xf32, #tpu.memory_space<vmem_shared>>)
      tpu.yield
    }) : () -> ()
    %mul3A_121 = arith.constant 640 : i32
    %mul3A_122 = arith.muli %arg1, %mul3A_121 : i32
    %add3A_123 = arith.constant 288 : i32
    %add3A_124 = arith.addi %mul3A_122, %add3A_123 : i32
    "tpu.region"() ({
      %run_scoped3A = tpu.sem_alloc : memref<!tpu.dma_semaphore, #tpu.memory_space<semaphore_mem>>
      %dma_start3A_220 = arith.constant 0 : i32
      %dma_start3A_221 = tpu.memref_slice %arg16[%add3A_124, %dma_start3A_220] : memref<10240x128xf32, #tpu.memory_space<vmem_shared>> -> memref<16x128xf32, #tpu.memory_space<vmem_shared>>
      %dma_start3A_222 = arith.constant 0 : i32
      %dma_start3A_223 = tpu.memref_slice %arg16[%add3A_124, %dma_start3A_222] : memref<10240x128xf32, #tpu.memory_space<vmem_shared>> -> memref<16x128xf32, #tpu.memory_space<vmem_shared>>
      tpu.enqueue_dma source(%arg15 : memref<16x128xf32, #tpu.memory_space<vmem>>) target(%dma_start3A_223 : memref<16x128xf32, #tpu.memory_space<vmem_shared>>) target_semaphore(%run_scoped3A : memref<!tpu.dma_semaphore, #tpu.memory_space<semaphore_mem>>)
      %dma_wait3A = arith.constant 0 : i32
      %dma_wait3A_224 = tpu.memref_slice %arg16[%add3A_124, %dma_wait3A] : memref<10240x128xf32, #tpu.memory_space<vmem_shared>> -> memref<16x128xf32, #tpu.memory_space<vmem_shared>>
      %dma_wait3A_225 = arith.constant 0 : i32
      %dma_wait3A_226 = tpu.memref_slice %arg16[%add3A_124, %dma_wait3A_225] : memref<10240x128xf32, #tpu.memory_space<vmem_shared>> -> memref<16x128xf32, #tpu.memory_space<vmem_shared>>
      tpu.wait_dma2 semaphore(%run_scoped3A : memref<!tpu.dma_semaphore, #tpu.memory_space<semaphore_mem>>) src(%arg15 : memref<16x128xf32, #tpu.memory_space<vmem>>) dst(%dma_wait3A_226 : memref<16x128xf32, #tpu.memory_space<vmem_shared>>)
      tpu.yield
    }) : () -> ()
    %mul3A_125 = arith.constant 640 : i32
    %mul3A_126 = arith.muli %arg1, %mul3A_125 : i32
    %add3A_127 = arith.constant 304 : i32
    %add3A_128 = arith.addi %mul3A_126, %add3A_127 : i32
    "tpu.region"() ({
      %run_scoped3A = tpu.sem_alloc : memref<!tpu.dma_semaphore, #tpu.memory_space<semaphore_mem>>
      %dma_start3A_220 = arith.constant 0 : i32
      %dma_start3A_221 = tpu.memref_slice %arg16[%add3A_128, %dma_start3A_220] : memref<10240x128xf32, #tpu.memory_space<vmem_shared>> -> memref<16x128xf32, #tpu.memory_space<vmem_shared>>
      %dma_start3A_222 = arith.constant 0 : i32
      %dma_start3A_223 = tpu.memref_slice %arg16[%add3A_128, %dma_start3A_222] : memref<10240x128xf32, #tpu.memory_space<vmem_shared>> -> memref<16x128xf32, #tpu.memory_space<vmem_shared>>
      tpu.enqueue_dma source(%arg15 : memref<16x128xf32, #tpu.memory_space<vmem>>) target(%dma_start3A_223 : memref<16x128xf32, #tpu.memory_space<vmem_shared>>) target_semaphore(%run_scoped3A : memref<!tpu.dma_semaphore, #tpu.memory_space<semaphore_mem>>)
      %dma_wait3A = arith.constant 0 : i32
      %dma_wait3A_224 = tpu.memref_slice %arg16[%add3A_128, %dma_wait3A] : memref<10240x128xf32, #tpu.memory_space<vmem_shared>> -> memref<16x128xf32, #tpu.memory_space<vmem_shared>>
      %dma_wait3A_225 = arith.constant 0 : i32
      %dma_wait3A_226 = tpu.memref_slice %arg16[%add3A_128, %dma_wait3A_225] : memref<10240x128xf32, #tpu.memory_space<vmem_shared>> -> memref<16x128xf32, #tpu.memory_space<vmem_shared>>
      tpu.wait_dma2 semaphore(%run_scoped3A : memref<!tpu.dma_semaphore, #tpu.memory_space<semaphore_mem>>) src(%arg15 : memref<16x128xf32, #tpu.memory_space<vmem>>) dst(%dma_wait3A_226 : memref<16x128xf32, #tpu.memory_space<vmem_shared>>)
      tpu.yield
    }) : () -> ()
    %mul3A_129 = arith.constant 640 : i32
    %mul3A_130 = arith.muli %arg1, %mul3A_129 : i32
    %add3A_131 = arith.constant 320 : i32
    %add3A_132 = arith.addi %mul3A_130, %add3A_131 : i32
    "tpu.region"() ({
      %run_scoped3A = tpu.sem_alloc : memref<!tpu.dma_semaphore, #tpu.memory_space<semaphore_mem>>
      %dma_start3A_220 = arith.constant 0 : i32
      %dma_start3A_221 = tpu.memref_slice %arg16[%add3A_132, %dma_start3A_220] : memref<10240x128xf32, #tpu.memory_space<vmem_shared>> -> memref<16x128xf32, #tpu.memory_space<vmem_shared>>
      %dma_start3A_222 = arith.constant 0 : i32
      %dma_start3A_223 = tpu.memref_slice %arg16[%add3A_132, %dma_start3A_222] : memref<10240x128xf32, #tpu.memory_space<vmem_shared>> -> memref<16x128xf32, #tpu.memory_space<vmem_shared>>
      tpu.enqueue_dma source(%arg15 : memref<16x128xf32, #tpu.memory_space<vmem>>) target(%dma_start3A_223 : memref<16x128xf32, #tpu.memory_space<vmem_shared>>) target_semaphore(%run_scoped3A : memref<!tpu.dma_semaphore, #tpu.memory_space<semaphore_mem>>)
      %dma_wait3A = arith.constant 0 : i32
      %dma_wait3A_224 = tpu.memref_slice %arg16[%add3A_132, %dma_wait3A] : memref<10240x128xf32, #tpu.memory_space<vmem_shared>> -> memref<16x128xf32, #tpu.memory_space<vmem_shared>>
      %dma_wait3A_225 = arith.constant 0 : i32
      %dma_wait3A_226 = tpu.memref_slice %arg16[%add3A_132, %dma_wait3A_225] : memref<10240x128xf32, #tpu.memory_space<vmem_shared>> -> memref<16x128xf32, #tpu.memory_space<vmem_shared>>
      tpu.wait_dma2 semaphore(%run_scoped3A : memref<!tpu.dma_semaphore, #tpu.memory_space<semaphore_mem>>) src(%arg15 : memref<16x128xf32, #tpu.memory_space<vmem>>) dst(%dma_wait3A_226 : memref<16x128xf32, #tpu.memory_space<vmem_shared>>)
      tpu.yield
    }) : () -> ()
    %mul3A_133 = arith.constant 640 : i32
    %mul3A_134 = arith.muli %arg1, %mul3A_133 : i32
    %add3A_135 = arith.constant 336 : i32
    %add3A_136 = arith.addi %mul3A_134, %add3A_135 : i32
    "tpu.region"() ({
      %run_scoped3A = tpu.sem_alloc : memref<!tpu.dma_semaphore, #tpu.memory_space<semaphore_mem>>
      %dma_start3A_220 = arith.constant 0 : i32
      %dma_start3A_221 = tpu.memref_slice %arg16[%add3A_136, %dma_start3A_220] : memref<10240x128xf32, #tpu.memory_space<vmem_shared>> -> memref<16x128xf32, #tpu.memory_space<vmem_shared>>
      %dma_start3A_222 = arith.constant 0 : i32
      %dma_start3A_223 = tpu.memref_slice %arg16[%add3A_136, %dma_start3A_222] : memref<10240x128xf32, #tpu.memory_space<vmem_shared>> -> memref<16x128xf32, #tpu.memory_space<vmem_shared>>
      tpu.enqueue_dma source(%arg15 : memref<16x128xf32, #tpu.memory_space<vmem>>) target(%dma_start3A_223 : memref<16x128xf32, #tpu.memory_space<vmem_shared>>) target_semaphore(%run_scoped3A : memref<!tpu.dma_semaphore, #tpu.memory_space<semaphore_mem>>)
      %dma_wait3A = arith.constant 0 : i32
      %dma_wait3A_224 = tpu.memref_slice %arg16[%add3A_136, %dma_wait3A] : memref<10240x128xf32, #tpu.memory_space<vmem_shared>> -> memref<16x128xf32, #tpu.memory_space<vmem_shared>>
      %dma_wait3A_225 = arith.constant 0 : i32
      %dma_wait3A_226 = tpu.memref_slice %arg16[%add3A_136, %dma_wait3A_225] : memref<10240x128xf32, #tpu.memory_space<vmem_shared>> -> memref<16x128xf32, #tpu.memory_space<vmem_shared>>
      tpu.wait_dma2 semaphore(%run_scoped3A : memref<!tpu.dma_semaphore, #tpu.memory_space<semaphore_mem>>) src(%arg15 : memref<16x128xf32, #tpu.memory_space<vmem>>) dst(%dma_wait3A_226 : memref<16x128xf32, #tpu.memory_space<vmem_shared>>)
      tpu.yield
    }) : () -> ()
    %mul3A_137 = arith.constant 640 : i32
    %mul3A_138 = arith.muli %arg1, %mul3A_137 : i32
    %add3A_139 = arith.constant 352 : i32
    %add3A_140 = arith.addi %mul3A_138, %add3A_139 : i32
    "tpu.region"() ({
      %run_scoped3A = tpu.sem_alloc : memref<!tpu.dma_semaphore, #tpu.memory_space<semaphore_mem>>
      %dma_start3A_220 = arith.constant 0 : i32
      %dma_start3A_221 = tpu.memref_slice %arg16[%add3A_140, %dma_start3A_220] : memref<10240x128xf32, #tpu.memory_space<vmem_shared>> -> memref<16x128xf32, #tpu.memory_space<vmem_shared>>
      %dma_start3A_222 = arith.constant 0 : i32
      %dma_start3A_223 = tpu.memref_slice %arg16[%add3A_140, %dma_start3A_222] : memref<10240x128xf32, #tpu.memory_space<vmem_shared>> -> memref<16x128xf32, #tpu.memory_space<vmem_shared>>
      tpu.enqueue_dma source(%arg15 : memref<16x128xf32, #tpu.memory_space<vmem>>) target(%dma_start3A_223 : memref<16x128xf32, #tpu.memory_space<vmem_shared>>) target_semaphore(%run_scoped3A : memref<!tpu.dma_semaphore, #tpu.memory_space<semaphore_mem>>)
      %dma_wait3A = arith.constant 0 : i32
      %dma_wait3A_224 = tpu.memref_slice %arg16[%add3A_140, %dma_wait3A] : memref<10240x128xf32, #tpu.memory_space<vmem_shared>> -> memref<16x128xf32, #tpu.memory_space<vmem_shared>>
      %dma_wait3A_225 = arith.constant 0 : i32
      %dma_wait3A_226 = tpu.memref_slice %arg16[%add3A_140, %dma_wait3A_225] : memref<10240x128xf32, #tpu.memory_space<vmem_shared>> -> memref<16x128xf32, #tpu.memory_space<vmem_shared>>
      tpu.wait_dma2 semaphore(%run_scoped3A : memref<!tpu.dma_semaphore, #tpu.memory_space<semaphore_mem>>) src(%arg15 : memref<16x128xf32, #tpu.memory_space<vmem>>) dst(%dma_wait3A_226 : memref<16x128xf32, #tpu.memory_space<vmem_shared>>)
      tpu.yield
    }) : () -> ()
    %mul3A_141 = arith.constant 640 : i32
    %mul3A_142 = arith.muli %arg1, %mul3A_141 : i32
    %add3A_143 = arith.constant 368 : i32
    %add3A_144 = arith.addi %mul3A_142, %add3A_143 : i32
    "tpu.region"() ({
      %run_scoped3A = tpu.sem_alloc : memref<!tpu.dma_semaphore, #tpu.memory_space<semaphore_mem>>
      %dma_start3A_220 = arith.constant 0 : i32
      %dma_start3A_221 = tpu.memref_slice %arg16[%add3A_144, %dma_start3A_220] : memref<10240x128xf32, #tpu.memory_space<vmem_shared>> -> memref<16x128xf32, #tpu.memory_space<vmem_shared>>
      %dma_start3A_222 = arith.constant 0 : i32
      %dma_start3A_223 = tpu.memref_slice %arg16[%add3A_144, %dma_start3A_222] : memref<10240x128xf32, #tpu.memory_space<vmem_shared>> -> memref<16x128xf32, #tpu.memory_space<vmem_shared>>
      tpu.enqueue_dma source(%arg15 : memref<16x128xf32, #tpu.memory_space<vmem>>) target(%dma_start3A_223 : memref<16x128xf32, #tpu.memory_space<vmem_shared>>) target_semaphore(%run_scoped3A : memref<!tpu.dma_semaphore, #tpu.memory_space<semaphore_mem>>)
      %dma_wait3A = arith.constant 0 : i32
      %dma_wait3A_224 = tpu.memref_slice %arg16[%add3A_144, %dma_wait3A] : memref<10240x128xf32, #tpu.memory_space<vmem_shared>> -> memref<16x128xf32, #tpu.memory_space<vmem_shared>>
      %dma_wait3A_225 = arith.constant 0 : i32
      %dma_wait3A_226 = tpu.memref_slice %arg16[%add3A_144, %dma_wait3A_225] : memref<10240x128xf32, #tpu.memory_space<vmem_shared>> -> memref<16x128xf32, #tpu.memory_space<vmem_shared>>
      tpu.wait_dma2 semaphore(%run_scoped3A : memref<!tpu.dma_semaphore, #tpu.memory_space<semaphore_mem>>) src(%arg15 : memref<16x128xf32, #tpu.memory_space<vmem>>) dst(%dma_wait3A_226 : memref<16x128xf32, #tpu.memory_space<vmem_shared>>)
      tpu.yield
    }) : () -> ()
    %mul3A_145 = arith.constant 640 : i32
    %mul3A_146 = arith.muli %arg1, %mul3A_145 : i32
    %add3A_147 = arith.constant 384 : i32
    %add3A_148 = arith.addi %mul3A_146, %add3A_147 : i32
    "tpu.region"() ({
      %run_scoped3A = tpu.sem_alloc : memref<!tpu.dma_semaphore, #tpu.memory_space<semaphore_mem>>
      %dma_start3A_220 = arith.constant 0 : i32
      %dma_start3A_221 = tpu.memref_slice %arg16[%add3A_148, %dma_start3A_220] : memref<10240x128xf32, #tpu.memory_space<vmem_shared>> -> memref<16x128xf32, #tpu.memory_space<vmem_shared>>
      %dma_start3A_222 = arith.constant 0 : i32
      %dma_start3A_223 = tpu.memref_slice %arg16[%add3A_148, %dma_start3A_222] : memref<10240x128xf32, #tpu.memory_space<vmem_shared>> -> memref<16x128xf32, #tpu.memory_space<vmem_shared>>
      tpu.enqueue_dma source(%arg15 : memref<16x128xf32, #tpu.memory_space<vmem>>) target(%dma_start3A_223 : memref<16x128xf32, #tpu.memory_space<vmem_shared>>) target_semaphore(%run_scoped3A : memref<!tpu.dma_semaphore, #tpu.memory_space<semaphore_mem>>)
      %dma_wait3A = arith.constant 0 : i32
      %dma_wait3A_224 = tpu.memref_slice %arg16[%add3A_148, %dma_wait3A] : memref<10240x128xf32, #tpu.memory_space<vmem_shared>> -> memref<16x128xf32, #tpu.memory_space<vmem_shared>>
      %dma_wait3A_225 = arith.constant 0 : i32
      %dma_wait3A_226 = tpu.memref_slice %arg16[%add3A_148, %dma_wait3A_225] : memref<10240x128xf32, #tpu.memory_space<vmem_shared>> -> memref<16x128xf32, #tpu.memory_space<vmem_shared>>
      tpu.wait_dma2 semaphore(%run_scoped3A : memref<!tpu.dma_semaphore, #tpu.memory_space<semaphore_mem>>) src(%arg15 : memref<16x128xf32, #tpu.memory_space<vmem>>) dst(%dma_wait3A_226 : memref<16x128xf32, #tpu.memory_space<vmem_shared>>)
      tpu.yield
    }) : () -> ()
    %mul3A_149 = arith.constant 640 : i32
    %mul3A_150 = arith.muli %arg1, %mul3A_149 : i32
    %add3A_151 = arith.constant 400 : i32
    %add3A_152 = arith.addi %mul3A_150, %add3A_151 : i32
    "tpu.region"() ({
      %run_scoped3A = tpu.sem_alloc : memref<!tpu.dma_semaphore, #tpu.memory_space<semaphore_mem>>
      %dma_start3A_220 = arith.constant 0 : i32
      %dma_start3A_221 = tpu.memref_slice %arg16[%add3A_152, %dma_start3A_220] : memref<10240x128xf32, #tpu.memory_space<vmem_shared>> -> memref<16x128xf32, #tpu.memory_space<vmem_shared>>
      %dma_start3A_222 = arith.constant 0 : i32
      %dma_start3A_223 = tpu.memref_slice %arg16[%add3A_152, %dma_start3A_222] : memref<10240x128xf32, #tpu.memory_space<vmem_shared>> -> memref<16x128xf32, #tpu.memory_space<vmem_shared>>
      tpu.enqueue_dma source(%arg15 : memref<16x128xf32, #tpu.memory_space<vmem>>) target(%dma_start3A_223 : memref<16x128xf32, #tpu.memory_space<vmem_shared>>) target_semaphore(%run_scoped3A : memref<!tpu.dma_semaphore, #tpu.memory_space<semaphore_mem>>)
      %dma_wait3A = arith.constant 0 : i32
      %dma_wait3A_224 = tpu.memref_slice %arg16[%add3A_152, %dma_wait3A] : memref<10240x128xf32, #tpu.memory_space<vmem_shared>> -> memref<16x128xf32, #tpu.memory_space<vmem_shared>>
      %dma_wait3A_225 = arith.constant 0 : i32
      %dma_wait3A_226 = tpu.memref_slice %arg16[%add3A_152, %dma_wait3A_225] : memref<10240x128xf32, #tpu.memory_space<vmem_shared>> -> memref<16x128xf32, #tpu.memory_space<vmem_shared>>
      tpu.wait_dma2 semaphore(%run_scoped3A : memref<!tpu.dma_semaphore, #tpu.memory_space<semaphore_mem>>) src(%arg15 : memref<16x128xf32, #tpu.memory_space<vmem>>) dst(%dma_wait3A_226 : memref<16x128xf32, #tpu.memory_space<vmem_shared>>)
      tpu.yield
    }) : () -> ()
    %mul3A_153 = arith.constant 640 : i32
    %mul3A_154 = arith.muli %arg1, %mul3A_153 : i32
    %add3A_155 = arith.constant 416 : i32
    %add3A_156 = arith.addi %mul3A_154, %add3A_155 : i32
    "tpu.region"() ({
      %run_scoped3A = tpu.sem_alloc : memref<!tpu.dma_semaphore, #tpu.memory_space<semaphore_mem>>
      %dma_start3A_220 = arith.constant 0 : i32
      %dma_start3A_221 = tpu.memref_slice %arg16[%add3A_156, %dma_start3A_220] : memref<10240x128xf32, #tpu.memory_space<vmem_shared>> -> memref<16x128xf32, #tpu.memory_space<vmem_shared>>
      %dma_start3A_222 = arith.constant 0 : i32
      %dma_start3A_223 = tpu.memref_slice %arg16[%add3A_156, %dma_start3A_222] : memref<10240x128xf32, #tpu.memory_space<vmem_shared>> -> memref<16x128xf32, #tpu.memory_space<vmem_shared>>
      tpu.enqueue_dma source(%arg15 : memref<16x128xf32, #tpu.memory_space<vmem>>) target(%dma_start3A_223 : memref<16x128xf32, #tpu.memory_space<vmem_shared>>) target_semaphore(%run_scoped3A : memref<!tpu.dma_semaphore, #tpu.memory_space<semaphore_mem>>)
      %dma_wait3A = arith.constant 0 : i32
      %dma_wait3A_224 = tpu.memref_slice %arg16[%add3A_156, %dma_wait3A] : memref<10240x128xf32, #tpu.memory_space<vmem_shared>> -> memref<16x128xf32, #tpu.memory_space<vmem_shared>>
      %dma_wait3A_225 = arith.constant 0 : i32
      %dma_wait3A_226 = tpu.memref_slice %arg16[%add3A_156, %dma_wait3A_225] : memref<10240x128xf32, #tpu.memory_space<vmem_shared>> -> memref<16x128xf32, #tpu.memory_space<vmem_shared>>
      tpu.wait_dma2 semaphore(%run_scoped3A : memref<!tpu.dma_semaphore, #tpu.memory_space<semaphore_mem>>) src(%arg15 : memref<16x128xf32, #tpu.memory_space<vmem>>) dst(%dma_wait3A_226 : memref<16x128xf32, #tpu.memory_space<vmem_shared>>)
      tpu.yield
    }) : () -> ()
    %mul3A_157 = arith.constant 640 : i32
    %mul3A_158 = arith.muli %arg1, %mul3A_157 : i32
    %add3A_159 = arith.constant 432 : i32
    %add3A_160 = arith.addi %mul3A_158, %add3A_159 : i32
    "tpu.region"() ({
      %run_scoped3A = tpu.sem_alloc : memref<!tpu.dma_semaphore, #tpu.memory_space<semaphore_mem>>
      %dma_start3A_220 = arith.constant 0 : i32
      %dma_start3A_221 = tpu.memref_slice %arg16[%add3A_160, %dma_start3A_220] : memref<10240x128xf32, #tpu.memory_space<vmem_shared>> -> memref<16x128xf32, #tpu.memory_space<vmem_shared>>
      %dma_start3A_222 = arith.constant 0 : i32
      %dma_start3A_223 = tpu.memref_slice %arg16[%add3A_160, %dma_start3A_222] : memref<10240x128xf32, #tpu.memory_space<vmem_shared>> -> memref<16x128xf32, #tpu.memory_space<vmem_shared>>
      tpu.enqueue_dma source(%arg15 : memref<16x128xf32, #tpu.memory_space<vmem>>) target(%dma_start3A_223 : memref<16x128xf32, #tpu.memory_space<vmem_shared>>) target_semaphore(%run_scoped3A : memref<!tpu.dma_semaphore, #tpu.memory_space<semaphore_mem>>)
      %dma_wait3A = arith.constant 0 : i32
      %dma_wait3A_224 = tpu.memref_slice %arg16[%add3A_160, %dma_wait3A] : memref<10240x128xf32, #tpu.memory_space<vmem_shared>> -> memref<16x128xf32, #tpu.memory_space<vmem_shared>>
      %dma_wait3A_225 = arith.constant 0 : i32
      %dma_wait3A_226 = tpu.memref_slice %arg16[%add3A_160, %dma_wait3A_225] : memref<10240x128xf32, #tpu.memory_space<vmem_shared>> -> memref<16x128xf32, #tpu.memory_space<vmem_shared>>
      tpu.wait_dma2 semaphore(%run_scoped3A : memref<!tpu.dma_semaphore, #tpu.memory_space<semaphore_mem>>) src(%arg15 : memref<16x128xf32, #tpu.memory_space<vmem>>) dst(%dma_wait3A_226 : memref<16x128xf32, #tpu.memory_space<vmem_shared>>)
      tpu.yield
    }) : () -> ()
    %mul3A_161 = arith.constant 640 : i32
    %mul3A_162 = arith.muli %arg1, %mul3A_161 : i32
    %add3A_163 = arith.constant 448 : i32
    %add3A_164 = arith.addi %mul3A_162, %add3A_163 : i32
    "tpu.region"() ({
      %run_scoped3A = tpu.sem_alloc : memref<!tpu.dma_semaphore, #tpu.memory_space<semaphore_mem>>
      %dma_start3A_220 = arith.constant 0 : i32
      %dma_start3A_221 = tpu.memref_slice %arg16[%add3A_164, %dma_start3A_220] : memref<10240x128xf32, #tpu.memory_space<vmem_shared>> -> memref<16x128xf32, #tpu.memory_space<vmem_shared>>
      %dma_start3A_222 = arith.constant 0 : i32
      %dma_start3A_223 = tpu.memref_slice %arg16[%add3A_164, %dma_start3A_222] : memref<10240x128xf32, #tpu.memory_space<vmem_shared>> -> memref<16x128xf32, #tpu.memory_space<vmem_shared>>
      tpu.enqueue_dma source(%arg15 : memref<16x128xf32, #tpu.memory_space<vmem>>) target(%dma_start3A_223 : memref<16x128xf32, #tpu.memory_space<vmem_shared>>) target_semaphore(%run_scoped3A : memref<!tpu.dma_semaphore, #tpu.memory_space<semaphore_mem>>)
      %dma_wait3A = arith.constant 0 : i32
      %dma_wait3A_224 = tpu.memref_slice %arg16[%add3A_164, %dma_wait3A] : memref<10240x128xf32, #tpu.memory_space<vmem_shared>> -> memref<16x128xf32, #tpu.memory_space<vmem_shared>>
      %dma_wait3A_225 = arith.constant 0 : i32
      %dma_wait3A_226 = tpu.memref_slice %arg16[%add3A_164, %dma_wait3A_225] : memref<10240x128xf32, #tpu.memory_space<vmem_shared>> -> memref<16x128xf32, #tpu.memory_space<vmem_shared>>
      tpu.wait_dma2 semaphore(%run_scoped3A : memref<!tpu.dma_semaphore, #tpu.memory_space<semaphore_mem>>) src(%arg15 : memref<16x128xf32, #tpu.memory_space<vmem>>) dst(%dma_wait3A_226 : memref<16x128xf32, #tpu.memory_space<vmem_shared>>)
      tpu.yield
    }) : () -> ()
    %mul3A_165 = arith.constant 640 : i32
    %mul3A_166 = arith.muli %arg1, %mul3A_165 : i32
    %add3A_167 = arith.constant 464 : i32
    %add3A_168 = arith.addi %mul3A_166, %add3A_167 : i32
    "tpu.region"() ({
      %run_scoped3A = tpu.sem_alloc : memref<!tpu.dma_semaphore, #tpu.memory_space<semaphore_mem>>
      %dma_start3A_220 = arith.constant 0 : i32
      %dma_start3A_221 = tpu.memref_slice %arg16[%add3A_168, %dma_start3A_220] : memref<10240x128xf32, #tpu.memory_space<vmem_shared>> -> memref<16x128xf32, #tpu.memory_space<vmem_shared>>
      %dma_start3A_222 = arith.constant 0 : i32
      %dma_start3A_223 = tpu.memref_slice %arg16[%add3A_168, %dma_start3A_222] : memref<10240x128xf32, #tpu.memory_space<vmem_shared>> -> memref<16x128xf32, #tpu.memory_space<vmem_shared>>
      tpu.enqueue_dma source(%arg15 : memref<16x128xf32, #tpu.memory_space<vmem>>) target(%dma_start3A_223 : memref<16x128xf32, #tpu.memory_space<vmem_shared>>) target_semaphore(%run_scoped3A : memref<!tpu.dma_semaphore, #tpu.memory_space<semaphore_mem>>)
      %dma_wait3A = arith.constant 0 : i32
      %dma_wait3A_224 = tpu.memref_slice %arg16[%add3A_168, %dma_wait3A] : memref<10240x128xf32, #tpu.memory_space<vmem_shared>> -> memref<16x128xf32, #tpu.memory_space<vmem_shared>>
      %dma_wait3A_225 = arith.constant 0 : i32
      %dma_wait3A_226 = tpu.memref_slice %arg16[%add3A_168, %dma_wait3A_225] : memref<10240x128xf32, #tpu.memory_space<vmem_shared>> -> memref<16x128xf32, #tpu.memory_space<vmem_shared>>
      tpu.wait_dma2 semaphore(%run_scoped3A : memref<!tpu.dma_semaphore, #tpu.memory_space<semaphore_mem>>) src(%arg15 : memref<16x128xf32, #tpu.memory_space<vmem>>) dst(%dma_wait3A_226 : memref<16x128xf32, #tpu.memory_space<vmem_shared>>)
      tpu.yield
    }) : () -> ()
    %mul3A_169 = arith.constant 640 : i32
    %mul3A_170 = arith.muli %arg1, %mul3A_169 : i32
    %add3A_171 = arith.constant 480 : i32
    %add3A_172 = arith.addi %mul3A_170, %add3A_171 : i32
    "tpu.region"() ({
      %run_scoped3A = tpu.sem_alloc : memref<!tpu.dma_semaphore, #tpu.memory_space<semaphore_mem>>
      %dma_start3A_220 = arith.constant 0 : i32
      %dma_start3A_221 = tpu.memref_slice %arg16[%add3A_172, %dma_start3A_220] : memref<10240x128xf32, #tpu.memory_space<vmem_shared>> -> memref<16x128xf32, #tpu.memory_space<vmem_shared>>
      %dma_start3A_222 = arith.constant 0 : i32
      %dma_start3A_223 = tpu.memref_slice %arg16[%add3A_172, %dma_start3A_222] : memref<10240x128xf32, #tpu.memory_space<vmem_shared>> -> memref<16x128xf32, #tpu.memory_space<vmem_shared>>
      tpu.enqueue_dma source(%arg15 : memref<16x128xf32, #tpu.memory_space<vmem>>) target(%dma_start3A_223 : memref<16x128xf32, #tpu.memory_space<vmem_shared>>) target_semaphore(%run_scoped3A : memref<!tpu.dma_semaphore, #tpu.memory_space<semaphore_mem>>)
      %dma_wait3A = arith.constant 0 : i32
      %dma_wait3A_224 = tpu.memref_slice %arg16[%add3A_172, %dma_wait3A] : memref<10240x128xf32, #tpu.memory_space<vmem_shared>> -> memref<16x128xf32, #tpu.memory_space<vmem_shared>>
      %dma_wait3A_225 = arith.constant 0 : i32
      %dma_wait3A_226 = tpu.memref_slice %arg16[%add3A_172, %dma_wait3A_225] : memref<10240x128xf32, #tpu.memory_space<vmem_shared>> -> memref<16x128xf32, #tpu.memory_space<vmem_shared>>
      tpu.wait_dma2 semaphore(%run_scoped3A : memref<!tpu.dma_semaphore, #tpu.memory_space<semaphore_mem>>) src(%arg15 : memref<16x128xf32, #tpu.memory_space<vmem>>) dst(%dma_wait3A_226 : memref<16x128xf32, #tpu.memory_space<vmem_shared>>)
      tpu.yield
    }) : () -> ()
    %mul3A_173 = arith.constant 640 : i32
    %mul3A_174 = arith.muli %arg1, %mul3A_173 : i32
    %add3A_175 = arith.constant 496 : i32
    %add3A_176 = arith.addi %mul3A_174, %add3A_175 : i32
    "tpu.region"() ({
      %run_scoped3A = tpu.sem_alloc : memref<!tpu.dma_semaphore, #tpu.memory_space<semaphore_mem>>
      %dma_start3A_220 = arith.constant 0 : i32
      %dma_start3A_221 = tpu.memref_slice %arg16[%add3A_176, %dma_start3A_220] : memref<10240x128xf32, #tpu.memory_space<vmem_shared>> -> memref<16x128xf32, #tpu.memory_space<vmem_shared>>
      %dma_start3A_222 = arith.constant 0 : i32
      %dma_start3A_223 = tpu.memref_slice %arg16[%add3A_176, %dma_start3A_222] : memref<10240x128xf32, #tpu.memory_space<vmem_shared>> -> memref<16x128xf32, #tpu.memory_space<vmem_shared>>
      tpu.enqueue_dma source(%arg15 : memref<16x128xf32, #tpu.memory_space<vmem>>) target(%dma_start3A_223 : memref<16x128xf32, #tpu.memory_space<vmem_shared>>) target_semaphore(%run_scoped3A : memref<!tpu.dma_semaphore, #tpu.memory_space<semaphore_mem>>)
      %dma_wait3A = arith.constant 0 : i32
      %dma_wait3A_224 = tpu.memref_slice %arg16[%add3A_176, %dma_wait3A] : memref<10240x128xf32, #tpu.memory_space<vmem_shared>> -> memref<16x128xf32, #tpu.memory_space<vmem_shared>>
      %dma_wait3A_225 = arith.constant 0 : i32
      %dma_wait3A_226 = tpu.memref_slice %arg16[%add3A_176, %dma_wait3A_225] : memref<10240x128xf32, #tpu.memory_space<vmem_shared>> -> memref<16x128xf32, #tpu.memory_space<vmem_shared>>
      tpu.wait_dma2 semaphore(%run_scoped3A : memref<!tpu.dma_semaphore, #tpu.memory_space<semaphore_mem>>) src(%arg15 : memref<16x128xf32, #tpu.memory_space<vmem>>) dst(%dma_wait3A_226 : memref<16x128xf32, #tpu.memory_space<vmem_shared>>)
      tpu.yield
    }) : () -> ()
    %mul3A_177 = arith.constant 640 : i32
    %mul3A_178 = arith.muli %arg1, %mul3A_177 : i32
    %add3A_179 = arith.constant 512 : i32
    %add3A_180 = arith.addi %mul3A_178, %add3A_179 : i32
    "tpu.region"() ({
      %run_scoped3A = tpu.sem_alloc : memref<!tpu.dma_semaphore, #tpu.memory_space<semaphore_mem>>
      %dma_start3A_220 = arith.constant 0 : i32
      %dma_start3A_221 = tpu.memref_slice %arg16[%add3A_180, %dma_start3A_220] : memref<10240x128xf32, #tpu.memory_space<vmem_shared>> -> memref<16x128xf32, #tpu.memory_space<vmem_shared>>
      %dma_start3A_222 = arith.constant 0 : i32
      %dma_start3A_223 = tpu.memref_slice %arg16[%add3A_180, %dma_start3A_222] : memref<10240x128xf32, #tpu.memory_space<vmem_shared>> -> memref<16x128xf32, #tpu.memory_space<vmem_shared>>
      tpu.enqueue_dma source(%arg15 : memref<16x128xf32, #tpu.memory_space<vmem>>) target(%dma_start3A_223 : memref<16x128xf32, #tpu.memory_space<vmem_shared>>) target_semaphore(%run_scoped3A : memref<!tpu.dma_semaphore, #tpu.memory_space<semaphore_mem>>)
      %dma_wait3A = arith.constant 0 : i32
      %dma_wait3A_224 = tpu.memref_slice %arg16[%add3A_180, %dma_wait3A] : memref<10240x128xf32, #tpu.memory_space<vmem_shared>> -> memref<16x128xf32, #tpu.memory_space<vmem_shared>>
      %dma_wait3A_225 = arith.constant 0 : i32
      %dma_wait3A_226 = tpu.memref_slice %arg16[%add3A_180, %dma_wait3A_225] : memref<10240x128xf32, #tpu.memory_space<vmem_shared>> -> memref<16x128xf32, #tpu.memory_space<vmem_shared>>
      tpu.wait_dma2 semaphore(%run_scoped3A : memref<!tpu.dma_semaphore, #tpu.memory_space<semaphore_mem>>) src(%arg15 : memref<16x128xf32, #tpu.memory_space<vmem>>) dst(%dma_wait3A_226 : memref<16x128xf32, #tpu.memory_space<vmem_shared>>)
      tpu.yield
    }) : () -> ()
    %mul3A_181 = arith.constant 640 : i32
    %mul3A_182 = arith.muli %arg1, %mul3A_181 : i32
    %add3A_183 = arith.constant 528 : i32
    %add3A_184 = arith.addi %mul3A_182, %add3A_183 : i32
    "tpu.region"() ({
      %run_scoped3A = tpu.sem_alloc : memref<!tpu.dma_semaphore, #tpu.memory_space<semaphore_mem>>
      %dma_start3A_220 = arith.constant 0 : i32
      %dma_start3A_221 = tpu.memref_slice %arg16[%add3A_184, %dma_start3A_220] : memref<10240x128xf32, #tpu.memory_space<vmem_shared>> -> memref<16x128xf32, #tpu.memory_space<vmem_shared>>
      %dma_start3A_222 = arith.constant 0 : i32
      %dma_start3A_223 = tpu.memref_slice %arg16[%add3A_184, %dma_start3A_222] : memref<10240x128xf32, #tpu.memory_space<vmem_shared>> -> memref<16x128xf32, #tpu.memory_space<vmem_shared>>
      tpu.enqueue_dma source(%arg15 : memref<16x128xf32, #tpu.memory_space<vmem>>) target(%dma_start3A_223 : memref<16x128xf32, #tpu.memory_space<vmem_shared>>) target_semaphore(%run_scoped3A : memref<!tpu.dma_semaphore, #tpu.memory_space<semaphore_mem>>)
      %dma_wait3A = arith.constant 0 : i32
      %dma_wait3A_224 = tpu.memref_slice %arg16[%add3A_184, %dma_wait3A] : memref<10240x128xf32, #tpu.memory_space<vmem_shared>> -> memref<16x128xf32, #tpu.memory_space<vmem_shared>>
      %dma_wait3A_225 = arith.constant 0 : i32
      %dma_wait3A_226 = tpu.memref_slice %arg16[%add3A_184, %dma_wait3A_225] : memref<10240x128xf32, #tpu.memory_space<vmem_shared>> -> memref<16x128xf32, #tpu.memory_space<vmem_shared>>
      tpu.wait_dma2 semaphore(%run_scoped3A : memref<!tpu.dma_semaphore, #tpu.memory_space<semaphore_mem>>) src(%arg15 : memref<16x128xf32, #tpu.memory_space<vmem>>) dst(%dma_wait3A_226 : memref<16x128xf32, #tpu.memory_space<vmem_shared>>)
      tpu.yield
    }) : () -> ()
    %mul3A_185 = arith.constant 640 : i32
    %mul3A_186 = arith.muli %arg1, %mul3A_185 : i32
    %add3A_187 = arith.constant 544 : i32
    %add3A_188 = arith.addi %mul3A_186, %add3A_187 : i32
    "tpu.region"() ({
      %run_scoped3A = tpu.sem_alloc : memref<!tpu.dma_semaphore, #tpu.memory_space<semaphore_mem>>
      %dma_start3A_220 = arith.constant 0 : i32
      %dma_start3A_221 = tpu.memref_slice %arg16[%add3A_188, %dma_start3A_220] : memref<10240x128xf32, #tpu.memory_space<vmem_shared>> -> memref<16x128xf32, #tpu.memory_space<vmem_shared>>
      %dma_start3A_222 = arith.constant 0 : i32
      %dma_start3A_223 = tpu.memref_slice %arg16[%add3A_188, %dma_start3A_222] : memref<10240x128xf32, #tpu.memory_space<vmem_shared>> -> memref<16x128xf32, #tpu.memory_space<vmem_shared>>
      tpu.enqueue_dma source(%arg15 : memref<16x128xf32, #tpu.memory_space<vmem>>) target(%dma_start3A_223 : memref<16x128xf32, #tpu.memory_space<vmem_shared>>) target_semaphore(%run_scoped3A : memref<!tpu.dma_semaphore, #tpu.memory_space<semaphore_mem>>)
      %dma_wait3A = arith.constant 0 : i32
      %dma_wait3A_224 = tpu.memref_slice %arg16[%add3A_188, %dma_wait3A] : memref<10240x128xf32, #tpu.memory_space<vmem_shared>> -> memref<16x128xf32, #tpu.memory_space<vmem_shared>>
      %dma_wait3A_225 = arith.constant 0 : i32
      %dma_wait3A_226 = tpu.memref_slice %arg16[%add3A_188, %dma_wait3A_225] : memref<10240x128xf32, #tpu.memory_space<vmem_shared>> -> memref<16x128xf32, #tpu.memory_space<vmem_shared>>
      tpu.wait_dma2 semaphore(%run_scoped3A : memref<!tpu.dma_semaphore, #tpu.memory_space<semaphore_mem>>) src(%arg15 : memref<16x128xf32, #tpu.memory_space<vmem>>) dst(%dma_wait3A_226 : memref<16x128xf32, #tpu.memory_space<vmem_shared>>)
      tpu.yield
    }) : () -> ()
    %mul3A_189 = arith.constant 640 : i32
    %mul3A_190 = arith.muli %arg1, %mul3A_189 : i32
    %add3A_191 = arith.constant 560 : i32
    %add3A_192 = arith.addi %mul3A_190, %add3A_191 : i32
    "tpu.region"() ({
      %run_scoped3A = tpu.sem_alloc : memref<!tpu.dma_semaphore, #tpu.memory_space<semaphore_mem>>
      %dma_start3A_220 = arith.constant 0 : i32
      %dma_start3A_221 = tpu.memref_slice %arg16[%add3A_192, %dma_start3A_220] : memref<10240x128xf32, #tpu.memory_space<vmem_shared>> -> memref<16x128xf32, #tpu.memory_space<vmem_shared>>
      %dma_start3A_222 = arith.constant 0 : i32
      %dma_start3A_223 = tpu.memref_slice %arg16[%add3A_192, %dma_start3A_222] : memref<10240x128xf32, #tpu.memory_space<vmem_shared>> -> memref<16x128xf32, #tpu.memory_space<vmem_shared>>
      tpu.enqueue_dma source(%arg15 : memref<16x128xf32, #tpu.memory_space<vmem>>) target(%dma_start3A_223 : memref<16x128xf32, #tpu.memory_space<vmem_shared>>) target_semaphore(%run_scoped3A : memref<!tpu.dma_semaphore, #tpu.memory_space<semaphore_mem>>)
      %dma_wait3A = arith.constant 0 : i32
      %dma_wait3A_224 = tpu.memref_slice %arg16[%add3A_192, %dma_wait3A] : memref<10240x128xf32, #tpu.memory_space<vmem_shared>> -> memref<16x128xf32, #tpu.memory_space<vmem_shared>>
      %dma_wait3A_225 = arith.constant 0 : i32
      %dma_wait3A_226 = tpu.memref_slice %arg16[%add3A_192, %dma_wait3A_225] : memref<10240x128xf32, #tpu.memory_space<vmem_shared>> -> memref<16x128xf32, #tpu.memory_space<vmem_shared>>
      tpu.wait_dma2 semaphore(%run_scoped3A : memref<!tpu.dma_semaphore, #tpu.memory_space<semaphore_mem>>) src(%arg15 : memref<16x128xf32, #tpu.memory_space<vmem>>) dst(%dma_wait3A_226 : memref<16x128xf32, #tpu.memory_space<vmem_shared>>)
      tpu.yield
    }) : () -> ()
    %mul3A_193 = arith.constant 640 : i32
    %mul3A_194 = arith.muli %arg1, %mul3A_193 : i32
    %add3A_195 = arith.constant 576 : i32
    %add3A_196 = arith.addi %mul3A_194, %add3A_195 : i32
    "tpu.region"() ({
      %run_scoped3A = tpu.sem_alloc : memref<!tpu.dma_semaphore, #tpu.memory_space<semaphore_mem>>
      %dma_start3A_220 = arith.constant 0 : i32
      %dma_start3A_221 = tpu.memref_slice %arg16[%add3A_196, %dma_start3A_220] : memref<10240x128xf32, #tpu.memory_space<vmem_shared>> -> memref<16x128xf32, #tpu.memory_space<vmem_shared>>
      %dma_start3A_222 = arith.constant 0 : i32
      %dma_start3A_223 = tpu.memref_slice %arg16[%add3A_196, %dma_start3A_222] : memref<10240x128xf32, #tpu.memory_space<vmem_shared>> -> memref<16x128xf32, #tpu.memory_space<vmem_shared>>
      tpu.enqueue_dma source(%arg15 : memref<16x128xf32, #tpu.memory_space<vmem>>) target(%dma_start3A_223 : memref<16x128xf32, #tpu.memory_space<vmem_shared>>) target_semaphore(%run_scoped3A : memref<!tpu.dma_semaphore, #tpu.memory_space<semaphore_mem>>)
      %dma_wait3A = arith.constant 0 : i32
      %dma_wait3A_224 = tpu.memref_slice %arg16[%add3A_196, %dma_wait3A] : memref<10240x128xf32, #tpu.memory_space<vmem_shared>> -> memref<16x128xf32, #tpu.memory_space<vmem_shared>>
      %dma_wait3A_225 = arith.constant 0 : i32
      %dma_wait3A_226 = tpu.memref_slice %arg16[%add3A_196, %dma_wait3A_225] : memref<10240x128xf32, #tpu.memory_space<vmem_shared>> -> memref<16x128xf32, #tpu.memory_space<vmem_shared>>
      tpu.wait_dma2 semaphore(%run_scoped3A : memref<!tpu.dma_semaphore, #tpu.memory_space<semaphore_mem>>) src(%arg15 : memref<16x128xf32, #tpu.memory_space<vmem>>) dst(%dma_wait3A_226 : memref<16x128xf32, #tpu.memory_space<vmem_shared>>)
      tpu.yield
    }) : () -> ()
    %mul3A_197 = arith.constant 640 : i32
    %mul3A_198 = arith.muli %arg1, %mul3A_197 : i32
    %add3A_199 = arith.constant 592 : i32
    %add3A_200 = arith.addi %mul3A_198, %add3A_199 : i32
    "tpu.region"() ({
      %run_scoped3A = tpu.sem_alloc : memref<!tpu.dma_semaphore, #tpu.memory_space<semaphore_mem>>
      %dma_start3A_220 = arith.constant 0 : i32
      %dma_start3A_221 = tpu.memref_slice %arg16[%add3A_200, %dma_start3A_220] : memref<10240x128xf32, #tpu.memory_space<vmem_shared>> -> memref<16x128xf32, #tpu.memory_space<vmem_shared>>
      %dma_start3A_222 = arith.constant 0 : i32
      %dma_start3A_223 = tpu.memref_slice %arg16[%add3A_200, %dma_start3A_222] : memref<10240x128xf32, #tpu.memory_space<vmem_shared>> -> memref<16x128xf32, #tpu.memory_space<vmem_shared>>
      tpu.enqueue_dma source(%arg15 : memref<16x128xf32, #tpu.memory_space<vmem>>) target(%dma_start3A_223 : memref<16x128xf32, #tpu.memory_space<vmem_shared>>) target_semaphore(%run_scoped3A : memref<!tpu.dma_semaphore, #tpu.memory_space<semaphore_mem>>)
      %dma_wait3A = arith.constant 0 : i32
      %dma_wait3A_224 = tpu.memref_slice %arg16[%add3A_200, %dma_wait3A] : memref<10240x128xf32, #tpu.memory_space<vmem_shared>> -> memref<16x128xf32, #tpu.memory_space<vmem_shared>>
      %dma_wait3A_225 = arith.constant 0 : i32
      %dma_wait3A_226 = tpu.memref_slice %arg16[%add3A_200, %dma_wait3A_225] : memref<10240x128xf32, #tpu.memory_space<vmem_shared>> -> memref<16x128xf32, #tpu.memory_space<vmem_shared>>
      tpu.wait_dma2 semaphore(%run_scoped3A : memref<!tpu.dma_semaphore, #tpu.memory_space<semaphore_mem>>) src(%arg15 : memref<16x128xf32, #tpu.memory_space<vmem>>) dst(%dma_wait3A_226 : memref<16x128xf32, #tpu.memory_space<vmem_shared>>)
      tpu.yield
    }) : () -> ()
    %mul3A_201 = arith.constant 640 : i32
    %mul3A_202 = arith.muli %arg1, %mul3A_201 : i32
    %add3A_203 = arith.constant 608 : i32
    %add3A_204 = arith.addi %mul3A_202, %add3A_203 : i32
    "tpu.region"() ({
      %run_scoped3A = tpu.sem_alloc : memref<!tpu.dma_semaphore, #tpu.memory_space<semaphore_mem>>
      %dma_start3A_220 = arith.constant 0 : i32
      %dma_start3A_221 = tpu.memref_slice %arg16[%add3A_204, %dma_start3A_220] : memref<10240x128xf32, #tpu.memory_space<vmem_shared>> -> memref<16x128xf32, #tpu.memory_space<vmem_shared>>
      %dma_start3A_222 = arith.constant 0 : i32
      %dma_start3A_223 = tpu.memref_slice %arg16[%add3A_204, %dma_start3A_222] : memref<10240x128xf32, #tpu.memory_space<vmem_shared>> -> memref<16x128xf32, #tpu.memory_space<vmem_shared>>
      tpu.enqueue_dma source(%arg15 : memref<16x128xf32, #tpu.memory_space<vmem>>) target(%dma_start3A_223 : memref<16x128xf32, #tpu.memory_space<vmem_shared>>) target_semaphore(%run_scoped3A : memref<!tpu.dma_semaphore, #tpu.memory_space<semaphore_mem>>)
      %dma_wait3A = arith.constant 0 : i32
      %dma_wait3A_224 = tpu.memref_slice %arg16[%add3A_204, %dma_wait3A] : memref<10240x128xf32, #tpu.memory_space<vmem_shared>> -> memref<16x128xf32, #tpu.memory_space<vmem_shared>>
      %dma_wait3A_225 = arith.constant 0 : i32
      %dma_wait3A_226 = tpu.memref_slice %arg16[%add3A_204, %dma_wait3A_225] : memref<10240x128xf32, #tpu.memory_space<vmem_shared>> -> memref<16x128xf32, #tpu.memory_space<vmem_shared>>
      tpu.wait_dma2 semaphore(%run_scoped3A : memref<!tpu.dma_semaphore, #tpu.memory_space<semaphore_mem>>) src(%arg15 : memref<16x128xf32, #tpu.memory_space<vmem>>) dst(%dma_wait3A_226 : memref<16x128xf32, #tpu.memory_space<vmem_shared>>)
      tpu.yield
    }) : () -> ()
    %mul3A_205 = arith.constant 640 : i32
    %mul3A_206 = arith.muli %arg1, %mul3A_205 : i32
    %add3A_207 = arith.constant 624 : i32
    %add3A_208 = arith.addi %mul3A_206, %add3A_207 : i32
    "tpu.region"() ({
      %run_scoped3A = tpu.sem_alloc : memref<!tpu.dma_semaphore, #tpu.memory_space<semaphore_mem>>
      %dma_start3A_220 = arith.constant 0 : i32
      %dma_start3A_221 = tpu.memref_slice %arg16[%add3A_208, %dma_start3A_220] : memref<10240x128xf32, #tpu.memory_space<vmem_shared>> -> memref<16x128xf32, #tpu.memory_space<vmem_shared>>
      %dma_start3A_222 = arith.constant 0 : i32
      %dma_start3A_223 = tpu.memref_slice %arg16[%add3A_208, %dma_start3A_222] : memref<10240x128xf32, #tpu.memory_space<vmem_shared>> -> memref<16x128xf32, #tpu.memory_space<vmem_shared>>
      tpu.enqueue_dma source(%arg15 : memref<16x128xf32, #tpu.memory_space<vmem>>) target(%dma_start3A_223 : memref<16x128xf32, #tpu.memory_space<vmem_shared>>) target_semaphore(%run_scoped3A : memref<!tpu.dma_semaphore, #tpu.memory_space<semaphore_mem>>)
      %dma_wait3A = arith.constant 0 : i32
      %dma_wait3A_224 = tpu.memref_slice %arg16[%add3A_208, %dma_wait3A] : memref<10240x128xf32, #tpu.memory_space<vmem_shared>> -> memref<16x128xf32, #tpu.memory_space<vmem_shared>>
      %dma_wait3A_225 = arith.constant 0 : i32
      %dma_wait3A_226 = tpu.memref_slice %arg16[%add3A_208, %dma_wait3A_225] : memref<10240x128xf32, #tpu.memory_space<vmem_shared>> -> memref<16x128xf32, #tpu.memory_space<vmem_shared>>
      tpu.wait_dma2 semaphore(%run_scoped3A : memref<!tpu.dma_semaphore, #tpu.memory_space<semaphore_mem>>) src(%arg15 : memref<16x128xf32, #tpu.memory_space<vmem>>) dst(%dma_wait3A_226 : memref<16x128xf32, #tpu.memory_space<vmem_shared>>)
      tpu.yield
    }) : () -> ()
    %barrier3A = arith.constant 0 : index
    tpu.barrier barrier_id(%barrier3A)
    %scan3A_209 = arith.constant 0 : i32
    %scan3A_210 = arith.constant 0 : i32
    %scan3A_211 = arith.constant 57 : i32
    %scan3A_212 = arith.addi %scan3A_210, %scan3A_211 : i32
    %scan3A_213 = arith.constant 1 : i32
    scf.for %scan3A_220 = %scan3A_210 to %scan3A_212 step %scan3A_213  : i32 {
      %mul3A_221 = arith.constant 2 : i32
      %mul3A_222 = arith.muli %mul3A_221, %scan3A_220 : i32
      %dma_wait3A = arith.constant 0 : i32
      %dma_wait3A_223 = arith.constant 0 : i32
      %dma_wait3A_224 = arith.constant 0 : i32
      %dma_wait3A_225 = tpu.memref_slice %arg3[%dma_wait3A, %dma_wait3A_223, %dma_wait3A_224] : memref<3648x88x128xf32, #tpu.memory_space<hbm>> -> memref<1x88x128xf32, #tpu.memory_space<hbm>>
      %dma_wait3A_226 = tpu.memref_squeeze %dma_wait3A_225 : memref<1x88x128xf32, #tpu.memory_space<hbm>> -> memref<88x128xf32, #tpu.memory_space<hbm>>
      %dma_wait3A_227 = arith.constant 0 : i32
      %dma_wait3A_228 = arith.constant 0 : i32
      %dma_wait3A_229 = tpu.memref_slice %arg3[%dma_wait3A, %dma_wait3A_227, %dma_wait3A_228] : memref<3648x88x128xf32, #tpu.memory_space<hbm>> -> memref<1x88x128xf32, #tpu.memory_space<hbm>>
      %dma_wait3A_230 = tpu.memref_squeeze %dma_wait3A_229 : memref<1x88x128xf32, #tpu.memory_space<hbm>> -> memref<88x128xf32, #tpu.memory_space<hbm>>
      tpu.wait_dma2 semaphore(%arg17 : memref<!tpu.dma_semaphore, #tpu.memory_space<semaphore_mem>>) src(%dma_wait3A_230 : memref<88x128xf32, #tpu.memory_space<hbm>>) dst(%arg11 : memref<88x128xf32, #tpu.memory_space<vmem>>)
      %dma_wait3A_231 = arith.constant 0 : i32
      %dma_wait3A_232 = arith.constant 0 : i32
      %dma_wait3A_233 = arith.constant 0 : i32
      %dma_wait3A_234 = tpu.memref_slice %arg3[%dma_wait3A_231, %dma_wait3A_232, %dma_wait3A_233] : memref<3648x88x128xf32, #tpu.memory_space<hbm>> -> memref<1x88x128xf32, #tpu.memory_space<hbm>>
      %dma_wait3A_235 = tpu.memref_squeeze %dma_wait3A_234 : memref<1x88x128xf32, #tpu.memory_space<hbm>> -> memref<88x128xf32, #tpu.memory_space<hbm>>
      %dma_wait3A_236 = arith.constant 0 : i32
      %dma_wait3A_237 = arith.constant 0 : i32
      %dma_wait3A_238 = tpu.memref_slice %arg3[%dma_wait3A_231, %dma_wait3A_236, %dma_wait3A_237] : memref<3648x88x128xf32, #tpu.memory_space<hbm>> -> memref<1x88x128xf32, #tpu.memory_space<hbm>>
      %dma_wait3A_239 = tpu.memref_squeeze %dma_wait3A_238 : memref<1x88x128xf32, #tpu.memory_space<hbm>> -> memref<88x128xf32, #tpu.memory_space<hbm>>
      tpu.wait_dma2 semaphore(%arg18 : memref<!tpu.dma_semaphore, #tpu.memory_space<semaphore_mem>>) src(%dma_wait3A_239 : memref<88x128xf32, #tpu.memory_space<hbm>>) dst(%arg12 : memref<88x128xf32, #tpu.memory_space<vmem>>)
      "tpu.region"() ({
        %run_scoped3A = tpu.sem_alloc : memref<!tpu.dma_semaphore, #tpu.memory_space<semaphore_mem>>
        %dma_start3A_273 = arith.constant 0 : i32
        %dma_start3A_274 = arith.constant 0 : i32
        %dma_start3A_275 = tpu.memref_slice %arg16[%dma_start3A_273, %dma_start3A_274] : memref<10240x128xf32, #tpu.memory_space<vmem_shared>> -> memref<10240x128xf32, #tpu.memory_space<vmem_shared>>
        tpu.enqueue_indirect_dma source(%arg11 : memref<88x128xf32, #tpu.memory_space<vmem>>) target(%dma_start3A_275 : memref<10240x128xf32, #tpu.memory_space<vmem_shared>>) offsets(%arg8 : memref<88xi32, #tpu.memory_space<vmem>>) semaphore(%run_scoped3A : memref<!tpu.dma_semaphore, #tpu.memory_space<semaphore_mem>>) {add = true}
        %dma_wait3A_276 = arith.constant 0 : i32
        %dma_wait3A_277 = arith.constant 0 : i32
        %dma_wait3A_278 = tpu.memref_slice %arg16[%dma_wait3A_276, %dma_wait3A_277] : memref<10240x128xf32, #tpu.memory_space<vmem_shared>> -> memref<10240x128xf32, #tpu.memory_space<vmem_shared>>
        tpu.wait_indirect_dma semaphore(%run_scoped3A : memref<!tpu.dma_semaphore, #tpu.memory_space<semaphore_mem>>) src(%arg11 : memref<88x128xf32, #tpu.memory_space<vmem>>) dst(%dma_wait3A_278 : memref<10240x128xf32, #tpu.memory_space<vmem_shared>>)
        tpu.yield
      }) : () -> ()
      "tpu.region"() ({
        %run_scoped3A = tpu.sem_alloc : memref<!tpu.dma_semaphore, #tpu.memory_space<semaphore_mem>>
        %dma_start3A_273 = arith.constant 0 : i32
        %dma_start3A_274 = arith.constant 0 : i32
        %dma_start3A_275 = tpu.memref_slice %arg16[%dma_start3A_273, %dma_start3A_274] : memref<10240x128xf32, #tpu.memory_space<vmem_shared>> -> memref<10240x128xf32, #tpu.memory_space<vmem_shared>>
        tpu.enqueue_indirect_dma source(%arg12 : memref<88x128xf32, #tpu.memory_space<vmem>>) target(%dma_start3A_275 : memref<10240x128xf32, #tpu.memory_space<vmem_shared>>) offsets(%arg8 : memref<88xi32, #tpu.memory_space<vmem>>) semaphore(%run_scoped3A : memref<!tpu.dma_semaphore, #tpu.memory_space<semaphore_mem>>) {add = true}
        %dma_wait3A_276 = arith.constant 0 : i32
        %dma_wait3A_277 = arith.constant 0 : i32
        %dma_wait3A_278 = tpu.memref_slice %arg16[%dma_wait3A_276, %dma_wait3A_277] : memref<10240x128xf32, #tpu.memory_space<vmem_shared>> -> memref<10240x128xf32, #tpu.memory_space<vmem_shared>>
        tpu.wait_indirect_dma semaphore(%run_scoped3A : memref<!tpu.dma_semaphore, #tpu.memory_space<semaphore_mem>>) src(%arg12 : memref<88x128xf32, #tpu.memory_space<vmem>>) dst(%dma_wait3A_278 : memref<10240x128xf32, #tpu.memory_space<vmem_shared>>)
        tpu.yield
      }) : () -> ()
      %add3A_240 = arith.constant 2 : i32
      %add3A_241 = arith.addi %mul3A_222, %add3A_240 : i32
      %lt3A = arith.constant 114 : i32
      %lt3A_242 = arith.cmpi slt, %add3A_241, %lt3A : i32
      %convert_element_type3A = arith.extui %lt3A_242 : i1 to i32
      %cond3A = arith.constant 0 : i32
      %cond3A_243 = arith.cmpi ne, %convert_element_type3A, %cond3A : i32
      scf.if %cond3A_243 {
        %add3A_273 = arith.constant 2 : i32
        %add3A_274 = arith.addi %mul3A_222, %add3A_273 : i32
        %add3A_275 = arith.addi %mul3A_2, %add3A_274 : i32
        %mul3A_276 = arith.constant 88 : i32
        %mul3A_277 = arith.muli %add3A_275, %mul3A_276 : i32
        "tpu.region"() ({
          %run_scoped3A = tpu.sem_alloc : memref<!tpu.dma_semaphore, #tpu.memory_space<semaphore_mem>>
          %dma_start3A_295 = tpu.memref_slice %arg4[%mul3A_277] : memref<321024xi32, #tpu.memory_space<hbm>> -> memref<88xi32, #tpu.memory_space<hbm>>
          %dma_start3A_296 = tpu.memref_slice %arg4[%mul3A_277] : memref<321024xi32, #tpu.memory_space<hbm>> -> memref<88xi32, #tpu.memory_space<hbm>>
          tpu.enqueue_dma source(%dma_start3A_296 : memref<88xi32, #tpu.memory_space<hbm>>) target(%arg7 : memref<88xi32, #tpu.memory_space<vmem>>) target_semaphore(%run_scoped3A : memref<!tpu.dma_semaphore, #tpu.memory_space<semaphore_mem>>)
          %dma_wait3A_297 = tpu.memref_slice %arg4[%mul3A_277] : memref<321024xi32, #tpu.memory_space<hbm>> -> memref<88xi32, #tpu.memory_space<hbm>>
          %dma_wait3A_298 = tpu.memref_slice %arg4[%mul3A_277] : memref<321024xi32, #tpu.memory_space<hbm>> -> memref<88xi32, #tpu.memory_space<hbm>>
          tpu.wait_dma2 semaphore(%run_scoped3A : memref<!tpu.dma_semaphore, #tpu.memory_space<semaphore_mem>>) src(%dma_wait3A_298 : memref<88xi32, #tpu.memory_space<hbm>>) dst(%arg7 : memref<88xi32, #tpu.memory_space<vmem>>)
          tpu.yield
        }) : () -> ()
        %add3A_278 = arith.addi %mul3A_2, %add3A_274 : i32
        %mul3A_279 = arith.constant 88 : i32
        %mul3A_280 = arith.muli %add3A_278, %mul3A_279 : i32
        "tpu.region"() ({
          %run_scoped3A = tpu.sem_alloc : memref<!tpu.dma_semaphore, #tpu.memory_space<semaphore_mem>>
          %dma_start3A_295 = tpu.memref_slice %arg5[%mul3A_280] : memref<321024xi32, #tpu.memory_space<hbm>> -> memref<88xi32, #tpu.memory_space<hbm>>
          %dma_start3A_296 = tpu.memref_slice %arg5[%mul3A_280] : memref<321024xi32, #tpu.memory_space<hbm>> -> memref<88xi32, #tpu.memory_space<hbm>>
          tpu.enqueue_dma source(%dma_start3A_296 : memref<88xi32, #tpu.memory_space<hbm>>) target(%arg8 : memref<88xi32, #tpu.memory_space<vmem>>) target_semaphore(%run_scoped3A : memref<!tpu.dma_semaphore, #tpu.memory_space<semaphore_mem>>)
          %dma_wait3A_297 = tpu.memref_slice %arg5[%mul3A_280] : memref<321024xi32, #tpu.memory_space<hbm>> -> memref<88xi32, #tpu.memory_space<hbm>>
          %dma_wait3A_298 = tpu.memref_slice %arg5[%mul3A_280] : memref<321024xi32, #tpu.memory_space<hbm>> -> memref<88xi32, #tpu.memory_space<hbm>>
          tpu.wait_dma2 semaphore(%run_scoped3A : memref<!tpu.dma_semaphore, #tpu.memory_space<semaphore_mem>>) src(%dma_wait3A_298 : memref<88xi32, #tpu.memory_space<hbm>>) dst(%arg8 : memref<88xi32, #tpu.memory_space<vmem>>)
          tpu.yield
        }) : () -> ()
        %dma_start3A_281 = arith.constant 0 : i32
        %dma_start3A_282 = arith.constant 0 : i32
        %dma_start3A_283 = tpu.memref_slice %arg2[%dma_start3A_281, %dma_start3A_282] : memref<10000x128xf32, #tpu.memory_space<hbm>> -> memref<10000x128xf32, #tpu.memory_space<hbm>>
        tpu.enqueue_indirect_dma source(%dma_start3A_283 : memref<10000x128xf32, #tpu.memory_space<hbm>>) target(%arg11 : memref<88x128xf32, #tpu.memory_space<vmem>>) offsets(%arg7 : memref<88xi32, #tpu.memory_space<vmem>>) semaphore(%arg17 : memref<!tpu.dma_semaphore, #tpu.memory_space<semaphore_mem>>)
        %add3A_284 = arith.addi %mul3A_2, %mul3A_222 : i32
        %add3A_285 = arith.constant 2 : i32
        %add3A_286 = arith.addi %add3A_284, %add3A_285 : i32
        %dma_start3A_287 = arith.constant 0 : i32
        %dma_start3A_288 = arith.constant 0 : i32
        %dma_start3A_289 = tpu.memref_slice %arg3[%add3A_286, %dma_start3A_287, %dma_start3A_288] : memref<3648x88x128xf32, #tpu.memory_space<hbm>> -> memref<1x88x128xf32, #tpu.memory_space<hbm>>
        %dma_start3A_290 = tpu.memref_squeeze %dma_start3A_289 : memref<1x88x128xf32, #tpu.memory_space<hbm>> -> memref<88x128xf32, #tpu.memory_space<hbm>>
        %dma_start3A_291 = arith.constant 0 : i32
        %dma_start3A_292 = arith.constant 0 : i32
        %dma_start3A_293 = tpu.memref_slice %arg3[%add3A_286, %dma_start3A_291, %dma_start3A_292] : memref<3648x88x128xf32, #tpu.memory_space<hbm>> -> memref<1x88x128xf32, #tpu.memory_space<hbm>>
        %dma_start3A_294 = tpu.memref_squeeze %dma_start3A_293 : memref<1x88x128xf32, #tpu.memory_space<hbm>> -> memref<88x128xf32, #tpu.memory_space<hbm>>
        tpu.enqueue_dma source(%dma_start3A_294 : memref<88x128xf32, #tpu.memory_space<hbm>>) target(%arg12 : memref<88x128xf32, #tpu.memory_space<vmem>>) target_semaphore(%arg18 : memref<!tpu.dma_semaphore, #tpu.memory_space<semaphore_mem>>)
      } else {
      }
      %mul3A_244 = arith.constant 2 : i32
      %mul3A_245 = arith.muli %mul3A_244, %scan3A_220 : i32
      %add3A_246 = arith.constant 1 : i32
      %add3A_247 = arith.addi %mul3A_245, %add3A_246 : i32
      %dma_wait3A_248 = arith.constant 0 : i32
      %dma_wait3A_249 = arith.constant 0 : i32
      %dma_wait3A_250 = arith.constant 0 : i32
      %dma_wait3A_251 = tpu.memref_slice %arg3[%dma_wait3A_248, %dma_wait3A_249, %dma_wait3A_250] : memref<3648x88x128xf32, #tpu.memory_space<hbm>> -> memref<1x88x128xf32, #tpu.memory_space<hbm>>
      %dma_wait3A_252 = tpu.memref_squeeze %dma_wait3A_251 : memref<1x88x128xf32, #tpu.memory_space<hbm>> -> memref<88x128xf32, #tpu.memory_space<hbm>>
      %dma_wait3A_253 = arith.constant 0 : i32
      %dma_wait3A_254 = arith.constant 0 : i32
      %dma_wait3A_255 = tpu.memref_slice %arg3[%dma_wait3A_248, %dma_wait3A_253, %dma_wait3A_254] : memref<3648x88x128xf32, #tpu.memory_space<hbm>> -> memref<1x88x128xf32, #tpu.memory_space<hbm>>
      %dma_wait3A_256 = tpu.memref_squeeze %dma_wait3A_255 : memref<1x88x128xf32, #tpu.memory_space<hbm>> -> memref<88x128xf32, #tpu.memory_space<hbm>>
      tpu.wait_dma2 semaphore(%arg19 : memref<!tpu.dma_semaphore, #tpu.memory_space<semaphore_mem>>) src(%dma_wait3A_256 : memref<88x128xf32, #tpu.memory_space<hbm>>) dst(%arg13 : memref<88x128xf32, #tpu.memory_space<vmem>>)
      %dma_wait3A_257 = arith.constant 0 : i32
      %dma_wait3A_258 = arith.constant 0 : i32
      %dma_wait3A_259 = arith.constant 0 : i32
      %dma_wait3A_260 = tpu.memref_slice %arg3[%dma_wait3A_257, %dma_wait3A_258, %dma_wait3A_259] : memref<3648x88x128xf32, #tpu.memory_space<hbm>> -> memref<1x88x128xf32, #tpu.memory_space<hbm>>
      %dma_wait3A_261 = tpu.memref_squeeze %dma_wait3A_260 : memref<1x88x128xf32, #tpu.memory_space<hbm>> -> memref<88x128xf32, #tpu.memory_space<hbm>>
      %dma_wait3A_262 = arith.constant 0 : i32
      %dma_wait3A_263 = arith.constant 0 : i32
      %dma_wait3A_264 = tpu.memref_slice %arg3[%dma_wait3A_257, %dma_wait3A_262, %dma_wait3A_263] : memref<3648x88x128xf32, #tpu.memory_space<hbm>> -> memref<1x88x128xf32, #tpu.memory_space<hbm>>
      %dma_wait3A_265 = tpu.memref_squeeze %dma_wait3A_264 : memref<1x88x128xf32, #tpu.memory_space<hbm>> -> memref<88x128xf32, #tpu.memory_space<hbm>>
      tpu.wait_dma2 semaphore(%arg20 : memref<!tpu.dma_semaphore, #tpu.memory_space<semaphore_mem>>) src(%dma_wait3A_265 : memref<88x128xf32, #tpu.memory_space<hbm>>) dst(%arg14 : memref<88x128xf32, #tpu.memory_space<vmem>>)
      "tpu.region"() ({
        %run_scoped3A = tpu.sem_alloc : memref<!tpu.dma_semaphore, #tpu.memory_space<semaphore_mem>>
        %dma_start3A_273 = arith.constant 0 : i32
        %dma_start3A_274 = arith.constant 0 : i32
        %dma_start3A_275 = tpu.memref_slice %arg16[%dma_start3A_273, %dma_start3A_274] : memref<10240x128xf32, #tpu.memory_space<vmem_shared>> -> memref<10240x128xf32, #tpu.memory_space<vmem_shared>>
        tpu.enqueue_indirect_dma source(%arg13 : memref<88x128xf32, #tpu.memory_space<vmem>>) target(%dma_start3A_275 : memref<10240x128xf32, #tpu.memory_space<vmem_shared>>) offsets(%arg10 : memref<88xi32, #tpu.memory_space<vmem>>) semaphore(%run_scoped3A : memref<!tpu.dma_semaphore, #tpu.memory_space<semaphore_mem>>) {add = true}
        %dma_wait3A_276 = arith.constant 0 : i32
        %dma_wait3A_277 = arith.constant 0 : i32
        %dma_wait3A_278 = tpu.memref_slice %arg16[%dma_wait3A_276, %dma_wait3A_277] : memref<10240x128xf32, #tpu.memory_space<vmem_shared>> -> memref<10240x128xf32, #tpu.memory_space<vmem_shared>>
        tpu.wait_indirect_dma semaphore(%run_scoped3A : memref<!tpu.dma_semaphore, #tpu.memory_space<semaphore_mem>>) src(%arg13 : memref<88x128xf32, #tpu.memory_space<vmem>>) dst(%dma_wait3A_278 : memref<10240x128xf32, #tpu.memory_space<vmem_shared>>)
        tpu.yield
      }) : () -> ()
      "tpu.region"() ({
        %run_scoped3A = tpu.sem_alloc : memref<!tpu.dma_semaphore, #tpu.memory_space<semaphore_mem>>
        %dma_start3A_273 = arith.constant 0 : i32
        %dma_start3A_274 = arith.constant 0 : i32
        %dma_start3A_275 = tpu.memref_slice %arg16[%dma_start3A_273, %dma_start3A_274] : memref<10240x128xf32, #tpu.memory_space<vmem_shared>> -> memref<10240x128xf32, #tpu.memory_space<vmem_shared>>
        tpu.enqueue_indirect_dma source(%arg14 : memref<88x128xf32, #tpu.memory_space<vmem>>) target(%dma_start3A_275 : memref<10240x128xf32, #tpu.memory_space<vmem_shared>>) offsets(%arg10 : memref<88xi32, #tpu.memory_space<vmem>>) semaphore(%run_scoped3A : memref<!tpu.dma_semaphore, #tpu.memory_space<semaphore_mem>>) {add = true}
        %dma_wait3A_276 = arith.constant 0 : i32
        %dma_wait3A_277 = arith.constant 0 : i32
        %dma_wait3A_278 = tpu.memref_slice %arg16[%dma_wait3A_276, %dma_wait3A_277] : memref<10240x128xf32, #tpu.memory_space<vmem_shared>> -> memref<10240x128xf32, #tpu.memory_space<vmem_shared>>
        tpu.wait_indirect_dma semaphore(%run_scoped3A : memref<!tpu.dma_semaphore, #tpu.memory_space<semaphore_mem>>) src(%arg14 : memref<88x128xf32, #tpu.memory_space<vmem>>) dst(%dma_wait3A_278 : memref<10240x128xf32, #tpu.memory_space<vmem_shared>>)
        tpu.yield
      }) : () -> ()
      %add3A_266 = arith.constant 2 : i32
      %add3A_267 = arith.addi %add3A_247, %add3A_266 : i32
      %lt3A_268 = arith.constant 114 : i32
      %lt3A_269 = arith.cmpi slt, %add3A_267, %lt3A_268 : i32
      %convert_element_type3A_270 = arith.extui %lt3A_269 : i1 to i32
      %cond3A_271 = arith.constant 0 : i32
      %cond3A_272 = arith.cmpi ne, %convert_element_type3A_270, %cond3A_271 : i32
      scf.if %cond3A_272 {
        %add3A_273 = arith.constant 2 : i32
        %add3A_274 = arith.addi %add3A_247, %add3A_273 : i32
        %add3A_275 = arith.addi %mul3A_2, %add3A_274 : i32
        %mul3A_276 = arith.constant 88 : i32
        %mul3A_277 = arith.muli %add3A_275, %mul3A_276 : i32
        "tpu.region"() ({
          %run_scoped3A = tpu.sem_alloc : memref<!tpu.dma_semaphore, #tpu.memory_space<semaphore_mem>>
          %dma_start3A_295 = tpu.memref_slice %arg4[%mul3A_277] : memref<321024xi32, #tpu.memory_space<hbm>> -> memref<88xi32, #tpu.memory_space<hbm>>
          %dma_start3A_296 = tpu.memref_slice %arg4[%mul3A_277] : memref<321024xi32, #tpu.memory_space<hbm>> -> memref<88xi32, #tpu.memory_space<hbm>>
          tpu.enqueue_dma source(%dma_start3A_296 : memref<88xi32, #tpu.memory_space<hbm>>) target(%arg9 : memref<88xi32, #tpu.memory_space<vmem>>) target_semaphore(%run_scoped3A : memref<!tpu.dma_semaphore, #tpu.memory_space<semaphore_mem>>)
          %dma_wait3A_297 = tpu.memref_slice %arg4[%mul3A_277] : memref<321024xi32, #tpu.memory_space<hbm>> -> memref<88xi32, #tpu.memory_space<hbm>>
          %dma_wait3A_298 = tpu.memref_slice %arg4[%mul3A_277] : memref<321024xi32, #tpu.memory_space<hbm>> -> memref<88xi32, #tpu.memory_space<hbm>>
          tpu.wait_dma2 semaphore(%run_scoped3A : memref<!tpu.dma_semaphore, #tpu.memory_space<semaphore_mem>>) src(%dma_wait3A_298 : memref<88xi32, #tpu.memory_space<hbm>>) dst(%arg9 : memref<88xi32, #tpu.memory_space<vmem>>)
          tpu.yield
        }) : () -> ()
        %add3A_278 = arith.addi %mul3A_2, %add3A_274 : i32
        %mul3A_279 = arith.constant 88 : i32
        %mul3A_280 = arith.muli %add3A_278, %mul3A_279 : i32
        "tpu.region"() ({
          %run_scoped3A = tpu.sem_alloc : memref<!tpu.dma_semaphore, #tpu.memory_space<semaphore_mem>>
          %dma_start3A_295 = tpu.memref_slice %arg5[%mul3A_280] : memref<321024xi32, #tpu.memory_space<hbm>> -> memref<88xi32, #tpu.memory_space<hbm>>
          %dma_start3A_296 = tpu.memref_slice %arg5[%mul3A_280] : memref<321024xi32, #tpu.memory_space<hbm>> -> memref<88xi32, #tpu.memory_space<hbm>>
          tpu.enqueue_dma source(%dma_start3A_296 : memref<88xi32, #tpu.memory_space<hbm>>) target(%arg10 : memref<88xi32, #tpu.memory_space<vmem>>) target_semaphore(%run_scoped3A : memref<!tpu.dma_semaphore, #tpu.memory_space<semaphore_mem>>)
          %dma_wait3A_297 = tpu.memref_slice %arg5[%mul3A_280] : memref<321024xi32, #tpu.memory_space<hbm>> -> memref<88xi32, #tpu.memory_space<hbm>>
          %dma_wait3A_298 = tpu.memref_slice %arg5[%mul3A_280] : memref<321024xi32, #tpu.memory_space<hbm>> -> memref<88xi32, #tpu.memory_space<hbm>>
          tpu.wait_dma2 semaphore(%run_scoped3A : memref<!tpu.dma_semaphore, #tpu.memory_space<semaphore_mem>>) src(%dma_wait3A_298 : memref<88xi32, #tpu.memory_space<hbm>>) dst(%arg10 : memref<88xi32, #tpu.memory_space<vmem>>)
          tpu.yield
        }) : () -> ()
        %dma_start3A_281 = arith.constant 0 : i32
        %dma_start3A_282 = arith.constant 0 : i32
        %dma_start3A_283 = tpu.memref_slice %arg2[%dma_start3A_281, %dma_start3A_282] : memref<10000x128xf32, #tpu.memory_space<hbm>> -> memref<10000x128xf32, #tpu.memory_space<hbm>>
        tpu.enqueue_indirect_dma source(%dma_start3A_283 : memref<10000x128xf32, #tpu.memory_space<hbm>>) target(%arg13 : memref<88x128xf32, #tpu.memory_space<vmem>>) offsets(%arg9 : memref<88xi32, #tpu.memory_space<vmem>>) semaphore(%arg19 : memref<!tpu.dma_semaphore, #tpu.memory_space<semaphore_mem>>)
        %add3A_284 = arith.addi %mul3A_2, %add3A_247 : i32
        %add3A_285 = arith.constant 2 : i32
        %add3A_286 = arith.addi %add3A_284, %add3A_285 : i32
        %dma_start3A_287 = arith.constant 0 : i32
        %dma_start3A_288 = arith.constant 0 : i32
        %dma_start3A_289 = tpu.memref_slice %arg3[%add3A_286, %dma_start3A_287, %dma_start3A_288] : memref<3648x88x128xf32, #tpu.memory_space<hbm>> -> memref<1x88x128xf32, #tpu.memory_space<hbm>>
        %dma_start3A_290 = tpu.memref_squeeze %dma_start3A_289 : memref<1x88x128xf32, #tpu.memory_space<hbm>> -> memref<88x128xf32, #tpu.memory_space<hbm>>
        %dma_start3A_291 = arith.constant 0 : i32
        %dma_start3A_292 = arith.constant 0 : i32
        %dma_start3A_293 = tpu.memref_slice %arg3[%add3A_286, %dma_start3A_291, %dma_start3A_292] : memref<3648x88x128xf32, #tpu.memory_space<hbm>> -> memref<1x88x128xf32, #tpu.memory_space<hbm>>
        %dma_start3A_294 = tpu.memref_squeeze %dma_start3A_293 : memref<1x88x128xf32, #tpu.memory_space<hbm>> -> memref<88x128xf32, #tpu.memory_space<hbm>>
        tpu.enqueue_dma source(%dma_start3A_294 : memref<88x128xf32, #tpu.memory_space<hbm>>) target(%arg14 : memref<88x128xf32, #tpu.memory_space<vmem>>) target_semaphore(%arg20 : memref<!tpu.dma_semaphore, #tpu.memory_space<semaphore_mem>>)
      } else {
      }
    }
    %scan3A_214 = arith.constant 57 : i32
    %barrier3A_215 = arith.constant 0 : index
    tpu.barrier barrier_id(%barrier3A_215)
    %mul3A_216 = arith.constant 640 : i32
    %mul3A_217 = arith.muli %arg1, %mul3A_216 : i32
    %mul3A_218 = arith.constant 640 : i32
    %mul3A_219 = arith.muli %arg1, %mul3A_218 : i32
    "tpu.region"() ({
      %run_scoped3A = tpu.sem_alloc : memref<!tpu.dma_semaphore, #tpu.memory_space<semaphore_mem>>
      %dma_start3A_220 = arith.constant 0 : i32
      %dma_start3A_221 = tpu.memref_slice %arg6[%arg0, %mul3A_219, %dma_start3A_220] : memref<2x10240x128xf32, #tpu.memory_space<hbm>> -> memref<1x640x128xf32, #tpu.memory_space<hbm>>
      %dma_start3A_222 = tpu.memref_squeeze %dma_start3A_221 : memref<1x640x128xf32, #tpu.memory_space<hbm>> -> memref<640x128xf32, #tpu.memory_space<hbm>>
      %dma_start3A_223 = arith.constant 0 : i32
      %dma_start3A_224 = tpu.memref_slice %arg16[%mul3A_217, %dma_start3A_223] : memref<10240x128xf32, #tpu.memory_space<vmem_shared>> -> memref<640x128xf32, #tpu.memory_space<vmem_shared>>
      tpu.enqueue_dma source(%dma_start3A_224 : memref<640x128xf32, #tpu.memory_space<vmem_shared>>) target(%dma_start3A_222 : memref<640x128xf32, #tpu.memory_space<hbm>>) target_semaphore(%run_scoped3A : memref<!tpu.dma_semaphore, #tpu.memory_space<semaphore_mem>>)
      %dma_wait3A = arith.constant 0 : i32
      %dma_wait3A_225 = tpu.memref_slice %arg6[%arg0, %mul3A_219, %dma_wait3A] : memref<2x10240x128xf32, #tpu.memory_space<hbm>> -> memref<1x640x128xf32, #tpu.memory_space<hbm>>
      %dma_wait3A_226 = tpu.memref_squeeze %dma_wait3A_225 : memref<1x640x128xf32, #tpu.memory_space<hbm>> -> memref<640x128xf32, #tpu.memory_space<hbm>>
      %dma_wait3A_227 = arith.constant 0 : i32
      %dma_wait3A_228 = tpu.memref_slice %arg16[%mul3A_217, %dma_wait3A_227] : memref<10240x128xf32, #tpu.memory_space<vmem_shared>> -> memref<640x128xf32, #tpu.memory_space<vmem_shared>>
      tpu.wait_dma2 semaphore(%run_scoped3A : memref<!tpu.dma_semaphore, #tpu.memory_space<semaphore_mem>>) src(%dma_wait3A_228 : memref<640x128xf32, #tpu.memory_space<vmem_shared>>) dst(%dma_wait3A_226 : memref<640x128xf32, #tpu.memory_space<hbm>>)
      tpu.yield
    }) : () -> ()
    return
  }
}

module attributes {stable_mosaic.version = 14 : i64} {
  func.func @_mm(%arg0: i32, %arg1: memref<2816x16xf32, #tpu.memory_space<vmem>>, %arg2: memref<16x128xf32, #tpu.memory_space<vmem>>, %arg3: memref<2816x128xf32, #tpu.memory_space<vmem>>) attributes {dimension_semantics = [#tpu.dimension_semantics<arbitrary>], iteration_bounds = array<i64: 114>, scalar_prefetch = 0 : i64, scratch_operands = 0 : i64, tpu.core_type = #tpu.core_type<tc>, window_params = [{transform_indices = @transform_0, window_bounds = array<i64: 2816, 16>}, {pipeline_mode = #tpu.pipeline_mode<synchronous>, transform_indices = @transform_1, window_bounds = array<i64: 16, 128>}, {transform_indices = @transform_2, window_bounds = array<i64: 2816, 128>}]} {
    %get3A = arith.constant 0 : index
    %get3A_0 = arith.constant 0 : index
    %get3A_1 = vector.load %arg1[%get3A, %get3A_0] : memref<2816x16xf32, #tpu.memory_space<vmem>>, vector<2816x16xf32>
    %get3A_2 = arith.constant 0 : index
    %get3A_3 = arith.constant 0 : index
    %get3A_4 = vector.load %arg2[%get3A_2, %get3A_3] : memref<16x128xf32, #tpu.memory_space<vmem>>, vector<16x128xf32>
    %dot_general3A = arith.constant dense<0.000000e+00> : vector<2816x128xf32>
    %dot_general3A_5 = tpu.matmul %get3A_1, %get3A_4, %dot_general3A {dimension_numbers = #tpu.dot_dimension_numbers<[1], [0], [0], [1], [0, 0, 1, 1], [], []>, transpose_lhs_hint = false} : vector<2816x16xf32>, vector<16x128xf32>, vector<2816x128xf32> -> vector<2816x128xf32>
    %swap3A = arith.constant 0 : index
    %swap3A_6 = arith.constant 0 : index
    %swap3A_7 = vector.load %arg3[%swap3A, %swap3A_6] : memref<2816x128xf32, #tpu.memory_space<vmem>>, vector<2816x128xf32>
    tpu.vector_store %arg3[%swap3A, %swap3A_6], %dot_general3A_5 {strides = array<i32>} : memref<2816x128xf32, #tpu.memory_space<vmem>>, vector<2816x128xf32>,
    return
  }
  func.func @transform_0(%arg0: i32) -> (i32, i32) {
    %c0_i32 = arith.constant 0 : i32
    %c0_i32_0 = arith.constant 0 : i32
    return %arg0, %c0_i32 : i32, i32
  }
  func.func @transform_1(%arg0: i32) -> (i32, i32) {
    %c0_i32 = arith.constant 0 : i32
    %c0_i32_0 = arith.constant 0 : i32
    %c0_i32_1 = arith.constant 0 : i32
    return %c0_i32, %c0_i32_0 : i32, i32
  }
  func.func @transform_2(%arg0: i32) -> (i32, i32) {
    %c0_i32 = arith.constant 0 : i32
    %c0_i32_0 = arith.constant 0 : i32
    return %arg0, %c0_i32 : i32, i32
  }
}

module attributes {stable_mosaic.version = 14 : i64} {
  func.func @_mm(%arg0: i32, %arg1: memref<2000x128xf32, #tpu.memory_space<vmem>>, %arg2: memref<128x128xf32, #tpu.memory_space<vmem>>, %arg3: memref<2000x128xf32, #tpu.memory_space<vmem>>) attributes {dimension_semantics = [#tpu.dimension_semantics<arbitrary>], iteration_bounds = array<i64: 5>, scalar_prefetch = 0 : i64, scratch_operands = 0 : i64, tpu.core_type = #tpu.core_type<tc>, window_params = [{transform_indices = @transform_0, window_bounds = array<i64: 2000, 128>}, {pipeline_mode = #tpu.pipeline_mode<synchronous>, transform_indices = @transform_1, window_bounds = array<i64: 128, 128>}, {transform_indices = @transform_2, window_bounds = array<i64: 2000, 128>}]} {
    %get3A = arith.constant 0 : index
    %get3A_0 = arith.constant 0 : index
    %get3A_1 = vector.load %arg1[%get3A, %get3A_0] : memref<2000x128xf32, #tpu.memory_space<vmem>>, vector<2000x128xf32>
    %get3A_2 = arith.constant 0 : index
    %get3A_3 = arith.constant 0 : index
    %get3A_4 = vector.load %arg2[%get3A_2, %get3A_3] : memref<128x128xf32, #tpu.memory_space<vmem>>, vector<128x128xf32>
    %dot_general3A = arith.constant dense<0.000000e+00> : vector<2000x128xf32>
    %dot_general3A_5 = tpu.matmul %get3A_1, %get3A_4, %dot_general3A {dimension_numbers = #tpu.dot_dimension_numbers<[1], [0], [0], [1], [0, 0, 1, 1], [], []>, transpose_lhs_hint = false} : vector<2000x128xf32>, vector<128x128xf32>, vector<2000x128xf32> -> vector<2000x128xf32>
    %swap3A = arith.constant 0 : index
    %swap3A_6 = arith.constant 0 : index
    %swap3A_7 = vector.load %arg3[%swap3A, %swap3A_6] : memref<2000x128xf32, #tpu.memory_space<vmem>>, vector<2000x128xf32>
    tpu.vector_store %arg3[%swap3A, %swap3A_6], %dot_general3A_5 {strides = array<i32>} : memref<2000x128xf32, #tpu.memory_space<vmem>>, vector<2000x128xf32>,
    return
  }
  func.func @transform_0(%arg0: i32) -> (i32, i32) {
    %c0_i32 = arith.constant 0 : i32
    %c0_i32_0 = arith.constant 0 : i32
    return %arg0, %c0_i32 : i32, i32
  }
  func.func @transform_1(%arg0: i32) -> (i32, i32) {
    %c0_i32 = arith.constant 0 : i32
    %c0_i32_0 = arith.constant 0 : i32
    %c0_i32_1 = arith.constant 0 : i32
    return %c0_i32, %c0_i32_0 : i32, i32
  }
  func.func @transform_2(%arg0: i32) -> (i32, i32) {
    %c0_i32 = arith.constant 0 : i32
    %c0_i32_0 = arith.constant 0 : i32
    return %arg0, %c0_i32 : i32, i32
  }
}

module attributes {stable_mosaic.version = 14 : i64} {
  func.func @_tc_gates(%arg0: i32, %arg1: memref<2x2000x128xf32, #tpu.memory_space<vmem>>, %arg2: memref<2000x128xf32, #tpu.memory_space<vmem>>, %arg3: memref<128x128xf32, #tpu.memory_space<vmem>>, %arg4: memref<128x128xf32, #tpu.memory_space<vmem>>, %arg5: memref<128x128xf32, #tpu.memory_space<vmem>>, %arg6: memref<128x128xf32, #tpu.memory_space<vmem>>, %arg7: memref<128x128xf32, #tpu.memory_space<vmem>>, %arg8: memref<128x128xf32, #tpu.memory_space<vmem>>, %arg9: memref<2000x128xf32, #tpu.memory_space<vmem>>) attributes {dimension_semantics = [#tpu.dimension_semantics<arbitrary>], iteration_bounds = array<i64: 5>, scalar_prefetch = 0 : i64, scratch_operands = 0 : i64, tpu.core_type = #tpu.core_type<tc>, window_params = [{transform_indices = @transform_0, window_bounds = array<i64: 2, 2000, 128>}, {transform_indices = @transform_1, window_bounds = array<i64: 2000, 128>}, {pipeline_mode = #tpu.pipeline_mode<synchronous>, transform_indices = @transform_2, window_bounds = array<i64: 128, 128>}, {pipeline_mode = #tpu.pipeline_mode<synchronous>, transform_indices = @transform_3, window_bounds = array<i64: 128, 128>}, {pipeline_mode = #tpu.pipeline_mode<synchronous>, transform_indices = @transform_4, window_bounds = array<i64: 128, 128>}, {pipeline_mode = #tpu.pipeline_mode<synchronous>, transform_indices = @transform_5, window_bounds = array<i64: 128, 128>}, {pipeline_mode = #tpu.pipeline_mode<synchronous>, transform_indices = @transform_6, window_bounds = array<i64: 128, 128>}, {pipeline_mode = #tpu.pipeline_mode<synchronous>, transform_indices = @transform_7, window_bounds = array<i64: 128, 128>}, {transform_indices = @transform_8, window_bounds = array<i64: 2000, 128>}]} {
    %get3A = arith.constant 0 : index
    %get3A_0 = arith.constant 0 : index
    %get3A_1 = arith.constant 0 : index
    %get3A_2 = vector.load %arg1[%get3A, %get3A_0, %get3A_1] : memref<2x2000x128xf32, #tpu.memory_space<vmem>>, vector<1x2000x128xf32>
    %get3A_3 = vector.shape_cast %get3A_2 : vector<1x2000x128xf32> to vector<2000x128xf32>
    %get3A_4 = arith.constant 1 : index
    %get3A_5 = arith.constant 0 : index
    %get3A_6 = arith.constant 0 : index
    %get3A_7 = vector.load %arg1[%get3A_4, %get3A_5, %get3A_6] : memref<2x2000x128xf32, #tpu.memory_space<vmem>>, vector<1x2000x128xf32>
    %get3A_8 = vector.shape_cast %get3A_7 : vector<1x2000x128xf32> to vector<2000x128xf32>
    %add3A = arith.addf %get3A_3, %get3A_8 : vector<2000x128xf32>
    %get3A_9 = arith.constant 0 : index
    %get3A_10 = arith.constant 0 : index
    %get3A_11 = vector.load %arg2[%get3A_9, %get3A_10] : memref<2000x128xf32, #tpu.memory_space<vmem>>, vector<2000x128xf32>
    %get3A_12 = arith.constant 0 : index
    %get3A_13 = arith.constant 0 : index
    %get3A_14 = vector.load %arg3[%get3A_12, %get3A_13] : memref<128x128xf32, #tpu.memory_space<vmem>>, vector<128x128xf32>
    %dot_general3A = arith.constant dense<0.000000e+00> : vector<2000x128xf32>
    %dot_general3A_15 = tpu.matmul %add3A, %get3A_14, %dot_general3A {dimension_numbers = #tpu.dot_dimension_numbers<[1], [0], [0], [1], [0, 0, 1, 1], [], []>, transpose_lhs_hint = false} : vector<2000x128xf32>, vector<128x128xf32>, vector<2000x128xf32> -> vector<2000x128xf32>
    %get3A_16 = arith.constant 0 : index
    %get3A_17 = arith.constant 0 : index
    %get3A_18 = vector.load %arg4[%get3A_16, %get3A_17] : memref<128x128xf32, #tpu.memory_space<vmem>>, vector<128x128xf32>
    %dot_general3A_19 = arith.constant dense<0.000000e+00> : vector<2000x128xf32>
    %dot_general3A_20 = tpu.matmul %get3A_11, %get3A_18, %dot_general3A_19 {dimension_numbers = #tpu.dot_dimension_numbers<[1], [0], [0], [1], [0, 0, 1, 1], [], []>, transpose_lhs_hint = false} : vector<2000x128xf32>, vector<128x128xf32>, vector<2000x128xf32> -> vector<2000x128xf32>
    %add3A_21 = arith.addf %dot_general3A_15, %dot_general3A_20 : vector<2000x128xf32>
    %logistic3A = arith.negf %add3A_21 : vector<2000x128xf32>
    %logistic3A_22 = math.exp %logistic3A : vector<2000x128xf32>
    %logistic3A_23 = arith.constant 1.000000e+00 : f32
    %logistic3A_24 = vector.broadcast %logistic3A_23 : f32 to vector<2000x128xf32>
    %logistic3A_25 = arith.addf %logistic3A_24, %logistic3A_22 : vector<2000x128xf32>
    %logistic3A_26 = arith.divf %logistic3A_24, %logistic3A_25 : vector<2000x128xf32>
    %get3A_27 = arith.constant 0 : index
    %get3A_28 = arith.constant 0 : index
    %get3A_29 = vector.load %arg5[%get3A_27, %get3A_28] : memref<128x128xf32, #tpu.memory_space<vmem>>, vector<128x128xf32>
    %dot_general3A_30 = arith.constant dense<0.000000e+00> : vector<2000x128xf32>
    %dot_general3A_31 = tpu.matmul %add3A, %get3A_29, %dot_general3A_30 {dimension_numbers = #tpu.dot_dimension_numbers<[1], [0], [0], [1], [0, 0, 1, 1], [], []>, transpose_lhs_hint = false} : vector<2000x128xf32>, vector<128x128xf32>, vector<2000x128xf32> -> vector<2000x128xf32>
    %get3A_32 = arith.constant 0 : index
    %get3A_33 = arith.constant 0 : index
    %get3A_34 = vector.load %arg6[%get3A_32, %get3A_33] : memref<128x128xf32, #tpu.memory_space<vmem>>, vector<128x128xf32>
    %dot_general3A_35 = arith.constant dense<0.000000e+00> : vector<2000x128xf32>
    %dot_general3A_36 = tpu.matmul %get3A_11, %get3A_34, %dot_general3A_35 {dimension_numbers = #tpu.dot_dimension_numbers<[1], [0], [0], [1], [0, 0, 1, 1], [], []>, transpose_lhs_hint = false} : vector<2000x128xf32>, vector<128x128xf32>, vector<2000x128xf32> -> vector<2000x128xf32>
    %add3A_37 = arith.addf %dot_general3A_31, %dot_general3A_36 : vector<2000x128xf32>
    %logistic3A_38 = arith.negf %add3A_37 : vector<2000x128xf32>
    %logistic3A_39 = math.exp %logistic3A_38 : vector<2000x128xf32>
    %logistic3A_40 = arith.constant 1.000000e+00 : f32
    %logistic3A_41 = vector.broadcast %logistic3A_40 : f32 to vector<2000x128xf32>
    %logistic3A_42 = arith.addf %logistic3A_41, %logistic3A_39 : vector<2000x128xf32>
    %logistic3A_43 = arith.divf %logistic3A_41, %logistic3A_42 : vector<2000x128xf32>
    %get3A_44 = arith.constant 0 : index
    %get3A_45 = arith.constant 0 : index
    %get3A_46 = vector.load %arg7[%get3A_44, %get3A_45] : memref<128x128xf32, #tpu.memory_space<vmem>>, vector<128x128xf32>
    %dot_general3A_47 = arith.constant dense<0.000000e+00> : vector<2000x128xf32>
    %dot_general3A_48 = tpu.matmul %add3A, %get3A_46, %dot_general3A_47 {dimension_numbers = #tpu.dot_dimension_numbers<[1], [0], [0], [1], [0, 0, 1, 1], [], []>, transpose_lhs_hint = false} : vector<2000x128xf32>, vector<128x128xf32>, vector<2000x128xf32> -> vector<2000x128xf32>
    %mul3A = arith.mulf %logistic3A_43, %get3A_11 : vector<2000x128xf32>
    %get3A_49 = arith.constant 0 : index
    %get3A_50 = arith.constant 0 : index
    %get3A_51 = vector.load %arg8[%get3A_49, %get3A_50] : memref<128x128xf32, #tpu.memory_space<vmem>>, vector<128x128xf32>
    %dot_general3A_52 = arith.constant dense<0.000000e+00> : vector<2000x128xf32>
    %dot_general3A_53 = tpu.matmul %mul3A, %get3A_51, %dot_general3A_52 {dimension_numbers = #tpu.dot_dimension_numbers<[1], [0], [0], [1], [0, 0, 1, 1], [], []>, transpose_lhs_hint = false} : vector<2000x128xf32>, vector<128x128xf32>, vector<2000x128xf32> -> vector<2000x128xf32>
    %add3A_54 = arith.addf %dot_general3A_48, %dot_general3A_53 : vector<2000x128xf32>
    %tanh3A = math.tanh %add3A_54 : vector<2000x128xf32>
    %sub3A = arith.constant 1.000000e+00 : f32
    %sub3A_55 = vector.broadcast %sub3A : f32 to vector<2000x128xf32>
    %sub3A_56 = arith.subf %sub3A_55, %logistic3A_26 : vector<2000x128xf32>
    %mul3A_57 = arith.mulf %sub3A_56, %get3A_11 : vector<2000x128xf32>
    %mul3A_58 = arith.mulf %logistic3A_26, %tanh3A : vector<2000x128xf32>
    %add3A_59 = arith.addf %mul3A_57, %mul3A_58 : vector<2000x128xf32>
    %swap3A = arith.constant 0 : index
    %swap3A_60 = arith.constant 0 : index
    %swap3A_61 = vector.load %arg9[%swap3A, %swap3A_60] : memref<2000x128xf32, #tpu.memory_space<vmem>>, vector<2000x128xf32>
    tpu.vector_store %arg9[%swap3A, %swap3A_60], %add3A_59 {strides = array<i32>} : memref<2000x128xf32, #tpu.memory_space<vmem>>, vector<2000x128xf32>,
    return
  }
  func.func @transform_0(%arg0: i32) -> (i32, i32, i32) {
    %c0_i32 = arith.constant 0 : i32
    %c0_i32_0 = arith.constant 0 : i32
    %c0_i32_1 = arith.constant 0 : i32
    return %c0_i32, %arg0, %c0_i32_0 : i32, i32, i32
  }
  func.func @transform_1(%arg0: i32) -> (i32, i32) {
    %c0_i32 = arith.constant 0 : i32
    %c0_i32_0 = arith.constant 0 : i32
    return %arg0, %c0_i32 : i32, i32
  }
  func.func @transform_2(%arg0: i32) -> (i32, i32) {
    %c0_i32 = arith.constant 0 : i32
    %c0_i32_0 = arith.constant 0 : i32
    %c0_i32_1 = arith.constant 0 : i32
    return %c0_i32, %c0_i32_0 : i32, i32
  }
  func.func @transform_3(%arg0: i32) -> (i32, i32) {
    %c0_i32 = arith.constant 0 : i32
    %c0_i32_0 = arith.constant 0 : i32
    %c0_i32_1 = arith.constant 0 : i32
    return %c0_i32, %c0_i32_0 : i32, i32
  }
  func.func @transform_4(%arg0: i32) -> (i32, i32) {
    %c0_i32 = arith.constant 0 : i32
    %c0_i32_0 = arith.constant 0 : i32
    %c0_i32_1 = arith.constant 0 : i32
    return %c0_i32, %c0_i32_0 : i32, i32
  }
  func.func @transform_5(%arg0: i32) -> (i32, i32) {
    %c0_i32 = arith.constant 0 : i32
    %c0_i32_0 = arith.constant 0 : i32
    %c0_i32_1 = arith.constant 0 : i32
    return %c0_i32, %c0_i32_0 : i32, i32
  }
  func.func @transform_6(%arg0: i32) -> (i32, i32) {
    %c0_i32 = arith.constant 0 : i32
    %c0_i32_0 = arith.constant 0 : i32
    %c0_i32_1 = arith.constant 0 : i32
    return %c0_i32, %c0_i32_0 : i32, i32
  }
  func.func @transform_7(%arg0: i32) -> (i32, i32) {
    %c0_i32 = arith.constant 0 : i32
    %c0_i32_0 = arith.constant 0 : i32
    %c0_i32_1 = arith.constant 0 : i32
    return %c0_i32, %c0_i32_0 : i32, i32
  }
  func.func @transform_8(%arg0: i32) -> (i32, i32) {
    %c0_i32 = arith.constant 0 : i32
    %c0_i32_0 = arith.constant 0 : i32
    return %arg0, %c0_i32 : i32, i32
  }
}

module attributes {stable_mosaic.version = 14 : i64} {
  func.func @_tc_gates(%arg0: i32, %arg1: memref<2x2000x128xf32, #tpu.memory_space<vmem>>, %arg2: memref<2000x128xf32, #tpu.memory_space<vmem>>, %arg3: memref<128x128xf32, #tpu.memory_space<vmem>>, %arg4: memref<128x128xf32, #tpu.memory_space<vmem>>, %arg5: memref<128x128xf32, #tpu.memory_space<vmem>>, %arg6: memref<128x128xf32, #tpu.memory_space<vmem>>, %arg7: memref<128x128xf32, #tpu.memory_space<vmem>>, %arg8: memref<128x128xf32, #tpu.memory_space<vmem>>, %arg9: memref<2000x128xf32, #tpu.memory_space<vmem>>) attributes {dimension_semantics = [#tpu.dimension_semantics<arbitrary>], iteration_bounds = array<i64: 5>, scalar_prefetch = 0 : i64, scratch_operands = 0 : i64, tpu.core_type = #tpu.core_type<tc>, window_params = [{transform_indices = @transform_0, window_bounds = array<i64: 2, 2000, 128>}, {transform_indices = @transform_1, window_bounds = array<i64: 2000, 128>}, {pipeline_mode = #tpu.pipeline_mode<synchronous>, transform_indices = @transform_2, window_bounds = array<i64: 128, 128>}, {pipeline_mode = #tpu.pipeline_mode<synchronous>, transform_indices = @transform_3, window_bounds = array<i64: 128, 128>}, {pipeline_mode = #tpu.pipeline_mode<synchronous>, transform_indices = @transform_4, window_bounds = array<i64: 128, 128>}, {pipeline_mode = #tpu.pipeline_mode<synchronous>, transform_indices = @transform_5, window_bounds = array<i64: 128, 128>}, {pipeline_mode = #tpu.pipeline_mode<synchronous>, transform_indices = @transform_6, window_bounds = array<i64: 128, 128>}, {pipeline_mode = #tpu.pipeline_mode<synchronous>, transform_indices = @transform_7, window_bounds = array<i64: 128, 128>}, {transform_indices = @transform_8, window_bounds = array<i64: 2000, 128>}]} {
    %get3A = arith.constant 0 : index
    %get3A_0 = arith.constant 0 : index
    %get3A_1 = arith.constant 0 : index
    %get3A_2 = vector.load %arg1[%get3A, %get3A_0, %get3A_1] : memref<2x2000x128xf32, #tpu.memory_space<vmem>>, vector<1x2000x128xf32>
    %get3A_3 = vector.shape_cast %get3A_2 : vector<1x2000x128xf32> to vector<2000x128xf32>
    %get3A_4 = arith.constant 1 : index
    %get3A_5 = arith.constant 0 : index
    %get3A_6 = arith.constant 0 : index
    %get3A_7 = vector.load %arg1[%get3A_4, %get3A_5, %get3A_6] : memref<2x2000x128xf32, #tpu.memory_space<vmem>>, vector<1x2000x128xf32>
    %get3A_8 = vector.shape_cast %get3A_7 : vector<1x2000x128xf32> to vector<2000x128xf32>
    %add3A = arith.addf %get3A_3, %get3A_8 : vector<2000x128xf32>
    %get3A_9 = arith.constant 0 : index
    %get3A_10 = arith.constant 0 : index
    %get3A_11 = vector.load %arg2[%get3A_9, %get3A_10] : memref<2000x128xf32, #tpu.memory_space<vmem>>, vector<2000x128xf32>
    %get3A_12 = arith.constant 0 : index
    %get3A_13 = arith.constant 0 : index
    %get3A_14 = vector.load %arg3[%get3A_12, %get3A_13] : memref<128x128xf32, #tpu.memory_space<vmem>>, vector<128x128xf32>
    %dot_general3A = arith.constant dense<0.000000e+00> : vector<2000x128xf32>
    %dot_general3A_15 = tpu.matmul %add3A, %get3A_14, %dot_general3A {dimension_numbers = #tpu.dot_dimension_numbers<[1], [0], [0], [1], [0, 0, 1, 1], [], []>, transpose_lhs_hint = false} : vector<2000x128xf32>, vector<128x128xf32>, vector<2000x128xf32> -> vector<2000x128xf32>
    %get3A_16 = arith.constant 0 : index
    %get3A_17 = arith.constant 0 : index
    %get3A_18 = vector.load %arg4[%get3A_16, %get3A_17] : memref<128x128xf32, #tpu.memory_space<vmem>>, vector<128x128xf32>
    %dot_general3A_19 = arith.constant dense<0.000000e+00> : vector<2000x128xf32>
    %dot_general3A_20 = tpu.matmul %get3A_11, %get3A_18, %dot_general3A_19 {dimension_numbers = #tpu.dot_dimension_numbers<[1], [0], [0], [1], [0, 0, 1, 1], [], []>, transpose_lhs_hint = false} : vector<2000x128xf32>, vector<128x128xf32>, vector<2000x128xf32> -> vector<2000x128xf32>
    %add3A_21 = arith.addf %dot_general3A_15, %dot_general3A_20 : vector<2000x128xf32>
    %logistic3A = arith.negf %add3A_21 : vector<2000x128xf32>
    %logistic3A_22 = math.exp %logistic3A : vector<2000x128xf32>
    %logistic3A_23 = arith.constant 1.000000e+00 : f32
    %logistic3A_24 = vector.broadcast %logistic3A_23 : f32 to vector<2000x128xf32>
    %logistic3A_25 = arith.addf %logistic3A_24, %logistic3A_22 : vector<2000x128xf32>
    %logistic3A_26 = arith.divf %logistic3A_24, %logistic3A_25 : vector<2000x128xf32>
    %get3A_27 = arith.constant 0 : index
    %get3A_28 = arith.constant 0 : index
    %get3A_29 = vector.load %arg5[%get3A_27, %get3A_28] : memref<128x128xf32, #tpu.memory_space<vmem>>, vector<128x128xf32>
    %dot_general3A_30 = arith.constant dense<0.000000e+00> : vector<2000x128xf32>
    %dot_general3A_31 = tpu.matmul %add3A, %get3A_29, %dot_general3A_30 {dimension_numbers = #tpu.dot_dimension_numbers<[1], [0], [0], [1], [0, 0, 1, 1], [], []>, transpose_lhs_hint = false} : vector<2000x128xf32>, vector<128x128xf32>, vector<2000x128xf32> -> vector<2000x128xf32>
    %get3A_32 = arith.constant 0 : index
    %get3A_33 = arith.constant 0 : index
    %get3A_34 = vector.load %arg6[%get3A_32, %get3A_33] : memref<128x128xf32, #tpu.memory_space<vmem>>, vector<128x128xf32>
    %dot_general3A_35 = arith.constant dense<0.000000e+00> : vector<2000x128xf32>
    %dot_general3A_36 = tpu.matmul %get3A_11, %get3A_34, %dot_general3A_35 {dimension_numbers = #tpu.dot_dimension_numbers<[1], [0], [0], [1], [0, 0, 1, 1], [], []>, transpose_lhs_hint = false} : vector<2000x128xf32>, vector<128x128xf32>, vector<2000x128xf32> -> vector<2000x128xf32>
    %add3A_37 = arith.addf %dot_general3A_31, %dot_general3A_36 : vector<2000x128xf32>
    %logistic3A_38 = arith.negf %add3A_37 : vector<2000x128xf32>
    %logistic3A_39 = math.exp %logistic3A_38 : vector<2000x128xf32>
    %logistic3A_40 = arith.constant 1.000000e+00 : f32
    %logistic3A_41 = vector.broadcast %logistic3A_40 : f32 to vector<2000x128xf32>
    %logistic3A_42 = arith.addf %logistic3A_41, %logistic3A_39 : vector<2000x128xf32>
    %logistic3A_43 = arith.divf %logistic3A_41, %logistic3A_42 : vector<2000x128xf32>
    %get3A_44 = arith.constant 0 : index
    %get3A_45 = arith.constant 0 : index
    %get3A_46 = vector.load %arg7[%get3A_44, %get3A_45] : memref<128x128xf32, #tpu.memory_space<vmem>>, vector<128x128xf32>
    %dot_general3A_47 = arith.constant dense<0.000000e+00> : vector<2000x128xf32>
    %dot_general3A_48 = tpu.matmul %add3A, %get3A_46, %dot_general3A_47 {dimension_numbers = #tpu.dot_dimension_numbers<[1], [0], [0], [1], [0, 0, 1, 1], [], []>, transpose_lhs_hint = false} : vector<2000x128xf32>, vector<128x128xf32>, vector<2000x128xf32> -> vector<2000x128xf32>
    %mul3A = arith.mulf %logistic3A_43, %get3A_11 : vector<2000x128xf32>
    %get3A_49 = arith.constant 0 : index
    %get3A_50 = arith.constant 0 : index
    %get3A_51 = vector.load %arg8[%get3A_49, %get3A_50] : memref<128x128xf32, #tpu.memory_space<vmem>>, vector<128x128xf32>
    %dot_general3A_52 = arith.constant dense<0.000000e+00> : vector<2000x128xf32>
    %dot_general3A_53 = tpu.matmul %mul3A, %get3A_51, %dot_general3A_52 {dimension_numbers = #tpu.dot_dimension_numbers<[1], [0], [0], [1], [0, 0, 1, 1], [], []>, transpose_lhs_hint = false} : vector<2000x128xf32>, vector<128x128xf32>, vector<2000x128xf32> -> vector<2000x128xf32>
    %add3A_54 = arith.addf %dot_general3A_48, %dot_general3A_53 : vector<2000x128xf32>
    %tanh3A = math.tanh %add3A_54 : vector<2000x128xf32>
    %sub3A = arith.constant 1.000000e+00 : f32
    %sub3A_55 = vector.broadcast %sub3A : f32 to vector<2000x128xf32>
    %sub3A_56 = arith.subf %sub3A_55, %logistic3A_26 : vector<2000x128xf32>
    %mul3A_57 = arith.mulf %sub3A_56, %get3A_11 : vector<2000x128xf32>
    %mul3A_58 = arith.mulf %logistic3A_26, %tanh3A : vector<2000x128xf32>
    %add3A_59 = arith.addf %mul3A_57, %mul3A_58 : vector<2000x128xf32>
    %swap3A = arith.constant 0 : index
    %swap3A_60 = arith.constant 0 : index
    %swap3A_61 = vector.load %arg9[%swap3A, %swap3A_60] : memref<2000x128xf32, #tpu.memory_space<vmem>>, vector<2000x128xf32>
    tpu.vector_store %arg9[%swap3A, %swap3A_60], %add3A_59 {strides = array<i32>} : memref<2000x128xf32, #tpu.memory_space<vmem>>, vector<2000x128xf32>,
    return
  }
  func.func @transform_0(%arg0: i32) -> (i32, i32, i32) {
    %c0_i32 = arith.constant 0 : i32
    %c0_i32_0 = arith.constant 0 : i32
    %c0_i32_1 = arith.constant 0 : i32
    return %c0_i32, %arg0, %c0_i32_0 : i32, i32, i32
  }
  func.func @transform_1(%arg0: i32) -> (i32, i32) {
    %c0_i32 = arith.constant 0 : i32
    %c0_i32_0 = arith.constant 0 : i32
    return %arg0, %c0_i32 : i32, i32
  }
  func.func @transform_2(%arg0: i32) -> (i32, i32) {
    %c0_i32 = arith.constant 0 : i32
    %c0_i32_0 = arith.constant 0 : i32
    %c0_i32_1 = arith.constant 0 : i32
    return %c0_i32, %c0_i32_0 : i32, i32
  }
  func.func @transform_3(%arg0: i32) -> (i32, i32) {
    %c0_i32 = arith.constant 0 : i32
    %c0_i32_0 = arith.constant 0 : i32
    %c0_i32_1 = arith.constant 0 : i32
    return %c0_i32, %c0_i32_0 : i32, i32
  }
  func.func @transform_4(%arg0: i32) -> (i32, i32) {
    %c0_i32 = arith.constant 0 : i32
    %c0_i32_0 = arith.constant 0 : i32
    %c0_i32_1 = arith.constant 0 : i32
    return %c0_i32, %c0_i32_0 : i32, i32
  }
  func.func @transform_5(%arg0: i32) -> (i32, i32) {
    %c0_i32 = arith.constant 0 : i32
    %c0_i32_0 = arith.constant 0 : i32
    %c0_i32_1 = arith.constant 0 : i32
    return %c0_i32, %c0_i32_0 : i32, i32
  }
  func.func @transform_6(%arg0: i32) -> (i32, i32) {
    %c0_i32 = arith.constant 0 : i32
    %c0_i32_0 = arith.constant 0 : i32
    %c0_i32_1 = arith.constant 0 : i32
    return %c0_i32, %c0_i32_0 : i32, i32
  }
  func.func @transform_7(%arg0: i32) -> (i32, i32) {
    %c0_i32 = arith.constant 0 : i32
    %c0_i32_0 = arith.constant 0 : i32
    %c0_i32_1 = arith.constant 0 : i32
    return %c0_i32, %c0_i32_0 : i32, i32
  }
  func.func @transform_8(%arg0: i32) -> (i32, i32) {
    %c0_i32 = arith.constant 0 : i32
    %c0_i32_0 = arith.constant 0 : i32
    return %arg0, %c0_i32 : i32, i32
  }
}

</mosaic_0001>

<sc_bundles>
// kernel: kernel.14.cloned.1.call-start
scs
__scs_entry_jumppad:
0x0: {  	(pc) =	sbr.rel $0x88, $3  }
0x1: {  	(tag) =	ssettag $0x0;
	lr =	simm.s32 $0x1  }
0x2: {  	[smem:$0x3F96] =	sst lr;
	_ =	strace $0xD0000000  }
0x3: {  	_ = 	snop  }
0x4: {  	_ = 	snop  }
0x5: {  	_ = 	snop  }
0x6: {  	_ = 	snop  }
0x7: {  	_ = 	snop  }
__scs_overlays_trampoline_lowered:
0x8: {  	[smem:$0x3FA5] =	sst s0  }
0x9: {  	[smem:$0x3FA6] =	sst s1  }
0xa: {  	[smem:$0x3FA7] =	sst s2  }
0xb: {  	[smem:$0x3FA8] =	sst s3  }
0xc: {  	[smem:$0x3FA9] =	sst s4  }
0xd: {  	[smem:$0x3FAA] =	sst s5  }
0xe: {  	[smem:$0x3FAB] =	sst s6  }
0xf: {  	[smem:$0x3FAC] =	sst s7  }
0x10: {  	[smem:$0x3FAD] =	sst s8  }
0x11: {  	[smem:$0x3FAE] =	sst s9;
	s0 =	simm.s32 @!p0 $0x0  }
0x12: {  	s1 =	sld [smem:$0x3F94];
	s0 =	simm.s32 @p0 $0x1  }
0x13: {  	[smem:$0x3FAF] =	sst s0;
	s0 =	simm.s32 @!p1 $0x0  }
0x14: {  	s2 =	sld [smem:$0x3F93];
	s0 =	simm.s32 @p1 $0x1  }
0x15: {  	[smem:$0x3FB0] =	sst s0;
	s0 =	simm.s32 @!p2 $0x0  }
0x16: {  	s3 =	sld [smem:$0x3FDB];
	s0 =	simm.s32 @p2 $0x1  }
0x17: {  	s4 =	simm.s32 $0x1BF5;
	[smem:$0x3FB2] =	sst s0  }
0x18: {  	s0 =	sld [smem:$0x3F95];
	_ =	swait.ge [sflag:s4], $0x0  }
0x19: {  	s7 =	sld [smem:$0x3F96]  }
0x1a: {  	s8 =	sadd.s32 $0xFFFFE003, lr  }
0x1b: {  	s9 =	sadd.s32 $0xFFFFFEF7, lr;
	s5 =	simm.s32 $0xFFFFFFFF;
	p2 =	slt.u32 s8, $0xFFFFF086  }
0x1c: {  	p1 =	slt.u32 s9, $0xF7A;
	s5 =	simm.s32 @!p2 $0x0  }
0x1d: {  	s5 =	simm.s32 @p1 $0x1;
	p0 =	seq.s32 s7, s2  }
0x1e: {  	s7 =	smul.u32 @!p0 $0xF7A, s2;
	p2 =	seq.s32 @!p0 s5, $0x0  }
0x1f: {  	s9 =	smul.u32 $0xF7A, s1;
	s8 =	simm.s32 @!p0 $0x1BF5;
	p2 =	por !p2, p0  }
0x20: {  	[sflag:s8] =	ssyncset.s32 @!p0 $0xFFFFF086;
	s6 =	sadd.s32 @!p0 s3, s7;
	s7 =	simm.s32 @!p0 $0x108  }
0x21: {  	s3 =	sadd.s32 s3, s9;
	s6 =	sadd.s32 @!p0 $0x88, s6;
	s7 =	simm.s32 @p2 $0x1082  }
0x22: {  	[simem:s7], [sflag:s8] =	dma.local @!p0 [hbm:s6], $0xF7A  }
0x23: {  	s9 =	sor.u32 $0xD0000000, s2;
	s6 =	simm.s32 $0x108;
	_ =	swait.ge @!p0 [sflag:s8], $0x0  }
0x24: {  	s3 =	sadd.s32 $0x88, s3;
	s6 =	simm.s32 @!p1 $0x1082;
	[sflag:s4] =	ssyncset.s32 $0xFFFFF086  }
0x25: {  	[simem:s6], [sflag:s4] =	dma.local [hbm:s3], $0xF7A  }
0x26: {  	[smem:$0x3F96] =	sst s1;
	(tag) =	ssettag s2;
	_ =	strace s9  }
0x27: {  	s1 =	sld [smem:$0x3FA6]  }
0x28: {  	s2 =	sld [smem:$0x3FA7]  }
0x29: {  	s4 =	sld [smem:$0x3FA9]  }
0x2a: {  	p0 =	seq.s32 s5, $0x0;
	s5 =	sld [smem:$0x3FAA]  }
0x2b: {  	s6 =	sld [smem:$0x3FAB]  }
0x2c: {  	s7 =	sld [smem:$0x3FAC]  }
0x2d: {  	s3 =	simm.s32 $0x108;
	s8 =	sld [smem:$0x3FAD]  }
0x2e: {  	s3 =	simm.s32 @!p0 $0x1082;
	s9 =	sld [smem:$0x3FAE]  }
0x2f: {  	lr =	sadd.s32 s0, s3;
	s0 =	sld [smem:$0x3FA5]  }
0x30: {  	s3 =	sld [smem:$0x3FA8]  }
0x31: {  	[smem:$0x3FB1] =	sst s10  }
0x32: {  	s10 =	sld [smem:$0x3FAF];
	_ =	sdelay $0x3  }
0x33: {  	p0 =	seq.s32 s10, $0x1;
	s10 =	sld [smem:$0x3FB1];
	_ =	sdelay $0x3  }
0x34: {  	[smem:$0x3FB1] =	sst s10  }
0x35: {  	s10 =	sld [smem:$0x3FB0];
	_ =	sdelay $0x3  }
0x36: {  	p1 =	seq.s32 s10, $0x1;
	s10 =	sld [smem:$0x3FB1];
	_ =	sdelay $0x3  }
0x37: {  	[smem:$0x3FB1] =	sst s10  }
0x38: {  	s10 =	sld [smem:$0x3FB2]  }
0x39: {  	_ = 	snop;
	(pc) =	sbr.ind lr, $3  }
0x3a: {  	_ = 	snop  }
0x3b: {  	_ = 	snop  }
0x3c: {  	p2 =	seq.s32 s10, $0x1;
	s10 =	sld [smem:$0x3FB1]  }
0x3d: {  	_ =	shalt  }
0x3e: {  	_ =	shalt  }
0x3f: {  	_ =	shalt  }
0x40: {  	_ =	shalt  }
0x41: {  	_ =	shalt  }
0x42: {  	_ =	shalt  }
0x43: {  	_ =	shalt  }
0x44: {  	_ =	shalt  }
0x45: {  	_ =	shalt  }
0x46: {  	_ =	shalt  }
0x47: {  	_ =	shalt  }
0x48: {  	_ =	shalt  }
0x49: {  	_ =	shalt  }
0x4a: {  	_ =	shalt  }
0x4b: {  	_ =	shalt  }
0x4c: {  	_ =	shalt  }
0x4d: {  	_ =	shalt  }
0x4e: {  	_ =	shalt  }
0x4f: {  	_ =	shalt  }
0x50: {  	_ =	shalt  }
0x51: {  	_ =	shalt  }
0x52: {  	_ =	shalt  }
0x53: {  	_ =	shalt  }
0x54: {  	_ =	shalt  }
0x55: {  	_ =	shalt  }
0x56: {  	_ =	shalt  }
0x57: {  	_ =	shalt  }
0x58: {  	_ =	shalt  }
0x59: {  	_ =	shalt  }
0x5a: {  	_ =	shalt  }
0x5b: {  	_ =	shalt  }
0x5c: {  	_ =	shalt  }
0x5d: {  	_ =	shalt  }
0x5e: {  	_ =	shalt  }
0x5f: {  	_ =	shalt  }
0x60: {  	_ =	shalt  }
0x61: {  	_ =	shalt  }
0x62: {  	_ =	shalt  }
0x63: {  	_ =	shalt  }
0x64: {  	_ =	shalt  }
0x65: {  	_ =	shalt  }
0x66: {  	_ =	shalt  }
0x67: {  	_ =	shalt  }
0x68: {  	_ =	shalt  }
0x69: {  	_ =	shalt  }
0x6a: {  	_ =	shalt  }
0x6b: {  	_ =	shalt  }
0x6c: {  	_ =	shalt  }
0x6d: {  	_ =	shalt  }
0x6e: {  	_ =	shalt  }
0x6f: {  	_ =	shalt  }
0x70: {  	_ =	shalt  }
0x71: {  	_ =	shalt  }
0x72: {  	_ =	shalt  }
0x73: {  	_ =	shalt  }
0x74: {  	_ =	shalt  }
0x75: {  	_ =	shalt  }
0x76: {  	_ =	shalt  }
0x77: {  	_ =	shalt  }
0x78: {  	_ =	shalt  }
0x79: {  	_ =	shalt  }
0x7a: {  	_ =	shalt  }
0x7b: {  	_ =	shalt  }
0x7c: {  	_ =	shalt  }
0x7d: {  	_ =	shalt  }
0x7e: {  	_ =	shalt  }
0x7f: {  	_ =	shalt  }
0x80: {  	_ =	shalt  }
0x81: {  	_ =	shalt  }
0x82: {  	_ =	shalt  }
0x83: {  	_ =	shalt  }
0x84: {  	_ =	shalt  }
0x85: {  	_ =	shalt  }
0x86: {  	_ =	shalt  }
0x87: {  	_ =	shalt  }
.Lfunc_end0:
.L_simem_size_0:
called_computation_lowered:
.L_overlay_start_0:
0x88: {  	s2 =	sld [smem:$0x3FD9]  }
0x89: {  	s3 =	sld [smem:$0x3FFE];
	_ =	sdelay $0x1  }
0x8a: {  	s1 =	srdreg.scid  }
0x8b: {  	s0 =	sand.u32 $0x1, s1  }
0x8c: {  	s17 =	sshll.u32 s0, $0xA;
	s2 =	sadd.s32 s3, s2  }
0x8d: {  	s2 =	sadd.s32 s2, s17  }
0x8e: {  	[smem:$0x3FBD] =	sst s2  }
0x8f: {  	_ = 	snop  }
0x90: {  	s2 =	sld [smem:$0x3FD0];
	(tm) =	ssettm $0x1  }
0x91: {  	s18 =	sld [smem:$0x3FFB];
	_ =	sdelay $0x3  }
0x92: {  	_ =	strace s18  }
0x93: {  	s3 =	sld [smem:$0x3FFC];
	_ =	sdelay $0x3  }
0x94: {  	_ =	strace s3  }
0x95: {  	s3 =	sld [smem:$0x3FFD];
	_ =	sdelay $0x3  }
0x96: {  	_ =	strace s3  }
0x97: {  	_ =	strace $0x8FFFFFFF  }
0x98: {  	s19 =	sld [smem:$0x3FDB];
	_ =	sdelay $0x1  }
0x99: {  	s4 =	simm.s32 $_scs_section_size  }
0x9a: {  	s5 =	simm.s32 $_size__tile_overlayer_lowered;
	s6 =	simm.s32 $_tile_overlayer_lowered  }
0x9b: {  	s22 =	simm.s32 $0x1BFF;
	s21 =	sshll.u32 s6, $0x1;
	s3 =	sadd.s32 s4, s19  }
0x9c: {  	s7 =	simm.s32 $0x0;
	s20 =	sshll.u32 s5, $0x1;
	s5 =	sadd.s32 s21, s3  }
0x9d: {  	[timem:s7], [sflag:s22] =	dma.local [hbm:s5], s20  }
0x9e: {  	_ =	swait.ge [sflag:s22], s20  }
0x9f: {  	s4 =	ssub.s32 $0x0, s20;
	[sflag:s22] =	ssyncset.done $0x0  }
0xa0: {  	[sflag:s22] =	ssyncadd.s32 s4;
	_ =	sdelay $0x1  }
0xa1: {  	s23 =	simm.s32 $0x1B8B  }
0xa2: {  	_ =	swait.ge [sflag:s23], $0x1  }
0xa3: {  	[sflag:s23] =	ssyncset.done $0x0  }
0xa4: {  	s25 =	simm.s32 $0x1B8E;
	s24 =	sld [smem:$0x3FFE];
	[sflag:s23] =	ssyncadd.s32 $0xFFFFFFFF  }
0xa5: {  	s26 =	simm.s32 $execute0_lowered;
	[smem:$0x3FD2] =	sst s25  }
0xa6: {  	s5 =	sshll.u32 s26, $0x1;
	_ =	strace $0x80000046;
	[dreg:$0x1] =	wrdreg $0xFFFFFFFF  }
0xa7: {  	s28 =	simm.s32 $_size_execute0_lowered;
	s3 =	sadd.s32 s3, s5;
	[dreg:$0x0] =	wrdreg $0x0  }
0xa8: {  	s5 =	sshll.u32 s28, $0x1;
	[dreg:$0x2] =	wrdreg s3  }
0xa9: {  	[dreg:$0x3] =	wrdreg s5  }
0xaa: {  	[dreg:$0x4] =	wrdreg $0xC0  }
0xab: {  	_ =	task [dreg:s7], $0x5FFFF  }
0xac: {  	[dreg:$0x1] =	wrdreg $0xFFFFFFFF  }
0xad: {  	[dreg:$0x0] =	wrdreg $0x60  }
0xae: {  	[dreg:$0x2] =	wrdreg s2  }
0xaf: {  	[dreg:$0x3] =	wrdreg s24  }
0xb0: {  	[dreg:$0x4] =	wrdreg $0xBA000  }
0xb1: {  	[dreg:$0x5] =	wrdreg $0x9  }
0xb2: {  	_ =	task.clear_ibuf [dreg:s7], $0x6FFFF;
	_ =	strace $0x90000046  }
0xb3: {  	s29 =	simm.s32 $0x9;
	_ =	strace $0x80000048  }
0xb4: {  	_ =	swait.ge [sflag:s29], $0x1  }
0xb5: {  	[sflag:s29] =	ssyncadd.s32 $0xFFFFFFFF  }
0xb6: {  	_ =	strace $0x90000048  }
0xb7: {  	_ =	sfence  }
0xb8: {  	s30 =	sld [smem:$0x0];
	_ =	sdelay $0x2  }
0xb9: {  	s31 =	sshll.u32 s1, $0xD;
	s1 =	sshrl.u32 s1, $0x2  }
0xba: {  	s3 =	sand.u32 $0x4000, s31;
	s1 =	sadd.s32 s1, s30  }
0xbb: {  	s0 =	sor.u32 s3, s0;
	s1 =	sshll.u32 s1, $0x11  }
0xbc: {  	s0 =	sor.u32 s1, s0  }
0xbd: {  	s0 =	sadd.s32 $0x8F2B, s0  }
0xbe: {  	[sflag:s0] =	ssyncadd.remote.s32 $0x1  }
0xbf: {  	_ =	sfence.sel $0xFFFF  }
0xc0: {  	[dreg:$0x0] =	wrdreg $0xFFFFFFFF;
	(pc) =	sbr.abs _section_cstart, $3  }
0xc1: {  	[dreg:$0x1] =	wrdreg $0xFFFFFFFF  }
0xc2: {  	_ =	task.clear_ibuf [dreg:s7], $0x2FFFF;
	_ =	strace $0x9FFFFFFF  }
0xc3: {  	(tm) =	ssettm $0x7FFFFFFF  }
tec
execute0_lowered:
.L_overlay_start_1:
0x0: {  	(tag) =	ssettag $0x1  }
0x1: {  	s1 =	rddreg [dreg:$0x0]  }
0x2: {  	s0 =	rddreg [dreg:$0x1]  }
0x3: {  	s2 =	rddreg [dreg:$0x2]  }
0x4: {  	s4 =	simm.s32 $0x0;
	s3 =	srdreg.scid;
	s15 =	stileid.u32  }
0x5: {  	[smem:$0x7FF] =	sst s4;
	s3 =	sand.u32 $0x1, s3;
	s7 =	smul.u32 $0x14000, s15  }
0x6: {  	s9 =	sadd.s32 $0x6400, s0;
	s12 =	sadd.s32 $0x10200, s0;
	s17 =	smul.u32 $0x50000, s15  }
0x7: {  	s6 =	smul.u32 $0x140000, s3;
	s5 =	sshll.u32 s3, $0x4;
	_ =	strace $0x80000047  }
0x8: {  	s11 =	ssub.s32 $0x2, s3;
	s8 =	sor.u32 s15, s5;
	s5 =	sadd.s32 $0x9D9E00, s0  }
0x9: {  	s13 =	sshrl.u32 s11, $0x1;
	s6 =	sadd.s32 s7, s6;
	s16 =	smul.u32 $0x4E6, s8  }
0xa: {  	s22 =	sshrl.u32 s17, $0x2;
	s10 =	smul.u32 $0x72, s8;
	s6 =	sshrl.u32 s6, $0x3  }
0xb: {  	s8 =	smul.u32 $0x27300, s8;
	s0 =	sadd.s32 s6, s0;
	s18 =	sadd.s32 s9, s16  }
0xc: {  	s6 =	ssub.s32 s11, s13;
	s7 =	sadd.s32 s12, s16;
	[dreg:$0x4] =	wrdreg s18  }
0xd: {  	s19 =	sadd.s32 s5, s8;
	s11 =	sadd.s32 s22, s2;
	[dreg:$0x5] =	wrdreg s7  }
0xe: {  	[dreg:$0x6] =	wrdreg s19;
	s25 =	sadd.s32 $0x800, s11  }
0xf: {  	s28 =	sadd.s32 $0x1000, s11;
	[dreg:$0xa] =	wrdreg s25  }
0x10: {  	s29 =	sadd.s32 $0x1800, s11;
	[dreg:$0xb] =	wrdreg s28  }
0x11: {  	s30 =	sadd.s32 $0x2000, s11;
	[dreg:$0xc] =	wrdreg s29  }
0x12: {  	s31 =	sadd.s32 $0x2800, s11;
	[dreg:$0xd] =	wrdreg s30  }
0x13: {  	s17 =	sadd.s32 $0x3800, s11;
	[dreg:$0xe] =	wrdreg s31  }
0x14: {  	s10 =	sor.u32 $0x1, s10;
	s0 =	sadd.s32 $0x1A000, s0;
	[dreg:$0x10] =	wrdreg s17  }
0x15: {  	s14 =	smul.u32 $0xB, s10;
	s8 =	sadd.s32 $0x9000, s11;
	[dreg:$0x11] =	wrdreg s0  }
0x16: {  	s21 =	smul.u32 $0x580, s10;
	s10 =	sadd.s32 $0xA000, s11;
	[dreg:$0x1f] =	wrdreg s8  }
0x17: {  	s26 =	smul.u32 $0x139800, s15;
	s25 =	sadd.s32 $0x4800, s11;
	[smem:$0x7EC] =	sst s10  }
0x18: {  	s24 =	smul.u32 $0x1398000, s3;
	s28 =	sadd.s32 $0x5800, s11;
	[dreg:$0x16] =	wrdreg s25  }
0x19: {  	s3 =	smul.u32 $0x4E60, s3;
	s29 =	sadd.s32 $0x6000, s11;
	[dreg:$0x18] =	wrdreg s28  }
0x1a: {  	s13 =	smul.u32 $0x4E6, s15;
	s30 =	sadd.s32 $0x6800, s11;
	[dreg:$0x19] =	wrdreg s29  }
0x1b: {  	s15 =	sadd.s32 s3, s9;
	s31 =	sadd.s32 $0x7000, s11;
	[dreg:$0x1a] =	wrdreg s30  }
0x1c: {  	s19 =	sadd.s32 s13, s15;
	s15 =	sadd.s32 $0xC000, s11;
	[dreg:$0x1b] =	wrdreg s31  }
0x1d: {  	s17 =	sadd.s32 $0xD000, s11;
	[smem:$0x7F0] =	sst s15  }
0x1e: {  	s20 =	sadd.s32 s9, s14;
	[smem:$0x7F2] =	sst s17  }
0x1f: {  	s23 =	sadd.s32 s12, s14;
	[dreg:$0x7] =	wrdreg s20  }
0x20: {  	s7 =	sadd.s32 s5, s21;
	[dreg:$0x8] =	wrdreg s23  }
0x21: {  	s14 =	sadd.s32 $0x3000, s11;
	[dreg:$0x9] =	wrdreg s7  }
0x22: {  	s21 =	smax.u32 s6, $0x1;
	[dreg:$0xf] =	wrdreg s14  }
0x23: {  	s6 =	sadd.s32 $0x8000, s11;
	[dreg:$0x12] =	wrdreg s21  }
0x24: {  	s9 =	sadd.s32 $0x9800, s11;
	[dreg:$0x1d] =	wrdreg s6  }
0x25: {  	s3 =	sadd.s32 s3, s12;
	s12 =	sadd.s32 $0xA800, s11;
	[smem:$0x7EB] =	sst s9  }
0x26: {  	s8 =	simm.s32 $0x80;
	s25 =	sadd.s32 $0x10000, s11;
	[smem:$0x7ED] =	sst s12  }
0x27: {  	s10 =	simm.s32 $0x200;
	s28 =	sadd.s32 $0x11000, s11;
	[smem:$0x7F8] =	sst s25  }
0x28: {  	s29 =	sadd.s32 $0x11800, s11;
	s30 =	sadd.s32 $0x12000, s11;
	[smem:$0x7FA] =	sst s28  }
0x29: {  	s31 =	sadd.s32 $0x12800, s11;
	s15 =	simm.s32 $0x5A00;
	[smem:$0x7FB] =	sst s29  }
0x2a: {  	s17 =	simm.s32 $0xB200;
	s7 =	sadd.s32 s26, s24;
	[smem:$0x7FC] =	sst s30  }
0x2b: {  	s20 =	sadd.s32 s13, s3;
	s24 =	sadd.s32 $0x4000, s11;
	[smem:$0x7FD] =	sst s31  }
0x2c: {  	s26 =	sadd.s32 $0x5000, s11;
	s3 =	sadd.s32 $0x7800, s11;
	[dreg:$0x15] =	wrdreg s24  }
0x2d: {  	s13 =	sadd.s32 $0xB000, s11;
	s14 =	sadd.s32 $0xB800, s11;
	[dreg:$0x17] =	wrdreg s26  }
0x2e: {  	s21 =	sadd.s32 $0xE000, s11;
	s6 =	sadd.s32 $0x13800, s11;
	[dreg:$0x1c] =	wrdreg s3  }
0x2f: {  	s9 =	simm.s32 $0x58;
	s12 =	simm.s32 $0x2E00;
	[smem:$0x7EE] =	sst s13  }
0x30: {  	s16 =	sadd.s32 $0x8400, s7;
	s23 =	sadd.s32 $0x5800, s7;
	[smem:$0x7EF] =	sst s14  }
0x31: {  	s7 =	sadd.s32 $0x8800, s11;
	[smem:$0x7F4] =	sst s21;
	s24 =	sadd.s32 $0xF800, s11  }
0x32: {  	s26 =	sadd.s32 $0x10800, s11;
	s3 =	sadd.s32 $0x13000, s11;
	[dreg:$0x14] =	wrdreg s23  }
0x33: {  	s13 =	simm.s32 $0x100;
	s14 =	simm.s32 $0x180;
	[dreg:$0x1e] =	wrdreg s7  }
0x34: {  	s21 =	simm.s32 $0x2;
	s18 =	sshrl.u32 s16, $0x3;
	[smem:$0x7F7] =	sst s24  }
0x35: {  	s16 =	sadd.s32 $0xC800, s11;
	s23 =	sadd.s32 $0xF000, s11;
	[smem:$0x7F9] =	sst s26  }
.Ltmp0:
0x36: {  	s7 =	simm.s32 $0x5;
	[smem:$0x7F1] =	sst s16;
	(pc) =	sbr.rel .LBB2_1-.Ltmp0, $4  }
0x37: {  	s26 =	simm.s32 $0x0;
	s22 =	sadd.s32 s18, s5;
	[smem:$0x7F6] =	sst s23  }
0x38: {  	s18 =	sadd.s32 $0xD800, s11;
	s16 =	simm.s32 $0x8600;
	[dreg:$0x13] =	wrdreg s22  }
0x39: {  	s23 =	simm.s32 $0x4;
	[smem:$0x7F3] =	sst s18;
	s22 =	sadd.s32 $0xE800, s11  }
0x3a: {  	v0 =	vimm.f32 $0.0e+00;
	s18 =	simm.s32 $0x1;
	[smem:$0x7F5] =	sst s22;
	s22 =	simm.s32 $0x3  }
.LBB2_6:
0x3b: {  	s0 =	stileid.u32  }
0x3c: {  	[bflag:$0x0] =	sbarrier.arrive $0xFFFF;
	s0 =	sshll.u32 s0, $0x6  }
0x3d: {  	s24 =	sshrl.u32 s11, $0x3;
	s25 =	rddreg [dreg:$0x11];
	s0 =	sor.u32 $0x1C05, s0  }
0x3e: {  	[hbm:s25], [sflag:s0] =	dma.local [spmem:s24], $0x2800  }
0x3f: {  	_ =	swait.ge [sflag:s7], $0x2800  }
0x40: {  	s26 =	sadd.s32 $0x1, s26;
	s31 =	rddreg [dreg:$0x12]  }
0x41: {  	p0 =	sne.s32 s26, s31  }
.Ltmp1:
0x42: {  	_ = 	snop;
	(pc) =	sbr.rel @!p0 .LBB2_7-.Ltmp1, $3  }
0x43: {  	_ =	sdelay $0x1  }
0x44: {  	[sflag:s7] =	ssyncset.done $0x0  }
0x45: {  	[sflag:s7] =	ssyncadd.s32 $0xFFFFD800  }
.LBB2_1:
0x46: {  	s0 =	rddreg [dreg:$0x4]  }
0x47: {  	[tilespmem:s4], [sflag:$0x5] =	stream.linear.gather [hbm4b:s0+s4], $0x58, $0x38;
	[tilespmem:$0x1FA00] =	vst v63  }
0x48: {  	_ =	swait.ge [sflag:s7], $0x58  }
0x49: {  	[sflag:s7] =	ssyncset.done $0x0  }
0x4a: {  	s31 =	rddreg [dreg:$0x5];
	[sflag:s7] =	ssyncadd.s32 $0xFFFFFFA8  }
0x4b: {  	[tilespmem:s8], [sflag:$0x5] =	stream.linear.gather [hbm4b:s31+s4], $0x58, $0x38;
	[tilespmem:$0x1FA00] =	vst v63  }
0x4c: {  	_ =	swait.ge [sflag:s7], $0x58  }
0x4d: {  	[sflag:s7] =	ssyncset.done $0x0  }
0x4e: {  	[sflag:s7] =	ssyncadd.s32 $0xFFFFFFA8  }
0x4f: {  	[tilespmem:s10], [sflag:$0x1] =	stream.indirect.gather [hbm4b:s1+s9], $0x80, s4, s9, $0xb8;
	[tilespmem:$0x1FA00] =	vst v63  }
0x50: {  	s24 =	rddreg [dreg:$0x6]  }
0x51: {  	[tilespmem:s12], [sflag:$0x2] =	stream.linear.gather [hbm4b:s24+s4], $0x2C00, $0x38;
	[tilespmem:$0x1FA00] =	vst v63  }
0x52: {  	s25 =	rddreg [dreg:$0x7]  }
0x53: {  	[tilespmem:s13], [sflag:$0x5] =	stream.linear.gather [hbm4b:s25+s4], $0x58, $0x38;
	[tilespmem:$0x1FA00] =	vst v63  }
0x54: {  	_ =	swait.ge [sflag:s7], $0x58  }
0x55: {  	[sflag:s7] =	ssyncset.done $0x0  }
0x56: {  	s30 =	rddreg [dreg:$0x8];
	[sflag:s7] =	ssyncadd.s32 $0xFFFFFFA8  }
0x57: {  	[tilespmem:s14], [sflag:$0x5] =	stream.linear.gather [hbm4b:s30+s4], $0x58, $0x38;
	[tilespmem:$0x1FA00] =	vst v63  }
0x58: {  	_ =	swait.ge [sflag:s7], $0x58  }
0x59: {  	s28 =	sand.u32 $0x70, s4;
	s24 =	sand.u32 $0x1E00, s4;
	[sflag:s7] =	ssyncset.done $0x0  }
0x5a: {  	s29 =	sshrl.u32 s24, $0x2;
	s24 =	simm.s32 $0x40;
	[sflag:s7] =	ssyncadd.s32 $0xFFFFFFA8  }
0x5b: {  	[tilespmem:s15], [sflag:$0x3] =	stream.indirect.gather [hbm4b:s1+s9], $0x80, s13, s9, $0xb8;
	[tilespmem:$0x1FA00] =	vst v63  }
0x5c: {  	s29 =	sor.u32 s28, s29;
	s28 =	simm.s32 $0x0;
	s31 =	rddreg [dreg:$0x9]  }
0x5d: {  	[tilespmem:s16], [sflag:$0x4] =	stream.linear.gather [hbm4b:s31+s4], $0x2C00, $0x38;
	[tilespmem:$0x1FA00] =	vst v63  }
.LBB2_2:
0x5e: {  	p0 =	sne.s32 s24, $0x1FC0  }
0x5f: {  	[tilespmem:s29+$0xB200] =	vst v0;
	s28 =	sadd.s32 $0x10, s28;
	s29 =	smov.u32 s24;
	s24 =	sadd.s32 $0x40, s24  }
.Ltmp2:
0x60: {  	(pc) =	sbr.rel @p0 .LBB2_2-.Ltmp2, $4  }
0x61: {  	_ = 	snop  }
0x62: {  	s29 =	sand.u32 $0x1E00, s29  }
0x63: {  	s25 =	sand.u32 $0x70, s28;
	s29 =	sshrl.u32 s29, $0x2  }
0x64: {  	s29 =	sor.u32 s25, s29  }
0x65: {  	[tilespmem:s29+$0xB200] =	vst v0  }
0x66: {  	[spmem:s11] =	stream.linear.scatter [tilespmem:s17], [sflag:$0x5], $0x800, $0x38;
	[tilespmem:$0x1FA00] =	vst v63  }
0x67: {  	_ =	swait.ge [sflag:s7], $0x800  }
0x68: {  	[sflag:s7] =	ssyncset.done $0x0  }
0x69: {  	s0 =	rddreg [dreg:$0xa];
	[sflag:s7] =	ssyncadd.s32 $0xFFFFF800  }
0x6a: {  	[spmem:s0] =	stream.linear.scatter [tilespmem:s17], [sflag:$0x5], $0x800, $0x38;
	[tilespmem:$0x1FA00] =	vst v63  }
0x6b: {  	_ =	swait.ge [sflag:s7], $0x800  }
0x6c: {  	[sflag:s7] =	ssyncset.done $0x0  }
0x6d: {  	s24 =	rddreg [dreg:$0xb];
	[sflag:s7] =	ssyncadd.s32 $0xFFFFF800  }
0x6e: {  	[spmem:s24] =	stream.linear.scatter [tilespmem:s17], [sflag:$0x5], $0x800, $0x38;
	[tilespmem:$0x1FA00] =	vst v63  }
0x6f: {  	_ =	swait.ge [sflag:s7], $0x800  }
0x70: {  	[sflag:s7] =	ssyncset.done $0x0  }
0x71: {  	s25 =	rddreg [dreg:$0xc];
	[sflag:s7] =	ssyncadd.s32 $0xFFFFF800  }
0x72: {  	[spmem:s25] =	stream.linear.scatter [tilespmem:s17], [sflag:$0x5], $0x800, $0x38;
	[tilespmem:$0x1FA00] =	vst v63  }
0x73: {  	_ =	swait.ge [sflag:s7], $0x800  }
0x74: {  	[sflag:s7] =	ssyncset.done $0x0  }
0x75: {  	s30 =	rddreg [dreg:$0xd];
	[sflag:s7] =	ssyncadd.s32 $0xFFFFF800  }
0x76: {  	[spmem:s30] =	stream.linear.scatter [tilespmem:s17], [sflag:$0x5], $0x800, $0x38;
	[tilespmem:$0x1FA00] =	vst v63  }
0x77: {  	_ =	swait.ge [sflag:s7], $0x800  }
0x78: {  	[sflag:s7] =	ssyncset.done $0x0  }
0x79: {  	s31 =	rddreg [dreg:$0xe];
	[sflag:s7] =	ssyncadd.s32 $0xFFFFF800  }
0x7a: {  	[spmem:s31] =	stream.linear.scatter [tilespmem:s17], [sflag:$0x5], $0x800, $0x38;
	[tilespmem:$0x1FA00] =	vst v63  }
0x7b: {  	_ =	swait.ge [sflag:s7], $0x800  }
0x7c: {  	[sflag:s7] =	ssyncset.done $0x0  }
0x7d: {  	s24 =	rddreg [dreg:$0xf];
	[sflag:s7] =	ssyncadd.s32 $0xFFFFF800  }
0x7e: {  	[spmem:s24] =	stream.linear.scatter [tilespmem:s17], [sflag:$0x5], $0x800, $0x38;
	[tilespmem:$0x1FA00] =	vst v63  }
0x7f: {  	_ =	swait.ge [sflag:s7], $0x800  }
0x80: {  	[sflag:s7] =	ssyncset.done $0x0  }
0x81: {  	s25 =	rddreg [dreg:$0x10];
	[sflag:s7] =	ssyncadd.s32 $0xFFFFF800  }
0x82: {  	[spmem:s25] =	stream.linear.scatter [tilespmem:s17], [sflag:$0x5], $0x800, $0x38;
	[tilespmem:$0x1FA00] =	vst v63  }
0x83: {  	_ =	swait.ge [sflag:s7], $0x800  }
0x84: {  	[sflag:s7] =	ssyncset.done $0x0  }
0x85: {  	s30 =	rddreg [dreg:$0x15];
	[sflag:s7] =	ssyncadd.s32 $0xFFFFF800  }
0x86: {  	[spmem:s30] =	stream.linear.scatter [tilespmem:s17], [sflag:$0x5], $0x800, $0x38;
	[tilespmem:$0x1FA00] =	vst v63  }
0x87: {  	_ =	swait.ge [sflag:s7], $0x800  }
0x88: {  	[sflag:s7] =	ssyncset.done $0x0  }
0x89: {  	s31 =	rddreg [dreg:$0x16];
	[sflag:s7] =	ssyncadd.s32 $0xFFFFF800  }
0x8a: {  	[spmem:s31] =	stream.linear.scatter [tilespmem:s17], [sflag:$0x5], $0x800, $0x38;
	[tilespmem:$0x1FA00] =	vst v63  }
0x8b: {  	_ =	swait.ge [sflag:s7], $0x800  }
0x8c: {  	[sflag:s7] =	ssyncset.done $0x0  }
0x8d: {  	s24 =	rddreg [dreg:$0x17];
	[sflag:s7] =	ssyncadd.s32 $0xFFFFF800  }
0x8e: {  	[spmem:s24] =	stream.linear.scatter [tilespmem:s17], [sflag:$0x5], $0x800, $0x38;
	[tilespmem:$0x1FA00] =	vst v63  }
0x8f: {  	_ =	swait.ge [sflag:s7], $0x800  }
0x90: {  	[sflag:s7] =	ssyncset.done $0x0  }
0x91: {  	s25 =	rddreg [dreg:$0x18];
	[sflag:s7] =	ssyncadd.s32 $0xFFFFF800  }
0x92: {  	[spmem:s25] =	stream.linear.scatter [tilespmem:s17], [sflag:$0x5], $0x800, $0x38;
	[tilespmem:$0x1FA00] =	vst v63  }
0x93: {  	_ =	swait.ge [sflag:s7], $0x800  }
0x94: {  	[sflag:s7] =	ssyncset.done $0x0  }
0x95: {  	s30 =	rddreg [dreg:$0x19];
	[sflag:s7] =	ssyncadd.s32 $0xFFFFF800  }
0x96: {  	[spmem:s30] =	stream.linear.scatter [tilespmem:s17], [sflag:$0x5], $0x800, $0x38;
	[tilespmem:$0x1FA00] =	vst v63  }
0x97: {  	_ =	swait.ge [sflag:s7], $0x800  }
0x98: {  	[sflag:s7] =	ssyncset.done $0x0  }
0x99: {  	s31 =	rddreg [dreg:$0x1a];
	[sflag:s7] =	ssyncadd.s32 $0xFFFFF800  }
0x9a: {  	[spmem:s31] =	stream.linear.scatter [tilespmem:s17], [sflag:$0x5], $0x800, $0x38;
	[tilespmem:$0x1FA00] =	vst v63  }
0x9b: {  	_ =	swait.ge [sflag:s7], $0x800  }
0x9c: {  	[sflag:s7] =	ssyncset.done $0x0  }
0x9d: {  	s24 =	rddreg [dreg:$0x1b];
	[sflag:s7] =	ssyncadd.s32 $0xFFFFF800  }
0x9e: {  	[spmem:s24] =	stream.linear.scatter [tilespmem:s17], [sflag:$0x5], $0x800, $0x38;
	[tilespmem:$0x1FA00] =	vst v63  }
0x9f: {  	_ =	swait.ge [sflag:s7], $0x800  }
0xa0: {  	[sflag:s7] =	ssyncset.done $0x0  }
0xa1: {  	s25 =	rddreg [dreg:$0x1c];
	[sflag:s7] =	ssyncadd.s32 $0xFFFFF800  }
0xa2: {  	[spmem:s25] =	stream.linear.scatter [tilespmem:s17], [sflag:$0x5], $0x800, $0x38;
	[tilespmem:$0x1FA00] =	vst v63  }
0xa3: {  	_ =	swait.ge [sflag:s7], $0x800  }
0xa4: {  	[sflag:s7] =	ssyncset.done $0x0  }
0xa5: {  	s30 =	rddreg [dreg:$0x1d];
	[sflag:s7] =	ssyncadd.s32 $0xFFFFF800  }
0xa6: {  	[spmem:s30] =	stream.linear.scatter [tilespmem:s17], [sflag:$0x5], $0x800, $0x38;
	[tilespmem:$0x1FA00] =	vst v63  }
0xa7: {  	_ =	swait.ge [sflag:s7], $0x800  }
0xa8: {  	[sflag:s7] =	ssyncset.done $0x0  }
0xa9: {  	s31 =	rddreg [dreg:$0x1e];
	[sflag:s7] =	ssyncadd.s32 $0xFFFFF800  }
0xaa: {  	[spmem:s31] =	stream.linear.scatter [tilespmem:s17], [sflag:$0x5], $0x800, $0x38;
	[tilespmem:$0x1FA00] =	vst v63  }
0xab: {  	_ =	swait.ge [sflag:s7], $0x800  }
0xac: {  	[sflag:s7] =	ssyncset.done $0x0  }
0xad: {  	s24 =	rddreg [dreg:$0x1f];
	[sflag:s7] =	ssyncadd.s32 $0xFFFFF800  }
0xae: {  	[spmem:s24] =	stream.linear.scatter [tilespmem:s17], [sflag:$0x5], $0x800, $0x38;
	[tilespmem:$0x1FA00] =	vst v63  }
0xaf: {  	_ =	swait.ge [sflag:s7], $0x800  }
0xb0: {  	s25 =	sld [smem:$0x7EB]  }
0xb1: {  	[sflag:s7] =	ssyncset.done $0x0  }
0xb2: {  	[sflag:s7] =	ssyncadd.s32 $0xFFFFF800  }
0xb3: {  	[spmem:s25] =	stream.linear.scatter [tilespmem:s17], [sflag:$0x5], $0x800, $0x38;
	[tilespmem:$0x1FA00] =	vst v63  }
0xb4: {  	_ =	swait.ge [sflag:s7], $0x800  }
0xb5: {  	s30 =	sld [smem:$0x7EC]  }
0xb6: {  	[sflag:s7] =	ssyncset.done $0x0  }
0xb7: {  	[sflag:s7] =	ssyncadd.s32 $0xFFFFF800  }
0xb8: {  	[spmem:s30] =	stream.linear.scatter [tilespmem:s17], [sflag:$0x5], $0x800, $0x38;
	[tilespmem:$0x1FA00] =	vst v63  }
0xb9: {  	_ =	swait.ge [sflag:s7], $0x800  }
0xba: {  	s31 =	sld [smem:$0x7ED]  }
0xbb: {  	[sflag:s7] =	ssyncset.done $0x0  }
0xbc: {  	[sflag:s7] =	ssyncadd.s32 $0xFFFFF800  }
0xbd: {  	[spmem:s31] =	stream.linear.scatter [tilespmem:s17], [sflag:$0x5], $0x800, $0x38;
	[tilespmem:$0x1FA00] =	vst v63  }
0xbe: {  	_ =	swait.ge [sflag:s7], $0x800  }
0xbf: {  	s24 =	sld [smem:$0x7EE]  }
0xc0: {  	[sflag:s7] =	ssyncset.done $0x0  }
0xc1: {  	[sflag:s7] =	ssyncadd.s32 $0xFFFFF800  }
0xc2: {  	[spmem:s24] =	stream.linear.scatter [tilespmem:s17], [sflag:$0x5], $0x800, $0x38;
	[tilespmem:$0x1FA00] =	vst v63  }
0xc3: {  	_ =	swait.ge [sflag:s7], $0x800  }
0xc4: {  	s25 =	sld [smem:$0x7EF]  }
0xc5: {  	[sflag:s7] =	ssyncset.done $0x0  }
0xc6: {  	[sflag:s7] =	ssyncadd.s32 $0xFFFFF800  }
0xc7: {  	[spmem:s25] =	stream.linear.scatter [tilespmem:s17], [sflag:$0x5], $0x800, $0x38;
	[tilespmem:$0x1FA00] =	vst v63  }
0xc8: {  	_ =	swait.ge [sflag:s7], $0x800  }
0xc9: {  	s30 =	sld [smem:$0x7F0]  }
0xca: {  	[sflag:s7] =	ssyncset.done $0x0  }
0xcb: {  	[sflag:s7] =	ssyncadd.s32 $0xFFFFF800  }
0xcc: {  	[spmem:s30] =	stream.linear.scatter [tilespmem:s17], [sflag:$0x5], $0x800, $0x38;
	[tilespmem:$0x1FA00] =	vst v63  }
0xcd: {  	_ =	swait.ge [sflag:s7], $0x800  }
0xce: {  	s31 =	sld [smem:$0x7F1]  }
0xcf: {  	[sflag:s7] =	ssyncset.done $0x0  }
0xd0: {  	[sflag:s7] =	ssyncadd.s32 $0xFFFFF800  }
0xd1: {  	[spmem:s31] =	stream.linear.scatter [tilespmem:s17], [sflag:$0x5], $0x800, $0x38;
	[tilespmem:$0x1FA00] =	vst v63  }
0xd2: {  	_ =	swait.ge [sflag:s7], $0x800  }
0xd3: {  	s24 =	sld [smem:$0x7F2]  }
0xd4: {  	[sflag:s7] =	ssyncset.done $0x0  }
0xd5: {  	[sflag:s7] =	ssyncadd.s32 $0xFFFFF800  }
0xd6: {  	[spmem:s24] =	stream.linear.scatter [tilespmem:s17], [sflag:$0x5], $0x800, $0x38;
	[tilespmem:$0x1FA00] =	vst v63  }
0xd7: {  	_ =	swait.ge [sflag:s7], $0x800  }
0xd8: {  	s25 =	sld [smem:$0x7F3]  }
0xd9: {  	[sflag:s7] =	ssyncset.done $0x0  }
0xda: {  	[sflag:s7] =	ssyncadd.s32 $0xFFFFF800  }
0xdb: {  	[spmem:s25] =	stream.linear.scatter [tilespmem:s17], [sflag:$0x5], $0x800, $0x38;
	[tilespmem:$0x1FA00] =	vst v63  }
0xdc: {  	_ =	swait.ge [sflag:s7], $0x800  }
0xdd: {  	s30 =	sld [smem:$0x7F4]  }
0xde: {  	[sflag:s7] =	ssyncset.done $0x0  }
0xdf: {  	[sflag:s7] =	ssyncadd.s32 $0xFFFFF800  }
0xe0: {  	[spmem:s30] =	stream.linear.scatter [tilespmem:s17], [sflag:$0x5], $0x800, $0x38;
	[tilespmem:$0x1FA00] =	vst v63  }
0xe1: {  	_ =	swait.ge [sflag:s7], $0x800  }
0xe2: {  	s31 =	sld [smem:$0x7F5]  }
0xe3: {  	[sflag:s7] =	ssyncset.done $0x0  }
0xe4: {  	[sflag:s7] =	ssyncadd.s32 $0xFFFFF800  }
0xe5: {  	[spmem:s31] =	stream.linear.scatter [tilespmem:s17], [sflag:$0x5], $0x800, $0x38;
	[tilespmem:$0x1FA00] =	vst v63  }
0xe6: {  	_ =	swait.ge [sflag:s7], $0x800  }
0xe7: {  	s24 =	sld [smem:$0x7F6]  }
0xe8: {  	[sflag:s7] =	ssyncset.done $0x0  }
0xe9: {  	[sflag:s7] =	ssyncadd.s32 $0xFFFFF800  }
0xea: {  	[spmem:s24] =	stream.linear.scatter [tilespmem:s17], [sflag:$0x5], $0x800, $0x38;
	[tilespmem:$0x1FA00] =	vst v63  }
0xeb: {  	_ =	swait.ge [sflag:s7], $0x800  }
0xec: {  	s25 =	sld [smem:$0x7F7]  }
0xed: {  	[sflag:s7] =	ssyncset.done $0x0  }
0xee: {  	[sflag:s7] =	ssyncadd.s32 $0xFFFFF800  }
0xef: {  	[spmem:s25] =	stream.linear.scatter [tilespmem:s17], [sflag:$0x5], $0x800, $0x38;
	[tilespmem:$0x1FA00] =	vst v63  }
0xf0: {  	_ =	swait.ge [sflag:s7], $0x800  }
0xf1: {  	s30 =	sld [smem:$0x7F8]  }
0xf2: {  	[sflag:s7] =	ssyncset.done $0x0  }
0xf3: {  	[sflag:s7] =	ssyncadd.s32 $0xFFFFF800  }
0xf4: {  	[spmem:s30] =	stream.linear.scatter [tilespmem:s17], [sflag:$0x5], $0x800, $0x38;
	[tilespmem:$0x1FA00] =	vst v63  }
0xf5: {  	_ =	swait.ge [sflag:s7], $0x800  }
0xf6: {  	s31 =	sld [smem:$0x7F9]  }
0xf7: {  	[sflag:s7] =	ssyncset.done $0x0  }
0xf8: {  	[sflag:s7] =	ssyncadd.s32 $0xFFFFF800  }
0xf9: {  	[spmem:s31] =	stream.linear.scatter [tilespmem:s17], [sflag:$0x5], $0x800, $0x38;
	[tilespmem:$0x1FA00] =	vst v63  }
0xfa: {  	_ =	swait.ge [sflag:s7], $0x800  }
0xfb: {  	s24 =	sld [smem:$0x7FA]  }
0xfc: {  	[sflag:s7] =	ssyncset.done $0x0  }
0xfd: {  	[sflag:s7] =	ssyncadd.s32 $0xFFFFF800  }
0xfe: {  	[spmem:s24] =	stream.linear.scatter [tilespmem:s17], [sflag:$0x5], $0x800, $0x38;
	[tilespmem:$0x1FA00] =	vst v63  }
0xff: {  	_ =	swait.ge [sflag:s7], $0x800  }
0x100: {  	s25 =	sld [smem:$0x7FB]  }
0x101: {  	[sflag:s7] =	ssyncset.done $0x0  }
0x102: {  	[sflag:s7] =	ssyncadd.s32 $0xFFFFF800  }
0x103: {  	[spmem:s25] =	stream.linear.scatter [tilespmem:s17], [sflag:$0x5], $0x800, $0x38;
	[tilespmem:$0x1FA00] =	vst v63  }
0x104: {  	_ =	swait.ge [sflag:s7], $0x800  }
0x105: {  	s30 =	sld [smem:$0x7FC]  }
0x106: {  	[sflag:s7] =	ssyncset.done $0x0  }
0x107: {  	[sflag:s7] =	ssyncadd.s32 $0xFFFFF800  }
0x108: {  	[spmem:s30] =	stream.linear.scatter [tilespmem:s17], [sflag:$0x5], $0x800, $0x38;
	[tilespmem:$0x1FA00] =	vst v63  }
0x109: {  	_ =	swait.ge [sflag:s7], $0x800  }
0x10a: {  	s31 =	sld [smem:$0x7FD]  }
0x10b: {  	[sflag:s7] =	ssyncset.done $0x0  }
0x10c: {  	[sflag:s7] =	ssyncadd.s32 $0xFFFFF800  }
0x10d: {  	[spmem:s31] =	stream.linear.scatter [tilespmem:s17], [sflag:$0x5], $0x800, $0x38;
	[tilespmem:$0x1FA00] =	vst v63  }
0x10e: {  	_ =	swait.ge [sflag:s7], $0x800  }
0x10f: {  	[sflag:s7] =	ssyncset.done $0x0  }
0x110: {  	[sflag:s7] =	ssyncadd.s32 $0xFFFFF800  }
0x111: {  	[spmem:s3] =	stream.linear.scatter [tilespmem:s17], [sflag:$0x5], $0x800, $0x38;
	[tilespmem:$0x1FA00] =	vst v63  }
0x112: {  	_ =	swait.ge [sflag:s7], $0x800  }
0x113: {  	[sflag:s7] =	ssyncset.done $0x0  }
0x114: {  	[sflag:s7] =	ssyncadd.s32 $0xFFFFF800  }
0x115: {  	[spmem:s6] =	stream.linear.scatter [tilespmem:s17], [sflag:$0x5], $0x800, $0x38;
	[tilespmem:$0x1FA00] =	vst v63  }
0x116: {  	_ =	swait.ge [sflag:s7], $0x800  }
0x117: {  	[sflag:s7] =	ssyncset.done $0x0  }
0x118: {  	[sflag:s7] =	ssyncadd.s32 $0xFFFFF800  }
0x119: {  	[bflag:$0x0] =	sbarrier.arrive $0xFFFF  }
0x11a: {  	s24 =	rddreg [dreg:$0x14]  }
0x11b: {  	s28 =	simm.s32 $0x0;
	s29 =	rddreg [dreg:$0x13]  }
.LBB2_4:
0x11c: {  	_ =	swait.ge [sflag:s18], $0x2C00  }
0x11d: {  	[sflag:s18] =	ssyncset.done $0x0  }
0x11e: {  	[sflag:s18] =	ssyncadd.s32 $0xFFFFD400  }
0x11f: {  	_ =	swait.ge [sflag:s21], $0x2C00  }
0x120: {  	[sflag:s21] =	ssyncset.done $0x0  }
0x121: {  	[sflag:s21] =	ssyncadd.s32 $0xFFFFD400  }
0x122: {  	[spmem:s2] =	stream.indirect.scatter.add.f32 [tilespmem:s10], [sflag:$0x5], $0x80, s8, s9, $0xb8;
	[tilespmem:$0x1FA00] =	vst v63  }
0x123: {  	_ =	swait.ge [sflag:s7], $0x2C00  }
0x124: {  	[sflag:s7] =	ssyncset.done $0x0  }
0x125: {  	[sflag:s7] =	ssyncadd.s32 $0xFFFFD400  }
0x126: {  	[spmem:s2] =	stream.indirect.scatter.add.f32 [tilespmem:s12], [sflag:$0x5], $0x80, s8, s9, $0xb8;
	[tilespmem:$0x1FA00] =	vst v63  }
0x127: {  	p0 =	seq.s32 s28, $0x4D0;
	_ =	swait.ge [sflag:s7], $0x2C00  }
0x128: {  	s25 =	sadd.s32 @!p0 s28, s19;
	[sflag:s7] =	ssyncset.done $0x0  }
0x129: {  	s30 =	simm.s32 @!p0 $0x0;
	s25 =	sadd.s32 @!p0 $0x16, s25;
	[sflag:s7] =	ssyncadd.s32 $0xFFFFD400  }
0x12a: {  	[tilespmem:s30], [sflag:$0x5] =	stream.linear.gather @!p0 [hbm4b:s25+s30], $0x58, $0x38;
	[tilespmem:$0x1FA00] =	vst v63  }
0x12b: {  	s25 =	simm.s32 @!p0 $0x5  }
0x12c: {  	_ =	swait.ge @!p0 [sflag:s25], $0x58  }
0x12d: {  	s31 =	sadd.s32 @!p0 s28, s20;
	[sflag:s25] =	ssyncset.done @!p0 $0x0  }
0x12e: {  	s0 =	simm.s32 @!p0 $0x80;
	s31 =	sadd.s32 @!p0 $0x16, s31;
	[sflag:s25] =	ssyncadd.s32 @!p0 $0xFFFFFFA8  }
0x12f: {  	[tilespmem:s0], [sflag:$0x5] =	stream.linear.gather @!p0 [hbm4b:s31+s30], $0x58, $0x38;
	[tilespmem:$0x1FA00] =	vst v63  }
0x130: {  	_ =	swait.ge @!p0 [sflag:s25], $0x58  }
0x131: {  	[sflag:s25] =	ssyncset.done @!p0 $0x0  }
0x132: {  	s0 =	simm.s32 @!p0 $0x58;
	[sflag:s25] =	ssyncadd.s32 @!p0 $0xFFFFFFA8;
	s25 =	simm.s32 @!p0 $0x200  }
0x133: {  	[tilespmem:s25], [sflag:$0x1] =	stream.indirect.gather @!p0 [hbm4b:s1+s0], $0x80, s30, s0, $0xb8;
	[tilespmem:$0x1FA00] =	vst v63  }
0x134: {  	s0 =	sshrl.u32 @!p0 s24, $0x3  }
0x135: {  	s25 =	simm.s32 @!p0 $0x2E00;
	s0 =	sadd.s32 @!p0 s5, s0  }
0x136: {  	[tilespmem:s25], [sflag:$0x2] =	stream.linear.gather @!p0 [hbm4b:s0+s30], $0x2C00, $0x38;
	[tilespmem:$0x1FA00] =	vst v63  }
0x137: {  	_ =	swait.ge [sflag:s22], $0x2C00  }
0x138: {  	[sflag:s22] =	ssyncset.done $0x0  }
0x139: {  	[sflag:s22] =	ssyncadd.s32 $0xFFFFD400  }
0x13a: {  	_ =	swait.ge [sflag:s23], $0x2C00  }
0x13b: {  	[sflag:s23] =	ssyncset.done $0x0  }
0x13c: {  	[sflag:s23] =	ssyncadd.s32 $0xFFFFD400  }
0x13d: {  	[spmem:s2] =	stream.indirect.scatter.add.f32 [tilespmem:s15], [sflag:$0x5], $0x80, s14, s9, $0xb8;
	[tilespmem:$0x1FA00] =	vst v63  }
0x13e: {  	_ =	swait.ge [sflag:s7], $0x2C00  }
0x13f: {  	[sflag:s7] =	ssyncset.done $0x0  }
.Ltmp3:
0x140: {  	[sflag:s7] =	ssyncadd.s32 $0xFFFFD400;
	(pc) =	sbr.rel @p0 .LBB2_6-.Ltmp3, $4  }
0x141: {  	[spmem:s2] =	stream.indirect.scatter.add.f32 [tilespmem:s16], [sflag:$0x5], $0x80, s14, s9, $0xb8;
	[tilespmem:$0x1FA00] =	vst v63  }
0x142: {  	_ =	swait.ge [sflag:s7], $0x2C00  }
0x143: {  	[sflag:s7] =	ssyncset.done $0x0  }
0x144: {  	[sflag:s7] =	ssyncadd.s32 $0xFFFFD400  }
0x145: {  	s0 =	sadd.s32 s28, s19  }
0x146: {  	s0 =	sadd.s32 $0x21, s0  }
0x147: {  	[tilespmem:s13], [sflag:$0x5] =	stream.linear.gather [hbm4b:s0+s4], $0x58, $0x38;
	[tilespmem:$0x1FA00] =	vst v63  }
0x148: {  	_ =	swait.ge [sflag:s7], $0x58  }
0x149: {  	s31 =	sadd.s32 s28, s20;
	[sflag:s7] =	ssyncset.done $0x0  }
0x14a: {  	s0 =	sadd.s32 $0x21, s31;
	[sflag:s7] =	ssyncadd.s32 $0xFFFFFFA8  }
0x14b: {  	[tilespmem:s14], [sflag:$0x5] =	stream.linear.gather [hbm4b:s0+s4], $0x58, $0x38;
	[tilespmem:$0x1FA00] =	vst v63  }
0x14c: {  	_ =	swait.ge [sflag:s7], $0x58  }
0x14d: {  	[sflag:s7] =	ssyncset.done $0x0  }
.Ltmp4:
0x14e: {  	[sflag:s7] =	ssyncadd.s32 $0xFFFFFFA8;
	(pc) =	sbr.rel .LBB2_4-.Ltmp4, $4  }
0x14f: {  	[tilespmem:s15], [sflag:$0x3] =	stream.indirect.gather [hbm4b:s1+s9], $0x80, s13, s9, $0xb8;
	[tilespmem:$0x1FA00] =	vst v63  }
0x150: {  	_ = 	snop  }
0x151: {  	[tilespmem:s16], [sflag:$0x4] =	stream.linear.gather [hbm4b:s29+s4], $0x2C00, $0x38;
	[tilespmem:$0x1FA00] =	vst v63  }
0x152: {  	s28 =	sadd.s32 $0x16, s28;
	s24 =	sadd.s32 $0x5800, s24;
	s29 =	sadd.s32 $0xB00, s29  }
.LBB2_7:
0x153: {  	_ =	sfence.sel $0x180000  }
0x154: {  	[bflag:$0x0] =	sbarrier.arrive $0xFFFF  }
0x155: {  	_ =	strace $0x90000047  }
0x156: {  	s0 =	stileid.u32;
	[bflag:$0x2] =	sbarrier.arrive $0xFFFF  }
0x157: {  	p0 =	sne.s32 s0, $0x0;
	s0 =	rddreg [dreg:$0x3]  }
0x158: {  	s0 =	sadd.s32 @!p0 $0x100000, s0  }
0x159: {  	[sflag:s0] =	ssyncadd.tile.s32 @!p0 $0x1;
	_ =	shalt  }
.Lfunc_end2:
_tile_overlayer_lowered:
.L_overlay_start_2:
0x15a: {  	(tag) =	ssettag $0x2  }
0x15b: {  	s0 =	rddreg [dreg:$0x0];
	s2 =	stileid.u32  }
0x15c: {  	s1 =	rddreg [dreg:$0x1];
	p0 =	sne.s32 s2, $0x0  }
0x15d: {  	s3 =	rddreg [dreg:$0x2];
	[bflag:$0x3] =	sbarrier.arrive $0xFFFF;
	s2 =	simm.s32 @!p0 $0x1C05  }
0x15e: {  	[timem:s3], [sflag:s2] =	dma.local @!p0 [hbm:s0], s1  }
0x15f: {  	s0 =	simm.s32 @!p0 $0x5  }
0x160: {  	_ =	swait.ge @!p0 [sflag:s0], s1  }
0x161: {  	s1 =	ssub.s32 @!p0 $0x0, s1;
	[sflag:s0] =	ssyncset.done @!p0 $0x0  }
0x162: {  	[sflag:s0] =	ssyncadd.s32 @!p0 s1  }
0x163: {  	[bflag:$0x3] =	sbarrier.arrive $0xFFFF  }
0x164: {  	_ =	shalt  }

// kernel: kernel.17.cloned.1.call-start
scs
__scs_entry_jumppad:
0x0: {  	(pc) =	sbr.rel $0x88, $3  }
0x1: {  	(tag) =	ssettag $0x0;
	lr =	simm.s32 $0x1  }
0x2: {  	[smem:$0x3F96] =	sst lr;
	_ =	strace $0xD0000000  }
0x3: {  	_ = 	snop  }
0x4: {  	_ = 	snop  }
0x5: {  	_ = 	snop  }
0x6: {  	_ = 	snop  }
0x7: {  	_ = 	snop  }
__scs_overlays_trampoline_lowered:
0x8: {  	[smem:$0x3FA5] =	sst s0  }
0x9: {  	[smem:$0x3FA6] =	sst s1  }
0xa: {  	[smem:$0x3FA7] =	sst s2  }
0xb: {  	[smem:$0x3FA8] =	sst s3  }
0xc: {  	[smem:$0x3FA9] =	sst s4  }
0xd: {  	[smem:$0x3FAA] =	sst s5  }
0xe: {  	[smem:$0x3FAB] =	sst s6  }
0xf: {  	[smem:$0x3FAC] =	sst s7  }
0x10: {  	[smem:$0x3FAD] =	sst s8  }
0x11: {  	[smem:$0x3FAE] =	sst s9;
	s0 =	simm.s32 @!p0 $0x0  }
0x12: {  	s1 =	sld [smem:$0x3F94];
	s0 =	simm.s32 @p0 $0x1  }
0x13: {  	[smem:$0x3FAF] =	sst s0;
	s0 =	simm.s32 @!p1 $0x0  }
0x14: {  	s2 =	sld [smem:$0x3F93];
	s0 =	simm.s32 @p1 $0x1  }
0x15: {  	[smem:$0x3FB0] =	sst s0;
	s0 =	simm.s32 @!p2 $0x0  }
0x16: {  	s3 =	sld [smem:$0x3FDB];
	s0 =	simm.s32 @p2 $0x1  }
0x17: {  	s4 =	simm.s32 $0x1BF5;
	[smem:$0x3FB2] =	sst s0  }
0x18: {  	s0 =	sld [smem:$0x3F95];
	_ =	swait.ge [sflag:s4], $0x0  }
0x19: {  	s7 =	sld [smem:$0x3F96]  }
0x1a: {  	s8 =	sadd.s32 $0xFFFFE003, lr  }
0x1b: {  	s9 =	sadd.s32 $0xFFFFFEF7, lr;
	s5 =	simm.s32 $0xFFFFFFFF;
	p2 =	slt.u32 s8, $0xFFFFF086  }
0x1c: {  	p1 =	slt.u32 s9, $0xF7A;
	s5 =	simm.s32 @!p2 $0x0  }
0x1d: {  	s5 =	simm.s32 @p1 $0x1;
	p0 =	seq.s32 s7, s2  }
0x1e: {  	s7 =	smul.u32 @!p0 $0xF7A, s2;
	p2 =	seq.s32 @!p0 s5, $0x0  }
0x1f: {  	s9 =	smul.u32 $0xF7A, s1;
	s8 =	simm.s32 @!p0 $0x1BF5;
	p2 =	por !p2, p0  }
0x20: {  	[sflag:s8] =	ssyncset.s32 @!p0 $0xFFFFF086;
	s6 =	sadd.s32 @!p0 s3, s7;
	s7 =	simm.s32 @!p0 $0x108  }
0x21: {  	s3 =	sadd.s32 s3, s9;
	s6 =	sadd.s32 @!p0 $0x88, s6;
	s7 =	simm.s32 @p2 $0x1082  }
0x22: {  	[simem:s7], [sflag:s8] =	dma.local @!p0 [hbm:s6], $0xF7A  }
0x23: {  	s9 =	sor.u32 $0xD0000000, s2;
	s6 =	simm.s32 $0x108;
	_ =	swait.ge @!p0 [sflag:s8], $0x0  }
0x24: {  	s3 =	sadd.s32 $0x88, s3;
	s6 =	simm.s32 @!p1 $0x1082;
	[sflag:s4] =	ssyncset.s32 $0xFFFFF086  }
0x25: {  	[simem:s6], [sflag:s4] =	dma.local [hbm:s3], $0xF7A  }
0x26: {  	[smem:$0x3F96] =	sst s1;
	(tag) =	ssettag s2;
	_ =	strace s9  }
0x27: {  	s1 =	sld [smem:$0x3FA6]  }
0x28: {  	s2 =	sld [smem:$0x3FA7]  }
0x29: {  	s4 =	sld [smem:$0x3FA9]  }
0x2a: {  	p0 =	seq.s32 s5, $0x0;
	s5 =	sld [smem:$0x3FAA]  }
0x2b: {  	s6 =	sld [smem:$0x3FAB]  }
0x2c: {  	s7 =	sld [smem:$0x3FAC]  }
0x2d: {  	s3 =	simm.s32 $0x108;
	s8 =	sld [smem:$0x3FAD]  }
0x2e: {  	s3 =	simm.s32 @!p0 $0x1082;
	s9 =	sld [smem:$0x3FAE]  }
0x2f: {  	lr =	sadd.s32 s0, s3;
	s0 =	sld [smem:$0x3FA5]  }
0x30: {  	s3 =	sld [smem:$0x3FA8]  }
0x31: {  	[smem:$0x3FB1] =	sst s10  }
0x32: {  	s10 =	sld [smem:$0x3FAF];
	_ =	sdelay $0x3  }
0x33: {  	p0 =	seq.s32 s10, $0x1;
	s10 =	sld [smem:$0x3FB1];
	_ =	sdelay $0x3  }
0x34: {  	[smem:$0x3FB1] =	sst s10  }
0x35: {  	s10 =	sld [smem:$0x3FB0];
	_ =	sdelay $0x3  }
0x36: {  	p1 =	seq.s32 s10, $0x1;
	s10 =	sld [smem:$0x3FB1];
	_ =	sdelay $0x3  }
0x37: {  	[smem:$0x3FB1] =	sst s10  }
0x38: {  	s10 =	sld [smem:$0x3FB2]  }
0x39: {  	_ = 	snop;
	(pc) =	sbr.ind lr, $3  }
0x3a: {  	_ = 	snop  }
0x3b: {  	_ = 	snop  }
0x3c: {  	p2 =	seq.s32 s10, $0x1;
	s10 =	sld [smem:$0x3FB1]  }
0x3d: {  	_ =	shalt  }
0x3e: {  	_ =	shalt  }
0x3f: {  	_ =	shalt  }
0x40: {  	_ =	shalt  }
0x41: {  	_ =	shalt  }
0x42: {  	_ =	shalt  }
0x43: {  	_ =	shalt  }
0x44: {  	_ =	shalt  }
0x45: {  	_ =	shalt  }
0x46: {  	_ =	shalt  }
0x47: {  	_ =	shalt  }
0x48: {  	_ =	shalt  }
0x49: {  	_ =	shalt  }
0x4a: {  	_ =	shalt  }
0x4b: {  	_ =	shalt  }
0x4c: {  	_ =	shalt  }
0x4d: {  	_ =	shalt  }
0x4e: {  	_ =	shalt  }
0x4f: {  	_ =	shalt  }
0x50: {  	_ =	shalt  }
0x51: {  	_ =	shalt  }
0x52: {  	_ =	shalt  }
0x53: {  	_ =	shalt  }
0x54: {  	_ =	shalt  }
0x55: {  	_ =	shalt  }
0x56: {  	_ =	shalt  }
0x57: {  	_ =	shalt  }
0x58: {  	_ =	shalt  }
0x59: {  	_ =	shalt  }
0x5a: {  	_ =	shalt  }
0x5b: {  	_ =	shalt  }
0x5c: {  	_ =	shalt  }
0x5d: {  	_ =	shalt  }
0x5e: {  	_ =	shalt  }
0x5f: {  	_ =	shalt  }
0x60: {  	_ =	shalt  }
0x61: {  	_ =	shalt  }
0x62: {  	_ =	shalt  }
0x63: {  	_ =	shalt  }
0x64: {  	_ =	shalt  }
0x65: {  	_ =	shalt  }
0x66: {  	_ =	shalt  }
0x67: {  	_ =	shalt  }
0x68: {  	_ =	shalt  }
0x69: {  	_ =	shalt  }
0x6a: {  	_ =	shalt  }
0x6b: {  	_ =	shalt  }
0x6c: {  	_ =	shalt  }
0x6d: {  	_ =	shalt  }
0x6e: {  	_ =	shalt  }
0x6f: {  	_ =	shalt  }
0x70: {  	_ =	shalt  }
0x71: {  	_ =	shalt  }
0x72: {  	_ =	shalt  }
0x73: {  	_ =	shalt  }
0x74: {  	_ =	shalt  }
0x75: {  	_ =	shalt  }
0x76: {  	_ =	shalt  }
0x77: {  	_ =	shalt  }
0x78: {  	_ =	shalt  }
0x79: {  	_ =	shalt  }
0x7a: {  	_ =	shalt  }
0x7b: {  	_ =	shalt  }
0x7c: {  	_ =	shalt  }
0x7d: {  	_ =	shalt  }
0x7e: {  	_ =	shalt  }
0x7f: {  	_ =	shalt  }
0x80: {  	_ =	shalt  }
0x81: {  	_ =	shalt  }
0x82: {  	_ =	shalt  }
0x83: {  	_ =	shalt  }
0x84: {  	_ =	shalt  }
0x85: {  	_ =	shalt  }
0x86: {  	_ =	shalt  }
0x87: {  	_ =	shalt  }
.Lfunc_end0:
.L_simem_size_0:
called_computation.1_lowered:
.L_overlay_start_0:
0x88: {  	s2 =	sld [smem:$0x3FD9]  }
0x89: {  	s3 =	sld [smem:$0x3FFE];
	_ =	sdelay $0x1  }
0x8a: {  	s1 =	srdreg.scid  }
0x8b: {  	s0 =	sand.u32 $0x1, s1  }
0x8c: {  	s17 =	sshll.u32 s0, $0xA;
	s2 =	sadd.s32 s3, s2  }
0x8d: {  	s2 =	sadd.s32 s2, s17  }
0x8e: {  	[smem:$0x3FBD] =	sst s2  }
0x8f: {  	_ = 	snop  }
0x90: {  	s2 =	sld [smem:$0x3FD0];
	(tm) =	ssettm $0x1  }
0x91: {  	s18 =	sld [smem:$0x3FFB];
	_ =	sdelay $0x3  }
0x92: {  	_ =	strace s18  }
0x93: {  	s3 =	sld [smem:$0x3FFC];
	_ =	sdelay $0x3  }
0x94: {  	_ =	strace s3  }
0x95: {  	s3 =	sld [smem:$0x3FFD];
	_ =	sdelay $0x3  }
0x96: {  	_ =	strace s3  }
0x97: {  	_ =	strace $0x8FFFFFFF  }
0x98: {  	s19 =	sld [smem:$0x3FDB];
	_ =	sdelay $0x1  }
0x99: {  	s4 =	simm.s32 $_scs_section_size  }
0x9a: {  	s5 =	simm.s32 $_size__tile_overlayer_lowered;
	s6 =	simm.s32 $_tile_overlayer_lowered  }
0x9b: {  	s22 =	simm.s32 $0x1BFF;
	s21 =	sshll.u32 s6, $0x1;
	s3 =	sadd.s32 s4, s19  }
0x9c: {  	s7 =	simm.s32 $0x0;
	s20 =	sshll.u32 s5, $0x1;
	s5 =	sadd.s32 s21, s3  }
0x9d: {  	[timem:s7], [sflag:s22] =	dma.local [hbm:s5], s20  }
0x9e: {  	_ =	swait.ge [sflag:s22], s20  }
0x9f: {  	s4 =	ssub.s32 $0x0, s20;
	[sflag:s22] =	ssyncset.done $0x0  }
0xa0: {  	[sflag:s22] =	ssyncadd.s32 s4;
	_ =	sdelay $0x1  }
0xa1: {  	s23 =	simm.s32 $0x1B8B  }
0xa2: {  	_ =	swait.ge [sflag:s23], $0x1  }
0xa3: {  	[sflag:s23] =	ssyncset.done $0x0  }
0xa4: {  	s25 =	simm.s32 $0x1B8E;
	s24 =	sld [smem:$0x3FFE];
	[sflag:s23] =	ssyncadd.s32 $0xFFFFFFFF  }
0xa5: {  	s26 =	simm.s32 $execute0_lowered;
	[smem:$0x3FD2] =	sst s25  }
0xa6: {  	s5 =	sshll.u32 s26, $0x1;
	_ =	strace $0x80000049;
	[dreg:$0x1] =	wrdreg $0xFFFFFFFF  }
0xa7: {  	s28 =	simm.s32 $_size_execute0_lowered;
	s3 =	sadd.s32 s3, s5;
	[dreg:$0x0] =	wrdreg $0x0  }
0xa8: {  	s5 =	sshll.u32 s28, $0x1;
	[dreg:$0x2] =	wrdreg s3  }
0xa9: {  	[dreg:$0x3] =	wrdreg s5  }
0xaa: {  	[dreg:$0x4] =	wrdreg $0xC0  }
0xab: {  	_ =	task [dreg:s7], $0x5FFFF  }
0xac: {  	[dreg:$0x1] =	wrdreg $0xFFFFFFFF  }
0xad: {  	[dreg:$0x0] =	wrdreg $0x60  }
0xae: {  	[dreg:$0x2] =	wrdreg s2  }
0xaf: {  	[dreg:$0x3] =	wrdreg s24  }
0xb0: {  	[dreg:$0x4] =	wrdreg $0xBA000  }
0xb1: {  	[dreg:$0x5] =	wrdreg $0x9  }
0xb2: {  	_ =	task.clear_ibuf [dreg:s7], $0x6FFFF;
	_ =	strace $0x90000049  }
0xb3: {  	s29 =	simm.s32 $0x9;
	_ =	strace $0x8000004B  }
0xb4: {  	_ =	swait.ge [sflag:s29], $0x1  }
0xb5: {  	[sflag:s29] =	ssyncadd.s32 $0xFFFFFFFF  }
0xb6: {  	_ =	strace $0x9000004B  }
0xb7: {  	_ =	sfence  }
0xb8: {  	s30 =	sld [smem:$0x0];
	_ =	sdelay $0x2  }
0xb9: {  	s31 =	sshll.u32 s1, $0xD;
	s1 =	sshrl.u32 s1, $0x2  }
0xba: {  	s3 =	sand.u32 $0x4000, s31;
	s1 =	sadd.s32 s1, s30  }
0xbb: {  	s0 =	sor.u32 s3, s0;
	s1 =	sshll.u32 s1, $0x11  }
0xbc: {  	s0 =	sor.u32 s1, s0  }
0xbd: {  	s0 =	sadd.s32 $0x8F2B, s0  }
0xbe: {  	[sflag:s0] =	ssyncadd.remote.s32 $0x1  }
0xbf: {  	_ =	sfence.sel $0xFFFF  }
0xc0: {  	[dreg:$0x0] =	wrdreg $0xFFFFFFFF;
	(pc) =	sbr.abs _section_cstart, $3  }
0xc1: {  	[dreg:$0x1] =	wrdreg $0xFFFFFFFF  }
0xc2: {  	_ =	task.clear_ibuf [dreg:s7], $0x2FFFF;
	_ =	strace $0x9FFFFFFF  }
0xc3: {  	(tm) =	ssettm $0x7FFFFFFF  }
tec
execute0_lowered:
.L_overlay_start_1:
0x0: {  	(tag) =	ssettag $0x1  }
0x1: {  	s1 =	rddreg [dreg:$0x0]  }
0x2: {  	s0 =	rddreg [dreg:$0x1]  }
0x3: {  	s2 =	rddreg [dreg:$0x2]  }
0x4: {  	s4 =	simm.s32 $0x0;
	s3 =	srdreg.scid;
	s15 =	stileid.u32  }
0x5: {  	[smem:$0x7FF] =	sst s4;
	s3 =	sand.u32 $0x1, s3;
	s7 =	smul.u32 $0x14000, s15  }
0x6: {  	s9 =	sadd.s32 $0x6400, s0;
	s12 =	sadd.s32 $0x10200, s0;
	s17 =	smul.u32 $0x50000, s15  }
0x7: {  	s6 =	smul.u32 $0x140000, s3;
	s5 =	sshll.u32 s3, $0x4;
	_ =	strace $0x8000004A  }
0x8: {  	s11 =	ssub.s32 $0x2, s3;
	s8 =	sor.u32 s15, s5;
	s5 =	sadd.s32 $0xEBFE00, s0  }
0x9: {  	s13 =	sshrl.u32 s11, $0x1;
	s6 =	sadd.s32 s7, s6;
	s16 =	smul.u32 $0x4E6, s8  }
0xa: {  	s22 =	sshrl.u32 s17, $0x2;
	s10 =	smul.u32 $0x72, s8;
	s6 =	sshrl.u32 s6, $0x3  }
0xb: {  	s8 =	smul.u32 $0x27300, s8;
	s0 =	sadd.s32 s6, s0;
	s18 =	sadd.s32 s9, s16  }
0xc: {  	s6 =	ssub.s32 s11, s13;
	s7 =	sadd.s32 s12, s16;
	[dreg:$0x4] =	wrdreg s18  }
0xd: {  	s19 =	sadd.s32 s5, s8;
	s11 =	sadd.s32 s22, s2;
	[dreg:$0x5] =	wrdreg s7  }
0xe: {  	[dreg:$0x6] =	wrdreg s19;
	s25 =	sadd.s32 $0x800, s11  }
0xf: {  	s28 =	sadd.s32 $0x1000, s11;
	[dreg:$0xa] =	wrdreg s25  }
0x10: {  	s29 =	sadd.s32 $0x1800, s11;
	[dreg:$0xb] =	wrdreg s28  }
0x11: {  	s30 =	sadd.s32 $0x2000, s11;
	[dreg:$0xc] =	wrdreg s29  }
0x12: {  	s31 =	sadd.s32 $0x2800, s11;
	[dreg:$0xd] =	wrdreg s30  }
0x13: {  	s17 =	sadd.s32 $0x3800, s11;
	[dreg:$0xe] =	wrdreg s31  }
0x14: {  	s10 =	sor.u32 $0x1, s10;
	s0 =	sadd.s32 $0x41200, s0;
	[dreg:$0x10] =	wrdreg s17  }
0x15: {  	s14 =	smul.u32 $0xB, s10;
	s8 =	sadd.s32 $0x9000, s11;
	[dreg:$0x11] =	wrdreg s0  }
0x16: {  	s21 =	smul.u32 $0x580, s10;
	s10 =	sadd.s32 $0xA000, s11;
	[dreg:$0x1f] =	wrdreg s8  }
0x17: {  	s26 =	smul.u32 $0x139800, s15;
	s25 =	sadd.s32 $0x4800, s11;
	[smem:$0x7EC] =	sst s10  }
0x18: {  	s24 =	smul.u32 $0x1398000, s3;
	s28 =	sadd.s32 $0x5800, s11;
	[dreg:$0x16] =	wrdreg s25  }
0x19: {  	s3 =	smul.u32 $0x4E60, s3;
	s29 =	sadd.s32 $0x6000, s11;
	[dreg:$0x18] =	wrdreg s28  }
0x1a: {  	s13 =	smul.u32 $0x4E6, s15;
	s30 =	sadd.s32 $0x6800, s11;
	[dreg:$0x19] =	wrdreg s29  }
0x1b: {  	s15 =	sadd.s32 s3, s9;
	s31 =	sadd.s32 $0x7000, s11;
	[dreg:$0x1a] =	wrdreg s30  }
0x1c: {  	s19 =	sadd.s32 s13, s15;
	s15 =	sadd.s32 $0xC000, s11;
	[dreg:$0x1b] =	wrdreg s31  }
0x1d: {  	s17 =	sadd.s32 $0xD000, s11;
	[smem:$0x7F0] =	sst s15  }
0x1e: {  	s20 =	sadd.s32 s9, s14;
	[smem:$0x7F2] =	sst s17  }
0x1f: {  	s23 =	sadd.s32 s12, s14;
	[dreg:$0x7] =	wrdreg s20  }
0x20: {  	s7 =	sadd.s32 s5, s21;
	[dreg:$0x8] =	wrdreg s23  }
0x21: {  	s14 =	sadd.s32 $0x3000, s11;
	[dreg:$0x9] =	wrdreg s7  }
0x22: {  	s21 =	smax.u32 s6, $0x1;
	[dreg:$0xf] =	wrdreg s14  }
0x23: {  	s6 =	sadd.s32 $0x8000, s11;
	[dreg:$0x12] =	wrdreg s21  }
0x24: {  	s9 =	sadd.s32 $0x9800, s11;
	[dreg:$0x1d] =	wrdreg s6  }
0x25: {  	s3 =	sadd.s32 s3, s12;
	s12 =	sadd.s32 $0xA800, s11;
	[smem:$0x7EB] =	sst s9  }
0x26: {  	s8 =	simm.s32 $0x80;
	s25 =	sadd.s32 $0x10000, s11;
	[smem:$0x7ED] =	sst s12  }
0x27: {  	s10 =	simm.s32 $0x200;
	s28 =	sadd.s32 $0x11000, s11;
	[smem:$0x7F8] =	sst s25  }
0x28: {  	s29 =	sadd.s32 $0x11800, s11;
	s30 =	sadd.s32 $0x12000, s11;
	[smem:$0x7FA] =	sst s28  }
0x29: {  	s31 =	sadd.s32 $0x12800, s11;
	s15 =	simm.s32 $0x5A00;
	[smem:$0x7FB] =	sst s29  }
0x2a: {  	s17 =	simm.s32 $0xB200;
	s7 =	sadd.s32 s26, s24;
	[smem:$0x7FC] =	sst s30  }
0x2b: {  	s20 =	sadd.s32 s13, s3;
	s24 =	sadd.s32 $0x4000, s11;
	[smem:$0x7FD] =	sst s31  }
0x2c: {  	s26 =	sadd.s32 $0x5000, s11;
	s3 =	sadd.s32 $0x7800, s11;
	[dreg:$0x15] =	wrdreg s24  }
0x2d: {  	s13 =	sadd.s32 $0xB000, s11;
	s14 =	sadd.s32 $0xB800, s11;
	[dreg:$0x17] =	wrdreg s26  }
0x2e: {  	s21 =	sadd.s32 $0xE000, s11;
	s6 =	sadd.s32 $0x13800, s11;
	[dreg:$0x1c] =	wrdreg s3  }
0x2f: {  	s9 =	simm.s32 $0x58;
	s12 =	simm.s32 $0x2E00;
	[smem:$0x7EE] =	sst s13  }
0x30: {  	s16 =	sadd.s32 $0x8400, s7;
	s23 =	sadd.s32 $0x5800, s7;
	[smem:$0x7EF] =	sst s14  }
0x31: {  	s7 =	sadd.s32 $0x8800, s11;
	[smem:$0x7F4] =	sst s21;
	s24 =	sadd.s32 $0xF800, s11  }
0x32: {  	s26 =	sadd.s32 $0x10800, s11;
	s3 =	sadd.s32 $0x13000, s11;
	[dreg:$0x14] =	wrdreg s23  }
0x33: {  	s13 =	simm.s32 $0x100;
	s14 =	simm.s32 $0x180;
	[dreg:$0x1e] =	wrdreg s7  }
0x34: {  	s21 =	simm.s32 $0x2;
	s18 =	sshrl.u32 s16, $0x3;
	[smem:$0x7F7] =	sst s24  }
0x35: {  	s16 =	sadd.s32 $0xC800, s11;
	s23 =	sadd.s32 $0xF000, s11;
	[smem:$0x7F9] =	sst s26  }
.Ltmp0:
0x36: {  	s7 =	simm.s32 $0x5;
	[smem:$0x7F1] =	sst s16;
	(pc) =	sbr.rel .LBB2_1-.Ltmp0, $4  }
0x37: {  	s26 =	simm.s32 $0x0;
	s22 =	sadd.s32 s18, s5;
	[smem:$0x7F6] =	sst s23  }
0x38: {  	s18 =	sadd.s32 $0xD800, s11;
	s16 =	simm.s32 $0x8600;
	[dreg:$0x13] =	wrdreg s22  }
0x39: {  	s23 =	simm.s32 $0x4;
	[smem:$0x7F3] =	sst s18;
	s22 =	sadd.s32 $0xE800, s11  }
0x3a: {  	v0 =	vimm.f32 $0.0e+00;
	s18 =	simm.s32 $0x1;
	[smem:$0x7F5] =	sst s22;
	s22 =	simm.s32 $0x3  }
.LBB2_6:
0x3b: {  	s0 =	stileid.u32  }
0x3c: {  	[bflag:$0x0] =	sbarrier.arrive $0xFFFF;
	s0 =	sshll.u32 s0, $0x6  }
0x3d: {  	s24 =	sshrl.u32 s11, $0x3;
	s25 =	rddreg [dreg:$0x11];
	s0 =	sor.u32 $0x1C05, s0  }
0x3e: {  	[hbm:s25], [sflag:s0] =	dma.local [spmem:s24], $0x2800  }
0x3f: {  	_ =	swait.ge [sflag:s7], $0x2800  }
0x40: {  	s26 =	sadd.s32 $0x1, s26;
	s31 =	rddreg [dreg:$0x12]  }
0x41: {  	p0 =	sne.s32 s26, s31  }
.Ltmp1:
0x42: {  	_ = 	snop;
	(pc) =	sbr.rel @!p0 .LBB2_7-.Ltmp1, $3  }
0x43: {  	_ =	sdelay $0x1  }
0x44: {  	[sflag:s7] =	ssyncset.done $0x0  }
0x45: {  	[sflag:s7] =	ssyncadd.s32 $0xFFFFD800  }
.LBB2_1:
0x46: {  	s0 =	rddreg [dreg:$0x4]  }
0x47: {  	[tilespmem:s4], [sflag:$0x5] =	stream.linear.gather [hbm4b:s0+s4], $0x58, $0x38;
	[tilespmem:$0x1FA00] =	vst v63  }
0x48: {  	_ =	swait.ge [sflag:s7], $0x58  }
0x49: {  	[sflag:s7] =	ssyncset.done $0x0  }
0x4a: {  	s31 =	rddreg [dreg:$0x5];
	[sflag:s7] =	ssyncadd.s32 $0xFFFFFFA8  }
0x4b: {  	[tilespmem:s8], [sflag:$0x5] =	stream.linear.gather [hbm4b:s31+s4], $0x58, $0x38;
	[tilespmem:$0x1FA00] =	vst v63  }
0x4c: {  	_ =	swait.ge [sflag:s7], $0x58  }
0x4d: {  	[sflag:s7] =	ssyncset.done $0x0  }
0x4e: {  	[sflag:s7] =	ssyncadd.s32 $0xFFFFFFA8  }
0x4f: {  	[tilespmem:s10], [sflag:$0x1] =	stream.indirect.gather [hbm4b:s1+s9], $0x80, s4, s9, $0xb8;
	[tilespmem:$0x1FA00] =	vst v63  }
0x50: {  	s24 =	rddreg [dreg:$0x6]  }
0x51: {  	[tilespmem:s12], [sflag:$0x2] =	stream.linear.gather [hbm4b:s24+s4], $0x2C00, $0x38;
	[tilespmem:$0x1FA00] =	vst v63  }
0x52: {  	s25 =	rddreg [dreg:$0x7]  }
0x53: {  	[tilespmem:s13], [sflag:$0x5] =	stream.linear.gather [hbm4b:s25+s4], $0x58, $0x38;
	[tilespmem:$0x1FA00] =	vst v63  }
0x54: {  	_ =	swait.ge [sflag:s7], $0x58  }
0x55: {  	[sflag:s7] =	ssyncset.done $0x0  }
0x56: {  	s30 =	rddreg [dreg:$0x8];
	[sflag:s7] =	ssyncadd.s32 $0xFFFFFFA8  }
0x57: {  	[tilespmem:s14], [sflag:$0x5] =	stream.linear.gather [hbm4b:s30+s4], $0x58, $0x38;
	[tilespmem:$0x1FA00] =	vst v63  }
0x58: {  	_ =	swait.ge [sflag:s7], $0x58  }
0x59: {  	s28 =	sand.u32 $0x70, s4;
	s24 =	sand.u32 $0x1E00, s4;
	[sflag:s7] =	ssyncset.done $0x0  }
0x5a: {  	s29 =	sshrl.u32 s24, $0x2;
	s24 =	simm.s32 $0x40;
	[sflag:s7] =	ssyncadd.s32 $0xFFFFFFA8  }
0x5b: {  	[tilespmem:s15], [sflag:$0x3] =	stream.indirect.gather [hbm4b:s1+s9], $0x80, s13, s9, $0xb8;
	[tilespmem:$0x1FA00] =	vst v63  }
0x5c: {  	s29 =	sor.u32 s28, s29;
	s28 =	simm.s32 $0x0;
	s31 =	rddreg [dreg:$0x9]  }
0x5d: {  	[tilespmem:s16], [sflag:$0x4] =	stream.linear.gather [hbm4b:s31+s4], $0x2C00, $0x38;
	[tilespmem:$0x1FA00] =	vst v63  }
.LBB2_2:
0x5e: {  	p0 =	sne.s32 s24, $0x1FC0  }
0x5f: {  	[tilespmem:s29+$0xB200] =	vst v0;
	s28 =	sadd.s32 $0x10, s28;
	s29 =	smov.u32 s24;
	s24 =	sadd.s32 $0x40, s24  }
.Ltmp2:
0x60: {  	(pc) =	sbr.rel @p0 .LBB2_2-.Ltmp2, $4  }
0x61: {  	_ = 	snop  }
0x62: {  	s29 =	sand.u32 $0x1E00, s29  }
0x63: {  	s25 =	sand.u32 $0x70, s28;
	s29 =	sshrl.u32 s29, $0x2  }
0x64: {  	s29 =	sor.u32 s25, s29  }
0x65: {  	[tilespmem:s29+$0xB200] =	vst v0  }
0x66: {  	[spmem:s11] =	stream.linear.scatter [tilespmem:s17], [sflag:$0x5], $0x800, $0x38;
	[tilespmem:$0x1FA00] =	vst v63  }
0x67: {  	_ =	swait.ge [sflag:s7], $0x800  }
0x68: {  	[sflag:s7] =	ssyncset.done $0x0  }
0x69: {  	s0 =	rddreg [dreg:$0xa];
	[sflag:s7] =	ssyncadd.s32 $0xFFFFF800  }
0x6a: {  	[spmem:s0] =	stream.linear.scatter [tilespmem:s17], [sflag:$0x5], $0x800, $0x38;
	[tilespmem:$0x1FA00] =	vst v63  }
0x6b: {  	_ =	swait.ge [sflag:s7], $0x800  }
0x6c: {  	[sflag:s7] =	ssyncset.done $0x0  }
0x6d: {  	s24 =	rddreg [dreg:$0xb];
	[sflag:s7] =	ssyncadd.s32 $0xFFFFF800  }
0x6e: {  	[spmem:s24] =	stream.linear.scatter [tilespmem:s17], [sflag:$0x5], $0x800, $0x38;
	[tilespmem:$0x1FA00] =	vst v63  }
0x6f: {  	_ =	swait.ge [sflag:s7], $0x800  }
0x70: {  	[sflag:s7] =	ssyncset.done $0x0  }
0x71: {  	s25 =	rddreg [dreg:$0xc];
	[sflag:s7] =	ssyncadd.s32 $0xFFFFF800  }
0x72: {  	[spmem:s25] =	stream.linear.scatter [tilespmem:s17], [sflag:$0x5], $0x800, $0x38;
	[tilespmem:$0x1FA00] =	vst v63  }
0x73: {  	_ =	swait.ge [sflag:s7], $0x800  }
0x74: {  	[sflag:s7] =	ssyncset.done $0x0  }
0x75: {  	s30 =	rddreg [dreg:$0xd];
	[sflag:s7] =	ssyncadd.s32 $0xFFFFF800  }
0x76: {  	[spmem:s30] =	stream.linear.scatter [tilespmem:s17], [sflag:$0x5], $0x800, $0x38;
	[tilespmem:$0x1FA00] =	vst v63  }
0x77: {  	_ =	swait.ge [sflag:s7], $0x800  }
0x78: {  	[sflag:s7] =	ssyncset.done $0x0  }
0x79: {  	s31 =	rddreg [dreg:$0xe];
	[sflag:s7] =	ssyncadd.s32 $0xFFFFF800  }
0x7a: {  	[spmem:s31] =	stream.linear.scatter [tilespmem:s17], [sflag:$0x5], $0x800, $0x38;
	[tilespmem:$0x1FA00] =	vst v63  }
0x7b: {  	_ =	swait.ge [sflag:s7], $0x800  }
0x7c: {  	[sflag:s7] =	ssyncset.done $0x0  }
0x7d: {  	s24 =	rddreg [dreg:$0xf];
	[sflag:s7] =	ssyncadd.s32 $0xFFFFF800  }
0x7e: {  	[spmem:s24] =	stream.linear.scatter [tilespmem:s17], [sflag:$0x5], $0x800, $0x38;
	[tilespmem:$0x1FA00] =	vst v63  }
0x7f: {  	_ =	swait.ge [sflag:s7], $0x800  }
0x80: {  	[sflag:s7] =	ssyncset.done $0x0  }
0x81: {  	s25 =	rddreg [dreg:$0x10];
	[sflag:s7] =	ssyncadd.s32 $0xFFFFF800  }
0x82: {  	[spmem:s25] =	stream.linear.scatter [tilespmem:s17], [sflag:$0x5], $0x800, $0x38;
	[tilespmem:$0x1FA00] =	vst v63  }
0x83: {  	_ =	swait.ge [sflag:s7], $0x800  }
0x84: {  	[sflag:s7] =	ssyncset.done $0x0  }
0x85: {  	s30 =	rddreg [dreg:$0x15];
	[sflag:s7] =	ssyncadd.s32 $0xFFFFF800  }
0x86: {  	[spmem:s30] =	stream.linear.scatter [tilespmem:s17], [sflag:$0x5], $0x800, $0x38;
	[tilespmem:$0x1FA00] =	vst v63  }
0x87: {  	_ =	swait.ge [sflag:s7], $0x800  }
0x88: {  	[sflag:s7] =	ssyncset.done $0x0  }
0x89: {  	s31 =	rddreg [dreg:$0x16];
	[sflag:s7] =	ssyncadd.s32 $0xFFFFF800  }
0x8a: {  	[spmem:s31] =	stream.linear.scatter [tilespmem:s17], [sflag:$0x5], $0x800, $0x38;
	[tilespmem:$0x1FA00] =	vst v63  }
0x8b: {  	_ =	swait.ge [sflag:s7], $0x800  }
0x8c: {  	[sflag:s7] =	ssyncset.done $0x0  }
0x8d: {  	s24 =	rddreg [dreg:$0x17];
	[sflag:s7] =	ssyncadd.s32 $0xFFFFF800  }
0x8e: {  	[spmem:s24] =	stream.linear.scatter [tilespmem:s17], [sflag:$0x5], $0x800, $0x38;
	[tilespmem:$0x1FA00] =	vst v63  }
0x8f: {  	_ =	swait.ge [sflag:s7], $0x800  }
0x90: {  	[sflag:s7] =	ssyncset.done $0x0  }
0x91: {  	s25 =	rddreg [dreg:$0x18];
	[sflag:s7] =	ssyncadd.s32 $0xFFFFF800  }
0x92: {  	[spmem:s25] =	stream.linear.scatter [tilespmem:s17], [sflag:$0x5], $0x800, $0x38;
	[tilespmem:$0x1FA00] =	vst v63  }
0x93: {  	_ =	swait.ge [sflag:s7], $0x800  }
0x94: {  	[sflag:s7] =	ssyncset.done $0x0  }
0x95: {  	s30 =	rddreg [dreg:$0x19];
	[sflag:s7] =	ssyncadd.s32 $0xFFFFF800  }
0x96: {  	[spmem:s30] =	stream.linear.scatter [tilespmem:s17], [sflag:$0x5], $0x800, $0x38;
	[tilespmem:$0x1FA00] =	vst v63  }
0x97: {  	_ =	swait.ge [sflag:s7], $0x800  }
0x98: {  	[sflag:s7] =	ssyncset.done $0x0  }
0x99: {  	s31 =	rddreg [dreg:$0x1a];
	[sflag:s7] =	ssyncadd.s32 $0xFFFFF800  }
0x9a: {  	[spmem:s31] =	stream.linear.scatter [tilespmem:s17], [sflag:$0x5], $0x800, $0x38;
	[tilespmem:$0x1FA00] =	vst v63  }
0x9b: {  	_ =	swait.ge [sflag:s7], $0x800  }
0x9c: {  	[sflag:s7] =	ssyncset.done $0x0  }
0x9d: {  	s24 =	rddreg [dreg:$0x1b];
	[sflag:s7] =	ssyncadd.s32 $0xFFFFF800  }
0x9e: {  	[spmem:s24] =	stream.linear.scatter [tilespmem:s17], [sflag:$0x5], $0x800, $0x38;
	[tilespmem:$0x1FA00] =	vst v63  }
0x9f: {  	_ =	swait.ge [sflag:s7], $0x800  }
0xa0: {  	[sflag:s7] =	ssyncset.done $0x0  }
0xa1: {  	s25 =	rddreg [dreg:$0x1c];
	[sflag:s7] =	ssyncadd.s32 $0xFFFFF800  }
0xa2: {  	[spmem:s25] =	stream.linear.scatter [tilespmem:s17], [sflag:$0x5], $0x800, $0x38;
	[tilespmem:$0x1FA00] =	vst v63  }
0xa3: {  	_ =	swait.ge [sflag:s7], $0x800  }
0xa4: {  	[sflag:s7] =	ssyncset.done $0x0  }
0xa5: {  	s30 =	rddreg [dreg:$0x1d];
	[sflag:s7] =	ssyncadd.s32 $0xFFFFF800  }
0xa6: {  	[spmem:s30] =	stream.linear.scatter [tilespmem:s17], [sflag:$0x5], $0x800, $0x38;
	[tilespmem:$0x1FA00] =	vst v63  }
0xa7: {  	_ =	swait.ge [sflag:s7], $0x800  }
0xa8: {  	[sflag:s7] =	ssyncset.done $0x0  }
0xa9: {  	s31 =	rddreg [dreg:$0x1e];
	[sflag:s7] =	ssyncadd.s32 $0xFFFFF800  }
0xaa: {  	[spmem:s31] =	stream.linear.scatter [tilespmem:s17], [sflag:$0x5], $0x800, $0x38;
	[tilespmem:$0x1FA00] =	vst v63  }
0xab: {  	_ =	swait.ge [sflag:s7], $0x800  }
0xac: {  	[sflag:s7] =	ssyncset.done $0x0  }
0xad: {  	s24 =	rddreg [dreg:$0x1f];
	[sflag:s7] =	ssyncadd.s32 $0xFFFFF800  }
0xae: {  	[spmem:s24] =	stream.linear.scatter [tilespmem:s17], [sflag:$0x5], $0x800, $0x38;
	[tilespmem:$0x1FA00] =	vst v63  }
0xaf: {  	_ =	swait.ge [sflag:s7], $0x800  }
0xb0: {  	s25 =	sld [smem:$0x7EB]  }
0xb1: {  	[sflag:s7] =	ssyncset.done $0x0  }
0xb2: {  	[sflag:s7] =	ssyncadd.s32 $0xFFFFF800  }
0xb3: {  	[spmem:s25] =	stream.linear.scatter [tilespmem:s17], [sflag:$0x5], $0x800, $0x38;
	[tilespmem:$0x1FA00] =	vst v63  }
0xb4: {  	_ =	swait.ge [sflag:s7], $0x800  }
0xb5: {  	s30 =	sld [smem:$0x7EC]  }
0xb6: {  	[sflag:s7] =	ssyncset.done $0x0  }
0xb7: {  	[sflag:s7] =	ssyncadd.s32 $0xFFFFF800  }
0xb8: {  	[spmem:s30] =	stream.linear.scatter [tilespmem:s17], [sflag:$0x5], $0x800, $0x38;
	[tilespmem:$0x1FA00] =	vst v63  }
0xb9: {  	_ =	swait.ge [sflag:s7], $0x800  }
0xba: {  	s31 =	sld [smem:$0x7ED]  }
0xbb: {  	[sflag:s7] =	ssyncset.done $0x0  }
0xbc: {  	[sflag:s7] =	ssyncadd.s32 $0xFFFFF800  }
0xbd: {  	[spmem:s31] =	stream.linear.scatter [tilespmem:s17], [sflag:$0x5], $0x800, $0x38;
	[tilespmem:$0x1FA00] =	vst v63  }
0xbe: {  	_ =	swait.ge [sflag:s7], $0x800  }
0xbf: {  	s24 =	sld [smem:$0x7EE]  }
0xc0: {  	[sflag:s7] =	ssyncset.done $0x0  }
0xc1: {  	[sflag:s7] =	ssyncadd.s32 $0xFFFFF800  }
0xc2: {  	[spmem:s24] =	stream.linear.scatter [tilespmem:s17], [sflag:$0x5], $0x800, $0x38;
	[tilespmem:$0x1FA00] =	vst v63  }
0xc3: {  	_ =	swait.ge [sflag:s7], $0x800  }
0xc4: {  	s25 =	sld [smem:$0x7EF]  }
0xc5: {  	[sflag:s7] =	ssyncset.done $0x0  }
0xc6: {  	[sflag:s7] =	ssyncadd.s32 $0xFFFFF800  }
0xc7: {  	[spmem:s25] =	stream.linear.scatter [tilespmem:s17], [sflag:$0x5], $0x800, $0x38;
	[tilespmem:$0x1FA00] =	vst v63  }
0xc8: {  	_ =	swait.ge [sflag:s7], $0x800  }
0xc9: {  	s30 =	sld [smem:$0x7F0]  }
0xca: {  	[sflag:s7] =	ssyncset.done $0x0  }
0xcb: {  	[sflag:s7] =	ssyncadd.s32 $0xFFFFF800  }
0xcc: {  	[spmem:s30] =	stream.linear.scatter [tilespmem:s17], [sflag:$0x5], $0x800, $0x38;
	[tilespmem:$0x1FA00] =	vst v63  }
0xcd: {  	_ =	swait.ge [sflag:s7], $0x800  }
0xce: {  	s31 =	sld [smem:$0x7F1]  }
0xcf: {  	[sflag:s7] =	ssyncset.done $0x0  }
0xd0: {  	[sflag:s7] =	ssyncadd.s32 $0xFFFFF800  }
0xd1: {  	[spmem:s31] =	stream.linear.scatter [tilespmem:s17], [sflag:$0x5], $0x800, $0x38;
	[tilespmem:$0x1FA00] =	vst v63  }
0xd2: {  	_ =	swait.ge [sflag:s7], $0x800  }
0xd3: {  	s24 =	sld [smem:$0x7F2]  }
0xd4: {  	[sflag:s7] =	ssyncset.done $0x0  }
0xd5: {  	[sflag:s7] =	ssyncadd.s32 $0xFFFFF800  }
0xd6: {  	[spmem:s24] =	stream.linear.scatter [tilespmem:s17], [sflag:$0x5], $0x800, $0x38;
	[tilespmem:$0x1FA00] =	vst v63  }
0xd7: {  	_ =	swait.ge [sflag:s7], $0x800  }
0xd8: {  	s25 =	sld [smem:$0x7F3]  }
0xd9: {  	[sflag:s7] =	ssyncset.done $0x0  }
0xda: {  	[sflag:s7] =	ssyncadd.s32 $0xFFFFF800  }
0xdb: {  	[spmem:s25] =	stream.linear.scatter [tilespmem:s17], [sflag:$0x5], $0x800, $0x38;
	[tilespmem:$0x1FA00] =	vst v63  }
0xdc: {  	_ =	swait.ge [sflag:s7], $0x800  }
0xdd: {  	s30 =	sld [smem:$0x7F4]  }
0xde: {  	[sflag:s7] =	ssyncset.done $0x0  }
0xdf: {  	[sflag:s7] =	ssyncadd.s32 $0xFFFFF800  }
0xe0: {  	[spmem:s30] =	stream.linear.scatter [tilespmem:s17], [sflag:$0x5], $0x800, $0x38;
	[tilespmem:$0x1FA00] =	vst v63  }
0xe1: {  	_ =	swait.ge [sflag:s7], $0x800  }
0xe2: {  	s31 =	sld [smem:$0x7F5]  }
0xe3: {  	[sflag:s7] =	ssyncset.done $0x0  }
0xe4: {  	[sflag:s7] =	ssyncadd.s32 $0xFFFFF800  }
0xe5: {  	[spmem:s31] =	stream.linear.scatter [tilespmem:s17], [sflag:$0x5], $0x800, $0x38;
	[tilespmem:$0x1FA00] =	vst v63  }
0xe6: {  	_ =	swait.ge [sflag:s7], $0x800  }
0xe7: {  	s24 =	sld [smem:$0x7F6]  }
0xe8: {  	[sflag:s7] =	ssyncset.done $0x0  }
0xe9: {  	[sflag:s7] =	ssyncadd.s32 $0xFFFFF800  }
0xea: {  	[spmem:s24] =	stream.linear.scatter [tilespmem:s17], [sflag:$0x5], $0x800, $0x38;
	[tilespmem:$0x1FA00] =	vst v63  }
0xeb: {  	_ =	swait.ge [sflag:s7], $0x800  }
0xec: {  	s25 =	sld [smem:$0x7F7]  }
0xed: {  	[sflag:s7] =	ssyncset.done $0x0  }
0xee: {  	[sflag:s7] =	ssyncadd.s32 $0xFFFFF800  }
0xef: {  	[spmem:s25] =	stream.linear.scatter [tilespmem:s17], [sflag:$0x5], $0x800, $0x38;
	[tilespmem:$0x1FA00] =	vst v63  }
0xf0: {  	_ =	swait.ge [sflag:s7], $0x800  }
0xf1: {  	s30 =	sld [smem:$0x7F8]  }
0xf2: {  	[sflag:s7] =	ssyncset.done $0x0  }
0xf3: {  	[sflag:s7] =	ssyncadd.s32 $0xFFFFF800  }
0xf4: {  	[spmem:s30] =	stream.linear.scatter [tilespmem:s17], [sflag:$0x5], $0x800, $0x38;
	[tilespmem:$0x1FA00] =	vst v63  }
0xf5: {  	_ =	swait.ge [sflag:s7], $0x800  }
0xf6: {  	s31 =	sld [smem:$0x7F9]  }
0xf7: {  	[sflag:s7] =	ssyncset.done $0x0  }
0xf8: {  	[sflag:s7] =	ssyncadd.s32 $0xFFFFF800  }
0xf9: {  	[spmem:s31] =	stream.linear.scatter [tilespmem:s17], [sflag:$0x5], $0x800, $0x38;
	[tilespmem:$0x1FA00] =	vst v63  }
0xfa: {  	_ =	swait.ge [sflag:s7], $0x800  }
0xfb: {  	s24 =	sld [smem:$0x7FA]  }
0xfc: {  	[sflag:s7] =	ssyncset.done $0x0  }
0xfd: {  	[sflag:s7] =	ssyncadd.s32 $0xFFFFF800  }
0xfe: {  	[spmem:s24] =	stream.linear.scatter [tilespmem:s17], [sflag:$0x5], $0x800, $0x38;
	[tilespmem:$0x1FA00] =	vst v63  }
0xff: {  	_ =	swait.ge [sflag:s7], $0x800  }
0x100: {  	s25 =	sld [smem:$0x7FB]  }
0x101: {  	[sflag:s7] =	ssyncset.done $0x0  }
0x102: {  	[sflag:s7] =	ssyncadd.s32 $0xFFFFF800  }
0x103: {  	[spmem:s25] =	stream.linear.scatter [tilespmem:s17], [sflag:$0x5], $0x800, $0x38;
	[tilespmem:$0x1FA00] =	vst v63  }
0x104: {  	_ =	swait.ge [sflag:s7], $0x800  }
0x105: {  	s30 =	sld [smem:$0x7FC]  }
0x106: {  	[sflag:s7] =	ssyncset.done $0x0  }
0x107: {  	[sflag:s7] =	ssyncadd.s32 $0xFFFFF800  }
0x108: {  	[spmem:s30] =	stream.linear.scatter [tilespmem:s17], [sflag:$0x5], $0x800, $0x38;
	[tilespmem:$0x1FA00] =	vst v63  }
0x109: {  	_ =	swait.ge [sflag:s7], $0x800  }
0x10a: {  	s31 =	sld [smem:$0x7FD]  }
0x10b: {  	[sflag:s7] =	ssyncset.done $0x0  }
0x10c: {  	[sflag:s7] =	ssyncadd.s32 $0xFFFFF800  }
0x10d: {  	[spmem:s31] =	stream.linear.scatter [tilespmem:s17], [sflag:$0x5], $0x800, $0x38;
	[tilespmem:$0x1FA00] =	vst v63  }
0x10e: {  	_ =	swait.ge [sflag:s7], $0x800  }
0x10f: {  	[sflag:s7] =	ssyncset.done $0x0  }
0x110: {  	[sflag:s7] =	ssyncadd.s32 $0xFFFFF800  }
0x111: {  	[spmem:s3] =	stream.linear.scatter [tilespmem:s17], [sflag:$0x5], $0x800, $0x38;
	[tilespmem:$0x1FA00] =	vst v63  }
0x112: {  	_ =	swait.ge [sflag:s7], $0x800  }
0x113: {  	[sflag:s7] =	ssyncset.done $0x0  }
0x114: {  	[sflag:s7] =	ssyncadd.s32 $0xFFFFF800  }
0x115: {  	[spmem:s6] =	stream.linear.scatter [tilespmem:s17], [sflag:$0x5], $0x800, $0x38;
	[tilespmem:$0x1FA00] =	vst v63  }
0x116: {  	_ =	swait.ge [sflag:s7], $0x800  }
0x117: {  	[sflag:s7] =	ssyncset.done $0x0  }
0x118: {  	[sflag:s7] =	ssyncadd.s32 $0xFFFFF800  }
0x119: {  	[bflag:$0x0] =	sbarrier.arrive $0xFFFF  }
0x11a: {  	s24 =	rddreg [dreg:$0x14]  }
0x11b: {  	s28 =	simm.s32 $0x0;
	s29 =	rddreg [dreg:$0x13]  }
.LBB2_4:
0x11c: {  	_ =	swait.ge [sflag:s18], $0x2C00  }
0x11d: {  	[sflag:s18] =	ssyncset.done $0x0  }
0x11e: {  	[sflag:s18] =	ssyncadd.s32 $0xFFFFD400  }
0x11f: {  	_ =	swait.ge [sflag:s21], $0x2C00  }
0x120: {  	[sflag:s21] =	ssyncset.done $0x0  }
0x121: {  	[sflag:s21] =	ssyncadd.s32 $0xFFFFD400  }
0x122: {  	[spmem:s2] =	stream.indirect.scatter.add.f32 [tilespmem:s10], [sflag:$0x5], $0x80, s8, s9, $0xb8;
	[tilespmem:$0x1FA00] =	vst v63  }
0x123: {  	_ =	swait.ge [sflag:s7], $0x2C00  }
0x124: {  	[sflag:s7] =	ssyncset.done $0x0  }
0x125: {  	[sflag:s7] =	ssyncadd.s32 $0xFFFFD400  }
0x126: {  	[spmem:s2] =	stream.indirect.scatter.add.f32 [tilespmem:s12], [sflag:$0x5], $0x80, s8, s9, $0xb8;
	[tilespmem:$0x1FA00] =	vst v63  }
0x127: {  	p0 =	seq.s32 s28, $0x4D0;
	_ =	swait.ge [sflag:s7], $0x2C00  }
0x128: {  	s25 =	sadd.s32 @!p0 s28, s19;
	[sflag:s7] =	ssyncset.done $0x0  }
0x129: {  	s30 =	simm.s32 @!p0 $0x0;
	s25 =	sadd.s32 @!p0 $0x16, s25;
	[sflag:s7] =	ssyncadd.s32 $0xFFFFD400  }
0x12a: {  	[tilespmem:s30], [sflag:$0x5] =	stream.linear.gather @!p0 [hbm4b:s25+s30], $0x58, $0x38;
	[tilespmem:$0x1FA00] =	vst v63  }
0x12b: {  	s25 =	simm.s32 @!p0 $0x5  }
0x12c: {  	_ =	swait.ge @!p0 [sflag:s25], $0x58  }
0x12d: {  	s31 =	sadd.s32 @!p0 s28, s20;
	[sflag:s25] =	ssyncset.done @!p0 $0x0  }
0x12e: {  	s0 =	simm.s32 @!p0 $0x80;
	s31 =	sadd.s32 @!p0 $0x16, s31;
	[sflag:s25] =	ssyncadd.s32 @!p0 $0xFFFFFFA8  }
0x12f: {  	[tilespmem:s0], [sflag:$0x5] =	stream.linear.gather @!p0 [hbm4b:s31+s30], $0x58, $0x38;
	[tilespmem:$0x1FA00] =	vst v63  }
0x130: {  	_ =	swait.ge @!p0 [sflag:s25], $0x58  }
0x131: {  	[sflag:s25] =	ssyncset.done @!p0 $0x0  }
0x132: {  	s0 =	simm.s32 @!p0 $0x58;
	[sflag:s25] =	ssyncadd.s32 @!p0 $0xFFFFFFA8;
	s25 =	simm.s32 @!p0 $0x200  }
0x133: {  	[tilespmem:s25], [sflag:$0x1] =	stream.indirect.gather @!p0 [hbm4b:s1+s0], $0x80, s30, s0, $0xb8;
	[tilespmem:$0x1FA00] =	vst v63  }
0x134: {  	s0 =	sshrl.u32 @!p0 s24, $0x3  }
0x135: {  	s25 =	simm.s32 @!p0 $0x2E00;
	s0 =	sadd.s32 @!p0 s5, s0  }
0x136: {  	[tilespmem:s25], [sflag:$0x2] =	stream.linear.gather @!p0 [hbm4b:s0+s30], $0x2C00, $0x38;
	[tilespmem:$0x1FA00] =	vst v63  }
0x137: {  	_ =	swait.ge [sflag:s22], $0x2C00  }
0x138: {  	[sflag:s22] =	ssyncset.done $0x0  }
0x139: {  	[sflag:s22] =	ssyncadd.s32 $0xFFFFD400  }
0x13a: {  	_ =	swait.ge [sflag:s23], $0x2C00  }
0x13b: {  	[sflag:s23] =	ssyncset.done $0x0  }
0x13c: {  	[sflag:s23] =	ssyncadd.s32 $0xFFFFD400  }
0x13d: {  	[spmem:s2] =	stream.indirect.scatter.add.f32 [tilespmem:s15], [sflag:$0x5], $0x80, s14, s9, $0xb8;
	[tilespmem:$0x1FA00] =	vst v63  }
0x13e: {  	_ =	swait.ge [sflag:s7], $0x2C00  }
0x13f: {  	[sflag:s7] =	ssyncset.done $0x0  }
.Ltmp3:
0x140: {  	[sflag:s7] =	ssyncadd.s32 $0xFFFFD400;
	(pc) =	sbr.rel @p0 .LBB2_6-.Ltmp3, $4  }
0x141: {  	[spmem:s2] =	stream.indirect.scatter.add.f32 [tilespmem:s16], [sflag:$0x5], $0x80, s14, s9, $0xb8;
	[tilespmem:$0x1FA00] =	vst v63  }
0x142: {  	_ =	swait.ge [sflag:s7], $0x2C00  }
0x143: {  	[sflag:s7] =	ssyncset.done $0x0  }
0x144: {  	[sflag:s7] =	ssyncadd.s32 $0xFFFFD400  }
0x145: {  	s0 =	sadd.s32 s28, s19  }
0x146: {  	s0 =	sadd.s32 $0x21, s0  }
0x147: {  	[tilespmem:s13], [sflag:$0x5] =	stream.linear.gather [hbm4b:s0+s4], $0x58, $0x38;
	[tilespmem:$0x1FA00] =	vst v63  }
0x148: {  	_ =	swait.ge [sflag:s7], $0x58  }
0x149: {  	s31 =	sadd.s32 s28, s20;
	[sflag:s7] =	ssyncset.done $0x0  }
0x14a: {  	s0 =	sadd.s32 $0x21, s31;
	[sflag:s7] =	ssyncadd.s32 $0xFFFFFFA8  }
0x14b: {  	[tilespmem:s14], [sflag:$0x5] =	stream.linear.gather [hbm4b:s0+s4], $0x58, $0x38;
	[tilespmem:$0x1FA00] =	vst v63  }
0x14c: {  	_ =	swait.ge [sflag:s7], $0x58  }
0x14d: {  	[sflag:s7] =	ssyncset.done $0x0  }
.Ltmp4:
0x14e: {  	[sflag:s7] =	ssyncadd.s32 $0xFFFFFFA8;
	(pc) =	sbr.rel .LBB2_4-.Ltmp4, $4  }
0x14f: {  	[tilespmem:s15], [sflag:$0x3] =	stream.indirect.gather [hbm4b:s1+s9], $0x80, s13, s9, $0xb8;
	[tilespmem:$0x1FA00] =	vst v63  }
0x150: {  	_ = 	snop  }
0x151: {  	[tilespmem:s16], [sflag:$0x4] =	stream.linear.gather [hbm4b:s29+s4], $0x2C00, $0x38;
	[tilespmem:$0x1FA00] =	vst v63  }
0x152: {  	s28 =	sadd.s32 $0x16, s28;
	s24 =	sadd.s32 $0x5800, s24;
	s29 =	sadd.s32 $0xB00, s29  }
.LBB2_7:
0x153: {  	_ =	sfence.sel $0x180000  }
0x154: {  	[bflag:$0x0] =	sbarrier.arrive $0xFFFF  }
0x155: {  	_ =	strace $0x9000004A  }
0x156: {  	s0 =	stileid.u32;
	[bflag:$0x2] =	sbarrier.arrive $0xFFFF  }
0x157: {  	p0 =	sne.s32 s0, $0x0;
	s0 =	rddreg [dreg:$0x3]  }
0x158: {  	s0 =	sadd.s32 @!p0 $0x100000, s0  }
0x159: {  	[sflag:s0] =	ssyncadd.tile.s32 @!p0 $0x1;
	_ =	shalt  }
.Lfunc_end2:
_tile_overlayer_lowered:
.L_overlay_start_2:
0x15a: {  	(tag) =	ssettag $0x2  }
0x15b: {  	s0 =	rddreg [dreg:$0x0];
	s2 =	stileid.u32  }
0x15c: {  	s1 =	rddreg [dreg:$0x1];
	p0 =	sne.s32 s2, $0x0  }
0x15d: {  	s3 =	rddreg [dreg:$0x2];
	[bflag:$0x3] =	sbarrier.arrive $0xFFFF;
	s2 =	simm.s32 @!p0 $0x1C05  }
0x15e: {  	[timem:s3], [sflag:s2] =	dma.local @!p0 [hbm:s0], s1  }
0x15f: {  	s0 =	simm.s32 @!p0 $0x5  }
0x160: {  	_ =	swait.ge @!p0 [sflag:s0], s1  }
0x161: {  	s1 =	ssub.s32 @!p0 $0x0, s1;
	[sflag:s0] =	ssyncset.done @!p0 $0x0  }
0x162: {  	[sflag:s0] =	ssyncadd.s32 @!p0 s1  }
0x163: {  	[bflag:$0x3] =	sbarrier.arrive $0xFFFF  }
0x164: {  	_ =	shalt  }

// kernel: kernel.20.cloned.1.call-start
scs
__scs_entry_jumppad:
0x0: {  	(pc) =	sbr.rel $0x88, $3  }
0x1: {  	(tag) =	ssettag $0x0;
	lr =	simm.s32 $0x1  }
0x2: {  	[smem:$0x3F96] =	sst lr;
	_ =	strace $0xD0000000  }
0x3: {  	_ = 	snop  }
0x4: {  	_ = 	snop  }
0x5: {  	_ = 	snop  }
0x6: {  	_ = 	snop  }
0x7: {  	_ = 	snop  }
__scs_overlays_trampoline_lowered:
0x8: {  	[smem:$0x3FA5] =	sst s0  }
0x9: {  	[smem:$0x3FA6] =	sst s1  }
0xa: {  	[smem:$0x3FA7] =	sst s2  }
0xb: {  	[smem:$0x3FA8] =	sst s3  }
0xc: {  	[smem:$0x3FA9] =	sst s4  }
0xd: {  	[smem:$0x3FAA] =	sst s5  }
0xe: {  	[smem:$0x3FAB] =	sst s6  }
0xf: {  	[smem:$0x3FAC] =	sst s7  }
0x10: {  	[smem:$0x3FAD] =	sst s8  }
0x11: {  	[smem:$0x3FAE] =	sst s9;
	s0 =	simm.s32 @!p0 $0x0  }
0x12: {  	s1 =	sld [smem:$0x3F94];
	s0 =	simm.s32 @p0 $0x1  }
0x13: {  	[smem:$0x3FAF] =	sst s0;
	s0 =	simm.s32 @!p1 $0x0  }
0x14: {  	s2 =	sld [smem:$0x3F93];
	s0 =	simm.s32 @p1 $0x1  }
0x15: {  	[smem:$0x3FB0] =	sst s0;
	s0 =	simm.s32 @!p2 $0x0  }
0x16: {  	s3 =	sld [smem:$0x3FDB];
	s0 =	simm.s32 @p2 $0x1  }
0x17: {  	s4 =	simm.s32 $0x1BF5;
	[smem:$0x3FB2] =	sst s0  }
0x18: {  	s0 =	sld [smem:$0x3F95];
	_ =	swait.ge [sflag:s4], $0x0  }
0x19: {  	s7 =	sld [smem:$0x3F96]  }
0x1a: {  	s8 =	sadd.s32 $0xFFFFE003, lr  }
0x1b: {  	s9 =	sadd.s32 $0xFFFFFEF7, lr;
	s5 =	simm.s32 $0xFFFFFFFF;
	p2 =	slt.u32 s8, $0xFFFFF086  }
0x1c: {  	p1 =	slt.u32 s9, $0xF7A;
	s5 =	simm.s32 @!p2 $0x0  }
0x1d: {  	s5 =	simm.s32 @p1 $0x1;
	p0 =	seq.s32 s7, s2  }
0x1e: {  	s7 =	smul.u32 @!p0 $0xF7A, s2;
	p2 =	seq.s32 @!p0 s5, $0x0  }
0x1f: {  	s9 =	smul.u32 $0xF7A, s1;
	s8 =	simm.s32 @!p0 $0x1BF5;
	p2 =	por !p2, p0  }
0x20: {  	[sflag:s8] =	ssyncset.s32 @!p0 $0xFFFFF086;
	s6 =	sadd.s32 @!p0 s3, s7;
	s7 =	simm.s32 @!p0 $0x108  }
0x21: {  	s3 =	sadd.s32 s3, s9;
	s6 =	sadd.s32 @!p0 $0x88, s6;
	s7 =	simm.s32 @p2 $0x1082  }
0x22: {  	[simem:s7], [sflag:s8] =	dma.local @!p0 [hbm:s6], $0xF7A  }
0x23: {  	s9 =	sor.u32 $0xD0000000, s2;
	s6 =	simm.s32 $0x108;
	_ =	swait.ge @!p0 [sflag:s8], $0x0  }
0x24: {  	s3 =	sadd.s32 $0x88, s3;
	s6 =	simm.s32 @!p1 $0x1082;
	[sflag:s4] =	ssyncset.s32 $0xFFFFF086  }
0x25: {  	[simem:s6], [sflag:s4] =	dma.local [hbm:s3], $0xF7A  }
0x26: {  	[smem:$0x3F96] =	sst s1;
	(tag) =	ssettag s2;
	_ =	strace s9  }
0x27: {  	s1 =	sld [smem:$0x3FA6]  }
0x28: {  	s2 =	sld [smem:$0x3FA7]  }
0x29: {  	s4 =	sld [smem:$0x3FA9]  }
0x2a: {  	p0 =	seq.s32 s5, $0x0;
	s5 =	sld [smem:$0x3FAA]  }
0x2b: {  	s6 =	sld [smem:$0x3FAB]  }
0x2c: {  	s7 =	sld [smem:$0x3FAC]  }
0x2d: {  	s3 =	simm.s32 $0x108;
	s8 =	sld [smem:$0x3FAD]  }
0x2e: {  	s3 =	simm.s32 @!p0 $0x1082;
	s9 =	sld [smem:$0x3FAE]  }
0x2f: {  	lr =	sadd.s32 s0, s3;
	s0 =	sld [smem:$0x3FA5]  }
0x30: {  	s3 =	sld [smem:$0x3FA8]  }
0x31: {  	[smem:$0x3FB1] =	sst s10  }
0x32: {  	s10 =	sld [smem:$0x3FAF];
	_ =	sdelay $0x3  }
0x33: {  	p0 =	seq.s32 s10, $0x1;
	s10 =	sld [smem:$0x3FB1];
	_ =	sdelay $0x3  }
0x34: {  	[smem:$0x3FB1] =	sst s10  }
0x35: {  	s10 =	sld [smem:$0x3FB0];
	_ =	sdelay $0x3  }
0x36: {  	p1 =	seq.s32 s10, $0x1;
	s10 =	sld [smem:$0x3FB1];
	_ =	sdelay $0x3  }
0x37: {  	[smem:$0x3FB1] =	sst s10  }
0x38: {  	s10 =	sld [smem:$0x3FB2]  }
0x39: {  	_ = 	snop;
	(pc) =	sbr.ind lr, $3  }
0x3a: {  	_ = 	snop  }
0x3b: {  	_ = 	snop  }
0x3c: {  	p2 =	seq.s32 s10, $0x1;
	s10 =	sld [smem:$0x3FB1]  }
0x3d: {  	_ =	shalt  }
0x3e: {  	_ =	shalt  }
0x3f: {  	_ =	shalt  }
0x40: {  	_ =	shalt  }
0x41: {  	_ =	shalt  }
0x42: {  	_ =	shalt  }
0x43: {  	_ =	shalt  }
0x44: {  	_ =	shalt  }
0x45: {  	_ =	shalt  }
0x46: {  	_ =	shalt  }
0x47: {  	_ =	shalt  }
0x48: {  	_ =	shalt  }
0x49: {  	_ =	shalt  }
0x4a: {  	_ =	shalt  }
0x4b: {  	_ =	shalt  }
0x4c: {  	_ =	shalt  }
0x4d: {  	_ =	shalt  }
0x4e: {  	_ =	shalt  }
0x4f: {  	_ =	shalt  }
0x50: {  	_ =	shalt  }
0x51: {  	_ =	shalt  }
0x52: {  	_ =	shalt  }
0x53: {  	_ =	shalt  }
0x54: {  	_ =	shalt  }
0x55: {  	_ =	shalt  }
0x56: {  	_ =	shalt  }
0x57: {  	_ =	shalt  }
0x58: {  	_ =	shalt  }
0x59: {  	_ =	shalt  }
0x5a: {  	_ =	shalt  }
0x5b: {  	_ =	shalt  }
0x5c: {  	_ =	shalt  }
0x5d: {  	_ =	shalt  }
0x5e: {  	_ =	shalt  }
0x5f: {  	_ =	shalt  }
0x60: {  	_ =	shalt  }
0x61: {  	_ =	shalt  }
0x62: {  	_ =	shalt  }
0x63: {  	_ =	shalt  }
0x64: {  	_ =	shalt  }
0x65: {  	_ =	shalt  }
0x66: {  	_ =	shalt  }
0x67: {  	_ =	shalt  }
0x68: {  	_ =	shalt  }
0x69: {  	_ =	shalt  }
0x6a: {  	_ =	shalt  }
0x6b: {  	_ =	shalt  }
0x6c: {  	_ =	shalt  }
0x6d: {  	_ =	shalt  }
0x6e: {  	_ =	shalt  }
0x6f: {  	_ =	shalt  }
0x70: {  	_ =	shalt  }
0x71: {  	_ =	shalt  }
0x72: {  	_ =	shalt  }
0x73: {  	_ =	shalt  }
0x74: {  	_ =	shalt  }
0x75: {  	_ =	shalt  }
0x76: {  	_ =	shalt  }
0x77: {  	_ =	shalt  }
0x78: {  	_ =	shalt  }
0x79: {  	_ =	shalt  }
0x7a: {  	_ =	shalt  }
0x7b: {  	_ =	shalt  }
0x7c: {  	_ =	shalt  }
0x7d: {  	_ =	shalt  }
0x7e: {  	_ =	shalt  }
0x7f: {  	_ =	shalt  }
0x80: {  	_ =	shalt  }
0x81: {  	_ =	shalt  }
0x82: {  	_ =	shalt  }
0x83: {  	_ =	shalt  }
0x84: {  	_ =	shalt  }
0x85: {  	_ =	shalt  }
0x86: {  	_ =	shalt  }
0x87: {  	_ =	shalt  }
.Lfunc_end0:
.L_simem_size_0:
called_computation.2_lowered:
.L_overlay_start_0:
0x88: {  	s2 =	sld [smem:$0x3FD9]  }
0x89: {  	s3 =	sld [smem:$0x3FFE];
	_ =	sdelay $0x1  }
0x8a: {  	s1 =	srdreg.scid  }
0x8b: {  	s0 =	sand.u32 $0x1, s1  }
0x8c: {  	s17 =	sshll.u32 s0, $0xA;
	s2 =	sadd.s32 s3, s2  }
0x8d: {  	s2 =	sadd.s32 s2, s17  }
0x8e: {  	[smem:$0x3FBD] =	sst s2  }
0x8f: {  	_ = 	snop  }
0x90: {  	s2 =	sld [smem:$0x3FD0];
	(tm) =	ssettm $0x1  }
0x91: {  	s18 =	sld [smem:$0x3FFB];
	_ =	sdelay $0x3  }
0x92: {  	_ =	strace s18  }
0x93: {  	s3 =	sld [smem:$0x3FFC];
	_ =	sdelay $0x3  }
0x94: {  	_ =	strace s3  }
0x95: {  	s3 =	sld [smem:$0x3FFD];
	_ =	sdelay $0x3  }
0x96: {  	_ =	strace s3  }
0x97: {  	_ =	strace $0x8FFFFFFF  }
0x98: {  	s19 =	sld [smem:$0x3FDB];
	_ =	sdelay $0x1  }
0x99: {  	s4 =	simm.s32 $_scs_section_size  }
0x9a: {  	s5 =	simm.s32 $_size__tile_overlayer_lowered;
	s6 =	simm.s32 $_tile_overlayer_lowered  }
0x9b: {  	s22 =	simm.s32 $0x1BFF;
	s21 =	sshll.u32 s6, $0x1;
	s3 =	sadd.s32 s4, s19  }
0x9c: {  	s7 =	simm.s32 $0x0;
	s20 =	sshll.u32 s5, $0x1;
	s5 =	sadd.s32 s21, s3  }
0x9d: {  	[timem:s7], [sflag:s22] =	dma.local [hbm:s5], s20  }
0x9e: {  	_ =	swait.ge [sflag:s22], s20  }
0x9f: {  	s4 =	ssub.s32 $0x0, s20;
	[sflag:s22] =	ssyncset.done $0x0  }
0xa0: {  	[sflag:s22] =	ssyncadd.s32 s4;
	_ =	sdelay $0x1  }
0xa1: {  	s23 =	simm.s32 $0x1B8B  }
0xa2: {  	_ =	swait.ge [sflag:s23], $0x1  }
0xa3: {  	[sflag:s23] =	ssyncset.done $0x0  }
0xa4: {  	s25 =	simm.s32 $0x1B8E;
	s24 =	sld [smem:$0x3FFE];
	[sflag:s23] =	ssyncadd.s32 $0xFFFFFFFF  }
0xa5: {  	s26 =	simm.s32 $execute0_lowered;
	[smem:$0x3FD2] =	sst s25  }
0xa6: {  	s5 =	sshll.u32 s26, $0x1;
	_ =	strace $0x8000004C;
	[dreg:$0x1] =	wrdreg $0xFFFFFFFF  }
0xa7: {  	s28 =	simm.s32 $_size_execute0_lowered;
	s3 =	sadd.s32 s3, s5;
	[dreg:$0x0] =	wrdreg $0x0  }
0xa8: {  	s5 =	sshll.u32 s28, $0x1;
	[dreg:$0x2] =	wrdreg s3  }
0xa9: {  	[dreg:$0x3] =	wrdreg s5  }
0xaa: {  	[dreg:$0x4] =	wrdreg $0xC0  }
0xab: {  	_ =	task [dreg:s7], $0x5FFFF  }
0xac: {  	[dreg:$0x1] =	wrdreg $0xFFFFFFFF  }
0xad: {  	[dreg:$0x0] =	wrdreg $0x60  }
0xae: {  	[dreg:$0x2] =	wrdreg s2  }
0xaf: {  	[dreg:$0x3] =	wrdreg s24  }
0xb0: {  	[dreg:$0x4] =	wrdreg $0xBA000  }
0xb1: {  	[dreg:$0x5] =	wrdreg $0x9  }
0xb2: {  	_ =	task.clear_ibuf [dreg:s7], $0x6FFFF;
	_ =	strace $0x9000004C  }
0xb3: {  	s29 =	simm.s32 $0x9;
	_ =	strace $0x8000004E  }
0xb4: {  	_ =	swait.ge [sflag:s29], $0x1  }
0xb5: {  	[sflag:s29] =	ssyncadd.s32 $0xFFFFFFFF  }
0xb6: {  	_ =	strace $0x9000004E  }
0xb7: {  	_ =	sfence  }
0xb8: {  	s30 =	sld [smem:$0x0];
	_ =	sdelay $0x2  }
0xb9: {  	s31 =	sshll.u32 s1, $0xD;
	s1 =	sshrl.u32 s1, $0x2  }
0xba: {  	s3 =	sand.u32 $0x4000, s31;
	s1 =	sadd.s32 s1, s30  }
0xbb: {  	s0 =	sor.u32 s3, s0;
	s1 =	sshll.u32 s1, $0x11  }
0xbc: {  	s0 =	sor.u32 s1, s0  }
0xbd: {  	s0 =	sadd.s32 $0x8F2B, s0  }
0xbe: {  	[sflag:s0] =	ssyncadd.remote.s32 $0x1  }
0xbf: {  	_ =	sfence.sel $0xFFFF  }
0xc0: {  	[dreg:$0x0] =	wrdreg $0xFFFFFFFF;
	(pc) =	sbr.abs _section_cstart, $3  }
0xc1: {  	[dreg:$0x1] =	wrdreg $0xFFFFFFFF  }
0xc2: {  	_ =	task.clear_ibuf [dreg:s7], $0x2FFFF;
	_ =	strace $0x9FFFFFFF  }
0xc3: {  	(tm) =	ssettm $0x7FFFFFFF  }
tec
execute0_lowered:
.L_overlay_start_1:
0x0: {  	(tag) =	ssettag $0x1  }
0x1: {  	s1 =	rddreg [dreg:$0x0]  }
0x2: {  	s0 =	rddreg [dreg:$0x1]  }
0x3: {  	s2 =	rddreg [dreg:$0x2]  }
0x4: {  	s4 =	simm.s32 $0x0;
	s3 =	srdreg.scid;
	s15 =	stileid.u32  }
0x5: {  	[smem:$0x7FF] =	sst s4;
	s3 =	sand.u32 $0x1, s3;
	s7 =	smul.u32 $0x14000, s15  }
0x6: {  	s9 =	sadd.s32 $0x6400, s0;
	s12 =	sadd.s32 $0x10200, s0;
	s17 =	smul.u32 $0x50000, s15  }
0x7: {  	s6 =	smul.u32 $0x140000, s3;
	s5 =	sshll.u32 s3, $0x4;
	_ =	strace $0x8000004D  }
0x8: {  	s11 =	ssub.s32 $0x2, s3;
	s8 =	sor.u32 s15, s5;
	s5 =	sadd.s32 $0x9D9E00, s0  }
0x9: {  	s13 =	sshrl.u32 s11, $0x1;
	s6 =	sadd.s32 s7, s6;
	s16 =	smul.u32 $0x4E6, s8  }
0xa: {  	s22 =	sshrl.u32 s17, $0x2;
	s10 =	smul.u32 $0x72, s8;
	s6 =	sshrl.u32 s6, $0x3  }
0xb: {  	s8 =	smul.u32 $0x27300, s8;
	s0 =	sadd.s32 s6, s0;
	s18 =	sadd.s32 s9, s16  }
0xc: {  	s6 =	ssub.s32 s11, s13;
	s7 =	sadd.s32 s12, s16;
	[dreg:$0x4] =	wrdreg s18  }
0xd: {  	s19 =	sadd.s32 s5, s8;
	s11 =	sadd.s32 s22, s2;
	[dreg:$0x5] =	wrdreg s7  }
0xe: {  	[dreg:$0x6] =	wrdreg s19;
	s25 =	sadd.s32 $0x800, s11  }
0xf: {  	s28 =	sadd.s32 $0x1000, s11;
	[dreg:$0xa] =	wrdreg s25  }
0x10: {  	s29 =	sadd.s32 $0x1800, s11;
	[dreg:$0xb] =	wrdreg s28  }
0x11: {  	s30 =	sadd.s32 $0x2000, s11;
	[dreg:$0xc] =	wrdreg s29  }
0x12: {  	s31 =	sadd.s32 $0x2800, s11;
	[dreg:$0xd] =	wrdreg s30  }
0x13: {  	s17 =	sadd.s32 $0x3800, s11;
	[dreg:$0xe] =	wrdreg s31  }
0x14: {  	s10 =	sor.u32 $0x1, s10;
	s0 =	sadd.s32 $0x41200, s0;
	[dreg:$0x10] =	wrdreg s17  }
0x15: {  	s14 =	smul.u32 $0xB, s10;
	s8 =	sadd.s32 $0x9000, s11;
	[dreg:$0x11] =	wrdreg s0  }
0x16: {  	s21 =	smul.u32 $0x580, s10;
	s10 =	sadd.s32 $0xA000, s11;
	[dreg:$0x1f] =	wrdreg s8  }
0x17: {  	s26 =	smul.u32 $0x139800, s15;
	s25 =	sadd.s32 $0x4800, s11;
	[smem:$0x7EC] =	sst s10  }
0x18: {  	s24 =	smul.u32 $0x1398000, s3;
	s28 =	sadd.s32 $0x5800, s11;
	[dreg:$0x16] =	wrdreg s25  }
0x19: {  	s3 =	smul.u32 $0x4E60, s3;
	s29 =	sadd.s32 $0x6000, s11;
	[dreg:$0x18] =	wrdreg s28  }
0x1a: {  	s13 =	smul.u32 $0x4E6, s15;
	s30 =	sadd.s32 $0x6800, s11;
	[dreg:$0x19] =	wrdreg s29  }
0x1b: {  	s15 =	sadd.s32 s3, s9;
	s31 =	sadd.s32 $0x7000, s11;
	[dreg:$0x1a] =	wrdreg s30  }
0x1c: {  	s19 =	sadd.s32 s13, s15;
	s15 =	sadd.s32 $0xC000, s11;
	[dreg:$0x1b] =	wrdreg s31  }
0x1d: {  	s17 =	sadd.s32 $0xD000, s11;
	[smem:$0x7F0] =	sst s15  }
0x1e: {  	s20 =	sadd.s32 s9, s14;
	[smem:$0x7F2] =	sst s17  }
0x1f: {  	s23 =	sadd.s32 s12, s14;
	[dreg:$0x7] =	wrdreg s20  }
0x20: {  	s7 =	sadd.s32 s5, s21;
	[dreg:$0x8] =	wrdreg s23  }
0x21: {  	s14 =	sadd.s32 $0x3000, s11;
	[dreg:$0x9] =	wrdreg s7  }
0x22: {  	s21 =	smax.u32 s6, $0x1;
	[dreg:$0xf] =	wrdreg s14  }
0x23: {  	s6 =	sadd.s32 $0x8000, s11;
	[dreg:$0x12] =	wrdreg s21  }
0x24: {  	s9 =	sadd.s32 $0x9800, s11;
	[dreg:$0x1d] =	wrdreg s6  }
0x25: {  	s3 =	sadd.s32 s3, s12;
	s12 =	sadd.s32 $0xA800, s11;
	[smem:$0x7EB] =	sst s9  }
0x26: {  	s8 =	simm.s32 $0x80;
	s25 =	sadd.s32 $0x10000, s11;
	[smem:$0x7ED] =	sst s12  }
0x27: {  	s10 =	simm.s32 $0x200;
	s28 =	sadd.s32 $0x11000, s11;
	[smem:$0x7F8] =	sst s25  }
0x28: {  	s29 =	sadd.s32 $0x11800, s11;
	s30 =	sadd.s32 $0x12000, s11;
	[smem:$0x7FA] =	sst s28  }
0x29: {  	s31 =	sadd.s32 $0x12800, s11;
	s15 =	simm.s32 $0x5A00;
	[smem:$0x7FB] =	sst s29  }
0x2a: {  	s17 =	simm.s32 $0xB200;
	s7 =	sadd.s32 s26, s24;
	[smem:$0x7FC] =	sst s30  }
0x2b: {  	s20 =	sadd.s32 s13, s3;
	s24 =	sadd.s32 $0x4000, s11;
	[smem:$0x7FD] =	sst s31  }
0x2c: {  	s26 =	sadd.s32 $0x5000, s11;
	s3 =	sadd.s32 $0x7800, s11;
	[dreg:$0x15] =	wrdreg s24  }
0x2d: {  	s13 =	sadd.s32 $0xB000, s11;
	s14 =	sadd.s32 $0xB800, s11;
	[dreg:$0x17] =	wrdreg s26  }
0x2e: {  	s21 =	sadd.s32 $0xE000, s11;
	s6 =	sadd.s32 $0x13800, s11;
	[dreg:$0x1c] =	wrdreg s3  }
0x2f: {  	s9 =	simm.s32 $0x58;
	s12 =	simm.s32 $0x2E00;
	[smem:$0x7EE] =	sst s13  }
0x30: {  	s16 =	sadd.s32 $0x8400, s7;
	s23 =	sadd.s32 $0x5800, s7;
	[smem:$0x7EF] =	sst s14  }
0x31: {  	s7 =	sadd.s32 $0x8800, s11;
	[smem:$0x7F4] =	sst s21;
	s24 =	sadd.s32 $0xF800, s11  }
0x32: {  	s26 =	sadd.s32 $0x10800, s11;
	s3 =	sadd.s32 $0x13000, s11;
	[dreg:$0x14] =	wrdreg s23  }
0x33: {  	s13 =	simm.s32 $0x100;
	s14 =	simm.s32 $0x180;
	[dreg:$0x1e] =	wrdreg s7  }
0x34: {  	s21 =	simm.s32 $0x2;
	s18 =	sshrl.u32 s16, $0x3;
	[smem:$0x7F7] =	sst s24  }
0x35: {  	s16 =	sadd.s32 $0xC800, s11;
	s23 =	sadd.s32 $0xF000, s11;
	[smem:$0x7F9] =	sst s26  }
.Ltmp0:
0x36: {  	s7 =	simm.s32 $0x5;
	[smem:$0x7F1] =	sst s16;
	(pc) =	sbr.rel .LBB2_1-.Ltmp0, $4  }
0x37: {  	s26 =	simm.s32 $0x0;
	s22 =	sadd.s32 s18, s5;
	[smem:$0x7F6] =	sst s23  }
0x38: {  	s18 =	sadd.s32 $0xD800, s11;
	s16 =	simm.s32 $0x8600;
	[dreg:$0x13] =	wrdreg s22  }
0x39: {  	s23 =	simm.s32 $0x4;
	[smem:$0x7F3] =	sst s18;
	s22 =	sadd.s32 $0xE800, s11  }
0x3a: {  	v0 =	vimm.f32 $0.0e+00;
	s18 =	simm.s32 $0x1;
	[smem:$0x7F5] =	sst s22;
	s22 =	simm.s32 $0x3  }
.LBB2_6:
0x3b: {  	s0 =	stileid.u32  }
0x3c: {  	[bflag:$0x0] =	sbarrier.arrive $0xFFFF;
	s0 =	sshll.u32 s0, $0x6  }
0x3d: {  	s24 =	sshrl.u32 s11, $0x3;
	s25 =	rddreg [dreg:$0x11];
	s0 =	sor.u32 $0x1C05, s0  }
0x3e: {  	[hbm:s25], [sflag:s0] =	dma.local [spmem:s24], $0x2800  }
0x3f: {  	_ =	swait.ge [sflag:s7], $0x2800  }
0x40: {  	s26 =	sadd.s32 $0x1, s26;
	s31 =	rddreg [dreg:$0x12]  }
0x41: {  	p0 =	sne.s32 s26, s31  }
.Ltmp1:
0x42: {  	_ = 	snop;
	(pc) =	sbr.rel @!p0 .LBB2_7-.Ltmp1, $3  }
0x43: {  	_ =	sdelay $0x1  }
0x44: {  	[sflag:s7] =	ssyncset.done $0x0  }
0x45: {  	[sflag:s7] =	ssyncadd.s32 $0xFFFFD800  }
.LBB2_1:
0x46: {  	s0 =	rddreg [dreg:$0x4]  }
0x47: {  	[tilespmem:s4], [sflag:$0x5] =	stream.linear.gather [hbm4b:s0+s4], $0x58, $0x38;
	[tilespmem:$0x1FA00] =	vst v63  }
0x48: {  	_ =	swait.ge [sflag:s7], $0x58  }
0x49: {  	[sflag:s7] =	ssyncset.done $0x0  }
0x4a: {  	s31 =	rddreg [dreg:$0x5];
	[sflag:s7] =	ssyncadd.s32 $0xFFFFFFA8  }
0x4b: {  	[tilespmem:s8], [sflag:$0x5] =	stream.linear.gather [hbm4b:s31+s4], $0x58, $0x38;
	[tilespmem:$0x1FA00] =	vst v63  }
0x4c: {  	_ =	swait.ge [sflag:s7], $0x58  }
0x4d: {  	[sflag:s7] =	ssyncset.done $0x0  }
0x4e: {  	[sflag:s7] =	ssyncadd.s32 $0xFFFFFFA8  }
0x4f: {  	[tilespmem:s10], [sflag:$0x1] =	stream.indirect.gather [hbm4b:s1+s9], $0x80, s4, s9, $0xb8;
	[tilespmem:$0x1FA00] =	vst v63  }
0x50: {  	s24 =	rddreg [dreg:$0x6]  }
0x51: {  	[tilespmem:s12], [sflag:$0x2] =	stream.linear.gather [hbm4b:s24+s4], $0x2C00, $0x38;
	[tilespmem:$0x1FA00] =	vst v63  }
0x52: {  	s25 =	rddreg [dreg:$0x7]  }
0x53: {  	[tilespmem:s13], [sflag:$0x5] =	stream.linear.gather [hbm4b:s25+s4], $0x58, $0x38;
	[tilespmem:$0x1FA00] =	vst v63  }
0x54: {  	_ =	swait.ge [sflag:s7], $0x58  }
0x55: {  	[sflag:s7] =	ssyncset.done $0x0  }
0x56: {  	s30 =	rddreg [dreg:$0x8];
	[sflag:s7] =	ssyncadd.s32 $0xFFFFFFA8  }
0x57: {  	[tilespmem:s14], [sflag:$0x5] =	stream.linear.gather [hbm4b:s30+s4], $0x58, $0x38;
	[tilespmem:$0x1FA00] =	vst v63  }
0x58: {  	_ =	swait.ge [sflag:s7], $0x58  }
0x59: {  	s28 =	sand.u32 $0x70, s4;
	s24 =	sand.u32 $0x1E00, s4;
	[sflag:s7] =	ssyncset.done $0x0  }
0x5a: {  	s29 =	sshrl.u32 s24, $0x2;
	s24 =	simm.s32 $0x40;
	[sflag:s7] =	ssyncadd.s32 $0xFFFFFFA8  }
0x5b: {  	[tilespmem:s15], [sflag:$0x3] =	stream.indirect.gather [hbm4b:s1+s9], $0x80, s13, s9, $0xb8;
	[tilespmem:$0x1FA00] =	vst v63  }
0x5c: {  	s29 =	sor.u32 s28, s29;
	s28 =	simm.s32 $0x0;
	s31 =	rddreg [dreg:$0x9]  }
0x5d: {  	[tilespmem:s16], [sflag:$0x4] =	stream.linear.gather [hbm4b:s31+s4], $0x2C00, $0x38;
	[tilespmem:$0x1FA00] =	vst v63  }
.LBB2_2:
0x5e: {  	p0 =	sne.s32 s24, $0x1FC0  }
0x5f: {  	[tilespmem:s29+$0xB200] =	vst v0;
	s28 =	sadd.s32 $0x10, s28;
	s29 =	smov.u32 s24;
	s24 =	sadd.s32 $0x40, s24  }
.Ltmp2:
0x60: {  	(pc) =	sbr.rel @p0 .LBB2_2-.Ltmp2, $4  }
0x61: {  	_ = 	snop  }
0x62: {  	s29 =	sand.u32 $0x1E00, s29  }
0x63: {  	s25 =	sand.u32 $0x70, s28;
	s29 =	sshrl.u32 s29, $0x2  }
0x64: {  	s29 =	sor.u32 s25, s29  }
0x65: {  	[tilespmem:s29+$0xB200] =	vst v0  }
0x66: {  	[spmem:s11] =	stream.linear.scatter [tilespmem:s17], [sflag:$0x5], $0x800, $0x38;
	[tilespmem:$0x1FA00] =	vst v63  }
0x67: {  	_ =	swait.ge [sflag:s7], $0x800  }
0x68: {  	[sflag:s7] =	ssyncset.done $0x0  }
0x69: {  	s0 =	rddreg [dreg:$0xa];
	[sflag:s7] =	ssyncadd.s32 $0xFFFFF800  }
0x6a: {  	[spmem:s0] =	stream.linear.scatter [tilespmem:s17], [sflag:$0x5], $0x800, $0x38;
	[tilespmem:$0x1FA00] =	vst v63  }
0x6b: {  	_ =	swait.ge [sflag:s7], $0x800  }
0x6c: {  	[sflag:s7] =	ssyncset.done $0x0  }
0x6d: {  	s24 =	rddreg [dreg:$0xb];
	[sflag:s7] =	ssyncadd.s32 $0xFFFFF800  }
0x6e: {  	[spmem:s24] =	stream.linear.scatter [tilespmem:s17], [sflag:$0x5], $0x800, $0x38;
	[tilespmem:$0x1FA00] =	vst v63  }
0x6f: {  	_ =	swait.ge [sflag:s7], $0x800  }
0x70: {  	[sflag:s7] =	ssyncset.done $0x0  }
0x71: {  	s25 =	rddreg [dreg:$0xc];
	[sflag:s7] =	ssyncadd.s32 $0xFFFFF800  }
0x72: {  	[spmem:s25] =	stream.linear.scatter [tilespmem:s17], [sflag:$0x5], $0x800, $0x38;
	[tilespmem:$0x1FA00] =	vst v63  }
0x73: {  	_ =	swait.ge [sflag:s7], $0x800  }
0x74: {  	[sflag:s7] =	ssyncset.done $0x0  }
0x75: {  	s30 =	rddreg [dreg:$0xd];
	[sflag:s7] =	ssyncadd.s32 $0xFFFFF800  }
0x76: {  	[spmem:s30] =	stream.linear.scatter [tilespmem:s17], [sflag:$0x5], $0x800, $0x38;
	[tilespmem:$0x1FA00] =	vst v63  }
0x77: {  	_ =	swait.ge [sflag:s7], $0x800  }
0x78: {  	[sflag:s7] =	ssyncset.done $0x0  }
0x79: {  	s31 =	rddreg [dreg:$0xe];
	[sflag:s7] =	ssyncadd.s32 $0xFFFFF800  }
0x7a: {  	[spmem:s31] =	stream.linear.scatter [tilespmem:s17], [sflag:$0x5], $0x800, $0x38;
	[tilespmem:$0x1FA00] =	vst v63  }
0x7b: {  	_ =	swait.ge [sflag:s7], $0x800  }
0x7c: {  	[sflag:s7] =	ssyncset.done $0x0  }
0x7d: {  	s24 =	rddreg [dreg:$0xf];
	[sflag:s7] =	ssyncadd.s32 $0xFFFFF800  }
0x7e: {  	[spmem:s24] =	stream.linear.scatter [tilespmem:s17], [sflag:$0x5], $0x800, $0x38;
	[tilespmem:$0x1FA00] =	vst v63  }
0x7f: {  	_ =	swait.ge [sflag:s7], $0x800  }
0x80: {  	[sflag:s7] =	ssyncset.done $0x0  }
0x81: {  	s25 =	rddreg [dreg:$0x10];
	[sflag:s7] =	ssyncadd.s32 $0xFFFFF800  }
0x82: {  	[spmem:s25] =	stream.linear.scatter [tilespmem:s17], [sflag:$0x5], $0x800, $0x38;
	[tilespmem:$0x1FA00] =	vst v63  }
0x83: {  	_ =	swait.ge [sflag:s7], $0x800  }
0x84: {  	[sflag:s7] =	ssyncset.done $0x0  }
0x85: {  	s30 =	rddreg [dreg:$0x15];
	[sflag:s7] =	ssyncadd.s32 $0xFFFFF800  }
0x86: {  	[spmem:s30] =	stream.linear.scatter [tilespmem:s17], [sflag:$0x5], $0x800, $0x38;
	[tilespmem:$0x1FA00] =	vst v63  }
0x87: {  	_ =	swait.ge [sflag:s7], $0x800  }
0x88: {  	[sflag:s7] =	ssyncset.done $0x0  }
0x89: {  	s31 =	rddreg [dreg:$0x16];
	[sflag:s7] =	ssyncadd.s32 $0xFFFFF800  }
0x8a: {  	[spmem:s31] =	stream.linear.scatter [tilespmem:s17], [sflag:$0x5], $0x800, $0x38;
	[tilespmem:$0x1FA00] =	vst v63  }
0x8b: {  	_ =	swait.ge [sflag:s7], $0x800  }
0x8c: {  	[sflag:s7] =	ssyncset.done $0x0  }
0x8d: {  	s24 =	rddreg [dreg:$0x17];
	[sflag:s7] =	ssyncadd.s32 $0xFFFFF800  }
0x8e: {  	[spmem:s24] =	stream.linear.scatter [tilespmem:s17], [sflag:$0x5], $0x800, $0x38;
	[tilespmem:$0x1FA00] =	vst v63  }
0x8f: {  	_ =	swait.ge [sflag:s7], $0x800  }
0x90: {  	[sflag:s7] =	ssyncset.done $0x0  }
0x91: {  	s25 =	rddreg [dreg:$0x18];
	[sflag:s7] =	ssyncadd.s32 $0xFFFFF800  }
0x92: {  	[spmem:s25] =	stream.linear.scatter [tilespmem:s17], [sflag:$0x5], $0x800, $0x38;
	[tilespmem:$0x1FA00] =	vst v63  }
0x93: {  	_ =	swait.ge [sflag:s7], $0x800  }
0x94: {  	[sflag:s7] =	ssyncset.done $0x0  }
0x95: {  	s30 =	rddreg [dreg:$0x19];
	[sflag:s7] =	ssyncadd.s32 $0xFFFFF800  }
0x96: {  	[spmem:s30] =	stream.linear.scatter [tilespmem:s17], [sflag:$0x5], $0x800, $0x38;
	[tilespmem:$0x1FA00] =	vst v63  }
0x97: {  	_ =	swait.ge [sflag:s7], $0x800  }
0x98: {  	[sflag:s7] =	ssyncset.done $0x0  }
0x99: {  	s31 =	rddreg [dreg:$0x1a];
	[sflag:s7] =	ssyncadd.s32 $0xFFFFF800  }
0x9a: {  	[spmem:s31] =	stream.linear.scatter [tilespmem:s17], [sflag:$0x5], $0x800, $0x38;
	[tilespmem:$0x1FA00] =	vst v63  }
0x9b: {  	_ =	swait.ge [sflag:s7], $0x800  }
0x9c: {  	[sflag:s7] =	ssyncset.done $0x0  }
0x9d: {  	s24 =	rddreg [dreg:$0x1b];
	[sflag:s7] =	ssyncadd.s32 $0xFFFFF800  }
0x9e: {  	[spmem:s24] =	stream.linear.scatter [tilespmem:s17], [sflag:$0x5], $0x800, $0x38;
	[tilespmem:$0x1FA00] =	vst v63  }
0x9f: {  	_ =	swait.ge [sflag:s7], $0x800  }
0xa0: {  	[sflag:s7] =	ssyncset.done $0x0  }
0xa1: {  	s25 =	rddreg [dreg:$0x1c];
	[sflag:s7] =	ssyncadd.s32 $0xFFFFF800  }
0xa2: {  	[spmem:s25] =	stream.linear.scatter [tilespmem:s17], [sflag:$0x5], $0x800, $0x38;
	[tilespmem:$0x1FA00] =	vst v63  }
0xa3: {  	_ =	swait.ge [sflag:s7], $0x800  }
0xa4: {  	[sflag:s7] =	ssyncset.done $0x0  }
0xa5: {  	s30 =	rddreg [dreg:$0x1d];
	[sflag:s7] =	ssyncadd.s32 $0xFFFFF800  }
0xa6: {  	[spmem:s30] =	stream.linear.scatter [tilespmem:s17], [sflag:$0x5], $0x800, $0x38;
	[tilespmem:$0x1FA00] =	vst v63  }
0xa7: {  	_ =	swait.ge [sflag:s7], $0x800  }
0xa8: {  	[sflag:s7] =	ssyncset.done $0x0  }
0xa9: {  	s31 =	rddreg [dreg:$0x1e];
	[sflag:s7] =	ssyncadd.s32 $0xFFFFF800  }
0xaa: {  	[spmem:s31] =	stream.linear.scatter [tilespmem:s17], [sflag:$0x5], $0x800, $0x38;
	[tilespmem:$0x1FA00] =	vst v63  }
0xab: {  	_ =	swait.ge [sflag:s7], $0x800  }
0xac: {  	[sflag:s7] =	ssyncset.done $0x0  }
0xad: {  	s24 =	rddreg [dreg:$0x1f];
	[sflag:s7] =	ssyncadd.s32 $0xFFFFF800  }
0xae: {  	[spmem:s24] =	stream.linear.scatter [tilespmem:s17], [sflag:$0x5], $0x800, $0x38;
	[tilespmem:$0x1FA00] =	vst v63  }
0xaf: {  	_ =	swait.ge [sflag:s7], $0x800  }
0xb0: {  	s25 =	sld [smem:$0x7EB]  }
0xb1: {  	[sflag:s7] =	ssyncset.done $0x0  }
0xb2: {  	[sflag:s7] =	ssyncadd.s32 $0xFFFFF800  }
0xb3: {  	[spmem:s25] =	stream.linear.scatter [tilespmem:s17], [sflag:$0x5], $0x800, $0x38;
	[tilespmem:$0x1FA00] =	vst v63  }
0xb4: {  	_ =	swait.ge [sflag:s7], $0x800  }
0xb5: {  	s30 =	sld [smem:$0x7EC]  }
0xb6: {  	[sflag:s7] =	ssyncset.done $0x0  }
0xb7: {  	[sflag:s7] =	ssyncadd.s32 $0xFFFFF800  }
0xb8: {  	[spmem:s30] =	stream.linear.scatter [tilespmem:s17], [sflag:$0x5], $0x800, $0x38;
	[tilespmem:$0x1FA00] =	vst v63  }
0xb9: {  	_ =	swait.ge [sflag:s7], $0x800  }
0xba: {  	s31 =	sld [smem:$0x7ED]  }
0xbb: {  	[sflag:s7] =	ssyncset.done $0x0  }
0xbc: {  	[sflag:s7] =	ssyncadd.s32 $0xFFFFF800  }
0xbd: {  	[spmem:s31] =	stream.linear.scatter [tilespmem:s17], [sflag:$0x5], $0x800, $0x38;
	[tilespmem:$0x1FA00] =	vst v63  }
0xbe: {  	_ =	swait.ge [sflag:s7], $0x800  }
0xbf: {  	s24 =	sld [smem:$0x7EE]  }
0xc0: {  	[sflag:s7] =	ssyncset.done $0x0  }
0xc1: {  	[sflag:s7] =	ssyncadd.s32 $0xFFFFF800  }
0xc2: {  	[spmem:s24] =	stream.linear.scatter [tilespmem:s17], [sflag:$0x5], $0x800, $0x38;
	[tilespmem:$0x1FA00] =	vst v63  }
0xc3: {  	_ =	swait.ge [sflag:s7], $0x800  }
0xc4: {  	s25 =	sld [smem:$0x7EF]  }
0xc5: {  	[sflag:s7] =	ssyncset.done $0x0  }
0xc6: {  	[sflag:s7] =	ssyncadd.s32 $0xFFFFF800  }
0xc7: {  	[spmem:s25] =	stream.linear.scatter [tilespmem:s17], [sflag:$0x5], $0x800, $0x38;
	[tilespmem:$0x1FA00] =	vst v63  }
0xc8: {  	_ =	swait.ge [sflag:s7], $0x800  }
0xc9: {  	s30 =	sld [smem:$0x7F0]  }
0xca: {  	[sflag:s7] =	ssyncset.done $0x0  }
0xcb: {  	[sflag:s7] =	ssyncadd.s32 $0xFFFFF800  }
0xcc: {  	[spmem:s30] =	stream.linear.scatter [tilespmem:s17], [sflag:$0x5], $0x800, $0x38;
	[tilespmem:$0x1FA00] =	vst v63  }
0xcd: {  	_ =	swait.ge [sflag:s7], $0x800  }
0xce: {  	s31 =	sld [smem:$0x7F1]  }
0xcf: {  	[sflag:s7] =	ssyncset.done $0x0  }
0xd0: {  	[sflag:s7] =	ssyncadd.s32 $0xFFFFF800  }
0xd1: {  	[spmem:s31] =	stream.linear.scatter [tilespmem:s17], [sflag:$0x5], $0x800, $0x38;
	[tilespmem:$0x1FA00] =	vst v63  }
0xd2: {  	_ =	swait.ge [sflag:s7], $0x800  }
0xd3: {  	s24 =	sld [smem:$0x7F2]  }
0xd4: {  	[sflag:s7] =	ssyncset.done $0x0  }
0xd5: {  	[sflag:s7] =	ssyncadd.s32 $0xFFFFF800  }
0xd6: {  	[spmem:s24] =	stream.linear.scatter [tilespmem:s17], [sflag:$0x5], $0x800, $0x38;
	[tilespmem:$0x1FA00] =	vst v63  }
0xd7: {  	_ =	swait.ge [sflag:s7], $0x800  }
0xd8: {  	s25 =	sld [smem:$0x7F3]  }
0xd9: {  	[sflag:s7] =	ssyncset.done $0x0  }
0xda: {  	[sflag:s7] =	ssyncadd.s32 $0xFFFFF800  }
0xdb: {  	[spmem:s25] =	stream.linear.scatter [tilespmem:s17], [sflag:$0x5], $0x800, $0x38;
	[tilespmem:$0x1FA00] =	vst v63  }
0xdc: {  	_ =	swait.ge [sflag:s7], $0x800  }
0xdd: {  	s30 =	sld [smem:$0x7F4]  }
0xde: {  	[sflag:s7] =	ssyncset.done $0x0  }
0xdf: {  	[sflag:s7] =	ssyncadd.s32 $0xFFFFF800  }
0xe0: {  	[spmem:s30] =	stream.linear.scatter [tilespmem:s17], [sflag:$0x5], $0x800, $0x38;
	[tilespmem:$0x1FA00] =	vst v63  }
0xe1: {  	_ =	swait.ge [sflag:s7], $0x800  }
0xe2: {  	s31 =	sld [smem:$0x7F5]  }
0xe3: {  	[sflag:s7] =	ssyncset.done $0x0  }
0xe4: {  	[sflag:s7] =	ssyncadd.s32 $0xFFFFF800  }
0xe5: {  	[spmem:s31] =	stream.linear.scatter [tilespmem:s17], [sflag:$0x5], $0x800, $0x38;
	[tilespmem:$0x1FA00] =	vst v63  }
0xe6: {  	_ =	swait.ge [sflag:s7], $0x800  }
0xe7: {  	s24 =	sld [smem:$0x7F6]  }
0xe8: {  	[sflag:s7] =	ssyncset.done $0x0  }
0xe9: {  	[sflag:s7] =	ssyncadd.s32 $0xFFFFF800  }
0xea: {  	[spmem:s24] =	stream.linear.scatter [tilespmem:s17], [sflag:$0x5], $0x800, $0x38;
	[tilespmem:$0x1FA00] =	vst v63  }
0xeb: {  	_ =	swait.ge [sflag:s7], $0x800  }
0xec: {  	s25 =	sld [smem:$0x7F7]  }
0xed: {  	[sflag:s7] =	ssyncset.done $0x0  }
0xee: {  	[sflag:s7] =	ssyncadd.s32 $0xFFFFF800  }
0xef: {  	[spmem:s25] =	stream.linear.scatter [tilespmem:s17], [sflag:$0x5], $0x800, $0x38;
	[tilespmem:$0x1FA00] =	vst v63  }
0xf0: {  	_ =	swait.ge [sflag:s7], $0x800  }
0xf1: {  	s30 =	sld [smem:$0x7F8]  }
0xf2: {  	[sflag:s7] =	ssyncset.done $0x0  }
0xf3: {  	[sflag:s7] =	ssyncadd.s32 $0xFFFFF800  }
0xf4: {  	[spmem:s30] =	stream.linear.scatter [tilespmem:s17], [sflag:$0x5], $0x800, $0x38;
	[tilespmem:$0x1FA00] =	vst v63  }
0xf5: {  	_ =	swait.ge [sflag:s7], $0x800  }
0xf6: {  	s31 =	sld [smem:$0x7F9]  }
0xf7: {  	[sflag:s7] =	ssyncset.done $0x0  }
0xf8: {  	[sflag:s7] =	ssyncadd.s32 $0xFFFFF800  }
0xf9: {  	[spmem:s31] =	stream.linear.scatter [tilespmem:s17], [sflag:$0x5], $0x800, $0x38;
	[tilespmem:$0x1FA00] =	vst v63  }
0xfa: {  	_ =	swait.ge [sflag:s7], $0x800  }
0xfb: {  	s24 =	sld [smem:$0x7FA]  }
0xfc: {  	[sflag:s7] =	ssyncset.done $0x0  }
0xfd: {  	[sflag:s7] =	ssyncadd.s32 $0xFFFFF800  }
0xfe: {  	[spmem:s24] =	stream.linear.scatter [tilespmem:s17], [sflag:$0x5], $0x800, $0x38;
	[tilespmem:$0x1FA00] =	vst v63  }
0xff: {  	_ =	swait.ge [sflag:s7], $0x800  }
0x100: {  	s25 =	sld [smem:$0x7FB]  }
0x101: {  	[sflag:s7] =	ssyncset.done $0x0  }
0x102: {  	[sflag:s7] =	ssyncadd.s32 $0xFFFFF800  }
0x103: {  	[spmem:s25] =	stream.linear.scatter [tilespmem:s17], [sflag:$0x5], $0x800, $0x38;
	[tilespmem:$0x1FA00] =	vst v63  }
0x104: {  	_ =	swait.ge [sflag:s7], $0x800  }
0x105: {  	s30 =	sld [smem:$0x7FC]  }
0x106: {  	[sflag:s7] =	ssyncset.done $0x0  }
0x107: {  	[sflag:s7] =	ssyncadd.s32 $0xFFFFF800  }
0x108: {  	[spmem:s30] =	stream.linear.scatter [tilespmem:s17], [sflag:$0x5], $0x800, $0x38;
	[tilespmem:$0x1FA00] =	vst v63  }
0x109: {  	_ =	swait.ge [sflag:s7], $0x800  }
0x10a: {  	s31 =	sld [smem:$0x7FD]  }
0x10b: {  	[sflag:s7] =	ssyncset.done $0x0  }
0x10c: {  	[sflag:s7] =	ssyncadd.s32 $0xFFFFF800  }
0x10d: {  	[spmem:s31] =	stream.linear.scatter [tilespmem:s17], [sflag:$0x5], $0x800, $0x38;
	[tilespmem:$0x1FA00] =	vst v63  }
0x10e: {  	_ =	swait.ge [sflag:s7], $0x800  }
0x10f: {  	[sflag:s7] =	ssyncset.done $0x0  }
0x110: {  	[sflag:s7] =	ssyncadd.s32 $0xFFFFF800  }
0x111: {  	[spmem:s3] =	stream.linear.scatter [tilespmem:s17], [sflag:$0x5], $0x800, $0x38;
	[tilespmem:$0x1FA00] =	vst v63  }
0x112: {  	_ =	swait.ge [sflag:s7], $0x800  }
0x113: {  	[sflag:s7] =	ssyncset.done $0x0  }
0x114: {  	[sflag:s7] =	ssyncadd.s32 $0xFFFFF800  }
0x115: {  	[spmem:s6] =	stream.linear.scatter [tilespmem:s17], [sflag:$0x5], $0x800, $0x38;
	[tilespmem:$0x1FA00] =	vst v63  }
0x116: {  	_ =	swait.ge [sflag:s7], $0x800  }
0x117: {  	[sflag:s7] =	ssyncset.done $0x0  }
0x118: {  	[sflag:s7] =	ssyncadd.s32 $0xFFFFF800  }
0x119: {  	[bflag:$0x0] =	sbarrier.arrive $0xFFFF  }
0x11a: {  	s24 =	rddreg [dreg:$0x14]  }
0x11b: {  	s28 =	simm.s32 $0x0;
	s29 =	rddreg [dreg:$0x13]  }
.LBB2_4:
0x11c: {  	_ =	swait.ge [sflag:s18], $0x2C00  }
0x11d: {  	[sflag:s18] =	ssyncset.done $0x0  }
0x11e: {  	[sflag:s18] =	ssyncadd.s32 $0xFFFFD400  }
0x11f: {  	_ =	swait.ge [sflag:s21], $0x2C00  }
0x120: {  	[sflag:s21] =	ssyncset.done $0x0  }
0x121: {  	[sflag:s21] =	ssyncadd.s32 $0xFFFFD400  }
0x122: {  	[spmem:s2] =	stream.indirect.scatter.add.f32 [tilespmem:s10], [sflag:$0x5], $0x80, s8, s9, $0xb8;
	[tilespmem:$0x1FA00] =	vst v63  }
0x123: {  	_ =	swait.ge [sflag:s7], $0x2C00  }
0x124: {  	[sflag:s7] =	ssyncset.done $0x0  }
0x125: {  	[sflag:s7] =	ssyncadd.s32 $0xFFFFD400  }
0x126: {  	[spmem:s2] =	stream.indirect.scatter.add.f32 [tilespmem:s12], [sflag:$0x5], $0x80, s8, s9, $0xb8;
	[tilespmem:$0x1FA00] =	vst v63  }
0x127: {  	p0 =	seq.s32 s28, $0x4D0;
	_ =	swait.ge [sflag:s7], $0x2C00  }
0x128: {  	s25 =	sadd.s32 @!p0 s28, s19;
	[sflag:s7] =	ssyncset.done $0x0  }
0x129: {  	s30 =	simm.s32 @!p0 $0x0;
	s25 =	sadd.s32 @!p0 $0x16, s25;
	[sflag:s7] =	ssyncadd.s32 $0xFFFFD400  }
0x12a: {  	[tilespmem:s30], [sflag:$0x5] =	stream.linear.gather @!p0 [hbm4b:s25+s30], $0x58, $0x38;
	[tilespmem:$0x1FA00] =	vst v63  }
0x12b: {  	s25 =	simm.s32 @!p0 $0x5  }
0x12c: {  	_ =	swait.ge @!p0 [sflag:s25], $0x58  }
0x12d: {  	s31 =	sadd.s32 @!p0 s28, s20;
	[sflag:s25] =	ssyncset.done @!p0 $0x0  }
0x12e: {  	s0 =	simm.s32 @!p0 $0x80;
	s31 =	sadd.s32 @!p0 $0x16, s31;
	[sflag:s25] =	ssyncadd.s32 @!p0 $0xFFFFFFA8  }
0x12f: {  	[tilespmem:s0], [sflag:$0x5] =	stream.linear.gather @!p0 [hbm4b:s31+s30], $0x58, $0x38;
	[tilespmem:$0x1FA00] =	vst v63  }
0x130: {  	_ =	swait.ge @!p0 [sflag:s25], $0x58  }
0x131: {  	[sflag:s25] =	ssyncset.done @!p0 $0x0  }
0x132: {  	s0 =	simm.s32 @!p0 $0x58;
	[sflag:s25] =	ssyncadd.s32 @!p0 $0xFFFFFFA8;
	s25 =	simm.s32 @!p0 $0x200  }
0x133: {  	[tilespmem:s25], [sflag:$0x1] =	stream.indirect.gather @!p0 [hbm4b:s1+s0], $0x80, s30, s0, $0xb8;
	[tilespmem:$0x1FA00] =	vst v63  }
0x134: {  	s0 =	sshrl.u32 @!p0 s24, $0x3  }
0x135: {  	s25 =	simm.s32 @!p0 $0x2E00;
	s0 =	sadd.s32 @!p0 s5, s0  }
0x136: {  	[tilespmem:s25], [sflag:$0x2] =	stream.linear.gather @!p0 [hbm4b:s0+s30], $0x2C00, $0x38;
	[tilespmem:$0x1FA00] =	vst v63  }
0x137: {  	_ =	swait.ge [sflag:s22], $0x2C00  }
0x138: {  	[sflag:s22] =	ssyncset.done $0x0  }
0x139: {  	[sflag:s22] =	ssyncadd.s32 $0xFFFFD400  }
0x13a: {  	_ =	swait.ge [sflag:s23], $0x2C00  }
0x13b: {  	[sflag:s23] =	ssyncset.done $0x0  }
0x13c: {  	[sflag:s23] =	ssyncadd.s32 $0xFFFFD400  }
0x13d: {  	[spmem:s2] =	stream.indirect.scatter.add.f32 [tilespmem:s15], [sflag:$0x5], $0x80, s14, s9, $0xb8;
	[tilespmem:$0x1FA00] =	vst v63  }
0x13e: {  	_ =	swait.ge [sflag:s7], $0x2C00  }
0x13f: {  	[sflag:s7] =	ssyncset.done $0x0  }
.Ltmp3:
0x140: {  	[sflag:s7] =	ssyncadd.s32 $0xFFFFD400;
	(pc) =	sbr.rel @p0 .LBB2_6-.Ltmp3, $4  }
0x141: {  	[spmem:s2] =	stream.indirect.scatter.add.f32 [tilespmem:s16], [sflag:$0x5], $0x80, s14, s9, $0xb8;
	[tilespmem:$0x1FA00] =	vst v63  }
0x142: {  	_ =	swait.ge [sflag:s7], $0x2C00  }
0x143: {  	[sflag:s7] =	ssyncset.done $0x0  }
0x144: {  	[sflag:s7] =	ssyncadd.s32 $0xFFFFD400  }
0x145: {  	s0 =	sadd.s32 s28, s19  }
0x146: {  	s0 =	sadd.s32 $0x21, s0  }
0x147: {  	[tilespmem:s13], [sflag:$0x5] =	stream.linear.gather [hbm4b:s0+s4], $0x58, $0x38;
	[tilespmem:$0x1FA00] =	vst v63  }
0x148: {  	_ =	swait.ge [sflag:s7], $0x58  }
0x149: {  	s31 =	sadd.s32 s28, s20;
	[sflag:s7] =	ssyncset.done $0x0  }
0x14a: {  	s0 =	sadd.s32 $0x21, s31;
	[sflag:s7] =	ssyncadd.s32 $0xFFFFFFA8  }
0x14b: {  	[tilespmem:s14], [sflag:$0x5] =	stream.linear.gather [hbm4b:s0+s4], $0x58, $0x38;
	[tilespmem:$0x1FA00] =	vst v63  }
0x14c: {  	_ =	swait.ge [sflag:s7], $0x58  }
0x14d: {  	[sflag:s7] =	ssyncset.done $0x0  }
.Ltmp4:
0x14e: {  	[sflag:s7] =	ssyncadd.s32 $0xFFFFFFA8;
	(pc) =	sbr.rel .LBB2_4-.Ltmp4, $4  }
0x14f: {  	[tilespmem:s15], [sflag:$0x3] =	stream.indirect.gather [hbm4b:s1+s9], $0x80, s13, s9, $0xb8;
	[tilespmem:$0x1FA00] =	vst v63  }
0x150: {  	_ = 	snop  }
0x151: {  	[tilespmem:s16], [sflag:$0x4] =	stream.linear.gather [hbm4b:s29+s4], $0x2C00, $0x38;
	[tilespmem:$0x1FA00] =	vst v63  }
0x152: {  	s28 =	sadd.s32 $0x16, s28;
	s24 =	sadd.s32 $0x5800, s24;
	s29 =	sadd.s32 $0xB00, s29  }
.LBB2_7:
0x153: {  	_ =	sfence.sel $0x180000  }
0x154: {  	[bflag:$0x0] =	sbarrier.arrive $0xFFFF  }
0x155: {  	_ =	strace $0x9000004D  }
0x156: {  	s0 =	stileid.u32;
	[bflag:$0x2] =	sbarrier.arrive $0xFFFF  }
0x157: {  	p0 =	sne.s32 s0, $0x0;
	s0 =	rddreg [dreg:$0x3]  }
0x158: {  	s0 =	sadd.s32 @!p0 $0x100000, s0  }
0x159: {  	[sflag:s0] =	ssyncadd.tile.s32 @!p0 $0x1;
	_ =	shalt  }
.Lfunc_end2:
_tile_overlayer_lowered:
.L_overlay_start_2:
0x15a: {  	(tag) =	ssettag $0x2  }
0x15b: {  	s0 =	rddreg [dreg:$0x0];
	s2 =	stileid.u32  }
0x15c: {  	s1 =	rddreg [dreg:$0x1];
	p0 =	sne.s32 s2, $0x0  }
0x15d: {  	s3 =	rddreg [dreg:$0x2];
	[bflag:$0x3] =	sbarrier.arrive $0xFFFF;
	s2 =	simm.s32 @!p0 $0x1C05  }
0x15e: {  	[timem:s3], [sflag:s2] =	dma.local @!p0 [hbm:s0], s1  }
0x15f: {  	s0 =	simm.s32 @!p0 $0x5  }
0x160: {  	_ =	swait.ge @!p0 [sflag:s0], s1  }
0x161: {  	s1 =	ssub.s32 @!p0 $0x0, s1;
	[sflag:s0] =	ssyncset.done @!p0 $0x0  }
0x162: {  	[sflag:s0] =	ssyncadd.s32 @!p0 s1  }
0x163: {  	[bflag:$0x3] =	sbarrier.arrive $0xFFFF  }
0x164: {  	_ =	shalt  }

</sc_bundles>
